<compile_context>
chip_gen: v7x
topology: tpu7x:2x2x1
jax: 0.10.2.dev20260603
libtpu: 0.0.44.dev20260713+nightly
codegen_flags: <defaults>
</compile_context>

<pallas_src>
import functools

import jax
import jax.numpy as jnp
from jax import lax
from jax.experimental import pallas as pl
from jax.experimental.pallas import tpu as pltpu
from jax.experimental.pallas import tpu_sc as plsc

TT = 4
N = 2048
DD = 128
NH = 4
EE = 131072


QROWS = 512
QWORDS = QROWS * N
EPT = EE // 16
ZWORDS = 16384
TILE_QW = QWORDS // 16


def _make_adj():
    mesh = plsc.VectorSubcoreMesh(core_axis_name="c", subcore_axis_name="s")

    @functools.partial(
        pl.kernel,
        mesh=mesh,
        out_type=jax.ShapeDtypeStruct((N, N), jnp.float32),
        scratch_types=[
            pltpu.VMEM((EPT,), jnp.int32),
            pltpu.VMEM((EPT,), jnp.int32),
            pltpu.VMEM((EPT,), jnp.float32),
            pltpu.VMEM((EPT,), jnp.int32),
            pltpu.VMEM((EPT,), jnp.float32),
            pltpu.VMEM((ZWORDS,), jnp.float32),
            pltpu.VMEM_SHARED((QWORDS,), jnp.float32),
            pltpu.SemaphoreType.DMA,
        ],
    )
    def adj(edge_hbm, ew_hbm, out_hbm, r_v, c_v, ew_v, idx_v, val_v, zero_v,
            qmem, sem):
        cid = lax.axis_index("c")
        sid = lax.axis_index("s")
        ebase = sid * EPT
        pltpu.sync_copy(edge_hbm.at[0, pl.ds(ebase, EPT)], r_v)
        pltpu.sync_copy(edge_hbm.at[1, pl.ds(ebase, EPT)], c_v)
        pltpu.sync_copy(ew_hbm.at[pl.ds(ebase, EPT)], ew_v)

        def zbody(i, _):
            zero_v[pl.ds(i * 16, 16)] = jnp.zeros((16,), jnp.float32)
            return 0
        lax.fori_loop(0, ZWORDS // 16, zbody, 0)

        for q in range(2):
            q0 = (cid * 2 + q) * QROWS
            for z in range(TILE_QW // ZWORDS):
                pltpu.sync_copy(
                    zero_v, qmem.at[pl.ds(sid * TILE_QW + z * ZWORDS, ZWORDS)])
            plsc.subcore_barrier()

            def ebody(j, _):
                for kk in range(8):
                    sl = pl.ds(j * 128 + kk * 16, 16)
                    flat = c_v[sl] * N + r_v[sl]
                    rel = c_v[sl] - q0
                    ok = (rel >= 0) & (rel < QROWS)
                    idx_v[sl] = jnp.where(ok, rel * N + r_v[sl],
                                          flat & (QWORDS - 1))
                    val_v[sl] = jnp.where(ok, ew_v[sl], 0.0)
                return 0
            lax.fori_loop(0, EPT // 128, ebody, 0)
            pltpu.sync_copy(val_v, qmem.at[idx_v], add=True)
            plsc.subcore_barrier()
            cps = [
                pltpu.async_copy(
                    qmem.at[pl.ds((sid * 32 + k) * N, N)],
                    out_hbm.at[q0 + sid * 32 + k], sem)
                for k in range(32)
            ]
            for cp in cps:
                cp.wait()
            plsc.subcore_barrier()

    return adj


_adj = _make_adj()


_HI = lax.Precision.HIGHEST
_DEF = lax.Precision.DEFAULT




def _dinv_body(a_ref, x_ref, w_ref, o_ref, ab_ref, hs_ref):
    a = a_ref[...]
    s = jnp.sum(a, axis=1, keepdims=True) + 1.0
    dv = lax.rsqrt(s)
    o_ref[...] = jnp.broadcast_to(dv, (N // 8, DD))
    ab_ref[...] = a.astype(jnp.bfloat16)
    for t in range(TT):
        hs_ref[t] = (jnp.dot(x_ref[t], w_ref[...],
                             preferred_element_type=jnp.float32,
                             precision=_DEF) * dv).astype(jnp.bfloat16)


_dinv_call = pl.pallas_call(
    _dinv_body,
    grid=(8,),
    in_specs=[pl.BlockSpec((N // 8, N), lambda i: (i, 0)),
              pl.BlockSpec((TT, N // 8, DD), lambda i: (0, i, 0)),
              pl.BlockSpec((DD, DD), lambda i: (0, 0))],
    out_specs=[pl.BlockSpec((N // 8, DD), lambda i: (i, 0)),
               pl.BlockSpec((N // 8, N), lambda i: (i, 0)),
               pl.BlockSpec((TT, N // 8, DD), lambda i: (0, i, 0))],
    out_shape=[jax.ShapeDtypeStruct((N, DD), jnp.float32),
               jax.ShapeDtypeStruct((N, N), jnp.bfloat16),
               jax.ShapeDtypeStruct((TT, N, DD), jnp.bfloat16)],
)


def _bnhs_body(g_ref, gm_ref, bt_ref, w_ref, dv_ref, o_ref):
    g2 = g_ref[...].reshape(TT * N, DD)
    mean = jnp.mean(g2, axis=0, keepdims=True)
    var = jnp.mean((g2 - mean) ** 2, axis=0, keepdims=True)
    scale = gm_ref[0:1] * lax.rsqrt(var + 1e-5)
    shift = bt_ref[0:1] - mean * scale
    dv = dv_ref[...]
    for t in range(TT):
        h = jnp.maximum(g_ref[t] * scale + shift, 0.0)
        o_ref[t] = (jnp.dot(h, w_ref[...], preferred_element_type=jnp.float32,
                            precision=_DEF) * dv).astype(jnp.bfloat16)


_bnhs_call = pl.pallas_call(
    _bnhs_body,
    out_shape=jax.ShapeDtypeStruct((TT, N, DD), jnp.bfloat16),
)


_RBG = 256


def _gcnmm_body(a_ref, hs_ref, hsb_ref, dvb_ref, b_ref, o_ref):
    dvb = dvb_ref[...]
    for t in range(TT):
        m = (jnp.dot(a_ref[...], hs_ref[t], preferred_element_type=jnp.float32,
                     precision=_DEF)
             + hsb_ref[t].astype(jnp.float32))
        o_ref[t] = m * dvb + b_ref[0:1]


_gcnmm_call = pl.pallas_call(
    _gcnmm_body,
    grid=(N // _RBG,),
    in_specs=[
        pl.BlockSpec((_RBG, N), lambda i: (i, 0)),
        pl.BlockSpec((TT, N, DD), lambda i: (0, 0, 0)),
        pl.BlockSpec((TT, _RBG, DD), lambda i: (0, i, 0)),
        pl.BlockSpec((_RBG, DD), lambda i: (i, 0)),
        pl.BlockSpec((8, DD), lambda i: (0, 0)),
    ],
    out_specs=pl.BlockSpec((TT, _RBG, DD), lambda i: (0, i, 0)),
    out_shape=jax.ShapeDtypeStruct((TT, N, DD), jnp.float32),
)


def _bnrelu_body(g_ref, gm_ref, bt_ref, o_ref):
    g = g_ref[...]
    g2 = g.reshape(TT * N, DD)
    mean = jnp.mean(g2, axis=0, keepdims=True)
    var = jnp.mean((g2 - mean) ** 2, axis=0, keepdims=True)
    scale = gm_ref[0:1] * lax.rsqrt(var + 1e-5)
    shift = bt_ref[0:1] - mean * scale
    o_ref[...] = jnp.maximum(g * scale.reshape(1, 1, DD)
                             + shift.reshape(1, 1, DD), 0.0)


_bnrelu_call = pl.pallas_call(
    _bnrelu_body,
    out_shape=jax.ShapeDtypeStruct((TT, N, DD), jnp.float32),
)


RB = 512
NRB = N // RB
_SCALE = 1.4426950408889634 / float(DD) ** 0.5


def _attn_body(h_ref, wq_ref, wk_ref, wv_ref, wagg_ref, al_ref, emb_ref,
               o_ref, xq, xk, xv, acc):
    hh = pl.program_id(1)
    x = h_ref[0]
    xq[...] = (jnp.dot(x, wq_ref[...], preferred_element_type=jnp.float32,
                       precision=_DEF) * _SCALE).astype(jnp.bfloat16)
    xk[...] = jnp.dot(x, wk_ref[...], preferred_element_type=jnp.float32,
                      precision=_DEF).astype(jnp.bfloat16)
    xv[...] = jnp.dot(x, wv_ref[...], preferred_element_type=jnp.float32,
                      precision=_DEF).astype(jnp.bfloat16)

    @pl.when(hh == 0)
    def _():
        acc[...] = jnp.zeros_like(acc)

    tri = jnp.where(
        lax.broadcasted_iota(jnp.int32, (RB, RB), 0)
        >= lax.broadcasted_iota(jnp.int32, (RB, RB), 1),
        0.0, -jnp.inf)

    for i in range(NRB):
        qb = xq[i * RB:(i + 1) * RB, :]
        m = l = o = None
        for j in range(i + 1):
            kb = xk[j * RB:(j + 1) * RB, :]
            s = lax.dot_general(qb, kb, (((1,), (1,)), ((), ())),
                                preferred_element_type=jnp.float32,
                                precision=_DEF)
            if j == i:
                s = s + tri
            vb = xv[j * RB:(j + 1) * RB, :]
            if j == 0:
                m = jnp.max(s, axis=1, keepdims=True)
                p = jnp.exp2(s - m)
                l = jnp.sum(p, axis=1, keepdims=True)
                o = jnp.dot(p.astype(jnp.bfloat16), vb,
                            preferred_element_type=jnp.float32,
                            precision=_DEF)
            else:
                m2 = jnp.maximum(m, jnp.max(s, axis=1, keepdims=True))
                corr = jnp.exp2(m - m2)
                p = jnp.exp2(s - m2)
                l = l * corr + jnp.sum(p, axis=1, keepdims=True)
                o = o * corr + jnp.dot(p.astype(jnp.bfloat16), vb,
                                       preferred_element_type=jnp.float32,
                                       precision=_DEF)
                m = m2
        acc[i * RB:(i + 1) * RB, :] += o * (1.0 / l)

    @pl.when(hh == NH - 1)
    def _():
        mh = acc[...] * (1.0 / NH)
        agg = jnp.dot(mh, wagg_ref[...], preferred_element_type=jnp.float32,
                      precision=_DEF)
        a = al_ref[...]
        o_ref[0] = (1.0 - a) * emb_ref[...] + a * agg


_attn_call = pl.pallas_call(
    _attn_body,
    grid=(TT, NH),
    in_specs=[
        pl.BlockSpec((1, N, DD), lambda t, h: (t, 0, 0)),
        pl.BlockSpec((DD, DD), lambda t, h: (0, h)),
        pl.BlockSpec((DD, DD), lambda t, h: (0, h)),
        pl.BlockSpec((DD, DD), lambda t, h: (0, h)),
        pl.BlockSpec((DD, DD), lambda t, h: (0, 0)),
        pl.BlockSpec((N, DD), lambda t, h: (0, 0)),
        pl.BlockSpec((N, DD), lambda t, h: (0, 0)),
    ],
    out_specs=pl.BlockSpec((1, N, DD), lambda t, h: (t, 0, 0)),
    out_shape=jax.ShapeDtypeStruct((TT, N, DD), jnp.float32),
    scratch_shapes=[
        pltpu.VMEM((N, DD), jnp.bfloat16),
        pltpu.VMEM((N, DD), jnp.bfloat16),
        pltpu.VMEM((N, DD), jnp.bfloat16),
        pltpu.VMEM((N, DD), jnp.float32),
    ],
)



def kernel(X, edge_index, edge_weight, emb_table, gcn1_W, gcn1_b, bn1_gamma,
           bn1_beta, gcn2_W, gcn2_b, bn2_gamma, bn2_beta, Wq, Wk, Wv, Wagg,
           alpha):
    A = _adj(edge_index.astype(jnp.int32), edge_weight)

    def row8(v):
        return jnp.broadcast_to(v.reshape(1, DD), (8, DD))

    dinv, A_bf, hs1 = _dinv_call(A, X, gcn1_W)
    g1 = _gcnmm_call(A_bf, hs1, hs1, dinv, row8(gcn1_b))
    hs2 = _bnhs_call(g1, row8(bn1_gamma), row8(bn1_beta), gcn2_W, dinv)
    g2 = _gcnmm_call(A_bf, hs2, hs2, dinv, row8(gcn2_b))
    h2 = _bnrelu_call(g2, row8(bn2_gamma), row8(bn2_beta))

    alpha2 = jnp.broadcast_to(alpha, (N, DD))
    out = _attn_call(h2, Wq, Wk, Wv, Wagg, alpha2, emb_table)
    return out

# --- scband reference (transcript-rebuilt; emitter-appended) ---
"""Pipeline reference for scband-dnntsp-67929202753598 (READ-ONLY COPY).

The authoritative reference and input builder live on the scoring server;
editing this copy changes nothing except your own understanding.
"""

import jax, jax.numpy as jnp
import numpy as np

T = 4
ITEMS = 2048
D = 128
HEADS = 4
E = 131072


def setup_inputs(seed: int = 0) -> dict:
    key = jax.random.key(seed)
    ks = jax.random.split(key, 20)
    s = 1.0 / np.sqrt(D)
    inp = {}
    inp["X"] = jax.random.normal(ks[0], (T, ITEMS, D), dtype=jnp.float32)
    inp["edge_index"] = jax.random.randint(ks[1], (2, E), 0, ITEMS)
    inp["edge_weight"] = jax.random.uniform(ks[2], (E,), dtype=jnp.float32)
    inp["emb_table"] = jax.random.normal(ks[3], (ITEMS, D), dtype=jnp.float32) * 0.05
    inp["gcn1_W"] = jax.random.normal(ks[4], (D, D), dtype=jnp.float32) * s
    inp["gcn1_b"] = jnp.zeros((D,), jnp.float32)
    inp["bn1_gamma"] = jnp.ones((D,), jnp.float32)
    inp["bn1_beta"] = jnp.zeros((D,), jnp.float32)
    inp["gcn2_W"] = jax.random.normal(ks[5], (D, D), dtype=jnp.float32) * s
    inp["gcn2_b"] = jnp.zeros((D,), jnp.float32)
    inp["bn2_gamma"] = jnp.ones((D,), jnp.float32)
    inp["bn2_beta"] = jnp.zeros((D,), jnp.float32)
    inp["Wq"] = jax.random.normal(ks[6], (D, HEADS * D), dtype=jnp.float32) * s
    inp["Wk"] = jax.random.normal(ks[7], (D, HEADS * D), dtype=jnp.float32) * s
    inp["Wv"] = jax.random.normal(ks[8], (D, HEADS * D), dtype=jnp.float32) * s
    inp["Wagg"] = jax.random.normal(ks[9], (D, D), dtype=jnp.float32) * s
    inp["alpha"] = jax.random.uniform(ks[10], (ITEMS, 1), dtype=jnp.float32)
    return inp


def _gcn(x, edge_index, edge_weight, W, b):
    # GCNConv with add_self_loops=True, gcn_norm; node_dim=-2 so it broadcasts over T
    row, col = edge_index[0], edge_index[1]
    loop = jnp.arange(ITEMS)
    r = jnp.concatenate([row, loop])
    c = jnp.concatenate([col, loop])
    ew = jnp.concatenate([edge_weight, jnp.ones((ITEMS,), x.dtype)])
    deg = jnp.zeros((ITEMS,), x.dtype).at[c].add(ew)
    dinv = deg ** -0.5
    norm = dinv[r] * ew * dinv[c]
    h = x @ W
    msg = h[:, r, :] * norm[None, :, None]  # gather along node axis
    out = jnp.zeros_like(h).at[:, c, :].add(msg)  # scatter-add along node axis
    return out + b


def _bn(h, gamma, beta):
    # BatchNorm1d (training mode, batch stats) over channel dim D; h is [T, N, D]
    mean = h.mean(axis=(0, 1))
    var = h.var(axis=(0, 1))
    return (h - mean) / jnp.sqrt(var + 1e-5) * gamma + beta


def _attn(x, Wq, Wk, Wv):
    Tn, N, _ = x.shape
    Q = (x @ Wq).reshape(Tn, N, HEADS, D).transpose(0, 2, 1, 3)
    K = (x @ Wk).reshape(Tn, N, HEADS, D).transpose(0, 2, 3, 1)
    V = (x @ Wv).reshape(Tn, N, HEADS, D).transpose(0, 2, 1, 3)
    scores = (Q @ K) / np.sqrt(D)
    mask = jnp.where(jnp.tril(jnp.ones((N, N), x.dtype)) == 0, -jnp.inf, 0.0).astype(x.dtype)
    scores = scores + mask
    a = jax.nn.softmax(scores, axis=-1)
    out = (a @ V).transpose(0, 2, 1, 3).mean(axis=2)  # 'mean' head aggregate
    return out


def _forward(X, edge_index, edge_weight, emb_table, gcn1_W, gcn1_b, bn1_gamma, bn1_beta,
             gcn2_W, gcn2_b, bn2_gamma, bn2_beta, Wq, Wk, Wv, Wagg, alpha):
    h = jax.nn.relu(_bn(_gcn(X, edge_index, edge_weight, gcn1_W, gcn1_b), bn1_gamma, bn1_beta))
    h = jax.nn.relu(_bn(_gcn(h, edge_index, edge_weight, gcn2_W, gcn2_b), bn2_gamma, bn2_beta))
    h = h.reshape(-1, ITEMS, D)
    h = _attn(h, Wq, Wk, Wv)
    # AggregateTemporalNodeFeatures: per-slice Linear (no bias) then cat along dim 0
    agg = (h @ Wagg).reshape(-1, ITEMS, D)
    # GlobalGatedUpdater
    out = (1.0 - alpha)[None, :, :] * emb_table[None, :, :] + alpha[None, :, :] * agg
    return out


def reference(X, edge_index, edge_weight, emb_table, gcn1_W, gcn1_b, bn1_gamma, bn1_beta,
              gcn2_W, gcn2_b, bn2_gamma, bn2_beta, Wq, Wk, Wv, Wagg, alpha):
    return _forward(X, edge_index, edge_weight, emb_table, gcn1_W, gcn1_b, bn1_gamma, bn1_beta,
                    gcn2_W, gcn2_b, bn2_gamma, bn2_beta, Wq, Wk, Wv, Wagg, alpha)

if __name__ == "__main__":
    import jax
    _d = setup_inputs()
    print(jax.jit(kernel)(*tuple(_d.values())))

</pallas_src>

<mosaic_0001>
#map = affine_map<(d0, d1) -> (0, 0)>
#map1 = affine_map<(d0, d1) -> (0)>
module attributes {stable_mosaic.version = 14 : i64} {
  func.func @adj(%arg0: i32, %arg1: i32, %arg2: memref<2x131072xi32, #tpu.memory_space<hbm>>, %arg3: memref<131072xf32, #tpu.memory_space<hbm>>, %arg4: memref<2048x2048xf32, #tpu.memory_space<hbm>>, %arg5: memref<8192xi32, #tpu.memory_space<vmem>>, %arg6: memref<8192xi32, #tpu.memory_space<vmem>>, %arg7: memref<8192xf32, #tpu.memory_space<vmem>>, %arg8: memref<8192xi32, #tpu.memory_space<vmem>>, %arg9: memref<8192xf32, #tpu.memory_space<vmem>>, %arg10: memref<16384xf32, #tpu.memory_space<vmem>>, %arg11: memref<1048576xf32, #tpu.memory_space<vmem_shared>>, %arg12: memref<!tpu.dma_semaphore, #tpu.memory_space<semaphore_mem>>) attributes {dimension_semantics = [#tpu.dimension_semantics<core_parallel>, #tpu.dimension_semantics<subcore_parallel>], iteration_bounds = array<i64: 2, 16>, scalar_prefetch = 0 : i64, scratch_operands = 8 : i64, tpu.core_type = #tpu.core_type<sc_vector_subcore>, window_params = [{transform_indices = #map}, {transform_indices = #map1}, {transform_indices = #map}]} {
    %mul3A = arith.constant 8192 : i32
    %mul3A_0 = arith.muli %arg1, %mul3A : i32
    %run_scoped3A = arith.constant 0 : i32
    "tpu.region"() ({
      %run_scoped3A_1284 = tpu.sem_alloc : memref<!tpu.dma_semaphore, #tpu.memory_space<semaphore_mem>>
      %dma_start3A_1285 = tpu.memref_slice %arg2[%run_scoped3A, %mul3A_0] : memref<2x131072xi32, #tpu.memory_space<hbm>> -> memref<1x8192xi32, #tpu.memory_space<hbm>>
      %dma_start3A_1286 = tpu.memref_squeeze %dma_start3A_1285 : memref<1x8192xi32, #tpu.memory_space<hbm>> -> memref<8192xi32, #tpu.memory_space<hbm>>
      %dma_start3A_1287 = tpu.memref_slice %arg2[%run_scoped3A, %mul3A_0] : memref<2x131072xi32, #tpu.memory_space<hbm>> -> memref<1x8192xi32, #tpu.memory_space<hbm>>
      %dma_start3A_1288 = tpu.memref_squeeze %dma_start3A_1287 : memref<1x8192xi32, #tpu.memory_space<hbm>> -> memref<8192xi32, #tpu.memory_space<hbm>>
      tpu.enqueue_dma source(%dma_start3A_1288 : memref<8192xi32, #tpu.memory_space<hbm>>) target(%arg5 : memref<8192xi32, #tpu.memory_space<vmem>>) target_semaphore(%run_scoped3A_1284 : memref<!tpu.dma_semaphore, #tpu.memory_space<semaphore_mem>>)
      %dma_wait3A_1289 = tpu.memref_slice %arg2[%run_scoped3A, %mul3A_0] : memref<2x131072xi32, #tpu.memory_space<hbm>> -> memref<1x8192xi32, #tpu.memory_space<hbm>>
      %dma_wait3A_1290 = tpu.memref_squeeze %dma_wait3A_1289 : memref<1x8192xi32, #tpu.memory_space<hbm>> -> memref<8192xi32, #tpu.memory_space<hbm>>
      %dma_wait3A_1291 = tpu.memref_slice %arg2[%run_scoped3A, %mul3A_0] : memref<2x131072xi32, #tpu.memory_space<hbm>> -> memref<1x8192xi32, #tpu.memory_space<hbm>>
      %dma_wait3A_1292 = tpu.memref_squeeze %dma_wait3A_1291 : memref<1x8192xi32, #tpu.memory_space<hbm>> -> memref<8192xi32, #tpu.memory_space<hbm>>
      tpu.wait_dma2 semaphore(%run_scoped3A_1284 : memref<!tpu.dma_semaphore, #tpu.memory_space<semaphore_mem>>) src(%dma_wait3A_1292 : memref<8192xi32, #tpu.memory_space<hbm>>) dst(%arg5 : memref<8192xi32, #tpu.memory_space<vmem>>)
      tpu.yield
    }) : () -> ()
    %run_scoped3A_1 = arith.constant 1 : i32
    "tpu.region"() ({
      %run_scoped3A_1284 = tpu.sem_alloc : memref<!tpu.dma_semaphore, #tpu.memory_space<semaphore_mem>>
      %dma_start3A_1285 = tpu.memref_slice %arg2[%run_scoped3A_1, %mul3A_0] : memref<2x131072xi32, #tpu.memory_space<hbm>> -> memref<1x8192xi32, #tpu.memory_space<hbm>>
      %dma_start3A_1286 = tpu.memref_squeeze %dma_start3A_1285 : memref<1x8192xi32, #tpu.memory_space<hbm>> -> memref<8192xi32, #tpu.memory_space<hbm>>
      %dma_start3A_1287 = tpu.memref_slice %arg2[%run_scoped3A_1, %mul3A_0] : memref<2x131072xi32, #tpu.memory_space<hbm>> -> memref<1x8192xi32, #tpu.memory_space<hbm>>
      %dma_start3A_1288 = tpu.memref_squeeze %dma_start3A_1287 : memref<1x8192xi32, #tpu.memory_space<hbm>> -> memref<8192xi32, #tpu.memory_space<hbm>>
      tpu.enqueue_dma source(%dma_start3A_1288 : memref<8192xi32, #tpu.memory_space<hbm>>) target(%arg6 : memref<8192xi32, #tpu.memory_space<vmem>>) target_semaphore(%run_scoped3A_1284 : memref<!tpu.dma_semaphore, #tpu.memory_space<semaphore_mem>>)
      %dma_wait3A_1289 = tpu.memref_slice %arg2[%run_scoped3A_1, %mul3A_0] : memref<2x131072xi32, #tpu.memory_space<hbm>> -> memref<1x8192xi32, #tpu.memory_space<hbm>>
      %dma_wait3A_1290 = tpu.memref_squeeze %dma_wait3A_1289 : memref<1x8192xi32, #tpu.memory_space<hbm>> -> memref<8192xi32, #tpu.memory_space<hbm>>
      %dma_wait3A_1291 = tpu.memref_slice %arg2[%run_scoped3A_1, %mul3A_0] : memref<2x131072xi32, #tpu.memory_space<hbm>> -> memref<1x8192xi32, #tpu.memory_space<hbm>>
      %dma_wait3A_1292 = tpu.memref_squeeze %dma_wait3A_1291 : memref<1x8192xi32, #tpu.memory_space<hbm>> -> memref<8192xi32, #tpu.memory_space<hbm>>
      tpu.wait_dma2 semaphore(%run_scoped3A_1284 : memref<!tpu.dma_semaphore, #tpu.memory_space<semaphore_mem>>) src(%dma_wait3A_1292 : memref<8192xi32, #tpu.memory_space<hbm>>) dst(%arg6 : memref<8192xi32, #tpu.memory_space<vmem>>)
      tpu.yield
    }) : () -> ()
    "tpu.region"() ({
      %run_scoped3A_1284 = tpu.sem_alloc : memref<!tpu.dma_semaphore, #tpu.memory_space<semaphore_mem>>
      %dma_start3A_1285 = tpu.memref_slice %arg3[%mul3A_0] : memref<131072xf32, #tpu.memory_space<hbm>> -> memref<8192xf32, #tpu.memory_space<hbm>>
      %dma_start3A_1286 = tpu.memref_slice %arg3[%mul3A_0] : memref<131072xf32, #tpu.memory_space<hbm>> -> memref<8192xf32, #tpu.memory_space<hbm>>
      tpu.enqueue_dma source(%dma_start3A_1286 : memref<8192xf32, #tpu.memory_space<hbm>>) target(%arg7 : memref<8192xf32, #tpu.memory_space<vmem>>) target_semaphore(%run_scoped3A_1284 : memref<!tpu.dma_semaphore, #tpu.memory_space<semaphore_mem>>)
      %dma_wait3A_1287 = tpu.memref_slice %arg3[%mul3A_0] : memref<131072xf32, #tpu.memory_space<hbm>> -> memref<8192xf32, #tpu.memory_space<hbm>>
      %dma_wait3A_1288 = tpu.memref_slice %arg3[%mul3A_0] : memref<131072xf32, #tpu.memory_space<hbm>> -> memref<8192xf32, #tpu.memory_space<hbm>>
      tpu.wait_dma2 semaphore(%run_scoped3A_1284 : memref<!tpu.dma_semaphore, #tpu.memory_space<semaphore_mem>>) src(%dma_wait3A_1288 : memref<8192xf32, #tpu.memory_space<hbm>>) dst(%arg7 : memref<8192xf32, #tpu.memory_space<vmem>>)
      tpu.yield
    }) : () -> ()
    %scan3A = arith.constant 0 : i32
    %scan3A_2 = arith.constant 0 : i32
    %scan3A_3 = arith.constant 1024 : i32
    %scan3A_4 = arith.addi %scan3A_2, %scan3A_3 : i32
    %scan3A_5 = arith.constant 1 : i32
    %scan3A_6 = scf.for %scan3A_1284 = %scan3A_2 to %scan3A_4 step %scan3A_5 iter_args(%scan3A_1285 = %scan3A) -> (i32)  : i32 {
      %broadcast_in_dim3A = arith.constant 0.000000e+00 : f32
      %broadcast_in_dim3A_1286 = vector.broadcast %broadcast_in_dim3A : f32 to vector<16xf32>
      %mul3A_1287 = arith.constant 16 : i32
      %mul3A_1288 = arith.muli %scan3A_1284, %mul3A_1287 : i32
      %swap3A = arith.index_cast %mul3A_1288 : i32 to index
      %swap3A_1289 = tpu.vector_load %arg10[%swap3A] {strides = array<i32>} : memref<16384xf32, #tpu.memory_space<vmem>>, vector<16xf32>,
      %swap3A_1290 = vector.shape_cast %swap3A_1289 : vector<16xf32> to vector<16xf32>
      %swap3A_1291 = vector.shape_cast %broadcast_in_dim3A_1286 : vector<16xf32> to vector<16xf32>
      tpu.vector_store %arg10[%swap3A], %swap3A_1291 {strides = array<i32>} : memref<16384xf32, #tpu.memory_space<vmem>>, vector<16xf32>,
      %scan3A_1292 = arith.constant 0 : i32
      scf.yield %scan3A_1292 : i32
    }
    %scan3A_7 = arith.constant 1024 : i32
    %mul3A_8 = arith.constant 2 : i32
    %mul3A_9 = arith.muli %arg0, %mul3A_8 : i32
    %add3A = arith.constant 0 : i32
    %add3A_10 = arith.addi %mul3A_9, %add3A : i32
    %mul3A_11 = arith.constant 512 : i32
    %mul3A_12 = arith.muli %add3A_10, %mul3A_11 : i32
    %mul3A_13 = arith.constant 65536 : i32
    %mul3A_14 = arith.muli %arg1, %mul3A_13 : i32
    %add3A_15 = arith.constant 0 : i32
    %add3A_16 = arith.addi %mul3A_14, %add3A_15 : i32
    "tpu.region"() ({
      %run_scoped3A_1284 = tpu.sem_alloc : memref<!tpu.dma_semaphore, #tpu.memory_space<semaphore_mem>>
      %dma_start3A_1285 = tpu.memref_slice %arg11[%add3A_16] : memref<1048576xf32, #tpu.memory_space<vmem_shared>> -> memref<16384xf32, #tpu.memory_space<vmem_shared>>
      %dma_start3A_1286 = tpu.memref_slice %arg11[%add3A_16] : memref<1048576xf32, #tpu.memory_space<vmem_shared>> -> memref<16384xf32, #tpu.memory_space<vmem_shared>>
      tpu.enqueue_dma source(%arg10 : memref<16384xf32, #tpu.memory_space<vmem>>) target(%dma_start3A_1286 : memref<16384xf32, #tpu.memory_space<vmem_shared>>) target_semaphore(%run_scoped3A_1284 : memref<!tpu.dma_semaphore, #tpu.memory_space<semaphore_mem>>)
      %dma_wait3A_1287 = tpu.memref_slice %arg11[%add3A_16] : memref<1048576xf32, #tpu.memory_space<vmem_shared>> -> memref<16384xf32, #tpu.memory_space<vmem_shared>>
      %dma_wait3A_1288 = tpu.memref_slice %arg11[%add3A_16] : memref<1048576xf32, #tpu.memory_space<vmem_shared>> -> memref<16384xf32, #tpu.memory_space<vmem_shared>>
      tpu.wait_dma2 semaphore(%run_scoped3A_1284 : memref<!tpu.dma_semaphore, #tpu.memory_space<semaphore_mem>>) src(%arg10 : memref<16384xf32, #tpu.memory_space<vmem>>) dst(%dma_wait3A_1288 : memref<16384xf32, #tpu.memory_space<vmem_shared>>)
      tpu.yield
    }) : () -> ()
    %mul3A_17 = arith.constant 65536 : i32
    %mul3A_18 = arith.muli %arg1, %mul3A_17 : i32
    %add3A_19 = arith.constant 16384 : i32
    %add3A_20 = arith.addi %mul3A_18, %add3A_19 : i32
    "tpu.region"() ({
      %run_scoped3A_1284 = tpu.sem_alloc : memref<!tpu.dma_semaphore, #tpu.memory_space<semaphore_mem>>
      %dma_start3A_1285 = tpu.memref_slice %arg11[%add3A_20] : memref<1048576xf32, #tpu.memory_space<vmem_shared>> -> memref<16384xf32, #tpu.memory_space<vmem_shared>>
      %dma_start3A_1286 = tpu.memref_slice %arg11[%add3A_20] : memref<1048576xf32, #tpu.memory_space<vmem_shared>> -> memref<16384xf32, #tpu.memory_space<vmem_shared>>
      tpu.enqueue_dma source(%arg10 : memref<16384xf32, #tpu.memory_space<vmem>>) target(%dma_start3A_1286 : memref<16384xf32, #tpu.memory_space<vmem_shared>>) target_semaphore(%run_scoped3A_1284 : memref<!tpu.dma_semaphore, #tpu.memory_space<semaphore_mem>>)
      %dma_wait3A_1287 = tpu.memref_slice %arg11[%add3A_20] : memref<1048576xf32, #tpu.memory_space<vmem_shared>> -> memref<16384xf32, #tpu.memory_space<vmem_shared>>
      %dma_wait3A_1288 = tpu.memref_slice %arg11[%add3A_20] : memref<1048576xf32, #tpu.memory_space<vmem_shared>> -> memref<16384xf32, #tpu.memory_space<vmem_shared>>
      tpu.wait_dma2 semaphore(%run_scoped3A_1284 : memref<!tpu.dma_semaphore, #tpu.memory_space<semaphore_mem>>) src(%arg10 : memref<16384xf32, #tpu.memory_space<vmem>>) dst(%dma_wait3A_1288 : memref<16384xf32, #tpu.memory_space<vmem_shared>>)
      tpu.yield
    }) : () -> ()
    %mul3A_21 = arith.constant 65536 : i32
    %mul3A_22 = arith.muli %arg1, %mul3A_21 : i32
    %add3A_23 = arith.constant 32768 : i32
    %add3A_24 = arith.addi %mul3A_22, %add3A_23 : i32
    "tpu.region"() ({
      %run_scoped3A_1284 = tpu.sem_alloc : memref<!tpu.dma_semaphore, #tpu.memory_space<semaphore_mem>>
      %dma_start3A_1285 = tpu.memref_slice %arg11[%add3A_24] : memref<1048576xf32, #tpu.memory_space<vmem_shared>> -> memref<16384xf32, #tpu.memory_space<vmem_shared>>
      %dma_start3A_1286 = tpu.memref_slice %arg11[%add3A_24] : memref<1048576xf32, #tpu.memory_space<vmem_shared>> -> memref<16384xf32, #tpu.memory_space<vmem_shared>>
      tpu.enqueue_dma source(%arg10 : memref<16384xf32, #tpu.memory_space<vmem>>) target(%dma_start3A_1286 : memref<16384xf32, #tpu.memory_space<vmem_shared>>) target_semaphore(%run_scoped3A_1284 : memref<!tpu.dma_semaphore, #tpu.memory_space<semaphore_mem>>)
      %dma_wait3A_1287 = tpu.memref_slice %arg11[%add3A_24] : memref<1048576xf32, #tpu.memory_space<vmem_shared>> -> memref<16384xf32, #tpu.memory_space<vmem_shared>>
      %dma_wait3A_1288 = tpu.memref_slice %arg11[%add3A_24] : memref<1048576xf32, #tpu.memory_space<vmem_shared>> -> memref<16384xf32, #tpu.memory_space<vmem_shared>>
      tpu.wait_dma2 semaphore(%run_scoped3A_1284 : memref<!tpu.dma_semaphore, #tpu.memory_space<semaphore_mem>>) src(%arg10 : memref<16384xf32, #tpu.memory_space<vmem>>) dst(%dma_wait3A_1288 : memref<16384xf32, #tpu.memory_space<vmem_shared>>)
      tpu.yield
    }) : () -> ()
    %mul3A_25 = arith.constant 65536 : i32
    %mul3A_26 = arith.muli %arg1, %mul3A_25 : i32
    %add3A_27 = arith.constant 49152 : i32
    %add3A_28 = arith.addi %mul3A_26, %add3A_27 : i32
    "tpu.region"() ({
      %run_scoped3A_1284 = tpu.sem_alloc : memref<!tpu.dma_semaphore, #tpu.memory_space<semaphore_mem>>
      %dma_start3A_1285 = tpu.memref_slice %arg11[%add3A_28] : memref<1048576xf32, #tpu.memory_space<vmem_shared>> -> memref<16384xf32, #tpu.memory_space<vmem_shared>>
      %dma_start3A_1286 = tpu.memref_slice %arg11[%add3A_28] : memref<1048576xf32, #tpu.memory_space<vmem_shared>> -> memref<16384xf32, #tpu.memory_space<vmem_shared>>
      tpu.enqueue_dma source(%arg10 : memref<16384xf32, #tpu.memory_space<vmem>>) target(%dma_start3A_1286 : memref<16384xf32, #tpu.memory_space<vmem_shared>>) target_semaphore(%run_scoped3A_1284 : memref<!tpu.dma_semaphore, #tpu.memory_space<semaphore_mem>>)
      %dma_wait3A_1287 = tpu.memref_slice %arg11[%add3A_28] : memref<1048576xf32, #tpu.memory_space<vmem_shared>> -> memref<16384xf32, #tpu.memory_space<vmem_shared>>
      %dma_wait3A_1288 = tpu.memref_slice %arg11[%add3A_28] : memref<1048576xf32, #tpu.memory_space<vmem_shared>> -> memref<16384xf32, #tpu.memory_space<vmem_shared>>
      tpu.wait_dma2 semaphore(%run_scoped3A_1284 : memref<!tpu.dma_semaphore, #tpu.memory_space<semaphore_mem>>) src(%arg10 : memref<16384xf32, #tpu.memory_space<vmem>>) dst(%dma_wait3A_1288 : memref<16384xf32, #tpu.memory_space<vmem_shared>>)
      tpu.yield
    }) : () -> ()
    %barrier3A = arith.constant 0 : index
    tpu.barrier barrier_id(%barrier3A)
    %scan3A_29 = arith.constant 0 : i32
    %scan3A_30 = arith.constant 0 : i32
    %scan3A_31 = arith.constant 64 : i32
    %scan3A_32 = arith.addi %scan3A_30, %scan3A_31 : i32
    %scan3A_33 = arith.constant 1 : i32
    %scan3A_34 = scf.for %scan3A_1284 = %scan3A_30 to %scan3A_32 step %scan3A_33 iter_args(%scan3A_1285 = %scan3A_29) -> (i32)  : i32 {
      %mul3A_1286 = arith.constant 128 : i32
      %mul3A_1287 = arith.muli %scan3A_1284, %mul3A_1286 : i32
      %add3A_1288 = arith.constant 0 : i32
      %add3A_1289 = arith.addi %mul3A_1287, %add3A_1288 : i32
      %get3A = arith.index_cast %add3A_1289 : i32 to index
      %get3A_1290 = tpu.vector_load %arg6[%get3A] {strides = array<i32>} : memref<8192xi32, #tpu.memory_space<vmem>>, vector<16xi32>,
      %get3A_1291 = vector.shape_cast %get3A_1290 : vector<16xi32> to vector<16xi32>
      %mul3A_1292 = arith.constant 2048 : i32
      %mul3A_1293 = vector.broadcast %mul3A_1292 : i32 to vector<16xi32>
      %mul3A_1294 = arith.muli %get3A_1291, %mul3A_1293 : vector<16xi32>
      %get3A_1295 = arith.index_cast %add3A_1289 : i32 to index
      %get3A_1296 = tpu.vector_load %arg5[%get3A_1295] {strides = array<i32>} : memref<8192xi32, #tpu.memory_space<vmem>>, vector<16xi32>,
      %get3A_1297 = vector.shape_cast %get3A_1296 : vector<16xi32> to vector<16xi32>
      %add3A_1298 = arith.addi %mul3A_1294, %get3A_1297 : vector<16xi32>
      %get3A_1299 = arith.index_cast %add3A_1289 : i32 to index
      %get3A_1300 = tpu.vector_load %arg6[%get3A_1299] {strides = array<i32>} : memref<8192xi32, #tpu.memory_space<vmem>>, vector<16xi32>,
      %get3A_1301 = vector.shape_cast %get3A_1300 : vector<16xi32> to vector<16xi32>
      %sub3A = vector.broadcast %mul3A_12 : i32 to vector<16xi32>
      %sub3A_1302 = arith.subi %get3A_1301, %sub3A : vector<16xi32>
      %ge3A = arith.constant 0 : i32
      %ge3A_1303 = vector.broadcast %ge3A : i32 to vector<16xi32>
      %ge3A_1304 = arith.cmpi sge, %sub3A_1302, %ge3A_1303 : vector<16xi32>
      %lt3A = arith.constant 512 : i32
      %lt3A_1305 = vector.broadcast %lt3A : i32 to vector<16xi32>
      %lt3A_1306 = arith.cmpi slt, %sub3A_1302, %lt3A_1305 : vector<16xi32>
      %and3A = arith.andi %ge3A_1304, %lt3A_1306 : vector<16xi1>
      %mul3A_1307 = arith.constant 2048 : i32
      %mul3A_1308 = vector.broadcast %mul3A_1307 : i32 to vector<16xi32>
      %mul3A_1309 = arith.muli %sub3A_1302, %mul3A_1308 : vector<16xi32>
      %get3A_1310 = arith.index_cast %add3A_1289 : i32 to index
      %get3A_1311 = tpu.vector_load %arg5[%get3A_1310] {strides = array<i32>} : memref<8192xi32, #tpu.memory_space<vmem>>, vector<16xi32>,
      %get3A_1312 = vector.shape_cast %get3A_1311 : vector<16xi32> to vector<16xi32>
      %add3A_1313 = arith.addi %mul3A_1309, %get3A_1312 : vector<16xi32>
      %and3A_1314 = arith.constant 1048575 : i32
      %and3A_1315 = vector.broadcast %and3A_1314 : i32 to vector<16xi32>
      %and3A_1316 = arith.andi %add3A_1298, %and3A_1315 : vector<16xi32>
      %select_n3A = arith.select %and3A, %add3A_1313, %and3A_1316 : vector<16xi1>, vector<16xi32>
      %swap3A = arith.index_cast %add3A_1289 : i32 to index
      %swap3A_1317 = tpu.vector_load %arg8[%swap3A] {strides = array<i32>} : memref<8192xi32, #tpu.memory_space<vmem>>, vector<16xi32>,
      %swap3A_1318 = vector.shape_cast %swap3A_1317 : vector<16xi32> to vector<16xi32>
      %swap3A_1319 = vector.shape_cast %select_n3A : vector<16xi32> to vector<16xi32>
      tpu.vector_store %arg8[%swap3A], %swap3A_1319 {strides = array<i32>} : memref<8192xi32, #tpu.memory_space<vmem>>, vector<16xi32>,
      %get3A_1320 = arith.index_cast %add3A_1289 : i32 to index
      %get3A_1321 = tpu.vector_load %arg7[%get3A_1320] {strides = array<i32>} : memref<8192xf32, #tpu.memory_space<vmem>>, vector<16xf32>,
      %get3A_1322 = vector.shape_cast %get3A_1321 : vector<16xf32> to vector<16xf32>
      %jit3A = arith.constant 0.000000e+00 : f32
      %broadcast_in_dim3A = vector.broadcast %jit3A : f32 to vector<16xf32>
      %select_n3A_1323 = arith.select %and3A, %get3A_1322, %broadcast_in_dim3A : vector<16xi1>, vector<16xf32>
      %swap3A_1324 = arith.index_cast %add3A_1289 : i32 to index
      %swap3A_1325 = tpu.vector_load %arg9[%swap3A_1324] {strides = array<i32>} : memref<8192xf32, #tpu.memory_space<vmem>>, vector<16xf32>,
      %swap3A_1326 = vector.shape_cast %swap3A_1325 : vector<16xf32> to vector<16xf32>
      %swap3A_1327 = vector.shape_cast %select_n3A_1323 : vector<16xf32> to vector<16xf32>
      tpu.vector_store %arg9[%swap3A_1324], %swap3A_1327 {strides = array<i32>} : memref<8192xf32, #tpu.memory_space<vmem>>, vector<16xf32>,
      %mul3A_1328 = arith.constant 128 : i32
      %mul3A_1329 = arith.muli %scan3A_1284, %mul3A_1328 : i32
      %add3A_1330 = arith.constant 16 : i32
      %add3A_1331 = arith.addi %mul3A_1329, %add3A_1330 : i32
      %get3A_1332 = arith.index_cast %add3A_1331 : i32 to index
      %get3A_1333 = tpu.vector_load %arg6[%get3A_1332] {strides = array<i32>} : memref<8192xi32, #tpu.memory_space<vmem>>, vector<16xi32>,
      %get3A_1334 = vector.shape_cast %get3A_1333 : vector<16xi32> to vector<16xi32>
      %mul3A_1335 = arith.constant 2048 : i32
      %mul3A_1336 = vector.broadcast %mul3A_1335 : i32 to vector<16xi32>
      %mul3A_1337 = arith.muli %get3A_1334, %mul3A_1336 : vector<16xi32>
      %get3A_1338 = arith.index_cast %add3A_1331 : i32 to index
      %get3A_1339 = tpu.vector_load %arg5[%get3A_1338] {strides = array<i32>} : memref<8192xi32, #tpu.memory_space<vmem>>, vector<16xi32>,
      %get3A_1340 = vector.shape_cast %get3A_1339 : vector<16xi32> to vector<16xi32>
      %add3A_1341 = arith.addi %mul3A_1337, %get3A_1340 : vector<16xi32>
      %get3A_1342 = arith.index_cast %add3A_1331 : i32 to index
      %get3A_1343 = tpu.vector_load %arg6[%get3A_1342] {strides = array<i32>} : memref<8192xi32, #tpu.memory_space<vmem>>, vector<16xi32>,
      %get3A_1344 = vector.shape_cast %get3A_1343 : vector<16xi32> to vector<16xi32>
      %sub3A_1345 = vector.broadcast %mul3A_12 : i32 to vector<16xi32>
      %sub3A_1346 = arith.subi %get3A_1344, %sub3A_1345 : vector<16xi32>
      %ge3A_1347 = arith.constant 0 : i32
      %ge3A_1348 = vector.broadcast %ge3A_1347 : i32 to vector<16xi32>
      %ge3A_1349 = arith.cmpi sge, %sub3A_1346, %ge3A_1348 : vector<16xi32>
      %lt3A_1350 = arith.constant 512 : i32
      %lt3A_1351 = vector.broadcast %lt3A_1350 : i32 to vector<16xi32>
      %lt3A_1352 = arith.cmpi slt, %sub3A_1346, %lt3A_1351 : vector<16xi32>
      %and3A_1353 = arith.andi %ge3A_1349, %lt3A_1352 : vector<16xi1>
      %mul3A_1354 = arith.constant 2048 : i32
      %mul3A_1355 = vector.broadcast %mul3A_1354 : i32 to vector<16xi32>
      %mul3A_1356 = arith.muli %sub3A_1346, %mul3A_1355 : vector<16xi32>
      %get3A_1357 = arith.index_cast %add3A_1331 : i32 to index
      %get3A_1358 = tpu.vector_load %arg5[%get3A_1357] {strides = array<i32>} : memref<8192xi32, #tpu.memory_space<vmem>>, vector<16xi32>,
      %get3A_1359 = vector.shape_cast %get3A_1358 : vector<16xi32> to vector<16xi32>
      %add3A_1360 = arith.addi %mul3A_1356, %get3A_1359 : vector<16xi32>
      %and3A_1361 = arith.constant 1048575 : i32
      %and3A_1362 = vector.broadcast %and3A_1361 : i32 to vector<16xi32>
      %and3A_1363 = arith.andi %add3A_1341, %and3A_1362 : vector<16xi32>
      %select_n3A_1364 = arith.select %and3A_1353, %add3A_1360, %and3A_1363 : vector<16xi1>, vector<16xi32>
      %swap3A_1365 = arith.index_cast %add3A_1331 : i32 to index
      %swap3A_1366 = tpu.vector_load %arg8[%swap3A_1365] {strides = array<i32>} : memref<8192xi32, #tpu.memory_space<vmem>>, vector<16xi32>,
      %swap3A_1367 = vector.shape_cast %swap3A_1366 : vector<16xi32> to vector<16xi32>
      %swap3A_1368 = vector.shape_cast %select_n3A_1364 : vector<16xi32> to vector<16xi32>
      tpu.vector_store %arg8[%swap3A_1365], %swap3A_1368 {strides = array<i32>} : memref<8192xi32, #tpu.memory_space<vmem>>, vector<16xi32>,
      %get3A_1369 = arith.index_cast %add3A_1331 : i32 to index
      %get3A_1370 = tpu.vector_load %arg7[%get3A_1369] {strides = array<i32>} : memref<8192xf32, #tpu.memory_space<vmem>>, vector<16xf32>,
      %get3A_1371 = vector.shape_cast %get3A_1370 : vector<16xf32> to vector<16xf32>
      %jit3A_1372 = arith.constant 0.000000e+00 : f32
      %broadcast_in_dim3A_1373 = vector.broadcast %jit3A_1372 : f32 to vector<16xf32>
      %select_n3A_1374 = arith.select %and3A_1353, %get3A_1371, %broadcast_in_dim3A_1373 : vector<16xi1>, vector<16xf32>
      %swap3A_1375 = arith.index_cast %add3A_1331 : i32 to index
      %swap3A_1376 = tpu.vector_load %arg9[%swap3A_1375] {strides = array<i32>} : memref<8192xf32, #tpu.memory_space<vmem>>, vector<16xf32>,
      %swap3A_1377 = vector.shape_cast %swap3A_1376 : vector<16xf32> to vector<16xf32>
      %swap3A_1378 = vector.shape_cast %select_n3A_1374 : vector<16xf32> to vector<16xf32>
      tpu.vector_store %arg9[%swap3A_1375], %swap3A_1378 {strides = array<i32>} : memref<8192xf32, #tpu.memory_space<vmem>>, vector<16xf32>,
      %mul3A_1379 = arith.constant 128 : i32
      %mul3A_1380 = arith.muli %scan3A_1284, %mul3A_1379 : i32
      %add3A_1381 = arith.constant 32 : i32
      %add3A_1382 = arith.addi %mul3A_1380, %add3A_1381 : i32
      %get3A_1383 = arith.index_cast %add3A_1382 : i32 to index
      %get3A_1384 = tpu.vector_load %arg6[%get3A_1383] {strides = array<i32>} : memref<8192xi32, #tpu.memory_space<vmem>>, vector<16xi32>,
      %get3A_1385 = vector.shape_cast %get3A_1384 : vector<16xi32> to vector<16xi32>
      %mul3A_1386 = arith.constant 2048 : i32
      %mul3A_1387 = vector.broadcast %mul3A_1386 : i32 to vector<16xi32>
      %mul3A_1388 = arith.muli %get3A_1385, %mul3A_1387 : vector<16xi32>
      %get3A_1389 = arith.index_cast %add3A_1382 : i32 to index
      %get3A_1390 = tpu.vector_load %arg5[%get3A_1389] {strides = array<i32>} : memref<8192xi32, #tpu.memory_space<vmem>>, vector<16xi32>,
      %get3A_1391 = vector.shape_cast %get3A_1390 : vector<16xi32> to vector<16xi32>
      %add3A_1392 = arith.addi %mul3A_1388, %get3A_1391 : vector<16xi32>
      %get3A_1393 = arith.index_cast %add3A_1382 : i32 to index
      %get3A_1394 = tpu.vector_load %arg6[%get3A_1393] {strides = array<i32>} : memref<8192xi32, #tpu.memory_space<vmem>>, vector<16xi32>,
      %get3A_1395 = vector.shape_cast %get3A_1394 : vector<16xi32> to vector<16xi32>
      %sub3A_1396 = vector.broadcast %mul3A_12 : i32 to vector<16xi32>
      %sub3A_1397 = arith.subi %get3A_1395, %sub3A_1396 : vector<16xi32>
      %ge3A_1398 = arith.constant 0 : i32
      %ge3A_1399 = vector.broadcast %ge3A_1398 : i32 to vector<16xi32>
      %ge3A_1400 = arith.cmpi sge, %sub3A_1397, %ge3A_1399 : vector<16xi32>
      %lt3A_1401 = arith.constant 512 : i32
      %lt3A_1402 = vector.broadcast %lt3A_1401 : i32 to vector<16xi32>
      %lt3A_1403 = arith.cmpi slt, %sub3A_1397, %lt3A_1402 : vector<16xi32>
      %and3A_1404 = arith.andi %ge3A_1400, %lt3A_1403 : vector<16xi1>
      %mul3A_1405 = arith.constant 2048 : i32
      %mul3A_1406 = vector.broadcast %mul3A_1405 : i32 to vector<16xi32>
      %mul3A_1407 = arith.muli %sub3A_1397, %mul3A_1406 : vector<16xi32>
      %get3A_1408 = arith.index_cast %add3A_1382 : i32 to index
      %get3A_1409 = tpu.vector_load %arg5[%get3A_1408] {strides = array<i32>} : memref<8192xi32, #tpu.memory_space<vmem>>, vector<16xi32>,
      %get3A_1410 = vector.shape_cast %get3A_1409 : vector<16xi32> to vector<16xi32>
      %add3A_1411 = arith.addi %mul3A_1407, %get3A_1410 : vector<16xi32>
      %and3A_1412 = arith.constant 1048575 : i32
      %and3A_1413 = vector.broadcast %and3A_1412 : i32 to vector<16xi32>
      %and3A_1414 = arith.andi %add3A_1392, %and3A_1413 : vector<16xi32>
      %select_n3A_1415 = arith.select %and3A_1404, %add3A_1411, %and3A_1414 : vector<16xi1>, vector<16xi32>
      %swap3A_1416 = arith.index_cast %add3A_1382 : i32 to index
      %swap3A_1417 = tpu.vector_load %arg8[%swap3A_1416] {strides = array<i32>} : memref<8192xi32, #tpu.memory_space<vmem>>, vector<16xi32>,
      %swap3A_1418 = vector.shape_cast %swap3A_1417 : vector<16xi32> to vector<16xi32>
      %swap3A_1419 = vector.shape_cast %select_n3A_1415 : vector<16xi32> to vector<16xi32>
      tpu.vector_store %arg8[%swap3A_1416], %swap3A_1419 {strides = array<i32>} : memref<8192xi32, #tpu.memory_space<vmem>>, vector<16xi32>,
      %get3A_1420 = arith.index_cast %add3A_1382 : i32 to index
      %get3A_1421 = tpu.vector_load %arg7[%get3A_1420] {strides = array<i32>} : memref<8192xf32, #tpu.memory_space<vmem>>, vector<16xf32>,
      %get3A_1422 = vector.shape_cast %get3A_1421 : vector<16xf32> to vector<16xf32>
      %jit3A_1423 = arith.constant 0.000000e+00 : f32
      %broadcast_in_dim3A_1424 = vector.broadcast %jit3A_1423 : f32 to vector<16xf32>
      %select_n3A_1425 = arith.select %and3A_1404, %get3A_1422, %broadcast_in_dim3A_1424 : vector<16xi1>, vector<16xf32>
      %swap3A_1426 = arith.index_cast %add3A_1382 : i32 to index
      %swap3A_1427 = tpu.vector_load %arg9[%swap3A_1426] {strides = array<i32>} : memref<8192xf32, #tpu.memory_space<vmem>>, vector<16xf32>,
      %swap3A_1428 = vector.shape_cast %swap3A_1427 : vector<16xf32> to vector<16xf32>
      %swap3A_1429 = vector.shape_cast %select_n3A_1425 : vector<16xf32> to vector<16xf32>
      tpu.vector_store %arg9[%swap3A_1426], %swap3A_1429 {strides = array<i32>} : memref<8192xf32, #tpu.memory_space<vmem>>, vector<16xf32>,
      %mul3A_1430 = arith.constant 128 : i32
      %mul3A_1431 = arith.muli %scan3A_1284, %mul3A_1430 : i32
      %add3A_1432 = arith.constant 48 : i32
      %add3A_1433 = arith.addi %mul3A_1431, %add3A_1432 : i32
      %get3A_1434 = arith.index_cast %add3A_1433 : i32 to index
      %get3A_1435 = tpu.vector_load %arg6[%get3A_1434] {strides = array<i32>} : memref<8192xi32, #tpu.memory_space<vmem>>, vector<16xi32>,
      %get3A_1436 = vector.shape_cast %get3A_1435 : vector<16xi32> to vector<16xi32>
      %mul3A_1437 = arith.constant 2048 : i32
      %mul3A_1438 = vector.broadcast %mul3A_1437 : i32 to vector<16xi32>
      %mul3A_1439 = arith.muli %get3A_1436, %mul3A_1438 : vector<16xi32>
      %get3A_1440 = arith.index_cast %add3A_1433 : i32 to index
      %get3A_1441 = tpu.vector_load %arg5[%get3A_1440] {strides = array<i32>} : memref<8192xi32, #tpu.memory_space<vmem>>, vector<16xi32>,
      %get3A_1442 = vector.shape_cast %get3A_1441 : vector<16xi32> to vector<16xi32>
      %add3A_1443 = arith.addi %mul3A_1439, %get3A_1442 : vector<16xi32>
      %get3A_1444 = arith.index_cast %add3A_1433 : i32 to index
      %get3A_1445 = tpu.vector_load %arg6[%get3A_1444] {strides = array<i32>} : memref<8192xi32, #tpu.memory_space<vmem>>, vector<16xi32>,
      %get3A_1446 = vector.shape_cast %get3A_1445 : vector<16xi32> to vector<16xi32>
      %sub3A_1447 = vector.broadcast %mul3A_12 : i32 to vector<16xi32>
      %sub3A_1448 = arith.subi %get3A_1446, %sub3A_1447 : vector<16xi32>
      %ge3A_1449 = arith.constant 0 : i32
      %ge3A_1450 = vector.broadcast %ge3A_1449 : i32 to vector<16xi32>
      %ge3A_1451 = arith.cmpi sge, %sub3A_1448, %ge3A_1450 : vector<16xi32>
      %lt3A_1452 = arith.constant 512 : i32
      %lt3A_1453 = vector.broadcast %lt3A_1452 : i32 to vector<16xi32>
      %lt3A_1454 = arith.cmpi slt, %sub3A_1448, %lt3A_1453 : vector<16xi32>
      %and3A_1455 = arith.andi %ge3A_1451, %lt3A_1454 : vector<16xi1>
      %mul3A_1456 = arith.constant 2048 : i32
      %mul3A_1457 = vector.broadcast %mul3A_1456 : i32 to vector<16xi32>
      %mul3A_1458 = arith.muli %sub3A_1448, %mul3A_1457 : vector<16xi32>
      %get3A_1459 = arith.index_cast %add3A_1433 : i32 to index
      %get3A_1460 = tpu.vector_load %arg5[%get3A_1459] {strides = array<i32>} : memref<8192xi32, #tpu.memory_space<vmem>>, vector<16xi32>,
      %get3A_1461 = vector.shape_cast %get3A_1460 : vector<16xi32> to vector<16xi32>
      %add3A_1462 = arith.addi %mul3A_1458, %get3A_1461 : vector<16xi32>
      %and3A_1463 = arith.constant 1048575 : i32
      %and3A_1464 = vector.broadcast %and3A_1463 : i32 to vector<16xi32>
      %and3A_1465 = arith.andi %add3A_1443, %and3A_1464 : vector<16xi32>
      %select_n3A_1466 = arith.select %and3A_1455, %add3A_1462, %and3A_1465 : vector<16xi1>, vector<16xi32>
      %swap3A_1467 = arith.index_cast %add3A_1433 : i32 to index
      %swap3A_1468 = tpu.vector_load %arg8[%swap3A_1467] {strides = array<i32>} : memref<8192xi32, #tpu.memory_space<vmem>>, vector<16xi32>,
      %swap3A_1469 = vector.shape_cast %swap3A_1468 : vector<16xi32> to vector<16xi32>
      %swap3A_1470 = vector.shape_cast %select_n3A_1466 : vector<16xi32> to vector<16xi32>
      tpu.vector_store %arg8[%swap3A_1467], %swap3A_1470 {strides = array<i32>} : memref<8192xi32, #tpu.memory_space<vmem>>, vector<16xi32>,
      %get3A_1471 = arith.index_cast %add3A_1433 : i32 to index
      %get3A_1472 = tpu.vector_load %arg7[%get3A_1471] {strides = array<i32>} : memref<8192xf32, #tpu.memory_space<vmem>>, vector<16xf32>,
      %get3A_1473 = vector.shape_cast %get3A_1472 : vector<16xf32> to vector<16xf32>
      %jit3A_1474 = arith.constant 0.000000e+00 : f32
      %broadcast_in_dim3A_1475 = vector.broadcast %jit3A_1474 : f32 to vector<16xf32>
      %select_n3A_1476 = arith.select %and3A_1455, %get3A_1473, %broadcast_in_dim3A_1475 : vector<16xi1>, vector<16xf32>
      %swap3A_1477 = arith.index_cast %add3A_1433 : i32 to index
      %swap3A_1478 = tpu.vector_load %arg9[%swap3A_1477] {strides = array<i32>} : memref<8192xf32, #tpu.memory_space<vmem>>, vector<16xf32>,
      %swap3A_1479 = vector.shape_cast %swap3A_1478 : vector<16xf32> to vector<16xf32>
      %swap3A_1480 = vector.shape_cast %select_n3A_1476 : vector<16xf32> to vector<16xf32>
      tpu.vector_store %arg9[%swap3A_1477], %swap3A_1480 {strides = array<i32>} : memref<8192xf32, #tpu.memory_space<vmem>>, vector<16xf32>,
      %mul3A_1481 = arith.constant 128 : i32
      %mul3A_1482 = arith.muli %scan3A_1284, %mul3A_1481 : i32
      %add3A_1483 = arith.constant 64 : i32
      %add3A_1484 = arith.addi %mul3A_1482, %add3A_1483 : i32
      %get3A_1485 = arith.index_cast %add3A_1484 : i32 to index
      %get3A_1486 = tpu.vector_load %arg6[%get3A_1485] {strides = array<i32>} : memref<8192xi32, #tpu.memory_space<vmem>>, vector<16xi32>,
      %get3A_1487 = vector.shape_cast %get3A_1486 : vector<16xi32> to vector<16xi32>
      %mul3A_1488 = arith.constant 2048 : i32
      %mul3A_1489 = vector.broadcast %mul3A_1488 : i32 to vector<16xi32>
      %mul3A_1490 = arith.muli %get3A_1487, %mul3A_1489 : vector<16xi32>
      %get3A_1491 = arith.index_cast %add3A_1484 : i32 to index
      %get3A_1492 = tpu.vector_load %arg5[%get3A_1491] {strides = array<i32>} : memref<8192xi32, #tpu.memory_space<vmem>>, vector<16xi32>,
      %get3A_1493 = vector.shape_cast %get3A_1492 : vector<16xi32> to vector<16xi32>
      %add3A_1494 = arith.addi %mul3A_1490, %get3A_1493 : vector<16xi32>
      %get3A_1495 = arith.index_cast %add3A_1484 : i32 to index
      %get3A_1496 = tpu.vector_load %arg6[%get3A_1495] {strides = array<i32>} : memref<8192xi32, #tpu.memory_space<vmem>>, vector<16xi32>,
      %get3A_1497 = vector.shape_cast %get3A_1496 : vector<16xi32> to vector<16xi32>
      %sub3A_1498 = vector.broadcast %mul3A_12 : i32 to vector<16xi32>
      %sub3A_1499 = arith.subi %get3A_1497, %sub3A_1498 : vector<16xi32>
      %ge3A_1500 = arith.constant 0 : i32
      %ge3A_1501 = vector.broadcast %ge3A_1500 : i32 to vector<16xi32>
      %ge3A_1502 = arith.cmpi sge, %sub3A_1499, %ge3A_1501 : vector<16xi32>
      %lt3A_1503 = arith.constant 512 : i32
      %lt3A_1504 = vector.broadcast %lt3A_1503 : i32 to vector<16xi32>
      %lt3A_1505 = arith.cmpi slt, %sub3A_1499, %lt3A_1504 : vector<16xi32>
      %and3A_1506 = arith.andi %ge3A_1502, %lt3A_1505 : vector<16xi1>
      %mul3A_1507 = arith.constant 2048 : i32
      %mul3A_1508 = vector.broadcast %mul3A_1507 : i32 to vector<16xi32>
      %mul3A_1509 = arith.muli %sub3A_1499, %mul3A_1508 : vector<16xi32>
      %get3A_1510 = arith.index_cast %add3A_1484 : i32 to index
      %get3A_1511 = tpu.vector_load %arg5[%get3A_1510] {strides = array<i32>} : memref<8192xi32, #tpu.memory_space<vmem>>, vector<16xi32>,
      %get3A_1512 = vector.shape_cast %get3A_1511 : vector<16xi32> to vector<16xi32>
      %add3A_1513 = arith.addi %mul3A_1509, %get3A_1512 : vector<16xi32>
      %and3A_1514 = arith.constant 1048575 : i32
      %and3A_1515 = vector.broadcast %and3A_1514 : i32 to vector<16xi32>
      %and3A_1516 = arith.andi %add3A_1494, %and3A_1515 : vector<16xi32>
      %select_n3A_1517 = arith.select %and3A_1506, %add3A_1513, %and3A_1516 : vector<16xi1>, vector<16xi32>
      %swap3A_1518 = arith.index_cast %add3A_1484 : i32 to index
      %swap3A_1519 = tpu.vector_load %arg8[%swap3A_1518] {strides = array<i32>} : memref<8192xi32, #tpu.memory_space<vmem>>, vector<16xi32>,
      %swap3A_1520 = vector.shape_cast %swap3A_1519 : vector<16xi32> to vector<16xi32>
      %swap3A_1521 = vector.shape_cast %select_n3A_1517 : vector<16xi32> to vector<16xi32>
      tpu.vector_store %arg8[%swap3A_1518], %swap3A_1521 {strides = array<i32>} : memref<8192xi32, #tpu.memory_space<vmem>>, vector<16xi32>,
      %get3A_1522 = arith.index_cast %add3A_1484 : i32 to index
      %get3A_1523 = tpu.vector_load %arg7[%get3A_1522] {strides = array<i32>} : memref<8192xf32, #tpu.memory_space<vmem>>, vector<16xf32>,
      %get3A_1524 = vector.shape_cast %get3A_1523 : vector<16xf32> to vector<16xf32>
      %jit3A_1525 = arith.constant 0.000000e+00 : f32
      %broadcast_in_dim3A_1526 = vector.broadcast %jit3A_1525 : f32 to vector<16xf32>
      %select_n3A_1527 = arith.select %and3A_1506, %get3A_1524, %broadcast_in_dim3A_1526 : vector<16xi1>, vector<16xf32>
      %swap3A_1528 = arith.index_cast %add3A_1484 : i32 to index
      %swap3A_1529 = tpu.vector_load %arg9[%swap3A_1528] {strides = array<i32>} : memref<8192xf32, #tpu.memory_space<vmem>>, vector<16xf32>,
      %swap3A_1530 = vector.shape_cast %swap3A_1529 : vector<16xf32> to vector<16xf32>
      %swap3A_1531 = vector.shape_cast %select_n3A_1527 : vector<16xf32> to vector<16xf32>
      tpu.vector_store %arg9[%swap3A_1528], %swap3A_1531 {strides = array<i32>} : memref<8192xf32, #tpu.memory_space<vmem>>, vector<16xf32>,
      %mul3A_1532 = arith.constant 128 : i32
      %mul3A_1533 = arith.muli %scan3A_1284, %mul3A_1532 : i32
      %add3A_1534 = arith.constant 80 : i32
      %add3A_1535 = arith.addi %mul3A_1533, %add3A_1534 : i32
      %get3A_1536 = arith.index_cast %add3A_1535 : i32 to index
      %get3A_1537 = tpu.vector_load %arg6[%get3A_1536] {strides = array<i32>} : memref<8192xi32, #tpu.memory_space<vmem>>, vector<16xi32>,
      %get3A_1538 = vector.shape_cast %get3A_1537 : vector<16xi32> to vector<16xi32>
      %mul3A_1539 = arith.constant 2048 : i32
      %mul3A_1540 = vector.broadcast %mul3A_1539 : i32 to vector<16xi32>
      %mul3A_1541 = arith.muli %get3A_1538, %mul3A_1540 : vector<16xi32>
      %get3A_1542 = arith.index_cast %add3A_1535 : i32 to index
      %get3A_1543 = tpu.vector_load %arg5[%get3A_1542] {strides = array<i32>} : memref<8192xi32, #tpu.memory_space<vmem>>, vector<16xi32>,
      %get3A_1544 = vector.shape_cast %get3A_1543 : vector<16xi32> to vector<16xi32>
      %add3A_1545 = arith.addi %mul3A_1541, %get3A_1544 : vector<16xi32>
      %get3A_1546 = arith.index_cast %add3A_1535 : i32 to index
      %get3A_1547 = tpu.vector_load %arg6[%get3A_1546] {strides = array<i32>} : memref<8192xi32, #tpu.memory_space<vmem>>, vector<16xi32>,
      %get3A_1548 = vector.shape_cast %get3A_1547 : vector<16xi32> to vector<16xi32>
      %sub3A_1549 = vector.broadcast %mul3A_12 : i32 to vector<16xi32>
      %sub3A_1550 = arith.subi %get3A_1548, %sub3A_1549 : vector<16xi32>
      %ge3A_1551 = arith.constant 0 : i32
      %ge3A_1552 = vector.broadcast %ge3A_1551 : i32 to vector<16xi32>
      %ge3A_1553 = arith.cmpi sge, %sub3A_1550, %ge3A_1552 : vector<16xi32>
      %lt3A_1554 = arith.constant 512 : i32
      %lt3A_1555 = vector.broadcast %lt3A_1554 : i32 to vector<16xi32>
      %lt3A_1556 = arith.cmpi slt, %sub3A_1550, %lt3A_1555 : vector<16xi32>
      %and3A_1557 = arith.andi %ge3A_1553, %lt3A_1556 : vector<16xi1>
      %mul3A_1558 = arith.constant 2048 : i32
      %mul3A_1559 = vector.broadcast %mul3A_1558 : i32 to vector<16xi32>
      %mul3A_1560 = arith.muli %sub3A_1550, %mul3A_1559 : vector<16xi32>
      %get3A_1561 = arith.index_cast %add3A_1535 : i32 to index
      %get3A_1562 = tpu.vector_load %arg5[%get3A_1561] {strides = array<i32>} : memref<8192xi32, #tpu.memory_space<vmem>>, vector<16xi32>,
      %get3A_1563 = vector.shape_cast %get3A_1562 : vector<16xi32> to vector<16xi32>
      %add3A_1564 = arith.addi %mul3A_1560, %get3A_1563 : vector<16xi32>
      %and3A_1565 = arith.constant 1048575 : i32
      %and3A_1566 = vector.broadcast %and3A_1565 : i32 to vector<16xi32>
      %and3A_1567 = arith.andi %add3A_1545, %and3A_1566 : vector<16xi32>
      %select_n3A_1568 = arith.select %and3A_1557, %add3A_1564, %and3A_1567 : vector<16xi1>, vector<16xi32>
      %swap3A_1569 = arith.index_cast %add3A_1535 : i32 to index
      %swap3A_1570 = tpu.vector_load %arg8[%swap3A_1569] {strides = array<i32>} : memref<8192xi32, #tpu.memory_space<vmem>>, vector<16xi32>,
      %swap3A_1571 = vector.shape_cast %swap3A_1570 : vector<16xi32> to vector<16xi32>
      %swap3A_1572 = vector.shape_cast %select_n3A_1568 : vector<16xi32> to vector<16xi32>
      tpu.vector_store %arg8[%swap3A_1569], %swap3A_1572 {strides = array<i32>} : memref<8192xi32, #tpu.memory_space<vmem>>, vector<16xi32>,
      %get3A_1573 = arith.index_cast %add3A_1535 : i32 to index
      %get3A_1574 = tpu.vector_load %arg7[%get3A_1573] {strides = array<i32>} : memref<8192xf32, #tpu.memory_space<vmem>>, vector<16xf32>,
      %get3A_1575 = vector.shape_cast %get3A_1574 : vector<16xf32> to vector<16xf32>
      %jit3A_1576 = arith.constant 0.000000e+00 : f32
      %broadcast_in_dim3A_1577 = vector.broadcast %jit3A_1576 : f32 to vector<16xf32>
      %select_n3A_1578 = arith.select %and3A_1557, %get3A_1575, %broadcast_in_dim3A_1577 : vector<16xi1>, vector<16xf32>
      %swap3A_1579 = arith.index_cast %add3A_1535 : i32 to index
      %swap3A_1580 = tpu.vector_load %arg9[%swap3A_1579] {strides = array<i32>} : memref<8192xf32, #tpu.memory_space<vmem>>, vector<16xf32>,
      %swap3A_1581 = vector.shape_cast %swap3A_1580 : vector<16xf32> to vector<16xf32>
      %swap3A_1582 = vector.shape_cast %select_n3A_1578 : vector<16xf32> to vector<16xf32>
      tpu.vector_store %arg9[%swap3A_1579], %swap3A_1582 {strides = array<i32>} : memref<8192xf32, #tpu.memory_space<vmem>>, vector<16xf32>,
      %mul3A_1583 = arith.constant 128 : i32
      %mul3A_1584 = arith.muli %scan3A_1284, %mul3A_1583 : i32
      %add3A_1585 = arith.constant 96 : i32
      %add3A_1586 = arith.addi %mul3A_1584, %add3A_1585 : i32
      %get3A_1587 = arith.index_cast %add3A_1586 : i32 to index
      %get3A_1588 = tpu.vector_load %arg6[%get3A_1587] {strides = array<i32>} : memref<8192xi32, #tpu.memory_space<vmem>>, vector<16xi32>,
      %get3A_1589 = vector.shape_cast %get3A_1588 : vector<16xi32> to vector<16xi32>
      %mul3A_1590 = arith.constant 2048 : i32
      %mul3A_1591 = vector.broadcast %mul3A_1590 : i32 to vector<16xi32>
      %mul3A_1592 = arith.muli %get3A_1589, %mul3A_1591 : vector<16xi32>
      %get3A_1593 = arith.index_cast %add3A_1586 : i32 to index
      %get3A_1594 = tpu.vector_load %arg5[%get3A_1593] {strides = array<i32>} : memref<8192xi32, #tpu.memory_space<vmem>>, vector<16xi32>,
      %get3A_1595 = vector.shape_cast %get3A_1594 : vector<16xi32> to vector<16xi32>
      %add3A_1596 = arith.addi %mul3A_1592, %get3A_1595 : vector<16xi32>
      %get3A_1597 = arith.index_cast %add3A_1586 : i32 to index
      %get3A_1598 = tpu.vector_load %arg6[%get3A_1597] {strides = array<i32>} : memref<8192xi32, #tpu.memory_space<vmem>>, vector<16xi32>,
      %get3A_1599 = vector.shape_cast %get3A_1598 : vector<16xi32> to vector<16xi32>
      %sub3A_1600 = vector.broadcast %mul3A_12 : i32 to vector<16xi32>
      %sub3A_1601 = arith.subi %get3A_1599, %sub3A_1600 : vector<16xi32>
      %ge3A_1602 = arith.constant 0 : i32
      %ge3A_1603 = vector.broadcast %ge3A_1602 : i32 to vector<16xi32>
      %ge3A_1604 = arith.cmpi sge, %sub3A_1601, %ge3A_1603 : vector<16xi32>
      %lt3A_1605 = arith.constant 512 : i32
      %lt3A_1606 = vector.broadcast %lt3A_1605 : i32 to vector<16xi32>
      %lt3A_1607 = arith.cmpi slt, %sub3A_1601, %lt3A_1606 : vector<16xi32>
      %and3A_1608 = arith.andi %ge3A_1604, %lt3A_1607 : vector<16xi1>
      %mul3A_1609 = arith.constant 2048 : i32
      %mul3A_1610 = vector.broadcast %mul3A_1609 : i32 to vector<16xi32>
      %mul3A_1611 = arith.muli %sub3A_1601, %mul3A_1610 : vector<16xi32>
      %get3A_1612 = arith.index_cast %add3A_1586 : i32 to index
      %get3A_1613 = tpu.vector_load %arg5[%get3A_1612] {strides = array<i32>} : memref<8192xi32, #tpu.memory_space<vmem>>, vector<16xi32>,
      %get3A_1614 = vector.shape_cast %get3A_1613 : vector<16xi32> to vector<16xi32>
      %add3A_1615 = arith.addi %mul3A_1611, %get3A_1614 : vector<16xi32>
      %and3A_1616 = arith.constant 1048575 : i32
      %and3A_1617 = vector.broadcast %and3A_1616 : i32 to vector<16xi32>
      %and3A_1618 = arith.andi %add3A_1596, %and3A_1617 : vector<16xi32>
      %select_n3A_1619 = arith.select %and3A_1608, %add3A_1615, %and3A_1618 : vector<16xi1>, vector<16xi32>
      %swap3A_1620 = arith.index_cast %add3A_1586 : i32 to index
      %swap3A_1621 = tpu.vector_load %arg8[%swap3A_1620] {strides = array<i32>} : memref<8192xi32, #tpu.memory_space<vmem>>, vector<16xi32>,
      %swap3A_1622 = vector.shape_cast %swap3A_1621 : vector<16xi32> to vector<16xi32>
      %swap3A_1623 = vector.shape_cast %select_n3A_1619 : vector<16xi32> to vector<16xi32>
      tpu.vector_store %arg8[%swap3A_1620], %swap3A_1623 {strides = array<i32>} : memref<8192xi32, #tpu.memory_space<vmem>>, vector<16xi32>,
      %get3A_1624 = arith.index_cast %add3A_1586 : i32 to index
      %get3A_1625 = tpu.vector_load %arg7[%get3A_1624] {strides = array<i32>} : memref<8192xf32, #tpu.memory_space<vmem>>, vector<16xf32>,
      %get3A_1626 = vector.shape_cast %get3A_1625 : vector<16xf32> to vector<16xf32>
      %jit3A_1627 = arith.constant 0.000000e+00 : f32
      %broadcast_in_dim3A_1628 = vector.broadcast %jit3A_1627 : f32 to vector<16xf32>
      %select_n3A_1629 = arith.select %and3A_1608, %get3A_1626, %broadcast_in_dim3A_1628 : vector<16xi1>, vector<16xf32>
      %swap3A_1630 = arith.index_cast %add3A_1586 : i32 to index
      %swap3A_1631 = tpu.vector_load %arg9[%swap3A_1630] {strides = array<i32>} : memref<8192xf32, #tpu.memory_space<vmem>>, vector<16xf32>,
      %swap3A_1632 = vector.shape_cast %swap3A_1631 : vector<16xf32> to vector<16xf32>
      %swap3A_1633 = vector.shape_cast %select_n3A_1629 : vector<16xf32> to vector<16xf32>
      tpu.vector_store %arg9[%swap3A_1630], %swap3A_1633 {strides = array<i32>} : memref<8192xf32, #tpu.memory_space<vmem>>, vector<16xf32>,
      %mul3A_1634 = arith.constant 128 : i32
      %mul3A_1635 = arith.muli %scan3A_1284, %mul3A_1634 : i32
      %add3A_1636 = arith.constant 112 : i32
      %add3A_1637 = arith.addi %mul3A_1635, %add3A_1636 : i32
      %get3A_1638 = arith.index_cast %add3A_1637 : i32 to index
      %get3A_1639 = tpu.vector_load %arg6[%get3A_1638] {strides = array<i32>} : memref<8192xi32, #tpu.memory_space<vmem>>, vector<16xi32>,
      %get3A_1640 = vector.shape_cast %get3A_1639 : vector<16xi32> to vector<16xi32>
      %mul3A_1641 = arith.constant 2048 : i32
      %mul3A_1642 = vector.broadcast %mul3A_1641 : i32 to vector<16xi32>
      %mul3A_1643 = arith.muli %get3A_1640, %mul3A_1642 : vector<16xi32>
      %get3A_1644 = arith.index_cast %add3A_1637 : i32 to index
      %get3A_1645 = tpu.vector_load %arg5[%get3A_1644] {strides = array<i32>} : memref<8192xi32, #tpu.memory_space<vmem>>, vector<16xi32>,
      %get3A_1646 = vector.shape_cast %get3A_1645 : vector<16xi32> to vector<16xi32>
      %add3A_1647 = arith.addi %mul3A_1643, %get3A_1646 : vector<16xi32>
      %get3A_1648 = arith.index_cast %add3A_1637 : i32 to index
      %get3A_1649 = tpu.vector_load %arg6[%get3A_1648] {strides = array<i32>} : memref<8192xi32, #tpu.memory_space<vmem>>, vector<16xi32>,
      %get3A_1650 = vector.shape_cast %get3A_1649 : vector<16xi32> to vector<16xi32>
      %sub3A_1651 = vector.broadcast %mul3A_12 : i32 to vector<16xi32>
      %sub3A_1652 = arith.subi %get3A_1650, %sub3A_1651 : vector<16xi32>
      %ge3A_1653 = arith.constant 0 : i32
      %ge3A_1654 = vector.broadcast %ge3A_1653 : i32 to vector<16xi32>
      %ge3A_1655 = arith.cmpi sge, %sub3A_1652, %ge3A_1654 : vector<16xi32>
      %lt3A_1656 = arith.constant 512 : i32
      %lt3A_1657 = vector.broadcast %lt3A_1656 : i32 to vector<16xi32>
      %lt3A_1658 = arith.cmpi slt, %sub3A_1652, %lt3A_1657 : vector<16xi32>
      %and3A_1659 = arith.andi %ge3A_1655, %lt3A_1658 : vector<16xi1>
      %mul3A_1660 = arith.constant 2048 : i32
      %mul3A_1661 = vector.broadcast %mul3A_1660 : i32 to vector<16xi32>
      %mul3A_1662 = arith.muli %sub3A_1652, %mul3A_1661 : vector<16xi32>
      %get3A_1663 = arith.index_cast %add3A_1637 : i32 to index
      %get3A_1664 = tpu.vector_load %arg5[%get3A_1663] {strides = array<i32>} : memref<8192xi32, #tpu.memory_space<vmem>>, vector<16xi32>,
      %get3A_1665 = vector.shape_cast %get3A_1664 : vector<16xi32> to vector<16xi32>
      %add3A_1666 = arith.addi %mul3A_1662, %get3A_1665 : vector<16xi32>
      %and3A_1667 = arith.constant 1048575 : i32
      %and3A_1668 = vector.broadcast %and3A_1667 : i32 to vector<16xi32>
      %and3A_1669 = arith.andi %add3A_1647, %and3A_1668 : vector<16xi32>
      %select_n3A_1670 = arith.select %and3A_1659, %add3A_1666, %and3A_1669 : vector<16xi1>, vector<16xi32>
      %swap3A_1671 = arith.index_cast %add3A_1637 : i32 to index
      %swap3A_1672 = tpu.vector_load %arg8[%swap3A_1671] {strides = array<i32>} : memref<8192xi32, #tpu.memory_space<vmem>>, vector<16xi32>,
      %swap3A_1673 = vector.shape_cast %swap3A_1672 : vector<16xi32> to vector<16xi32>
      %swap3A_1674 = vector.shape_cast %select_n3A_1670 : vector<16xi32> to vector<16xi32>
      tpu.vector_store %arg8[%swap3A_1671], %swap3A_1674 {strides = array<i32>} : memref<8192xi32, #tpu.memory_space<vmem>>, vector<16xi32>,
      %get3A_1675 = arith.index_cast %add3A_1637 : i32 to index
      %get3A_1676 = tpu.vector_load %arg7[%get3A_1675] {strides = array<i32>} : memref<8192xf32, #tpu.memory_space<vmem>>, vector<16xf32>,
      %get3A_1677 = vector.shape_cast %get3A_1676 : vector<16xf32> to vector<16xf32>
      %jit3A_1678 = arith.constant 0.000000e+00 : f32
      %broadcast_in_dim3A_1679 = vector.broadcast %jit3A_1678 : f32 to vector<16xf32>
      %select_n3A_1680 = arith.select %and3A_1659, %get3A_1677, %broadcast_in_dim3A_1679 : vector<16xi1>, vector<16xf32>
      %swap3A_1681 = arith.index_cast %add3A_1637 : i32 to index
      %swap3A_1682 = tpu.vector_load %arg9[%swap3A_1681] {strides = array<i32>} : memref<8192xf32, #tpu.memory_space<vmem>>, vector<16xf32>,
      %swap3A_1683 = vector.shape_cast %swap3A_1682 : vector<16xf32> to vector<16xf32>
      %swap3A_1684 = vector.shape_cast %select_n3A_1680 : vector<16xf32> to vector<16xf32>
      tpu.vector_store %arg9[%swap3A_1681], %swap3A_1684 {strides = array<i32>} : memref<8192xf32, #tpu.memory_space<vmem>>, vector<16xf32>,
      %scan3A_1685 = arith.constant 0 : i32
      scf.yield %scan3A_1685 : i32
    }
    %scan3A_35 = arith.constant 64 : i32
    "tpu.region"() ({
      %run_scoped3A_1284 = tpu.sem_alloc : memref<!tpu.dma_semaphore, #tpu.memory_space<semaphore_mem>>
      %dma_start3A_1285 = arith.constant 0 : i32
      %dma_start3A_1286 = tpu.memref_slice %arg11[%dma_start3A_1285] : memref<1048576xf32, #tpu.memory_space<vmem_shared>> -> memref<1048576xf32, #tpu.memory_space<vmem_shared>>
      tpu.enqueue_indirect_dma source(%arg9 : memref<8192xf32, #tpu.memory_space<vmem>>) target(%dma_start3A_1286 : memref<1048576xf32, #tpu.memory_space<vmem_shared>>) offsets(%arg8 : memref<8192xi32, #tpu.memory_space<vmem>>) semaphore(%run_scoped3A_1284 : memref<!tpu.dma_semaphore, #tpu.memory_space<semaphore_mem>>) {add = true}
      %dma_wait3A_1287 = arith.constant 0 : i32
      %dma_wait3A_1288 = tpu.memref_slice %arg11[%dma_wait3A_1287] : memref<1048576xf32, #tpu.memory_space<vmem_shared>> -> memref<1048576xf32, #tpu.memory_space<vmem_shared>>
      tpu.wait_indirect_dma semaphore(%run_scoped3A_1284 : memref<!tpu.dma_semaphore, #tpu.memory_space<semaphore_mem>>) src(%arg9 : memref<8192xf32, #tpu.memory_space<vmem>>) dst(%dma_wait3A_1288 : memref<1048576xf32, #tpu.memory_space<vmem_shared>>)
      tpu.yield
    }) : () -> ()
    %barrier3A_36 = arith.constant 0 : index
    tpu.barrier barrier_id(%barrier3A_36)
    %mul3A_37 = arith.constant 32 : i32
    %mul3A_38 = arith.muli %arg1, %mul3A_37 : i32
    %add3A_39 = arith.constant 0 : i32
    %add3A_40 = arith.addi %mul3A_38, %add3A_39 : i32
    %mul3A_41 = arith.constant 2048 : i32
    %mul3A_42 = arith.muli %add3A_40, %mul3A_41 : i32
    %mul3A_43 = arith.constant 32 : i32
    %mul3A_44 = arith.muli %arg1, %mul3A_43 : i32
    %add3A_45 = arith.addi %mul3A_12, %mul3A_44 : i32
    %add3A_46 = arith.constant 0 : i32
    %add3A_47 = arith.addi %add3A_45, %add3A_46 : i32
    %dma_start3A = arith.constant 0 : i32
    %dma_start3A_48 = tpu.memref_slice %arg4[%add3A_47, %dma_start3A] : memref<2048x2048xf32, #tpu.memory_space<hbm>> -> memref<1x2048xf32, #tpu.memory_space<hbm>>
    %dma_start3A_49 = tpu.memref_squeeze %dma_start3A_48 : memref<1x2048xf32, #tpu.memory_space<hbm>> -> memref<2048xf32, #tpu.memory_space<hbm>>
    %dma_start3A_50 = tpu.memref_slice %arg11[%mul3A_42] : memref<1048576xf32, #tpu.memory_space<vmem_shared>> -> memref<2048xf32, #tpu.memory_space<vmem_shared>>
    tpu.enqueue_dma source(%dma_start3A_50 : memref<2048xf32, #tpu.memory_space<vmem_shared>>) target(%dma_start3A_49 : memref<2048xf32, #tpu.memory_space<hbm>>) target_semaphore(%arg12 : memref<!tpu.dma_semaphore, #tpu.memory_space<semaphore_mem>>)
    %mul3A_51 = arith.constant 32 : i32
    %mul3A_52 = arith.muli %arg1, %mul3A_51 : i32
    %add3A_53 = arith.constant 1 : i32
    %add3A_54 = arith.addi %mul3A_52, %add3A_53 : i32
    %mul3A_55 = arith.constant 2048 : i32
    %mul3A_56 = arith.muli %add3A_54, %mul3A_55 : i32
    %mul3A_57 = arith.constant 32 : i32
    %mul3A_58 = arith.muli %arg1, %mul3A_57 : i32
    %add3A_59 = arith.addi %mul3A_12, %mul3A_58 : i32
    %add3A_60 = arith.constant 1 : i32
    %add3A_61 = arith.addi %add3A_59, %add3A_60 : i32
    %dma_start3A_62 = arith.constant 0 : i32
    %dma_start3A_63 = tpu.memref_slice %arg4[%add3A_61, %dma_start3A_62] : memref<2048x2048xf32, #tpu.memory_space<hbm>> -> memref<1x2048xf32, #tpu.memory_space<hbm>>
    %dma_start3A_64 = tpu.memref_squeeze %dma_start3A_63 : memref<1x2048xf32, #tpu.memory_space<hbm>> -> memref<2048xf32, #tpu.memory_space<hbm>>
    %dma_start3A_65 = tpu.memref_slice %arg11[%mul3A_56] : memref<1048576xf32, #tpu.memory_space<vmem_shared>> -> memref<2048xf32, #tpu.memory_space<vmem_shared>>
    tpu.enqueue_dma source(%dma_start3A_65 : memref<2048xf32, #tpu.memory_space<vmem_shared>>) target(%dma_start3A_64 : memref<2048xf32, #tpu.memory_space<hbm>>) target_semaphore(%arg12 : memref<!tpu.dma_semaphore, #tpu.memory_space<semaphore_mem>>)
    %mul3A_66 = arith.constant 32 : i32
    %mul3A_67 = arith.muli %arg1, %mul3A_66 : i32
    %add3A_68 = arith.constant 2 : i32
    %add3A_69 = arith.addi %mul3A_67, %add3A_68 : i32
    %mul3A_70 = arith.constant 2048 : i32
    %mul3A_71 = arith.muli %add3A_69, %mul3A_70 : i32
    %mul3A_72 = arith.constant 32 : i32
    %mul3A_73 = arith.muli %arg1, %mul3A_72 : i32
    %add3A_74 = arith.addi %mul3A_12, %mul3A_73 : i32
    %add3A_75 = arith.constant 2 : i32
    %add3A_76 = arith.addi %add3A_74, %add3A_75 : i32
    %dma_start3A_77 = arith.constant 0 : i32
    %dma_start3A_78 = tpu.memref_slice %arg4[%add3A_76, %dma_start3A_77] : memref<2048x2048xf32, #tpu.memory_space<hbm>> -> memref<1x2048xf32, #tpu.memory_space<hbm>>
    %dma_start3A_79 = tpu.memref_squeeze %dma_start3A_78 : memref<1x2048xf32, #tpu.memory_space<hbm>> -> memref<2048xf32, #tpu.memory_space<hbm>>
    %dma_start3A_80 = tpu.memref_slice %arg11[%mul3A_71] : memref<1048576xf32, #tpu.memory_space<vmem_shared>> -> memref<2048xf32, #tpu.memory_space<vmem_shared>>
    tpu.enqueue_dma source(%dma_start3A_80 : memref<2048xf32, #tpu.memory_space<vmem_shared>>) target(%dma_start3A_79 : memref<2048xf32, #tpu.memory_space<hbm>>) target_semaphore(%arg12 : memref<!tpu.dma_semaphore, #tpu.memory_space<semaphore_mem>>)
    %mul3A_81 = arith.constant 32 : i32
    %mul3A_82 = arith.muli %arg1, %mul3A_81 : i32
    %add3A_83 = arith.constant 3 : i32
    %add3A_84 = arith.addi %mul3A_82, %add3A_83 : i32
    %mul3A_85 = arith.constant 2048 : i32
    %mul3A_86 = arith.muli %add3A_84, %mul3A_85 : i32
    %mul3A_87 = arith.constant 32 : i32
    %mul3A_88 = arith.muli %arg1, %mul3A_87 : i32
    %add3A_89 = arith.addi %mul3A_12, %mul3A_88 : i32
    %add3A_90 = arith.constant 3 : i32
    %add3A_91 = arith.addi %add3A_89, %add3A_90 : i32
    %dma_start3A_92 = arith.constant 0 : i32
    %dma_start3A_93 = tpu.memref_slice %arg4[%add3A_91, %dma_start3A_92] : memref<2048x2048xf32, #tpu.memory_space<hbm>> -> memref<1x2048xf32, #tpu.memory_space<hbm>>
    %dma_start3A_94 = tpu.memref_squeeze %dma_start3A_93 : memref<1x2048xf32, #tpu.memory_space<hbm>> -> memref<2048xf32, #tpu.memory_space<hbm>>
    %dma_start3A_95 = tpu.memref_slice %arg11[%mul3A_86] : memref<1048576xf32, #tpu.memory_space<vmem_shared>> -> memref<2048xf32, #tpu.memory_space<vmem_shared>>
    tpu.enqueue_dma source(%dma_start3A_95 : memref<2048xf32, #tpu.memory_space<vmem_shared>>) target(%dma_start3A_94 : memref<2048xf32, #tpu.memory_space<hbm>>) target_semaphore(%arg12 : memref<!tpu.dma_semaphore, #tpu.memory_space<semaphore_mem>>)
    %mul3A_96 = arith.constant 32 : i32
    %mul3A_97 = arith.muli %arg1, %mul3A_96 : i32
    %add3A_98 = arith.constant 4 : i32
    %add3A_99 = arith.addi %mul3A_97, %add3A_98 : i32
    %mul3A_100 = arith.constant 2048 : i32
    %mul3A_101 = arith.muli %add3A_99, %mul3A_100 : i32
    %mul3A_102 = arith.constant 32 : i32
    %mul3A_103 = arith.muli %arg1, %mul3A_102 : i32
    %add3A_104 = arith.addi %mul3A_12, %mul3A_103 : i32
    %add3A_105 = arith.constant 4 : i32
    %add3A_106 = arith.addi %add3A_104, %add3A_105 : i32
    %dma_start3A_107 = arith.constant 0 : i32
    %dma_start3A_108 = tpu.memref_slice %arg4[%add3A_106, %dma_start3A_107] : memref<2048x2048xf32, #tpu.memory_space<hbm>> -> memref<1x2048xf32, #tpu.memory_space<hbm>>
    %dma_start3A_109 = tpu.memref_squeeze %dma_start3A_108 : memref<1x2048xf32, #tpu.memory_space<hbm>> -> memref<2048xf32, #tpu.memory_space<hbm>>
    %dma_start3A_110 = tpu.memref_slice %arg11[%mul3A_101] : memref<1048576xf32, #tpu.memory_space<vmem_shared>> -> memref<2048xf32, #tpu.memory_space<vmem_shared>>
    tpu.enqueue_dma source(%dma_start3A_110 : memref<2048xf32, #tpu.memory_space<vmem_shared>>) target(%dma_start3A_109 : memref<2048xf32, #tpu.memory_space<hbm>>) target_semaphore(%arg12 : memref<!tpu.dma_semaphore, #tpu.memory_space<semaphore_mem>>)
    %mul3A_111 = arith.constant 32 : i32
    %mul3A_112 = arith.muli %arg1, %mul3A_111 : i32
    %add3A_113 = arith.constant 5 : i32
    %add3A_114 = arith.addi %mul3A_112, %add3A_113 : i32
    %mul3A_115 = arith.constant 2048 : i32
    %mul3A_116 = arith.muli %add3A_114, %mul3A_115 : i32
    %mul3A_117 = arith.constant 32 : i32
    %mul3A_118 = arith.muli %arg1, %mul3A_117 : i32
    %add3A_119 = arith.addi %mul3A_12, %mul3A_118 : i32
    %add3A_120 = arith.constant 5 : i32
    %add3A_121 = arith.addi %add3A_119, %add3A_120 : i32
    %dma_start3A_122 = arith.constant 0 : i32
    %dma_start3A_123 = tpu.memref_slice %arg4[%add3A_121, %dma_start3A_122] : memref<2048x2048xf32, #tpu.memory_space<hbm>> -> memref<1x2048xf32, #tpu.memory_space<hbm>>
    %dma_start3A_124 = tpu.memref_squeeze %dma_start3A_123 : memref<1x2048xf32, #tpu.memory_space<hbm>> -> memref<2048xf32, #tpu.memory_space<hbm>>
    %dma_start3A_125 = tpu.memref_slice %arg11[%mul3A_116] : memref<1048576xf32, #tpu.memory_space<vmem_shared>> -> memref<2048xf32, #tpu.memory_space<vmem_shared>>
    tpu.enqueue_dma source(%dma_start3A_125 : memref<2048xf32, #tpu.memory_space<vmem_shared>>) target(%dma_start3A_124 : memref<2048xf32, #tpu.memory_space<hbm>>) target_semaphore(%arg12 : memref<!tpu.dma_semaphore, #tpu.memory_space<semaphore_mem>>)
    %mul3A_126 = arith.constant 32 : i32
    %mul3A_127 = arith.muli %arg1, %mul3A_126 : i32
    %add3A_128 = arith.constant 6 : i32
    %add3A_129 = arith.addi %mul3A_127, %add3A_128 : i32
    %mul3A_130 = arith.constant 2048 : i32
    %mul3A_131 = arith.muli %add3A_129, %mul3A_130 : i32
    %mul3A_132 = arith.constant 32 : i32
    %mul3A_133 = arith.muli %arg1, %mul3A_132 : i32
    %add3A_134 = arith.addi %mul3A_12, %mul3A_133 : i32
    %add3A_135 = arith.constant 6 : i32
    %add3A_136 = arith.addi %add3A_134, %add3A_135 : i32
    %dma_start3A_137 = arith.constant 0 : i32
    %dma_start3A_138 = tpu.memref_slice %arg4[%add3A_136, %dma_start3A_137] : memref<2048x2048xf32, #tpu.memory_space<hbm>> -> memref<1x2048xf32, #tpu.memory_space<hbm>>
    %dma_start3A_139 = tpu.memref_squeeze %dma_start3A_138 : memref<1x2048xf32, #tpu.memory_space<hbm>> -> memref<2048xf32, #tpu.memory_space<hbm>>
    %dma_start3A_140 = tpu.memref_slice %arg11[%mul3A_131] : memref<1048576xf32, #tpu.memory_space<vmem_shared>> -> memref<2048xf32, #tpu.memory_space<vmem_shared>>
    tpu.enqueue_dma source(%dma_start3A_140 : memref<2048xf32, #tpu.memory_space<vmem_shared>>) target(%dma_start3A_139 : memref<2048xf32, #tpu.memory_space<hbm>>) target_semaphore(%arg12 : memref<!tpu.dma_semaphore, #tpu.memory_space<semaphore_mem>>)
    %mul3A_141 = arith.constant 32 : i32
    %mul3A_142 = arith.muli %arg1, %mul3A_141 : i32
    %add3A_143 = arith.constant 7 : i32
    %add3A_144 = arith.addi %mul3A_142, %add3A_143 : i32
    %mul3A_145 = arith.constant 2048 : i32
    %mul3A_146 = arith.muli %add3A_144, %mul3A_145 : i32
    %mul3A_147 = arith.constant 32 : i32
    %mul3A_148 = arith.muli %arg1, %mul3A_147 : i32
    %add3A_149 = arith.addi %mul3A_12, %mul3A_148 : i32
    %add3A_150 = arith.constant 7 : i32
    %add3A_151 = arith.addi %add3A_149, %add3A_150 : i32
    %dma_start3A_152 = arith.constant 0 : i32
    %dma_start3A_153 = tpu.memref_slice %arg4[%add3A_151, %dma_start3A_152] : memref<2048x2048xf32, #tpu.memory_space<hbm>> -> memref<1x2048xf32, #tpu.memory_space<hbm>>
    %dma_start3A_154 = tpu.memref_squeeze %dma_start3A_153 : memref<1x2048xf32, #tpu.memory_space<hbm>> -> memref<2048xf32, #tpu.memory_space<hbm>>
    %dma_start3A_155 = tpu.memref_slice %arg11[%mul3A_146] : memref<1048576xf32, #tpu.memory_space<vmem_shared>> -> memref<2048xf32, #tpu.memory_space<vmem_shared>>
    tpu.enqueue_dma source(%dma_start3A_155 : memref<2048xf32, #tpu.memory_space<vmem_shared>>) target(%dma_start3A_154 : memref<2048xf32, #tpu.memory_space<hbm>>) target_semaphore(%arg12 : memref<!tpu.dma_semaphore, #tpu.memory_space<semaphore_mem>>)
    %mul3A_156 = arith.constant 32 : i32
    %mul3A_157 = arith.muli %arg1, %mul3A_156 : i32
    %add3A_158 = arith.constant 8 : i32
    %add3A_159 = arith.addi %mul3A_157, %add3A_158 : i32
    %mul3A_160 = arith.constant 2048 : i32
    %mul3A_161 = arith.muli %add3A_159, %mul3A_160 : i32
    %mul3A_162 = arith.constant 32 : i32
    %mul3A_163 = arith.muli %arg1, %mul3A_162 : i32
    %add3A_164 = arith.addi %mul3A_12, %mul3A_163 : i32
    %add3A_165 = arith.constant 8 : i32
    %add3A_166 = arith.addi %add3A_164, %add3A_165 : i32
    %dma_start3A_167 = arith.constant 0 : i32
    %dma_start3A_168 = tpu.memref_slice %arg4[%add3A_166, %dma_start3A_167] : memref<2048x2048xf32, #tpu.memory_space<hbm>> -> memref<1x2048xf32, #tpu.memory_space<hbm>>
    %dma_start3A_169 = tpu.memref_squeeze %dma_start3A_168 : memref<1x2048xf32, #tpu.memory_space<hbm>> -> memref<2048xf32, #tpu.memory_space<hbm>>
    %dma_start3A_170 = tpu.memref_slice %arg11[%mul3A_161] : memref<1048576xf32, #tpu.memory_space<vmem_shared>> -> memref<2048xf32, #tpu.memory_space<vmem_shared>>
    tpu.enqueue_dma source(%dma_start3A_170 : memref<2048xf32, #tpu.memory_space<vmem_shared>>) target(%dma_start3A_169 : memref<2048xf32, #tpu.memory_space<hbm>>) target_semaphore(%arg12 : memref<!tpu.dma_semaphore, #tpu.memory_space<semaphore_mem>>)
    %mul3A_171 = arith.constant 32 : i32
    %mul3A_172 = arith.muli %arg1, %mul3A_171 : i32
    %add3A_173 = arith.constant 9 : i32
    %add3A_174 = arith.addi %mul3A_172, %add3A_173 : i32
    %mul3A_175 = arith.constant 2048 : i32
    %mul3A_176 = arith.muli %add3A_174, %mul3A_175 : i32
    %mul3A_177 = arith.constant 32 : i32
    %mul3A_178 = arith.muli %arg1, %mul3A_177 : i32
    %add3A_179 = arith.addi %mul3A_12, %mul3A_178 : i32
    %add3A_180 = arith.constant 9 : i32
    %add3A_181 = arith.addi %add3A_179, %add3A_180 : i32
    %dma_start3A_182 = arith.constant 0 : i32
    %dma_start3A_183 = tpu.memref_slice %arg4[%add3A_181, %dma_start3A_182] : memref<2048x2048xf32, #tpu.memory_space<hbm>> -> memref<1x2048xf32, #tpu.memory_space<hbm>>
    %dma_start3A_184 = tpu.memref_squeeze %dma_start3A_183 : memref<1x2048xf32, #tpu.memory_space<hbm>> -> memref<2048xf32, #tpu.memory_space<hbm>>
    %dma_start3A_185 = tpu.memref_slice %arg11[%mul3A_176] : memref<1048576xf32, #tpu.memory_space<vmem_shared>> -> memref<2048xf32, #tpu.memory_space<vmem_shared>>
    tpu.enqueue_dma source(%dma_start3A_185 : memref<2048xf32, #tpu.memory_space<vmem_shared>>) target(%dma_start3A_184 : memref<2048xf32, #tpu.memory_space<hbm>>) target_semaphore(%arg12 : memref<!tpu.dma_semaphore, #tpu.memory_space<semaphore_mem>>)
    %mul3A_186 = arith.constant 32 : i32
    %mul3A_187 = arith.muli %arg1, %mul3A_186 : i32
    %add3A_188 = arith.constant 10 : i32
    %add3A_189 = arith.addi %mul3A_187, %add3A_188 : i32
    %mul3A_190 = arith.constant 2048 : i32
    %mul3A_191 = arith.muli %add3A_189, %mul3A_190 : i32
    %mul3A_192 = arith.constant 32 : i32
    %mul3A_193 = arith.muli %arg1, %mul3A_192 : i32
    %add3A_194 = arith.addi %mul3A_12, %mul3A_193 : i32
    %add3A_195 = arith.constant 10 : i32
    %add3A_196 = arith.addi %add3A_194, %add3A_195 : i32
    %dma_start3A_197 = arith.constant 0 : i32
    %dma_start3A_198 = tpu.memref_slice %arg4[%add3A_196, %dma_start3A_197] : memref<2048x2048xf32, #tpu.memory_space<hbm>> -> memref<1x2048xf32, #tpu.memory_space<hbm>>
    %dma_start3A_199 = tpu.memref_squeeze %dma_start3A_198 : memref<1x2048xf32, #tpu.memory_space<hbm>> -> memref<2048xf32, #tpu.memory_space<hbm>>
    %dma_start3A_200 = tpu.memref_slice %arg11[%mul3A_191] : memref<1048576xf32, #tpu.memory_space<vmem_shared>> -> memref<2048xf32, #tpu.memory_space<vmem_shared>>
    tpu.enqueue_dma source(%dma_start3A_200 : memref<2048xf32, #tpu.memory_space<vmem_shared>>) target(%dma_start3A_199 : memref<2048xf32, #tpu.memory_space<hbm>>) target_semaphore(%arg12 : memref<!tpu.dma_semaphore, #tpu.memory_space<semaphore_mem>>)
    %mul3A_201 = arith.constant 32 : i32
    %mul3A_202 = arith.muli %arg1, %mul3A_201 : i32
    %add3A_203 = arith.constant 11 : i32
    %add3A_204 = arith.addi %mul3A_202, %add3A_203 : i32
    %mul3A_205 = arith.constant 2048 : i32
    %mul3A_206 = arith.muli %add3A_204, %mul3A_205 : i32
    %mul3A_207 = arith.constant 32 : i32
    %mul3A_208 = arith.muli %arg1, %mul3A_207 : i32
    %add3A_209 = arith.addi %mul3A_12, %mul3A_208 : i32
    %add3A_210 = arith.constant 11 : i32
    %add3A_211 = arith.addi %add3A_209, %add3A_210 : i32
    %dma_start3A_212 = arith.constant 0 : i32
    %dma_start3A_213 = tpu.memref_slice %arg4[%add3A_211, %dma_start3A_212] : memref<2048x2048xf32, #tpu.memory_space<hbm>> -> memref<1x2048xf32, #tpu.memory_space<hbm>>
    %dma_start3A_214 = tpu.memref_squeeze %dma_start3A_213 : memref<1x2048xf32, #tpu.memory_space<hbm>> -> memref<2048xf32, #tpu.memory_space<hbm>>
    %dma_start3A_215 = tpu.memref_slice %arg11[%mul3A_206] : memref<1048576xf32, #tpu.memory_space<vmem_shared>> -> memref<2048xf32, #tpu.memory_space<vmem_shared>>
    tpu.enqueue_dma source(%dma_start3A_215 : memref<2048xf32, #tpu.memory_space<vmem_shared>>) target(%dma_start3A_214 : memref<2048xf32, #tpu.memory_space<hbm>>) target_semaphore(%arg12 : memref<!tpu.dma_semaphore, #tpu.memory_space<semaphore_mem>>)
    %mul3A_216 = arith.constant 32 : i32
    %mul3A_217 = arith.muli %arg1, %mul3A_216 : i32
    %add3A_218 = arith.constant 12 : i32
    %add3A_219 = arith.addi %mul3A_217, %add3A_218 : i32
    %mul3A_220 = arith.constant 2048 : i32
    %mul3A_221 = arith.muli %add3A_219, %mul3A_220 : i32
    %mul3A_222 = arith.constant 32 : i32
    %mul3A_223 = arith.muli %arg1, %mul3A_222 : i32
    %add3A_224 = arith.addi %mul3A_12, %mul3A_223 : i32
    %add3A_225 = arith.constant 12 : i32
    %add3A_226 = arith.addi %add3A_224, %add3A_225 : i32
    %dma_start3A_227 = arith.constant 0 : i32
    %dma_start3A_228 = tpu.memref_slice %arg4[%add3A_226, %dma_start3A_227] : memref<2048x2048xf32, #tpu.memory_space<hbm>> -> memref<1x2048xf32, #tpu.memory_space<hbm>>
    %dma_start3A_229 = tpu.memref_squeeze %dma_start3A_228 : memref<1x2048xf32, #tpu.memory_space<hbm>> -> memref<2048xf32, #tpu.memory_space<hbm>>
    %dma_start3A_230 = tpu.memref_slice %arg11[%mul3A_221] : memref<1048576xf32, #tpu.memory_space<vmem_shared>> -> memref<2048xf32, #tpu.memory_space<vmem_shared>>
    tpu.enqueue_dma source(%dma_start3A_230 : memref<2048xf32, #tpu.memory_space<vmem_shared>>) target(%dma_start3A_229 : memref<2048xf32, #tpu.memory_space<hbm>>) target_semaphore(%arg12 : memref<!tpu.dma_semaphore, #tpu.memory_space<semaphore_mem>>)
    %mul3A_231 = arith.constant 32 : i32
    %mul3A_232 = arith.muli %arg1, %mul3A_231 : i32
    %add3A_233 = arith.constant 13 : i32
    %add3A_234 = arith.addi %mul3A_232, %add3A_233 : i32
    %mul3A_235 = arith.constant 2048 : i32
    %mul3A_236 = arith.muli %add3A_234, %mul3A_235 : i32
    %mul3A_237 = arith.constant 32 : i32
    %mul3A_238 = arith.muli %arg1, %mul3A_237 : i32
    %add3A_239 = arith.addi %mul3A_12, %mul3A_238 : i32
    %add3A_240 = arith.constant 13 : i32
    %add3A_241 = arith.addi %add3A_239, %add3A_240 : i32
    %dma_start3A_242 = arith.constant 0 : i32
    %dma_start3A_243 = tpu.memref_slice %arg4[%add3A_241, %dma_start3A_242] : memref<2048x2048xf32, #tpu.memory_space<hbm>> -> memref<1x2048xf32, #tpu.memory_space<hbm>>
    %dma_start3A_244 = tpu.memref_squeeze %dma_start3A_243 : memref<1x2048xf32, #tpu.memory_space<hbm>> -> memref<2048xf32, #tpu.memory_space<hbm>>
    %dma_start3A_245 = tpu.memref_slice %arg11[%mul3A_236] : memref<1048576xf32, #tpu.memory_space<vmem_shared>> -> memref<2048xf32, #tpu.memory_space<vmem_shared>>
    tpu.enqueue_dma source(%dma_start3A_245 : memref<2048xf32, #tpu.memory_space<vmem_shared>>) target(%dma_start3A_244 : memref<2048xf32, #tpu.memory_space<hbm>>) target_semaphore(%arg12 : memref<!tpu.dma_semaphore, #tpu.memory_space<semaphore_mem>>)
    %mul3A_246 = arith.constant 32 : i32
    %mul3A_247 = arith.muli %arg1, %mul3A_246 : i32
    %add3A_248 = arith.constant 14 : i32
    %add3A_249 = arith.addi %mul3A_247, %add3A_248 : i32
    %mul3A_250 = arith.constant 2048 : i32
    %mul3A_251 = arith.muli %add3A_249, %mul3A_250 : i32
    %mul3A_252 = arith.constant 32 : i32
    %mul3A_253 = arith.muli %arg1, %mul3A_252 : i32
    %add3A_254 = arith.addi %mul3A_12, %mul3A_253 : i32
    %add3A_255 = arith.constant 14 : i32
    %add3A_256 = arith.addi %add3A_254, %add3A_255 : i32
    %dma_start3A_257 = arith.constant 0 : i32
    %dma_start3A_258 = tpu.memref_slice %arg4[%add3A_256, %dma_start3A_257] : memref<2048x2048xf32, #tpu.memory_space<hbm>> -> memref<1x2048xf32, #tpu.memory_space<hbm>>
    %dma_start3A_259 = tpu.memref_squeeze %dma_start3A_258 : memref<1x2048xf32, #tpu.memory_space<hbm>> -> memref<2048xf32, #tpu.memory_space<hbm>>
    %dma_start3A_260 = tpu.memref_slice %arg11[%mul3A_251] : memref<1048576xf32, #tpu.memory_space<vmem_shared>> -> memref<2048xf32, #tpu.memory_space<vmem_shared>>
    tpu.enqueue_dma source(%dma_start3A_260 : memref<2048xf32, #tpu.memory_space<vmem_shared>>) target(%dma_start3A_259 : memref<2048xf32, #tpu.memory_space<hbm>>) target_semaphore(%arg12 : memref<!tpu.dma_semaphore, #tpu.memory_space<semaphore_mem>>)
    %mul3A_261 = arith.constant 32 : i32
    %mul3A_262 = arith.muli %arg1, %mul3A_261 : i32
    %add3A_263 = arith.constant 15 : i32
    %add3A_264 = arith.addi %mul3A_262, %add3A_263 : i32
    %mul3A_265 = arith.constant 2048 : i32
    %mul3A_266 = arith.muli %add3A_264, %mul3A_265 : i32
    %mul3A_267 = arith.constant 32 : i32
    %mul3A_268 = arith.muli %arg1, %mul3A_267 : i32
    %add3A_269 = arith.addi %mul3A_12, %mul3A_268 : i32
    %add3A_270 = arith.constant 15 : i32
    %add3A_271 = arith.addi %add3A_269, %add3A_270 : i32
    %dma_start3A_272 = arith.constant 0 : i32
    %dma_start3A_273 = tpu.memref_slice %arg4[%add3A_271, %dma_start3A_272] : memref<2048x2048xf32, #tpu.memory_space<hbm>> -> memref<1x2048xf32, #tpu.memory_space<hbm>>
    %dma_start3A_274 = tpu.memref_squeeze %dma_start3A_273 : memref<1x2048xf32, #tpu.memory_space<hbm>> -> memref<2048xf32, #tpu.memory_space<hbm>>
    %dma_start3A_275 = tpu.memref_slice %arg11[%mul3A_266] : memref<1048576xf32, #tpu.memory_space<vmem_shared>> -> memref<2048xf32, #tpu.memory_space<vmem_shared>>
    tpu.enqueue_dma source(%dma_start3A_275 : memref<2048xf32, #tpu.memory_space<vmem_shared>>) target(%dma_start3A_274 : memref<2048xf32, #tpu.memory_space<hbm>>) target_semaphore(%arg12 : memref<!tpu.dma_semaphore, #tpu.memory_space<semaphore_mem>>)
    %mul3A_276 = arith.constant 32 : i32
    %mul3A_277 = arith.muli %arg1, %mul3A_276 : i32
    %add3A_278 = arith.constant 16 : i32
    %add3A_279 = arith.addi %mul3A_277, %add3A_278 : i32
    %mul3A_280 = arith.constant 2048 : i32
    %mul3A_281 = arith.muli %add3A_279, %mul3A_280 : i32
    %mul3A_282 = arith.constant 32 : i32
    %mul3A_283 = arith.muli %arg1, %mul3A_282 : i32
    %add3A_284 = arith.addi %mul3A_12, %mul3A_283 : i32
    %add3A_285 = arith.constant 16 : i32
    %add3A_286 = arith.addi %add3A_284, %add3A_285 : i32
    %dma_start3A_287 = arith.constant 0 : i32
    %dma_start3A_288 = tpu.memref_slice %arg4[%add3A_286, %dma_start3A_287] : memref<2048x2048xf32, #tpu.memory_space<hbm>> -> memref<1x2048xf32, #tpu.memory_space<hbm>>
    %dma_start3A_289 = tpu.memref_squeeze %dma_start3A_288 : memref<1x2048xf32, #tpu.memory_space<hbm>> -> memref<2048xf32, #tpu.memory_space<hbm>>
    %dma_start3A_290 = tpu.memref_slice %arg11[%mul3A_281] : memref<1048576xf32, #tpu.memory_space<vmem_shared>> -> memref<2048xf32, #tpu.memory_space<vmem_shared>>
    tpu.enqueue_dma source(%dma_start3A_290 : memref<2048xf32, #tpu.memory_space<vmem_shared>>) target(%dma_start3A_289 : memref<2048xf32, #tpu.memory_space<hbm>>) target_semaphore(%arg12 : memref<!tpu.dma_semaphore, #tpu.memory_space<semaphore_mem>>)
    %mul3A_291 = arith.constant 32 : i32
    %mul3A_292 = arith.muli %arg1, %mul3A_291 : i32
    %add3A_293 = arith.constant 17 : i32
    %add3A_294 = arith.addi %mul3A_292, %add3A_293 : i32
    %mul3A_295 = arith.constant 2048 : i32
    %mul3A_296 = arith.muli %add3A_294, %mul3A_295 : i32
    %mul3A_297 = arith.constant 32 : i32
    %mul3A_298 = arith.muli %arg1, %mul3A_297 : i32
    %add3A_299 = arith.addi %mul3A_12, %mul3A_298 : i32
    %add3A_300 = arith.constant 17 : i32
    %add3A_301 = arith.addi %add3A_299, %add3A_300 : i32
    %dma_start3A_302 = arith.constant 0 : i32
    %dma_start3A_303 = tpu.memref_slice %arg4[%add3A_301, %dma_start3A_302] : memref<2048x2048xf32, #tpu.memory_space<hbm>> -> memref<1x2048xf32, #tpu.memory_space<hbm>>
    %dma_start3A_304 = tpu.memref_squeeze %dma_start3A_303 : memref<1x2048xf32, #tpu.memory_space<hbm>> -> memref<2048xf32, #tpu.memory_space<hbm>>
    %dma_start3A_305 = tpu.memref_slice %arg11[%mul3A_296] : memref<1048576xf32, #tpu.memory_space<vmem_shared>> -> memref<2048xf32, #tpu.memory_space<vmem_shared>>
    tpu.enqueue_dma source(%dma_start3A_305 : memref<2048xf32, #tpu.memory_space<vmem_shared>>) target(%dma_start3A_304 : memref<2048xf32, #tpu.memory_space<hbm>>) target_semaphore(%arg12 : memref<!tpu.dma_semaphore, #tpu.memory_space<semaphore_mem>>)
    %mul3A_306 = arith.constant 32 : i32
    %mul3A_307 = arith.muli %arg1, %mul3A_306 : i32
    %add3A_308 = arith.constant 18 : i32
    %add3A_309 = arith.addi %mul3A_307, %add3A_308 : i32
    %mul3A_310 = arith.constant 2048 : i32
    %mul3A_311 = arith.muli %add3A_309, %mul3A_310 : i32
    %mul3A_312 = arith.constant 32 : i32
    %mul3A_313 = arith.muli %arg1, %mul3A_312 : i32
    %add3A_314 = arith.addi %mul3A_12, %mul3A_313 : i32
    %add3A_315 = arith.constant 18 : i32
    %add3A_316 = arith.addi %add3A_314, %add3A_315 : i32
    %dma_start3A_317 = arith.constant 0 : i32
    %dma_start3A_318 = tpu.memref_slice %arg4[%add3A_316, %dma_start3A_317] : memref<2048x2048xf32, #tpu.memory_space<hbm>> -> memref<1x2048xf32, #tpu.memory_space<hbm>>
    %dma_start3A_319 = tpu.memref_squeeze %dma_start3A_318 : memref<1x2048xf32, #tpu.memory_space<hbm>> -> memref<2048xf32, #tpu.memory_space<hbm>>
    %dma_start3A_320 = tpu.memref_slice %arg11[%mul3A_311] : memref<1048576xf32, #tpu.memory_space<vmem_shared>> -> memref<2048xf32, #tpu.memory_space<vmem_shared>>
    tpu.enqueue_dma source(%dma_start3A_320 : memref<2048xf32, #tpu.memory_space<vmem_shared>>) target(%dma_start3A_319 : memref<2048xf32, #tpu.memory_space<hbm>>) target_semaphore(%arg12 : memref<!tpu.dma_semaphore, #tpu.memory_space<semaphore_mem>>)
    %mul3A_321 = arith.constant 32 : i32
    %mul3A_322 = arith.muli %arg1, %mul3A_321 : i32
    %add3A_323 = arith.constant 19 : i32
    %add3A_324 = arith.addi %mul3A_322, %add3A_323 : i32
    %mul3A_325 = arith.constant 2048 : i32
    %mul3A_326 = arith.muli %add3A_324, %mul3A_325 : i32
    %mul3A_327 = arith.constant 32 : i32
    %mul3A_328 = arith.muli %arg1, %mul3A_327 : i32
    %add3A_329 = arith.addi %mul3A_12, %mul3A_328 : i32
    %add3A_330 = arith.constant 19 : i32
    %add3A_331 = arith.addi %add3A_329, %add3A_330 : i32
    %dma_start3A_332 = arith.constant 0 : i32
    %dma_start3A_333 = tpu.memref_slice %arg4[%add3A_331, %dma_start3A_332] : memref<2048x2048xf32, #tpu.memory_space<hbm>> -> memref<1x2048xf32, #tpu.memory_space<hbm>>
    %dma_start3A_334 = tpu.memref_squeeze %dma_start3A_333 : memref<1x2048xf32, #tpu.memory_space<hbm>> -> memref<2048xf32, #tpu.memory_space<hbm>>
    %dma_start3A_335 = tpu.memref_slice %arg11[%mul3A_326] : memref<1048576xf32, #tpu.memory_space<vmem_shared>> -> memref<2048xf32, #tpu.memory_space<vmem_shared>>
    tpu.enqueue_dma source(%dma_start3A_335 : memref<2048xf32, #tpu.memory_space<vmem_shared>>) target(%dma_start3A_334 : memref<2048xf32, #tpu.memory_space<hbm>>) target_semaphore(%arg12 : memref<!tpu.dma_semaphore, #tpu.memory_space<semaphore_mem>>)
    %mul3A_336 = arith.constant 32 : i32
    %mul3A_337 = arith.muli %arg1, %mul3A_336 : i32
    %add3A_338 = arith.constant 20 : i32
    %add3A_339 = arith.addi %mul3A_337, %add3A_338 : i32
    %mul3A_340 = arith.constant 2048 : i32
    %mul3A_341 = arith.muli %add3A_339, %mul3A_340 : i32
    %mul3A_342 = arith.constant 32 : i32
    %mul3A_343 = arith.muli %arg1, %mul3A_342 : i32
    %add3A_344 = arith.addi %mul3A_12, %mul3A_343 : i32
    %add3A_345 = arith.constant 20 : i32
    %add3A_346 = arith.addi %add3A_344, %add3A_345 : i32
    %dma_start3A_347 = arith.constant 0 : i32
    %dma_start3A_348 = tpu.memref_slice %arg4[%add3A_346, %dma_start3A_347] : memref<2048x2048xf32, #tpu.memory_space<hbm>> -> memref<1x2048xf32, #tpu.memory_space<hbm>>
    %dma_start3A_349 = tpu.memref_squeeze %dma_start3A_348 : memref<1x2048xf32, #tpu.memory_space<hbm>> -> memref<2048xf32, #tpu.memory_space<hbm>>
    %dma_start3A_350 = tpu.memref_slice %arg11[%mul3A_341] : memref<1048576xf32, #tpu.memory_space<vmem_shared>> -> memref<2048xf32, #tpu.memory_space<vmem_shared>>
    tpu.enqueue_dma source(%dma_start3A_350 : memref<2048xf32, #tpu.memory_space<vmem_shared>>) target(%dma_start3A_349 : memref<2048xf32, #tpu.memory_space<hbm>>) target_semaphore(%arg12 : memref<!tpu.dma_semaphore, #tpu.memory_space<semaphore_mem>>)
    %mul3A_351 = arith.constant 32 : i32
    %mul3A_352 = arith.muli %arg1, %mul3A_351 : i32
    %add3A_353 = arith.constant 21 : i32
    %add3A_354 = arith.addi %mul3A_352, %add3A_353 : i32
    %mul3A_355 = arith.constant 2048 : i32
    %mul3A_356 = arith.muli %add3A_354, %mul3A_355 : i32
    %mul3A_357 = arith.constant 32 : i32
    %mul3A_358 = arith.muli %arg1, %mul3A_357 : i32
    %add3A_359 = arith.addi %mul3A_12, %mul3A_358 : i32
    %add3A_360 = arith.constant 21 : i32
    %add3A_361 = arith.addi %add3A_359, %add3A_360 : i32
    %dma_start3A_362 = arith.constant 0 : i32
    %dma_start3A_363 = tpu.memref_slice %arg4[%add3A_361, %dma_start3A_362] : memref<2048x2048xf32, #tpu.memory_space<hbm>> -> memref<1x2048xf32, #tpu.memory_space<hbm>>
    %dma_start3A_364 = tpu.memref_squeeze %dma_start3A_363 : memref<1x2048xf32, #tpu.memory_space<hbm>> -> memref<2048xf32, #tpu.memory_space<hbm>>
    %dma_start3A_365 = tpu.memref_slice %arg11[%mul3A_356] : memref<1048576xf32, #tpu.memory_space<vmem_shared>> -> memref<2048xf32, #tpu.memory_space<vmem_shared>>
    tpu.enqueue_dma source(%dma_start3A_365 : memref<2048xf32, #tpu.memory_space<vmem_shared>>) target(%dma_start3A_364 : memref<2048xf32, #tpu.memory_space<hbm>>) target_semaphore(%arg12 : memref<!tpu.dma_semaphore, #tpu.memory_space<semaphore_mem>>)
    %mul3A_366 = arith.constant 32 : i32
    %mul3A_367 = arith.muli %arg1, %mul3A_366 : i32
    %add3A_368 = arith.constant 22 : i32
    %add3A_369 = arith.addi %mul3A_367, %add3A_368 : i32
    %mul3A_370 = arith.constant 2048 : i32
    %mul3A_371 = arith.muli %add3A_369, %mul3A_370 : i32
    %mul3A_372 = arith.constant 32 : i32
    %mul3A_373 = arith.muli %arg1, %mul3A_372 : i32
    %add3A_374 = arith.addi %mul3A_12, %mul3A_373 : i32
    %add3A_375 = arith.constant 22 : i32
    %add3A_376 = arith.addi %add3A_374, %add3A_375 : i32
    %dma_start3A_377 = arith.constant 0 : i32
    %dma_start3A_378 = tpu.memref_slice %arg4[%add3A_376, %dma_start3A_377] : memref<2048x2048xf32, #tpu.memory_space<hbm>> -> memref<1x2048xf32, #tpu.memory_space<hbm>>
    %dma_start3A_379 = tpu.memref_squeeze %dma_start3A_378 : memref<1x2048xf32, #tpu.memory_space<hbm>> -> memref<2048xf32, #tpu.memory_space<hbm>>
    %dma_start3A_380 = tpu.memref_slice %arg11[%mul3A_371] : memref<1048576xf32, #tpu.memory_space<vmem_shared>> -> memref<2048xf32, #tpu.memory_space<vmem_shared>>
    tpu.enqueue_dma source(%dma_start3A_380 : memref<2048xf32, #tpu.memory_space<vmem_shared>>) target(%dma_start3A_379 : memref<2048xf32, #tpu.memory_space<hbm>>) target_semaphore(%arg12 : memref<!tpu.dma_semaphore, #tpu.memory_space<semaphore_mem>>)
    %mul3A_381 = arith.constant 32 : i32
    %mul3A_382 = arith.muli %arg1, %mul3A_381 : i32
    %add3A_383 = arith.constant 23 : i32
    %add3A_384 = arith.addi %mul3A_382, %add3A_383 : i32
    %mul3A_385 = arith.constant 2048 : i32
    %mul3A_386 = arith.muli %add3A_384, %mul3A_385 : i32
    %mul3A_387 = arith.constant 32 : i32
    %mul3A_388 = arith.muli %arg1, %mul3A_387 : i32
    %add3A_389 = arith.addi %mul3A_12, %mul3A_388 : i32
    %add3A_390 = arith.constant 23 : i32
    %add3A_391 = arith.addi %add3A_389, %add3A_390 : i32
    %dma_start3A_392 = arith.constant 0 : i32
    %dma_start3A_393 = tpu.memref_slice %arg4[%add3A_391, %dma_start3A_392] : memref<2048x2048xf32, #tpu.memory_space<hbm>> -> memref<1x2048xf32, #tpu.memory_space<hbm>>
    %dma_start3A_394 = tpu.memref_squeeze %dma_start3A_393 : memref<1x2048xf32, #tpu.memory_space<hbm>> -> memref<2048xf32, #tpu.memory_space<hbm>>
    %dma_start3A_395 = tpu.memref_slice %arg11[%mul3A_386] : memref<1048576xf32, #tpu.memory_space<vmem_shared>> -> memref<2048xf32, #tpu.memory_space<vmem_shared>>
    tpu.enqueue_dma source(%dma_start3A_395 : memref<2048xf32, #tpu.memory_space<vmem_shared>>) target(%dma_start3A_394 : memref<2048xf32, #tpu.memory_space<hbm>>) target_semaphore(%arg12 : memref<!tpu.dma_semaphore, #tpu.memory_space<semaphore_mem>>)
    %mul3A_396 = arith.constant 32 : i32
    %mul3A_397 = arith.muli %arg1, %mul3A_396 : i32
    %add3A_398 = arith.constant 24 : i32
    %add3A_399 = arith.addi %mul3A_397, %add3A_398 : i32
    %mul3A_400 = arith.constant 2048 : i32
    %mul3A_401 = arith.muli %add3A_399, %mul3A_400 : i32
    %mul3A_402 = arith.constant 32 : i32
    %mul3A_403 = arith.muli %arg1, %mul3A_402 : i32
    %add3A_404 = arith.addi %mul3A_12, %mul3A_403 : i32
    %add3A_405 = arith.constant 24 : i32
    %add3A_406 = arith.addi %add3A_404, %add3A_405 : i32
    %dma_start3A_407 = arith.constant 0 : i32
    %dma_start3A_408 = tpu.memref_slice %arg4[%add3A_406, %dma_start3A_407] : memref<2048x2048xf32, #tpu.memory_space<hbm>> -> memref<1x2048xf32, #tpu.memory_space<hbm>>
    %dma_start3A_409 = tpu.memref_squeeze %dma_start3A_408 : memref<1x2048xf32, #tpu.memory_space<hbm>> -> memref<2048xf32, #tpu.memory_space<hbm>>
    %dma_start3A_410 = tpu.memref_slice %arg11[%mul3A_401] : memref<1048576xf32, #tpu.memory_space<vmem_shared>> -> memref<2048xf32, #tpu.memory_space<vmem_shared>>
    tpu.enqueue_dma source(%dma_start3A_410 : memref<2048xf32, #tpu.memory_space<vmem_shared>>) target(%dma_start3A_409 : memref<2048xf32, #tpu.memory_space<hbm>>) target_semaphore(%arg12 : memref<!tpu.dma_semaphore, #tpu.memory_space<semaphore_mem>>)
    %mul3A_411 = arith.constant 32 : i32
    %mul3A_412 = arith.muli %arg1, %mul3A_411 : i32
    %add3A_413 = arith.constant 25 : i32
    %add3A_414 = arith.addi %mul3A_412, %add3A_413 : i32
    %mul3A_415 = arith.constant 2048 : i32
    %mul3A_416 = arith.muli %add3A_414, %mul3A_415 : i32
    %mul3A_417 = arith.constant 32 : i32
    %mul3A_418 = arith.muli %arg1, %mul3A_417 : i32
    %add3A_419 = arith.addi %mul3A_12, %mul3A_418 : i32
    %add3A_420 = arith.constant 25 : i32
    %add3A_421 = arith.addi %add3A_419, %add3A_420 : i32
    %dma_start3A_422 = arith.constant 0 : i32
    %dma_start3A_423 = tpu.memref_slice %arg4[%add3A_421, %dma_start3A_422] : memref<2048x2048xf32, #tpu.memory_space<hbm>> -> memref<1x2048xf32, #tpu.memory_space<hbm>>
    %dma_start3A_424 = tpu.memref_squeeze %dma_start3A_423 : memref<1x2048xf32, #tpu.memory_space<hbm>> -> memref<2048xf32, #tpu.memory_space<hbm>>
    %dma_start3A_425 = tpu.memref_slice %arg11[%mul3A_416] : memref<1048576xf32, #tpu.memory_space<vmem_shared>> -> memref<2048xf32, #tpu.memory_space<vmem_shared>>
    tpu.enqueue_dma source(%dma_start3A_425 : memref<2048xf32, #tpu.memory_space<vmem_shared>>) target(%dma_start3A_424 : memref<2048xf32, #tpu.memory_space<hbm>>) target_semaphore(%arg12 : memref<!tpu.dma_semaphore, #tpu.memory_space<semaphore_mem>>)
    %mul3A_426 = arith.constant 32 : i32
    %mul3A_427 = arith.muli %arg1, %mul3A_426 : i32
    %add3A_428 = arith.constant 26 : i32
    %add3A_429 = arith.addi %mul3A_427, %add3A_428 : i32
    %mul3A_430 = arith.constant 2048 : i32
    %mul3A_431 = arith.muli %add3A_429, %mul3A_430 : i32
    %mul3A_432 = arith.constant 32 : i32
    %mul3A_433 = arith.muli %arg1, %mul3A_432 : i32
    %add3A_434 = arith.addi %mul3A_12, %mul3A_433 : i32
    %add3A_435 = arith.constant 26 : i32
    %add3A_436 = arith.addi %add3A_434, %add3A_435 : i32
    %dma_start3A_437 = arith.constant 0 : i32
    %dma_start3A_438 = tpu.memref_slice %arg4[%add3A_436, %dma_start3A_437] : memref<2048x2048xf32, #tpu.memory_space<hbm>> -> memref<1x2048xf32, #tpu.memory_space<hbm>>
    %dma_start3A_439 = tpu.memref_squeeze %dma_start3A_438 : memref<1x2048xf32, #tpu.memory_space<hbm>> -> memref<2048xf32, #tpu.memory_space<hbm>>
    %dma_start3A_440 = tpu.memref_slice %arg11[%mul3A_431] : memref<1048576xf32, #tpu.memory_space<vmem_shared>> -> memref<2048xf32, #tpu.memory_space<vmem_shared>>
    tpu.enqueue_dma source(%dma_start3A_440 : memref<2048xf32, #tpu.memory_space<vmem_shared>>) target(%dma_start3A_439 : memref<2048xf32, #tpu.memory_space<hbm>>) target_semaphore(%arg12 : memref<!tpu.dma_semaphore, #tpu.memory_space<semaphore_mem>>)
    %mul3A_441 = arith.constant 32 : i32
    %mul3A_442 = arith.muli %arg1, %mul3A_441 : i32
    %add3A_443 = arith.constant 27 : i32
    %add3A_444 = arith.addi %mul3A_442, %add3A_443 : i32
    %mul3A_445 = arith.constant 2048 : i32
    %mul3A_446 = arith.muli %add3A_444, %mul3A_445 : i32
    %mul3A_447 = arith.constant 32 : i32
    %mul3A_448 = arith.muli %arg1, %mul3A_447 : i32
    %add3A_449 = arith.addi %mul3A_12, %mul3A_448 : i32
    %add3A_450 = arith.constant 27 : i32
    %add3A_451 = arith.addi %add3A_449, %add3A_450 : i32
    %dma_start3A_452 = arith.constant 0 : i32
    %dma_start3A_453 = tpu.memref_slice %arg4[%add3A_451, %dma_start3A_452] : memref<2048x2048xf32, #tpu.memory_space<hbm>> -> memref<1x2048xf32, #tpu.memory_space<hbm>>
    %dma_start3A_454 = tpu.memref_squeeze %dma_start3A_453 : memref<1x2048xf32, #tpu.memory_space<hbm>> -> memref<2048xf32, #tpu.memory_space<hbm>>
    %dma_start3A_455 = tpu.memref_slice %arg11[%mul3A_446] : memref<1048576xf32, #tpu.memory_space<vmem_shared>> -> memref<2048xf32, #tpu.memory_space<vmem_shared>>
    tpu.enqueue_dma source(%dma_start3A_455 : memref<2048xf32, #tpu.memory_space<vmem_shared>>) target(%dma_start3A_454 : memref<2048xf32, #tpu.memory_space<hbm>>) target_semaphore(%arg12 : memref<!tpu.dma_semaphore, #tpu.memory_space<semaphore_mem>>)
    %mul3A_456 = arith.constant 32 : i32
    %mul3A_457 = arith.muli %arg1, %mul3A_456 : i32
    %add3A_458 = arith.constant 28 : i32
    %add3A_459 = arith.addi %mul3A_457, %add3A_458 : i32
    %mul3A_460 = arith.constant 2048 : i32
    %mul3A_461 = arith.muli %add3A_459, %mul3A_460 : i32
    %mul3A_462 = arith.constant 32 : i32
    %mul3A_463 = arith.muli %arg1, %mul3A_462 : i32
    %add3A_464 = arith.addi %mul3A_12, %mul3A_463 : i32
    %add3A_465 = arith.constant 28 : i32
    %add3A_466 = arith.addi %add3A_464, %add3A_465 : i32
    %dma_start3A_467 = arith.constant 0 : i32
    %dma_start3A_468 = tpu.memref_slice %arg4[%add3A_466, %dma_start3A_467] : memref<2048x2048xf32, #tpu.memory_space<hbm>> -> memref<1x2048xf32, #tpu.memory_space<hbm>>
    %dma_start3A_469 = tpu.memref_squeeze %dma_start3A_468 : memref<1x2048xf32, #tpu.memory_space<hbm>> -> memref<2048xf32, #tpu.memory_space<hbm>>
    %dma_start3A_470 = tpu.memref_slice %arg11[%mul3A_461] : memref<1048576xf32, #tpu.memory_space<vmem_shared>> -> memref<2048xf32, #tpu.memory_space<vmem_shared>>
    tpu.enqueue_dma source(%dma_start3A_470 : memref<2048xf32, #tpu.memory_space<vmem_shared>>) target(%dma_start3A_469 : memref<2048xf32, #tpu.memory_space<hbm>>) target_semaphore(%arg12 : memref<!tpu.dma_semaphore, #tpu.memory_space<semaphore_mem>>)
    %mul3A_471 = arith.constant 32 : i32
    %mul3A_472 = arith.muli %arg1, %mul3A_471 : i32
    %add3A_473 = arith.constant 29 : i32
    %add3A_474 = arith.addi %mul3A_472, %add3A_473 : i32
    %mul3A_475 = arith.constant 2048 : i32
    %mul3A_476 = arith.muli %add3A_474, %mul3A_475 : i32
    %mul3A_477 = arith.constant 32 : i32
    %mul3A_478 = arith.muli %arg1, %mul3A_477 : i32
    %add3A_479 = arith.addi %mul3A_12, %mul3A_478 : i32
    %add3A_480 = arith.constant 29 : i32
    %add3A_481 = arith.addi %add3A_479, %add3A_480 : i32
    %dma_start3A_482 = arith.constant 0 : i32
    %dma_start3A_483 = tpu.memref_slice %arg4[%add3A_481, %dma_start3A_482] : memref<2048x2048xf32, #tpu.memory_space<hbm>> -> memref<1x2048xf32, #tpu.memory_space<hbm>>
    %dma_start3A_484 = tpu.memref_squeeze %dma_start3A_483 : memref<1x2048xf32, #tpu.memory_space<hbm>> -> memref<2048xf32, #tpu.memory_space<hbm>>
    %dma_start3A_485 = tpu.memref_slice %arg11[%mul3A_476] : memref<1048576xf32, #tpu.memory_space<vmem_shared>> -> memref<2048xf32, #tpu.memory_space<vmem_shared>>
    tpu.enqueue_dma source(%dma_start3A_485 : memref<2048xf32, #tpu.memory_space<vmem_shared>>) target(%dma_start3A_484 : memref<2048xf32, #tpu.memory_space<hbm>>) target_semaphore(%arg12 : memref<!tpu.dma_semaphore, #tpu.memory_space<semaphore_mem>>)
    %mul3A_486 = arith.constant 32 : i32
    %mul3A_487 = arith.muli %arg1, %mul3A_486 : i32
    %add3A_488 = arith.constant 30 : i32
    %add3A_489 = arith.addi %mul3A_487, %add3A_488 : i32
    %mul3A_490 = arith.constant 2048 : i32
    %mul3A_491 = arith.muli %add3A_489, %mul3A_490 : i32
    %mul3A_492 = arith.constant 32 : i32
    %mul3A_493 = arith.muli %arg1, %mul3A_492 : i32
    %add3A_494 = arith.addi %mul3A_12, %mul3A_493 : i32
    %add3A_495 = arith.constant 30 : i32
    %add3A_496 = arith.addi %add3A_494, %add3A_495 : i32
    %dma_start3A_497 = arith.constant 0 : i32
    %dma_start3A_498 = tpu.memref_slice %arg4[%add3A_496, %dma_start3A_497] : memref<2048x2048xf32, #tpu.memory_space<hbm>> -> memref<1x2048xf32, #tpu.memory_space<hbm>>
    %dma_start3A_499 = tpu.memref_squeeze %dma_start3A_498 : memref<1x2048xf32, #tpu.memory_space<hbm>> -> memref<2048xf32, #tpu.memory_space<hbm>>
    %dma_start3A_500 = tpu.memref_slice %arg11[%mul3A_491] : memref<1048576xf32, #tpu.memory_space<vmem_shared>> -> memref<2048xf32, #tpu.memory_space<vmem_shared>>
    tpu.enqueue_dma source(%dma_start3A_500 : memref<2048xf32, #tpu.memory_space<vmem_shared>>) target(%dma_start3A_499 : memref<2048xf32, #tpu.memory_space<hbm>>) target_semaphore(%arg12 : memref<!tpu.dma_semaphore, #tpu.memory_space<semaphore_mem>>)
    %mul3A_501 = arith.constant 32 : i32
    %mul3A_502 = arith.muli %arg1, %mul3A_501 : i32
    %add3A_503 = arith.constant 31 : i32
    %add3A_504 = arith.addi %mul3A_502, %add3A_503 : i32
    %mul3A_505 = arith.constant 2048 : i32
    %mul3A_506 = arith.muli %add3A_504, %mul3A_505 : i32
    %mul3A_507 = arith.constant 32 : i32
    %mul3A_508 = arith.muli %arg1, %mul3A_507 : i32
    %add3A_509 = arith.addi %mul3A_12, %mul3A_508 : i32
    %add3A_510 = arith.constant 31 : i32
    %add3A_511 = arith.addi %add3A_509, %add3A_510 : i32
    %dma_start3A_512 = arith.constant 0 : i32
    %dma_start3A_513 = tpu.memref_slice %arg4[%add3A_511, %dma_start3A_512] : memref<2048x2048xf32, #tpu.memory_space<hbm>> -> memref<1x2048xf32, #tpu.memory_space<hbm>>
    %dma_start3A_514 = tpu.memref_squeeze %dma_start3A_513 : memref<1x2048xf32, #tpu.memory_space<hbm>> -> memref<2048xf32, #tpu.memory_space<hbm>>
    %dma_start3A_515 = tpu.memref_slice %arg11[%mul3A_506] : memref<1048576xf32, #tpu.memory_space<vmem_shared>> -> memref<2048xf32, #tpu.memory_space<vmem_shared>>
    tpu.enqueue_dma source(%dma_start3A_515 : memref<2048xf32, #tpu.memory_space<vmem_shared>>) target(%dma_start3A_514 : memref<2048xf32, #tpu.memory_space<hbm>>) target_semaphore(%arg12 : memref<!tpu.dma_semaphore, #tpu.memory_space<semaphore_mem>>)
    %dma_wait3A = arith.constant 0 : i32
    %dma_wait3A_516 = tpu.memref_slice %arg4[%add3A_47, %dma_wait3A] : memref<2048x2048xf32, #tpu.memory_space<hbm>> -> memref<1x2048xf32, #tpu.memory_space<hbm>>
    %dma_wait3A_517 = tpu.memref_squeeze %dma_wait3A_516 : memref<1x2048xf32, #tpu.memory_space<hbm>> -> memref<2048xf32, #tpu.memory_space<hbm>>
    %dma_wait3A_518 = tpu.memref_slice %arg11[%mul3A_42] : memref<1048576xf32, #tpu.memory_space<vmem_shared>> -> memref<2048xf32, #tpu.memory_space<vmem_shared>>
    tpu.wait_dma2 semaphore(%arg12 : memref<!tpu.dma_semaphore, #tpu.memory_space<semaphore_mem>>) src(%dma_wait3A_518 : memref<2048xf32, #tpu.memory_space<vmem_shared>>) dst(%dma_wait3A_517 : memref<2048xf32, #tpu.memory_space<hbm>>)
    %dma_wait3A_519 = arith.constant 0 : i32
    %dma_wait3A_520 = tpu.memref_slice %arg4[%add3A_61, %dma_wait3A_519] : memref<2048x2048xf32, #tpu.memory_space<hbm>> -> memref<1x2048xf32, #tpu.memory_space<hbm>>
    %dma_wait3A_521 = tpu.memref_squeeze %dma_wait3A_520 : memref<1x2048xf32, #tpu.memory_space<hbm>> -> memref<2048xf32, #tpu.memory_space<hbm>>
    %dma_wait3A_522 = tpu.memref_slice %arg11[%mul3A_56] : memref<1048576xf32, #tpu.memory_space<vmem_shared>> -> memref<2048xf32, #tpu.memory_space<vmem_shared>>
    tpu.wait_dma2 semaphore(%arg12 : memref<!tpu.dma_semaphore, #tpu.memory_space<semaphore_mem>>) src(%dma_wait3A_522 : memref<2048xf32, #tpu.memory_space<vmem_shared>>) dst(%dma_wait3A_521 : memref<2048xf32, #tpu.memory_space<hbm>>)
    %dma_wait3A_523 = arith.constant 0 : i32
    %dma_wait3A_524 = tpu.memref_slice %arg4[%add3A_76, %dma_wait3A_523] : memref<2048x2048xf32, #tpu.memory_space<hbm>> -> memref<1x2048xf32, #tpu.memory_space<hbm>>
    %dma_wait3A_525 = tpu.memref_squeeze %dma_wait3A_524 : memref<1x2048xf32, #tpu.memory_space<hbm>> -> memref<2048xf32, #tpu.memory_space<hbm>>
    %dma_wait3A_526 = tpu.memref_slice %arg11[%mul3A_71] : memref<1048576xf32, #tpu.memory_space<vmem_shared>> -> memref<2048xf32, #tpu.memory_space<vmem_shared>>
    tpu.wait_dma2 semaphore(%arg12 : memref<!tpu.dma_semaphore, #tpu.memory_space<semaphore_mem>>) src(%dma_wait3A_526 : memref<2048xf32, #tpu.memory_space<vmem_shared>>) dst(%dma_wait3A_525 : memref<2048xf32, #tpu.memory_space<hbm>>)
    %dma_wait3A_527 = arith.constant 0 : i32
    %dma_wait3A_528 = tpu.memref_slice %arg4[%add3A_91, %dma_wait3A_527] : memref<2048x2048xf32, #tpu.memory_space<hbm>> -> memref<1x2048xf32, #tpu.memory_space<hbm>>
    %dma_wait3A_529 = tpu.memref_squeeze %dma_wait3A_528 : memref<1x2048xf32, #tpu.memory_space<hbm>> -> memref<2048xf32, #tpu.memory_space<hbm>>
    %dma_wait3A_530 = tpu.memref_slice %arg11[%mul3A_86] : memref<1048576xf32, #tpu.memory_space<vmem_shared>> -> memref<2048xf32, #tpu.memory_space<vmem_shared>>
    tpu.wait_dma2 semaphore(%arg12 : memref<!tpu.dma_semaphore, #tpu.memory_space<semaphore_mem>>) src(%dma_wait3A_530 : memref<2048xf32, #tpu.memory_space<vmem_shared>>) dst(%dma_wait3A_529 : memref<2048xf32, #tpu.memory_space<hbm>>)
    %dma_wait3A_531 = arith.constant 0 : i32
    %dma_wait3A_532 = tpu.memref_slice %arg4[%add3A_106, %dma_wait3A_531] : memref<2048x2048xf32, #tpu.memory_space<hbm>> -> memref<1x2048xf32, #tpu.memory_space<hbm>>
    %dma_wait3A_533 = tpu.memref_squeeze %dma_wait3A_532 : memref<1x2048xf32, #tpu.memory_space<hbm>> -> memref<2048xf32, #tpu.memory_space<hbm>>
    %dma_wait3A_534 = tpu.memref_slice %arg11[%mul3A_101] : memref<1048576xf32, #tpu.memory_space<vmem_shared>> -> memref<2048xf32, #tpu.memory_space<vmem_shared>>
    tpu.wait_dma2 semaphore(%arg12 : memref<!tpu.dma_semaphore, #tpu.memory_space<semaphore_mem>>) src(%dma_wait3A_534 : memref<2048xf32, #tpu.memory_space<vmem_shared>>) dst(%dma_wait3A_533 : memref<2048xf32, #tpu.memory_space<hbm>>)
    %dma_wait3A_535 = arith.constant 0 : i32
    %dma_wait3A_536 = tpu.memref_slice %arg4[%add3A_121, %dma_wait3A_535] : memref<2048x2048xf32, #tpu.memory_space<hbm>> -> memref<1x2048xf32, #tpu.memory_space<hbm>>
    %dma_wait3A_537 = tpu.memref_squeeze %dma_wait3A_536 : memref<1x2048xf32, #tpu.memory_space<hbm>> -> memref<2048xf32, #tpu.memory_space<hbm>>
    %dma_wait3A_538 = tpu.memref_slice %arg11[%mul3A_116] : memref<1048576xf32, #tpu.memory_space<vmem_shared>> -> memref<2048xf32, #tpu.memory_space<vmem_shared>>
    tpu.wait_dma2 semaphore(%arg12 : memref<!tpu.dma_semaphore, #tpu.memory_space<semaphore_mem>>) src(%dma_wait3A_538 : memref<2048xf32, #tpu.memory_space<vmem_shared>>) dst(%dma_wait3A_537 : memref<2048xf32, #tpu.memory_space<hbm>>)
    %dma_wait3A_539 = arith.constant 0 : i32
    %dma_wait3A_540 = tpu.memref_slice %arg4[%add3A_136, %dma_wait3A_539] : memref<2048x2048xf32, #tpu.memory_space<hbm>> -> memref<1x2048xf32, #tpu.memory_space<hbm>>
    %dma_wait3A_541 = tpu.memref_squeeze %dma_wait3A_540 : memref<1x2048xf32, #tpu.memory_space<hbm>> -> memref<2048xf32, #tpu.memory_space<hbm>>
    %dma_wait3A_542 = tpu.memref_slice %arg11[%mul3A_131] : memref<1048576xf32, #tpu.memory_space<vmem_shared>> -> memref<2048xf32, #tpu.memory_space<vmem_shared>>
    tpu.wait_dma2 semaphore(%arg12 : memref<!tpu.dma_semaphore, #tpu.memory_space<semaphore_mem>>) src(%dma_wait3A_542 : memref<2048xf32, #tpu.memory_space<vmem_shared>>) dst(%dma_wait3A_541 : memref<2048xf32, #tpu.memory_space<hbm>>)
    %dma_wait3A_543 = arith.constant 0 : i32
    %dma_wait3A_544 = tpu.memref_slice %arg4[%add3A_151, %dma_wait3A_543] : memref<2048x2048xf32, #tpu.memory_space<hbm>> -> memref<1x2048xf32, #tpu.memory_space<hbm>>
    %dma_wait3A_545 = tpu.memref_squeeze %dma_wait3A_544 : memref<1x2048xf32, #tpu.memory_space<hbm>> -> memref<2048xf32, #tpu.memory_space<hbm>>
    %dma_wait3A_546 = tpu.memref_slice %arg11[%mul3A_146] : memref<1048576xf32, #tpu.memory_space<vmem_shared>> -> memref<2048xf32, #tpu.memory_space<vmem_shared>>
    tpu.wait_dma2 semaphore(%arg12 : memref<!tpu.dma_semaphore, #tpu.memory_space<semaphore_mem>>) src(%dma_wait3A_546 : memref<2048xf32, #tpu.memory_space<vmem_shared>>) dst(%dma_wait3A_545 : memref<2048xf32, #tpu.memory_space<hbm>>)
    %dma_wait3A_547 = arith.constant 0 : i32
    %dma_wait3A_548 = tpu.memref_slice %arg4[%add3A_166, %dma_wait3A_547] : memref<2048x2048xf32, #tpu.memory_space<hbm>> -> memref<1x2048xf32, #tpu.memory_space<hbm>>
    %dma_wait3A_549 = tpu.memref_squeeze %dma_wait3A_548 : memref<1x2048xf32, #tpu.memory_space<hbm>> -> memref<2048xf32, #tpu.memory_space<hbm>>
    %dma_wait3A_550 = tpu.memref_slice %arg11[%mul3A_161] : memref<1048576xf32, #tpu.memory_space<vmem_shared>> -> memref<2048xf32, #tpu.memory_space<vmem_shared>>
    tpu.wait_dma2 semaphore(%arg12 : memref<!tpu.dma_semaphore, #tpu.memory_space<semaphore_mem>>) src(%dma_wait3A_550 : memref<2048xf32, #tpu.memory_space<vmem_shared>>) dst(%dma_wait3A_549 : memref<2048xf32, #tpu.memory_space<hbm>>)
    %dma_wait3A_551 = arith.constant 0 : i32
    %dma_wait3A_552 = tpu.memref_slice %arg4[%add3A_181, %dma_wait3A_551] : memref<2048x2048xf32, #tpu.memory_space<hbm>> -> memref<1x2048xf32, #tpu.memory_space<hbm>>
    %dma_wait3A_553 = tpu.memref_squeeze %dma_wait3A_552 : memref<1x2048xf32, #tpu.memory_space<hbm>> -> memref<2048xf32, #tpu.memory_space<hbm>>
    %dma_wait3A_554 = tpu.memref_slice %arg11[%mul3A_176] : memref<1048576xf32, #tpu.memory_space<vmem_shared>> -> memref<2048xf32, #tpu.memory_space<vmem_shared>>
    tpu.wait_dma2 semaphore(%arg12 : memref<!tpu.dma_semaphore, #tpu.memory_space<semaphore_mem>>) src(%dma_wait3A_554 : memref<2048xf32, #tpu.memory_space<vmem_shared>>) dst(%dma_wait3A_553 : memref<2048xf32, #tpu.memory_space<hbm>>)
    %dma_wait3A_555 = arith.constant 0 : i32
    %dma_wait3A_556 = tpu.memref_slice %arg4[%add3A_196, %dma_wait3A_555] : memref<2048x2048xf32, #tpu.memory_space<hbm>> -> memref<1x2048xf32, #tpu.memory_space<hbm>>
    %dma_wait3A_557 = tpu.memref_squeeze %dma_wait3A_556 : memref<1x2048xf32, #tpu.memory_space<hbm>> -> memref<2048xf32, #tpu.memory_space<hbm>>
    %dma_wait3A_558 = tpu.memref_slice %arg11[%mul3A_191] : memref<1048576xf32, #tpu.memory_space<vmem_shared>> -> memref<2048xf32, #tpu.memory_space<vmem_shared>>
    tpu.wait_dma2 semaphore(%arg12 : memref<!tpu.dma_semaphore, #tpu.memory_space<semaphore_mem>>) src(%dma_wait3A_558 : memref<2048xf32, #tpu.memory_space<vmem_shared>>) dst(%dma_wait3A_557 : memref<2048xf32, #tpu.memory_space<hbm>>)
    %dma_wait3A_559 = arith.constant 0 : i32
    %dma_wait3A_560 = tpu.memref_slice %arg4[%add3A_211, %dma_wait3A_559] : memref<2048x2048xf32, #tpu.memory_space<hbm>> -> memref<1x2048xf32, #tpu.memory_space<hbm>>
    %dma_wait3A_561 = tpu.memref_squeeze %dma_wait3A_560 : memref<1x2048xf32, #tpu.memory_space<hbm>> -> memref<2048xf32, #tpu.memory_space<hbm>>
    %dma_wait3A_562 = tpu.memref_slice %arg11[%mul3A_206] : memref<1048576xf32, #tpu.memory_space<vmem_shared>> -> memref<2048xf32, #tpu.memory_space<vmem_shared>>
    tpu.wait_dma2 semaphore(%arg12 : memref<!tpu.dma_semaphore, #tpu.memory_space<semaphore_mem>>) src(%dma_wait3A_562 : memref<2048xf32, #tpu.memory_space<vmem_shared>>) dst(%dma_wait3A_561 : memref<2048xf32, #tpu.memory_space<hbm>>)
    %dma_wait3A_563 = arith.constant 0 : i32
    %dma_wait3A_564 = tpu.memref_slice %arg4[%add3A_226, %dma_wait3A_563] : memref<2048x2048xf32, #tpu.memory_space<hbm>> -> memref<1x2048xf32, #tpu.memory_space<hbm>>
    %dma_wait3A_565 = tpu.memref_squeeze %dma_wait3A_564 : memref<1x2048xf32, #tpu.memory_space<hbm>> -> memref<2048xf32, #tpu.memory_space<hbm>>
    %dma_wait3A_566 = tpu.memref_slice %arg11[%mul3A_221] : memref<1048576xf32, #tpu.memory_space<vmem_shared>> -> memref<2048xf32, #tpu.memory_space<vmem_shared>>
    tpu.wait_dma2 semaphore(%arg12 : memref<!tpu.dma_semaphore, #tpu.memory_space<semaphore_mem>>) src(%dma_wait3A_566 : memref<2048xf32, #tpu.memory_space<vmem_shared>>) dst(%dma_wait3A_565 : memref<2048xf32, #tpu.memory_space<hbm>>)
    %dma_wait3A_567 = arith.constant 0 : i32
    %dma_wait3A_568 = tpu.memref_slice %arg4[%add3A_241, %dma_wait3A_567] : memref<2048x2048xf32, #tpu.memory_space<hbm>> -> memref<1x2048xf32, #tpu.memory_space<hbm>>
    %dma_wait3A_569 = tpu.memref_squeeze %dma_wait3A_568 : memref<1x2048xf32, #tpu.memory_space<hbm>> -> memref<2048xf32, #tpu.memory_space<hbm>>
    %dma_wait3A_570 = tpu.memref_slice %arg11[%mul3A_236] : memref<1048576xf32, #tpu.memory_space<vmem_shared>> -> memref<2048xf32, #tpu.memory_space<vmem_shared>>
    tpu.wait_dma2 semaphore(%arg12 : memref<!tpu.dma_semaphore, #tpu.memory_space<semaphore_mem>>) src(%dma_wait3A_570 : memref<2048xf32, #tpu.memory_space<vmem_shared>>) dst(%dma_wait3A_569 : memref<2048xf32, #tpu.memory_space<hbm>>)
    %dma_wait3A_571 = arith.constant 0 : i32
    %dma_wait3A_572 = tpu.memref_slice %arg4[%add3A_256, %dma_wait3A_571] : memref<2048x2048xf32, #tpu.memory_space<hbm>> -> memref<1x2048xf32, #tpu.memory_space<hbm>>
    %dma_wait3A_573 = tpu.memref_squeeze %dma_wait3A_572 : memref<1x2048xf32, #tpu.memory_space<hbm>> -> memref<2048xf32, #tpu.memory_space<hbm>>
    %dma_wait3A_574 = tpu.memref_slice %arg11[%mul3A_251] : memref<1048576xf32, #tpu.memory_space<vmem_shared>> -> memref<2048xf32, #tpu.memory_space<vmem_shared>>
    tpu.wait_dma2 semaphore(%arg12 : memref<!tpu.dma_semaphore, #tpu.memory_space<semaphore_mem>>) src(%dma_wait3A_574 : memref<2048xf32, #tpu.memory_space<vmem_shared>>) dst(%dma_wait3A_573 : memref<2048xf32, #tpu.memory_space<hbm>>)
    %dma_wait3A_575 = arith.constant 0 : i32
    %dma_wait3A_576 = tpu.memref_slice %arg4[%add3A_271, %dma_wait3A_575] : memref<2048x2048xf32, #tpu.memory_space<hbm>> -> memref<1x2048xf32, #tpu.memory_space<hbm>>
    %dma_wait3A_577 = tpu.memref_squeeze %dma_wait3A_576 : memref<1x2048xf32, #tpu.memory_space<hbm>> -> memref<2048xf32, #tpu.memory_space<hbm>>
    %dma_wait3A_578 = tpu.memref_slice %arg11[%mul3A_266] : memref<1048576xf32, #tpu.memory_space<vmem_shared>> -> memref<2048xf32, #tpu.memory_space<vmem_shared>>
    tpu.wait_dma2 semaphore(%arg12 : memref<!tpu.dma_semaphore, #tpu.memory_space<semaphore_mem>>) src(%dma_wait3A_578 : memref<2048xf32, #tpu.memory_space<vmem_shared>>) dst(%dma_wait3A_577 : memref<2048xf32, #tpu.memory_space<hbm>>)
    %dma_wait3A_579 = arith.constant 0 : i32
    %dma_wait3A_580 = tpu.memref_slice %arg4[%add3A_286, %dma_wait3A_579] : memref<2048x2048xf32, #tpu.memory_space<hbm>> -> memref<1x2048xf32, #tpu.memory_space<hbm>>
    %dma_wait3A_581 = tpu.memref_squeeze %dma_wait3A_580 : memref<1x2048xf32, #tpu.memory_space<hbm>> -> memref<2048xf32, #tpu.memory_space<hbm>>
    %dma_wait3A_582 = tpu.memref_slice %arg11[%mul3A_281] : memref<1048576xf32, #tpu.memory_space<vmem_shared>> -> memref<2048xf32, #tpu.memory_space<vmem_shared>>
    tpu.wait_dma2 semaphore(%arg12 : memref<!tpu.dma_semaphore, #tpu.memory_space<semaphore_mem>>) src(%dma_wait3A_582 : memref<2048xf32, #tpu.memory_space<vmem_shared>>) dst(%dma_wait3A_581 : memref<2048xf32, #tpu.memory_space<hbm>>)
    %dma_wait3A_583 = arith.constant 0 : i32
    %dma_wait3A_584 = tpu.memref_slice %arg4[%add3A_301, %dma_wait3A_583] : memref<2048x2048xf32, #tpu.memory_space<hbm>> -> memref<1x2048xf32, #tpu.memory_space<hbm>>
    %dma_wait3A_585 = tpu.memref_squeeze %dma_wait3A_584 : memref<1x2048xf32, #tpu.memory_space<hbm>> -> memref<2048xf32, #tpu.memory_space<hbm>>
    %dma_wait3A_586 = tpu.memref_slice %arg11[%mul3A_296] : memref<1048576xf32, #tpu.memory_space<vmem_shared>> -> memref<2048xf32, #tpu.memory_space<vmem_shared>>
    tpu.wait_dma2 semaphore(%arg12 : memref<!tpu.dma_semaphore, #tpu.memory_space<semaphore_mem>>) src(%dma_wait3A_586 : memref<2048xf32, #tpu.memory_space<vmem_shared>>) dst(%dma_wait3A_585 : memref<2048xf32, #tpu.memory_space<hbm>>)
    %dma_wait3A_587 = arith.constant 0 : i32
    %dma_wait3A_588 = tpu.memref_slice %arg4[%add3A_316, %dma_wait3A_587] : memref<2048x2048xf32, #tpu.memory_space<hbm>> -> memref<1x2048xf32, #tpu.memory_space<hbm>>
    %dma_wait3A_589 = tpu.memref_squeeze %dma_wait3A_588 : memref<1x2048xf32, #tpu.memory_space<hbm>> -> memref<2048xf32, #tpu.memory_space<hbm>>
    %dma_wait3A_590 = tpu.memref_slice %arg11[%mul3A_311] : memref<1048576xf32, #tpu.memory_space<vmem_shared>> -> memref<2048xf32, #tpu.memory_space<vmem_shared>>
    tpu.wait_dma2 semaphore(%arg12 : memref<!tpu.dma_semaphore, #tpu.memory_space<semaphore_mem>>) src(%dma_wait3A_590 : memref<2048xf32, #tpu.memory_space<vmem_shared>>) dst(%dma_wait3A_589 : memref<2048xf32, #tpu.memory_space<hbm>>)
    %dma_wait3A_591 = arith.constant 0 : i32
    %dma_wait3A_592 = tpu.memref_slice %arg4[%add3A_331, %dma_wait3A_591] : memref<2048x2048xf32, #tpu.memory_space<hbm>> -> memref<1x2048xf32, #tpu.memory_space<hbm>>
    %dma_wait3A_593 = tpu.memref_squeeze %dma_wait3A_592 : memref<1x2048xf32, #tpu.memory_space<hbm>> -> memref<2048xf32, #tpu.memory_space<hbm>>
    %dma_wait3A_594 = tpu.memref_slice %arg11[%mul3A_326] : memref<1048576xf32, #tpu.memory_space<vmem_shared>> -> memref<2048xf32, #tpu.memory_space<vmem_shared>>
    tpu.wait_dma2 semaphore(%arg12 : memref<!tpu.dma_semaphore, #tpu.memory_space<semaphore_mem>>) src(%dma_wait3A_594 : memref<2048xf32, #tpu.memory_space<vmem_shared>>) dst(%dma_wait3A_593 : memref<2048xf32, #tpu.memory_space<hbm>>)
    %dma_wait3A_595 = arith.constant 0 : i32
    %dma_wait3A_596 = tpu.memref_slice %arg4[%add3A_346, %dma_wait3A_595] : memref<2048x2048xf32, #tpu.memory_space<hbm>> -> memref<1x2048xf32, #tpu.memory_space<hbm>>
    %dma_wait3A_597 = tpu.memref_squeeze %dma_wait3A_596 : memref<1x2048xf32, #tpu.memory_space<hbm>> -> memref<2048xf32, #tpu.memory_space<hbm>>
    %dma_wait3A_598 = tpu.memref_slice %arg11[%mul3A_341] : memref<1048576xf32, #tpu.memory_space<vmem_shared>> -> memref<2048xf32, #tpu.memory_space<vmem_shared>>
    tpu.wait_dma2 semaphore(%arg12 : memref<!tpu.dma_semaphore, #tpu.memory_space<semaphore_mem>>) src(%dma_wait3A_598 : memref<2048xf32, #tpu.memory_space<vmem_shared>>) dst(%dma_wait3A_597 : memref<2048xf32, #tpu.memory_space<hbm>>)
    %dma_wait3A_599 = arith.constant 0 : i32
    %dma_wait3A_600 = tpu.memref_slice %arg4[%add3A_361, %dma_wait3A_599] : memref<2048x2048xf32, #tpu.memory_space<hbm>> -> memref<1x2048xf32, #tpu.memory_space<hbm>>
    %dma_wait3A_601 = tpu.memref_squeeze %dma_wait3A_600 : memref<1x2048xf32, #tpu.memory_space<hbm>> -> memref<2048xf32, #tpu.memory_space<hbm>>
    %dma_wait3A_602 = tpu.memref_slice %arg11[%mul3A_356] : memref<1048576xf32, #tpu.memory_space<vmem_shared>> -> memref<2048xf32, #tpu.memory_space<vmem_shared>>
    tpu.wait_dma2 semaphore(%arg12 : memref<!tpu.dma_semaphore, #tpu.memory_space<semaphore_mem>>) src(%dma_wait3A_602 : memref<2048xf32, #tpu.memory_space<vmem_shared>>) dst(%dma_wait3A_601 : memref<2048xf32, #tpu.memory_space<hbm>>)
    %dma_wait3A_603 = arith.constant 0 : i32
    %dma_wait3A_604 = tpu.memref_slice %arg4[%add3A_376, %dma_wait3A_603] : memref<2048x2048xf32, #tpu.memory_space<hbm>> -> memref<1x2048xf32, #tpu.memory_space<hbm>>
    %dma_wait3A_605 = tpu.memref_squeeze %dma_wait3A_604 : memref<1x2048xf32, #tpu.memory_space<hbm>> -> memref<2048xf32, #tpu.memory_space<hbm>>
    %dma_wait3A_606 = tpu.memref_slice %arg11[%mul3A_371] : memref<1048576xf32, #tpu.memory_space<vmem_shared>> -> memref<2048xf32, #tpu.memory_space<vmem_shared>>
    tpu.wait_dma2 semaphore(%arg12 : memref<!tpu.dma_semaphore, #tpu.memory_space<semaphore_mem>>) src(%dma_wait3A_606 : memref<2048xf32, #tpu.memory_space<vmem_shared>>) dst(%dma_wait3A_605 : memref<2048xf32, #tpu.memory_space<hbm>>)
    %dma_wait3A_607 = arith.constant 0 : i32
    %dma_wait3A_608 = tpu.memref_slice %arg4[%add3A_391, %dma_wait3A_607] : memref<2048x2048xf32, #tpu.memory_space<hbm>> -> memref<1x2048xf32, #tpu.memory_space<hbm>>
    %dma_wait3A_609 = tpu.memref_squeeze %dma_wait3A_608 : memref<1x2048xf32, #tpu.memory_space<hbm>> -> memref<2048xf32, #tpu.memory_space<hbm>>
    %dma_wait3A_610 = tpu.memref_slice %arg11[%mul3A_386] : memref<1048576xf32, #tpu.memory_space<vmem_shared>> -> memref<2048xf32, #tpu.memory_space<vmem_shared>>
    tpu.wait_dma2 semaphore(%arg12 : memref<!tpu.dma_semaphore, #tpu.memory_space<semaphore_mem>>) src(%dma_wait3A_610 : memref<2048xf32, #tpu.memory_space<vmem_shared>>) dst(%dma_wait3A_609 : memref<2048xf32, #tpu.memory_space<hbm>>)
    %dma_wait3A_611 = arith.constant 0 : i32
    %dma_wait3A_612 = tpu.memref_slice %arg4[%add3A_406, %dma_wait3A_611] : memref<2048x2048xf32, #tpu.memory_space<hbm>> -> memref<1x2048xf32, #tpu.memory_space<hbm>>
    %dma_wait3A_613 = tpu.memref_squeeze %dma_wait3A_612 : memref<1x2048xf32, #tpu.memory_space<hbm>> -> memref<2048xf32, #tpu.memory_space<hbm>>
    %dma_wait3A_614 = tpu.memref_slice %arg11[%mul3A_401] : memref<1048576xf32, #tpu.memory_space<vmem_shared>> -> memref<2048xf32, #tpu.memory_space<vmem_shared>>
    tpu.wait_dma2 semaphore(%arg12 : memref<!tpu.dma_semaphore, #tpu.memory_space<semaphore_mem>>) src(%dma_wait3A_614 : memref<2048xf32, #tpu.memory_space<vmem_shared>>) dst(%dma_wait3A_613 : memref<2048xf32, #tpu.memory_space<hbm>>)
    %dma_wait3A_615 = arith.constant 0 : i32
    %dma_wait3A_616 = tpu.memref_slice %arg4[%add3A_421, %dma_wait3A_615] : memref<2048x2048xf32, #tpu.memory_space<hbm>> -> memref<1x2048xf32, #tpu.memory_space<hbm>>
    %dma_wait3A_617 = tpu.memref_squeeze %dma_wait3A_616 : memref<1x2048xf32, #tpu.memory_space<hbm>> -> memref<2048xf32, #tpu.memory_space<hbm>>
    %dma_wait3A_618 = tpu.memref_slice %arg11[%mul3A_416] : memref<1048576xf32, #tpu.memory_space<vmem_shared>> -> memref<2048xf32, #tpu.memory_space<vmem_shared>>
    tpu.wait_dma2 semaphore(%arg12 : memref<!tpu.dma_semaphore, #tpu.memory_space<semaphore_mem>>) src(%dma_wait3A_618 : memref<2048xf32, #tpu.memory_space<vmem_shared>>) dst(%dma_wait3A_617 : memref<2048xf32, #tpu.memory_space<hbm>>)
    %dma_wait3A_619 = arith.constant 0 : i32
    %dma_wait3A_620 = tpu.memref_slice %arg4[%add3A_436, %dma_wait3A_619] : memref<2048x2048xf32, #tpu.memory_space<hbm>> -> memref<1x2048xf32, #tpu.memory_space<hbm>>
    %dma_wait3A_621 = tpu.memref_squeeze %dma_wait3A_620 : memref<1x2048xf32, #tpu.memory_space<hbm>> -> memref<2048xf32, #tpu.memory_space<hbm>>
    %dma_wait3A_622 = tpu.memref_slice %arg11[%mul3A_431] : memref<1048576xf32, #tpu.memory_space<vmem_shared>> -> memref<2048xf32, #tpu.memory_space<vmem_shared>>
    tpu.wait_dma2 semaphore(%arg12 : memref<!tpu.dma_semaphore, #tpu.memory_space<semaphore_mem>>) src(%dma_wait3A_622 : memref<2048xf32, #tpu.memory_space<vmem_shared>>) dst(%dma_wait3A_621 : memref<2048xf32, #tpu.memory_space<hbm>>)
    %dma_wait3A_623 = arith.constant 0 : i32
    %dma_wait3A_624 = tpu.memref_slice %arg4[%add3A_451, %dma_wait3A_623] : memref<2048x2048xf32, #tpu.memory_space<hbm>> -> memref<1x2048xf32, #tpu.memory_space<hbm>>
    %dma_wait3A_625 = tpu.memref_squeeze %dma_wait3A_624 : memref<1x2048xf32, #tpu.memory_space<hbm>> -> memref<2048xf32, #tpu.memory_space<hbm>>
    %dma_wait3A_626 = tpu.memref_slice %arg11[%mul3A_446] : memref<1048576xf32, #tpu.memory_space<vmem_shared>> -> memref<2048xf32, #tpu.memory_space<vmem_shared>>
    tpu.wait_dma2 semaphore(%arg12 : memref<!tpu.dma_semaphore, #tpu.memory_space<semaphore_mem>>) src(%dma_wait3A_626 : memref<2048xf32, #tpu.memory_space<vmem_shared>>) dst(%dma_wait3A_625 : memref<2048xf32, #tpu.memory_space<hbm>>)
    %dma_wait3A_627 = arith.constant 0 : i32
    %dma_wait3A_628 = tpu.memref_slice %arg4[%add3A_466, %dma_wait3A_627] : memref<2048x2048xf32, #tpu.memory_space<hbm>> -> memref<1x2048xf32, #tpu.memory_space<hbm>>
    %dma_wait3A_629 = tpu.memref_squeeze %dma_wait3A_628 : memref<1x2048xf32, #tpu.memory_space<hbm>> -> memref<2048xf32, #tpu.memory_space<hbm>>
    %dma_wait3A_630 = tpu.memref_slice %arg11[%mul3A_461] : memref<1048576xf32, #tpu.memory_space<vmem_shared>> -> memref<2048xf32, #tpu.memory_space<vmem_shared>>
    tpu.wait_dma2 semaphore(%arg12 : memref<!tpu.dma_semaphore, #tpu.memory_space<semaphore_mem>>) src(%dma_wait3A_630 : memref<2048xf32, #tpu.memory_space<vmem_shared>>) dst(%dma_wait3A_629 : memref<2048xf32, #tpu.memory_space<hbm>>)
    %dma_wait3A_631 = arith.constant 0 : i32
    %dma_wait3A_632 = tpu.memref_slice %arg4[%add3A_481, %dma_wait3A_631] : memref<2048x2048xf32, #tpu.memory_space<hbm>> -> memref<1x2048xf32, #tpu.memory_space<hbm>>
    %dma_wait3A_633 = tpu.memref_squeeze %dma_wait3A_632 : memref<1x2048xf32, #tpu.memory_space<hbm>> -> memref<2048xf32, #tpu.memory_space<hbm>>
    %dma_wait3A_634 = tpu.memref_slice %arg11[%mul3A_476] : memref<1048576xf32, #tpu.memory_space<vmem_shared>> -> memref<2048xf32, #tpu.memory_space<vmem_shared>>
    tpu.wait_dma2 semaphore(%arg12 : memref<!tpu.dma_semaphore, #tpu.memory_space<semaphore_mem>>) src(%dma_wait3A_634 : memref<2048xf32, #tpu.memory_space<vmem_shared>>) dst(%dma_wait3A_633 : memref<2048xf32, #tpu.memory_space<hbm>>)
    %dma_wait3A_635 = arith.constant 0 : i32
    %dma_wait3A_636 = tpu.memref_slice %arg4[%add3A_496, %dma_wait3A_635] : memref<2048x2048xf32, #tpu.memory_space<hbm>> -> memref<1x2048xf32, #tpu.memory_space<hbm>>
    %dma_wait3A_637 = tpu.memref_squeeze %dma_wait3A_636 : memref<1x2048xf32, #tpu.memory_space<hbm>> -> memref<2048xf32, #tpu.memory_space<hbm>>
    %dma_wait3A_638 = tpu.memref_slice %arg11[%mul3A_491] : memref<1048576xf32, #tpu.memory_space<vmem_shared>> -> memref<2048xf32, #tpu.memory_space<vmem_shared>>
    tpu.wait_dma2 semaphore(%arg12 : memref<!tpu.dma_semaphore, #tpu.memory_space<semaphore_mem>>) src(%dma_wait3A_638 : memref<2048xf32, #tpu.memory_space<vmem_shared>>) dst(%dma_wait3A_637 : memref<2048xf32, #tpu.memory_space<hbm>>)
    %dma_wait3A_639 = arith.constant 0 : i32
    %dma_wait3A_640 = tpu.memref_slice %arg4[%add3A_511, %dma_wait3A_639] : memref<2048x2048xf32, #tpu.memory_space<hbm>> -> memref<1x2048xf32, #tpu.memory_space<hbm>>
    %dma_wait3A_641 = tpu.memref_squeeze %dma_wait3A_640 : memref<1x2048xf32, #tpu.memory_space<hbm>> -> memref<2048xf32, #tpu.memory_space<hbm>>
    %dma_wait3A_642 = tpu.memref_slice %arg11[%mul3A_506] : memref<1048576xf32, #tpu.memory_space<vmem_shared>> -> memref<2048xf32, #tpu.memory_space<vmem_shared>>
    tpu.wait_dma2 semaphore(%arg12 : memref<!tpu.dma_semaphore, #tpu.memory_space<semaphore_mem>>) src(%dma_wait3A_642 : memref<2048xf32, #tpu.memory_space<vmem_shared>>) dst(%dma_wait3A_641 : memref<2048xf32, #tpu.memory_space<hbm>>)
    %barrier3A_643 = arith.constant 0 : index
    tpu.barrier barrier_id(%barrier3A_643)
    %mul3A_644 = arith.constant 2 : i32
    %mul3A_645 = arith.muli %arg0, %mul3A_644 : i32
    %add3A_646 = arith.constant 1 : i32
    %add3A_647 = arith.addi %mul3A_645, %add3A_646 : i32
    %mul3A_648 = arith.constant 512 : i32
    %mul3A_649 = arith.muli %add3A_647, %mul3A_648 : i32
    %mul3A_650 = arith.constant 65536 : i32
    %mul3A_651 = arith.muli %arg1, %mul3A_650 : i32
    %add3A_652 = arith.constant 0 : i32
    %add3A_653 = arith.addi %mul3A_651, %add3A_652 : i32
    "tpu.region"() ({
      %run_scoped3A_1284 = tpu.sem_alloc : memref<!tpu.dma_semaphore, #tpu.memory_space<semaphore_mem>>
      %dma_start3A_1285 = tpu.memref_slice %arg11[%add3A_653] : memref<1048576xf32, #tpu.memory_space<vmem_shared>> -> memref<16384xf32, #tpu.memory_space<vmem_shared>>
      %dma_start3A_1286 = tpu.memref_slice %arg11[%add3A_653] : memref<1048576xf32, #tpu.memory_space<vmem_shared>> -> memref<16384xf32, #tpu.memory_space<vmem_shared>>
      tpu.enqueue_dma source(%arg10 : memref<16384xf32, #tpu.memory_space<vmem>>) target(%dma_start3A_1286 : memref<16384xf32, #tpu.memory_space<vmem_shared>>) target_semaphore(%run_scoped3A_1284 : memref<!tpu.dma_semaphore, #tpu.memory_space<semaphore_mem>>)
      %dma_wait3A_1287 = tpu.memref_slice %arg11[%add3A_653] : memref<1048576xf32, #tpu.memory_space<vmem_shared>> -> memref<16384xf32, #tpu.memory_space<vmem_shared>>
      %dma_wait3A_1288 = tpu.memref_slice %arg11[%add3A_653] : memref<1048576xf32, #tpu.memory_space<vmem_shared>> -> memref<16384xf32, #tpu.memory_space<vmem_shared>>
      tpu.wait_dma2 semaphore(%run_scoped3A_1284 : memref<!tpu.dma_semaphore, #tpu.memory_space<semaphore_mem>>) src(%arg10 : memref<16384xf32, #tpu.memory_space<vmem>>) dst(%dma_wait3A_1288 : memref<16384xf32, #tpu.memory_space<vmem_shared>>)
      tpu.yield
    }) : () -> ()
    %mul3A_654 = arith.constant 65536 : i32
    %mul3A_655 = arith.muli %arg1, %mul3A_654 : i32
    %add3A_656 = arith.constant 16384 : i32
    %add3A_657 = arith.addi %mul3A_655, %add3A_656 : i32
    "tpu.region"() ({
      %run_scoped3A_1284 = tpu.sem_alloc : memref<!tpu.dma_semaphore, #tpu.memory_space<semaphore_mem>>
      %dma_start3A_1285 = tpu.memref_slice %arg11[%add3A_657] : memref<1048576xf32, #tpu.memory_space<vmem_shared>> -> memref<16384xf32, #tpu.memory_space<vmem_shared>>
      %dma_start3A_1286 = tpu.memref_slice %arg11[%add3A_657] : memref<1048576xf32, #tpu.memory_space<vmem_shared>> -> memref<16384xf32, #tpu.memory_space<vmem_shared>>
      tpu.enqueue_dma source(%arg10 : memref<16384xf32, #tpu.memory_space<vmem>>) target(%dma_start3A_1286 : memref<16384xf32, #tpu.memory_space<vmem_shared>>) target_semaphore(%run_scoped3A_1284 : memref<!tpu.dma_semaphore, #tpu.memory_space<semaphore_mem>>)
      %dma_wait3A_1287 = tpu.memref_slice %arg11[%add3A_657] : memref<1048576xf32, #tpu.memory_space<vmem_shared>> -> memref<16384xf32, #tpu.memory_space<vmem_shared>>
      %dma_wait3A_1288 = tpu.memref_slice %arg11[%add3A_657] : memref<1048576xf32, #tpu.memory_space<vmem_shared>> -> memref<16384xf32, #tpu.memory_space<vmem_shared>>
      tpu.wait_dma2 semaphore(%run_scoped3A_1284 : memref<!tpu.dma_semaphore, #tpu.memory_space<semaphore_mem>>) src(%arg10 : memref<16384xf32, #tpu.memory_space<vmem>>) dst(%dma_wait3A_1288 : memref<16384xf32, #tpu.memory_space<vmem_shared>>)
      tpu.yield
    }) : () -> ()
    %mul3A_658 = arith.constant 65536 : i32
    %mul3A_659 = arith.muli %arg1, %mul3A_658 : i32
    %add3A_660 = arith.constant 32768 : i32
    %add3A_661 = arith.addi %mul3A_659, %add3A_660 : i32
    "tpu.region"() ({
      %run_scoped3A_1284 = tpu.sem_alloc : memref<!tpu.dma_semaphore, #tpu.memory_space<semaphore_mem>>
      %dma_start3A_1285 = tpu.memref_slice %arg11[%add3A_661] : memref<1048576xf32, #tpu.memory_space<vmem_shared>> -> memref<16384xf32, #tpu.memory_space<vmem_shared>>
      %dma_start3A_1286 = tpu.memref_slice %arg11[%add3A_661] : memref<1048576xf32, #tpu.memory_space<vmem_shared>> -> memref<16384xf32, #tpu.memory_space<vmem_shared>>
      tpu.enqueue_dma source(%arg10 : memref<16384xf32, #tpu.memory_space<vmem>>) target(%dma_start3A_1286 : memref<16384xf32, #tpu.memory_space<vmem_shared>>) target_semaphore(%run_scoped3A_1284 : memref<!tpu.dma_semaphore, #tpu.memory_space<semaphore_mem>>)
      %dma_wait3A_1287 = tpu.memref_slice %arg11[%add3A_661] : memref<1048576xf32, #tpu.memory_space<vmem_shared>> -> memref<16384xf32, #tpu.memory_space<vmem_shared>>
      %dma_wait3A_1288 = tpu.memref_slice %arg11[%add3A_661] : memref<1048576xf32, #tpu.memory_space<vmem_shared>> -> memref<16384xf32, #tpu.memory_space<vmem_shared>>
      tpu.wait_dma2 semaphore(%run_scoped3A_1284 : memref<!tpu.dma_semaphore, #tpu.memory_space<semaphore_mem>>) src(%arg10 : memref<16384xf32, #tpu.memory_space<vmem>>) dst(%dma_wait3A_1288 : memref<16384xf32, #tpu.memory_space<vmem_shared>>)
      tpu.yield
    }) : () -> ()
    %mul3A_662 = arith.constant 65536 : i32
    %mul3A_663 = arith.muli %arg1, %mul3A_662 : i32
    %add3A_664 = arith.constant 49152 : i32
    %add3A_665 = arith.addi %mul3A_663, %add3A_664 : i32
    "tpu.region"() ({
      %run_scoped3A_1284 = tpu.sem_alloc : memref<!tpu.dma_semaphore, #tpu.memory_space<semaphore_mem>>
      %dma_start3A_1285 = tpu.memref_slice %arg11[%add3A_665] : memref<1048576xf32, #tpu.memory_space<vmem_shared>> -> memref<16384xf32, #tpu.memory_space<vmem_shared>>
      %dma_start3A_1286 = tpu.memref_slice %arg11[%add3A_665] : memref<1048576xf32, #tpu.memory_space<vmem_shared>> -> memref<16384xf32, #tpu.memory_space<vmem_shared>>
      tpu.enqueue_dma source(%arg10 : memref<16384xf32, #tpu.memory_space<vmem>>) target(%dma_start3A_1286 : memref<16384xf32, #tpu.memory_space<vmem_shared>>) target_semaphore(%run_scoped3A_1284 : memref<!tpu.dma_semaphore, #tpu.memory_space<semaphore_mem>>)
      %dma_wait3A_1287 = tpu.memref_slice %arg11[%add3A_665] : memref<1048576xf32, #tpu.memory_space<vmem_shared>> -> memref<16384xf32, #tpu.memory_space<vmem_shared>>
      %dma_wait3A_1288 = tpu.memref_slice %arg11[%add3A_665] : memref<1048576xf32, #tpu.memory_space<vmem_shared>> -> memref<16384xf32, #tpu.memory_space<vmem_shared>>
      tpu.wait_dma2 semaphore(%run_scoped3A_1284 : memref<!tpu.dma_semaphore, #tpu.memory_space<semaphore_mem>>) src(%arg10 : memref<16384xf32, #tpu.memory_space<vmem>>) dst(%dma_wait3A_1288 : memref<16384xf32, #tpu.memory_space<vmem_shared>>)
      tpu.yield
    }) : () -> ()
    %barrier3A_666 = arith.constant 0 : index
    tpu.barrier barrier_id(%barrier3A_666)
    %scan3A_667 = arith.constant 0 : i32
    %scan3A_668 = arith.constant 0 : i32
    %scan3A_669 = arith.constant 64 : i32
    %scan3A_670 = arith.addi %scan3A_668, %scan3A_669 : i32
    %scan3A_671 = arith.constant 1 : i32
    %scan3A_672 = scf.for %scan3A_1284 = %scan3A_668 to %scan3A_670 step %scan3A_671 iter_args(%scan3A_1285 = %scan3A_667) -> (i32)  : i32 {
      %mul3A_1286 = arith.constant 128 : i32
      %mul3A_1287 = arith.muli %scan3A_1284, %mul3A_1286 : i32
      %add3A_1288 = arith.constant 0 : i32
      %add3A_1289 = arith.addi %mul3A_1287, %add3A_1288 : i32
      %get3A = arith.index_cast %add3A_1289 : i32 to index
      %get3A_1290 = tpu.vector_load %arg6[%get3A] {strides = array<i32>} : memref<8192xi32, #tpu.memory_space<vmem>>, vector<16xi32>,
      %get3A_1291 = vector.shape_cast %get3A_1290 : vector<16xi32> to vector<16xi32>
      %mul3A_1292 = arith.constant 2048 : i32
      %mul3A_1293 = vector.broadcast %mul3A_1292 : i32 to vector<16xi32>
      %mul3A_1294 = arith.muli %get3A_1291, %mul3A_1293 : vector<16xi32>
      %get3A_1295 = arith.index_cast %add3A_1289 : i32 to index
      %get3A_1296 = tpu.vector_load %arg5[%get3A_1295] {strides = array<i32>} : memref<8192xi32, #tpu.memory_space<vmem>>, vector<16xi32>,
      %get3A_1297 = vector.shape_cast %get3A_1296 : vector<16xi32> to vector<16xi32>
      %add3A_1298 = arith.addi %mul3A_1294, %get3A_1297 : vector<16xi32>
      %get3A_1299 = arith.index_cast %add3A_1289 : i32 to index
      %get3A_1300 = tpu.vector_load %arg6[%get3A_1299] {strides = array<i32>} : memref<8192xi32, #tpu.memory_space<vmem>>, vector<16xi32>,
      %get3A_1301 = vector.shape_cast %get3A_1300 : vector<16xi32> to vector<16xi32>
      %sub3A = vector.broadcast %mul3A_649 : i32 to vector<16xi32>
      %sub3A_1302 = arith.subi %get3A_1301, %sub3A : vector<16xi32>
      %ge3A = arith.constant 0 : i32
      %ge3A_1303 = vector.broadcast %ge3A : i32 to vector<16xi32>
      %ge3A_1304 = arith.cmpi sge, %sub3A_1302, %ge3A_1303 : vector<16xi32>
      %lt3A = arith.constant 512 : i32
      %lt3A_1305 = vector.broadcast %lt3A : i32 to vector<16xi32>
      %lt3A_1306 = arith.cmpi slt, %sub3A_1302, %lt3A_1305 : vector<16xi32>
      %and3A = arith.andi %ge3A_1304, %lt3A_1306 : vector<16xi1>
      %mul3A_1307 = arith.constant 2048 : i32
      %mul3A_1308 = vector.broadcast %mul3A_1307 : i32 to vector<16xi32>
      %mul3A_1309 = arith.muli %sub3A_1302, %mul3A_1308 : vector<16xi32>
      %get3A_1310 = arith.index_cast %add3A_1289 : i32 to index
      %get3A_1311 = tpu.vector_load %arg5[%get3A_1310] {strides = array<i32>} : memref<8192xi32, #tpu.memory_space<vmem>>, vector<16xi32>,
      %get3A_1312 = vector.shape_cast %get3A_1311 : vector<16xi32> to vector<16xi32>
      %add3A_1313 = arith.addi %mul3A_1309, %get3A_1312 : vector<16xi32>
      %and3A_1314 = arith.constant 1048575 : i32
      %and3A_1315 = vector.broadcast %and3A_1314 : i32 to vector<16xi32>
      %and3A_1316 = arith.andi %add3A_1298, %and3A_1315 : vector<16xi32>
      %select_n3A = arith.select %and3A, %add3A_1313, %and3A_1316 : vector<16xi1>, vector<16xi32>
      %swap3A = arith.index_cast %add3A_1289 : i32 to index
      %swap3A_1317 = tpu.vector_load %arg8[%swap3A] {strides = array<i32>} : memref<8192xi32, #tpu.memory_space<vmem>>, vector<16xi32>,
      %swap3A_1318 = vector.shape_cast %swap3A_1317 : vector<16xi32> to vector<16xi32>
      %swap3A_1319 = vector.shape_cast %select_n3A : vector<16xi32> to vector<16xi32>
      tpu.vector_store %arg8[%swap3A], %swap3A_1319 {strides = array<i32>} : memref<8192xi32, #tpu.memory_space<vmem>>, vector<16xi32>,
      %get3A_1320 = arith.index_cast %add3A_1289 : i32 to index
      %get3A_1321 = tpu.vector_load %arg7[%get3A_1320] {strides = array<i32>} : memref<8192xf32, #tpu.memory_space<vmem>>, vector<16xf32>,
      %get3A_1322 = vector.shape_cast %get3A_1321 : vector<16xf32> to vector<16xf32>
      %jit3A = arith.constant 0.000000e+00 : f32
      %broadcast_in_dim3A = vector.broadcast %jit3A : f32 to vector<16xf32>
      %select_n3A_1323 = arith.select %and3A, %get3A_1322, %broadcast_in_dim3A : vector<16xi1>, vector<16xf32>
      %swap3A_1324 = arith.index_cast %add3A_1289 : i32 to index
      %swap3A_1325 = tpu.vector_load %arg9[%swap3A_1324] {strides = array<i32>} : memref<8192xf32, #tpu.memory_space<vmem>>, vector<16xf32>,
      %swap3A_1326 = vector.shape_cast %swap3A_1325 : vector<16xf32> to vector<16xf32>
      %swap3A_1327 = vector.shape_cast %select_n3A_1323 : vector<16xf32> to vector<16xf32>
      tpu.vector_store %arg9[%swap3A_1324], %swap3A_1327 {strides = array<i32>} : memref<8192xf32, #tpu.memory_space<vmem>>, vector<16xf32>,
      %mul3A_1328 = arith.constant 128 : i32
      %mul3A_1329 = arith.muli %scan3A_1284, %mul3A_1328 : i32
      %add3A_1330 = arith.constant 16 : i32
      %add3A_1331 = arith.addi %mul3A_1329, %add3A_1330 : i32
      %get3A_1332 = arith.index_cast %add3A_1331 : i32 to index
      %get3A_1333 = tpu.vector_load %arg6[%get3A_1332] {strides = array<i32>} : memref<8192xi32, #tpu.memory_space<vmem>>, vector<16xi32>,
      %get3A_1334 = vector.shape_cast %get3A_1333 : vector<16xi32> to vector<16xi32>
      %mul3A_1335 = arith.constant 2048 : i32
      %mul3A_1336 = vector.broadcast %mul3A_1335 : i32 to vector<16xi32>
      %mul3A_1337 = arith.muli %get3A_1334, %mul3A_1336 : vector<16xi32>
      %get3A_1338 = arith.index_cast %add3A_1331 : i32 to index
      %get3A_1339 = tpu.vector_load %arg5[%get3A_1338] {strides = array<i32>} : memref<8192xi32, #tpu.memory_space<vmem>>, vector<16xi32>,
      %get3A_1340 = vector.shape_cast %get3A_1339 : vector<16xi32> to vector<16xi32>
      %add3A_1341 = arith.addi %mul3A_1337, %get3A_1340 : vector<16xi32>
      %get3A_1342 = arith.index_cast %add3A_1331 : i32 to index
      %get3A_1343 = tpu.vector_load %arg6[%get3A_1342] {strides = array<i32>} : memref<8192xi32, #tpu.memory_space<vmem>>, vector<16xi32>,
      %get3A_1344 = vector.shape_cast %get3A_1343 : vector<16xi32> to vector<16xi32>
      %sub3A_1345 = vector.broadcast %mul3A_649 : i32 to vector<16xi32>
      %sub3A_1346 = arith.subi %get3A_1344, %sub3A_1345 : vector<16xi32>
      %ge3A_1347 = arith.constant 0 : i32
      %ge3A_1348 = vector.broadcast %ge3A_1347 : i32 to vector<16xi32>
      %ge3A_1349 = arith.cmpi sge, %sub3A_1346, %ge3A_1348 : vector<16xi32>
      %lt3A_1350 = arith.constant 512 : i32
      %lt3A_1351 = vector.broadcast %lt3A_1350 : i32 to vector<16xi32>
      %lt3A_1352 = arith.cmpi slt, %sub3A_1346, %lt3A_1351 : vector<16xi32>
      %and3A_1353 = arith.andi %ge3A_1349, %lt3A_1352 : vector<16xi1>
      %mul3A_1354 = arith.constant 2048 : i32
      %mul3A_1355 = vector.broadcast %mul3A_1354 : i32 to vector<16xi32>
      %mul3A_1356 = arith.muli %sub3A_1346, %mul3A_1355 : vector<16xi32>
      %get3A_1357 = arith.index_cast %add3A_1331 : i32 to index
      %get3A_1358 = tpu.vector_load %arg5[%get3A_1357] {strides = array<i32>} : memref<8192xi32, #tpu.memory_space<vmem>>, vector<16xi32>,
      %get3A_1359 = vector.shape_cast %get3A_1358 : vector<16xi32> to vector<16xi32>
      %add3A_1360 = arith.addi %mul3A_1356, %get3A_1359 : vector<16xi32>
      %and3A_1361 = arith.constant 1048575 : i32
      %and3A_1362 = vector.broadcast %and3A_1361 : i32 to vector<16xi32>
      %and3A_1363 = arith.andi %add3A_1341, %and3A_1362 : vector<16xi32>
      %select_n3A_1364 = arith.select %and3A_1353, %add3A_1360, %and3A_1363 : vector<16xi1>, vector<16xi32>
      %swap3A_1365 = arith.index_cast %add3A_1331 : i32 to index
      %swap3A_1366 = tpu.vector_load %arg8[%swap3A_1365] {strides = array<i32>} : memref<8192xi32, #tpu.memory_space<vmem>>, vector<16xi32>,
      %swap3A_1367 = vector.shape_cast %swap3A_1366 : vector<16xi32> to vector<16xi32>
      %swap3A_1368 = vector.shape_cast %select_n3A_1364 : vector<16xi32> to vector<16xi32>
      tpu.vector_store %arg8[%swap3A_1365], %swap3A_1368 {strides = array<i32>} : memref<8192xi32, #tpu.memory_space<vmem>>, vector<16xi32>,
      %get3A_1369 = arith.index_cast %add3A_1331 : i32 to index
      %get3A_1370 = tpu.vector_load %arg7[%get3A_1369] {strides = array<i32>} : memref<8192xf32, #tpu.memory_space<vmem>>, vector<16xf32>,
      %get3A_1371 = vector.shape_cast %get3A_1370 : vector<16xf32> to vector<16xf32>
      %jit3A_1372 = arith.constant 0.000000e+00 : f32
      %broadcast_in_dim3A_1373 = vector.broadcast %jit3A_1372 : f32 to vector<16xf32>
      %select_n3A_1374 = arith.select %and3A_1353, %get3A_1371, %broadcast_in_dim3A_1373 : vector<16xi1>, vector<16xf32>
      %swap3A_1375 = arith.index_cast %add3A_1331 : i32 to index
      %swap3A_1376 = tpu.vector_load %arg9[%swap3A_1375] {strides = array<i32>} : memref<8192xf32, #tpu.memory_space<vmem>>, vector<16xf32>,
      %swap3A_1377 = vector.shape_cast %swap3A_1376 : vector<16xf32> to vector<16xf32>
      %swap3A_1378 = vector.shape_cast %select_n3A_1374 : vector<16xf32> to vector<16xf32>
      tpu.vector_store %arg9[%swap3A_1375], %swap3A_1378 {strides = array<i32>} : memref<8192xf32, #tpu.memory_space<vmem>>, vector<16xf32>,
      %mul3A_1379 = arith.constant 128 : i32
      %mul3A_1380 = arith.muli %scan3A_1284, %mul3A_1379 : i32
      %add3A_1381 = arith.constant 32 : i32
      %add3A_1382 = arith.addi %mul3A_1380, %add3A_1381 : i32
      %get3A_1383 = arith.index_cast %add3A_1382 : i32 to index
      %get3A_1384 = tpu.vector_load %arg6[%get3A_1383] {strides = array<i32>} : memref<8192xi32, #tpu.memory_space<vmem>>, vector<16xi32>,
      %get3A_1385 = vector.shape_cast %get3A_1384 : vector<16xi32> to vector<16xi32>
      %mul3A_1386 = arith.constant 2048 : i32
      %mul3A_1387 = vector.broadcast %mul3A_1386 : i32 to vector<16xi32>
      %mul3A_1388 = arith.muli %get3A_1385, %mul3A_1387 : vector<16xi32>
      %get3A_1389 = arith.index_cast %add3A_1382 : i32 to index
      %get3A_1390 = tpu.vector_load %arg5[%get3A_1389] {strides = array<i32>} : memref<8192xi32, #tpu.memory_space<vmem>>, vector<16xi32>,
      %get3A_1391 = vector.shape_cast %get3A_1390 : vector<16xi32> to vector<16xi32>
      %add3A_1392 = arith.addi %mul3A_1388, %get3A_1391 : vector<16xi32>
      %get3A_1393 = arith.index_cast %add3A_1382 : i32 to index
      %get3A_1394 = tpu.vector_load %arg6[%get3A_1393] {strides = array<i32>} : memref<8192xi32, #tpu.memory_space<vmem>>, vector<16xi32>,
      %get3A_1395 = vector.shape_cast %get3A_1394 : vector<16xi32> to vector<16xi32>
      %sub3A_1396 = vector.broadcast %mul3A_649 : i32 to vector<16xi32>
      %sub3A_1397 = arith.subi %get3A_1395, %sub3A_1396 : vector<16xi32>
      %ge3A_1398 = arith.constant 0 : i32
      %ge3A_1399 = vector.broadcast %ge3A_1398 : i32 to vector<16xi32>
      %ge3A_1400 = arith.cmpi sge, %sub3A_1397, %ge3A_1399 : vector<16xi32>
      %lt3A_1401 = arith.constant 512 : i32
      %lt3A_1402 = vector.broadcast %lt3A_1401 : i32 to vector<16xi32>
      %lt3A_1403 = arith.cmpi slt, %sub3A_1397, %lt3A_1402 : vector<16xi32>
      %and3A_1404 = arith.andi %ge3A_1400, %lt3A_1403 : vector<16xi1>
      %mul3A_1405 = arith.constant 2048 : i32
      %mul3A_1406 = vector.broadcast %mul3A_1405 : i32 to vector<16xi32>
      %mul3A_1407 = arith.muli %sub3A_1397, %mul3A_1406 : vector<16xi32>
      %get3A_1408 = arith.index_cast %add3A_1382 : i32 to index
      %get3A_1409 = tpu.vector_load %arg5[%get3A_1408] {strides = array<i32>} : memref<8192xi32, #tpu.memory_space<vmem>>, vector<16xi32>,
      %get3A_1410 = vector.shape_cast %get3A_1409 : vector<16xi32> to vector<16xi32>
      %add3A_1411 = arith.addi %mul3A_1407, %get3A_1410 : vector<16xi32>
      %and3A_1412 = arith.constant 1048575 : i32
      %and3A_1413 = vector.broadcast %and3A_1412 : i32 to vector<16xi32>
      %and3A_1414 = arith.andi %add3A_1392, %and3A_1413 : vector<16xi32>
      %select_n3A_1415 = arith.select %and3A_1404, %add3A_1411, %and3A_1414 : vector<16xi1>, vector<16xi32>
      %swap3A_1416 = arith.index_cast %add3A_1382 : i32 to index
      %swap3A_1417 = tpu.vector_load %arg8[%swap3A_1416] {strides = array<i32>} : memref<8192xi32, #tpu.memory_space<vmem>>, vector<16xi32>,
      %swap3A_1418 = vector.shape_cast %swap3A_1417 : vector<16xi32> to vector<16xi32>
      %swap3A_1419 = vector.shape_cast %select_n3A_1415 : vector<16xi32> to vector<16xi32>
      tpu.vector_store %arg8[%swap3A_1416], %swap3A_1419 {strides = array<i32>} : memref<8192xi32, #tpu.memory_space<vmem>>, vector<16xi32>,
      %get3A_1420 = arith.index_cast %add3A_1382 : i32 to index
      %get3A_1421 = tpu.vector_load %arg7[%get3A_1420] {strides = array<i32>} : memref<8192xf32, #tpu.memory_space<vmem>>, vector<16xf32>,
      %get3A_1422 = vector.shape_cast %get3A_1421 : vector<16xf32> to vector<16xf32>
      %jit3A_1423 = arith.constant 0.000000e+00 : f32
      %broadcast_in_dim3A_1424 = vector.broadcast %jit3A_1423 : f32 to vector<16xf32>
      %select_n3A_1425 = arith.select %and3A_1404, %get3A_1422, %broadcast_in_dim3A_1424 : vector<16xi1>, vector<16xf32>
      %swap3A_1426 = arith.index_cast %add3A_1382 : i32 to index
      %swap3A_1427 = tpu.vector_load %arg9[%swap3A_1426] {strides = array<i32>} : memref<8192xf32, #tpu.memory_space<vmem>>, vector<16xf32>,
      %swap3A_1428 = vector.shape_cast %swap3A_1427 : vector<16xf32> to vector<16xf32>
      %swap3A_1429 = vector.shape_cast %select_n3A_1425 : vector<16xf32> to vector<16xf32>
      tpu.vector_store %arg9[%swap3A_1426], %swap3A_1429 {strides = array<i32>} : memref<8192xf32, #tpu.memory_space<vmem>>, vector<16xf32>,
      %mul3A_1430 = arith.constant 128 : i32
      %mul3A_1431 = arith.muli %scan3A_1284, %mul3A_1430 : i32
      %add3A_1432 = arith.constant 48 : i32
      %add3A_1433 = arith.addi %mul3A_1431, %add3A_1432 : i32
      %get3A_1434 = arith.index_cast %add3A_1433 : i32 to index
      %get3A_1435 = tpu.vector_load %arg6[%get3A_1434] {strides = array<i32>} : memref<8192xi32, #tpu.memory_space<vmem>>, vector<16xi32>,
      %get3A_1436 = vector.shape_cast %get3A_1435 : vector<16xi32> to vector<16xi32>
      %mul3A_1437 = arith.constant 2048 : i32
      %mul3A_1438 = vector.broadcast %mul3A_1437 : i32 to vector<16xi32>
      %mul3A_1439 = arith.muli %get3A_1436, %mul3A_1438 : vector<16xi32>
      %get3A_1440 = arith.index_cast %add3A_1433 : i32 to index
      %get3A_1441 = tpu.vector_load %arg5[%get3A_1440] {strides = array<i32>} : memref<8192xi32, #tpu.memory_space<vmem>>, vector<16xi32>,
      %get3A_1442 = vector.shape_cast %get3A_1441 : vector<16xi32> to vector<16xi32>
      %add3A_1443 = arith.addi %mul3A_1439, %get3A_1442 : vector<16xi32>
      %get3A_1444 = arith.index_cast %add3A_1433 : i32 to index
      %get3A_1445 = tpu.vector_load %arg6[%get3A_1444] {strides = array<i32>} : memref<8192xi32, #tpu.memory_space<vmem>>, vector<16xi32>,
      %get3A_1446 = vector.shape_cast %get3A_1445 : vector<16xi32> to vector<16xi32>
      %sub3A_1447 = vector.broadcast %mul3A_649 : i32 to vector<16xi32>
      %sub3A_1448 = arith.subi %get3A_1446, %sub3A_1447 : vector<16xi32>
      %ge3A_1449 = arith.constant 0 : i32
      %ge3A_1450 = vector.broadcast %ge3A_1449 : i32 to vector<16xi32>
      %ge3A_1451 = arith.cmpi sge, %sub3A_1448, %ge3A_1450 : vector<16xi32>
      %lt3A_1452 = arith.constant 512 : i32
      %lt3A_1453 = vector.broadcast %lt3A_1452 : i32 to vector<16xi32>
      %lt3A_1454 = arith.cmpi slt, %sub3A_1448, %lt3A_1453 : vector<16xi32>
      %and3A_1455 = arith.andi %ge3A_1451, %lt3A_1454 : vector<16xi1>
      %mul3A_1456 = arith.constant 2048 : i32
      %mul3A_1457 = vector.broadcast %mul3A_1456 : i32 to vector<16xi32>
      %mul3A_1458 = arith.muli %sub3A_1448, %mul3A_1457 : vector<16xi32>
      %get3A_1459 = arith.index_cast %add3A_1433 : i32 to index
      %get3A_1460 = tpu.vector_load %arg5[%get3A_1459] {strides = array<i32>} : memref<8192xi32, #tpu.memory_space<vmem>>, vector<16xi32>,
      %get3A_1461 = vector.shape_cast %get3A_1460 : vector<16xi32> to vector<16xi32>
      %add3A_1462 = arith.addi %mul3A_1458, %get3A_1461 : vector<16xi32>
      %and3A_1463 = arith.constant 1048575 : i32
      %and3A_1464 = vector.broadcast %and3A_1463 : i32 to vector<16xi32>
      %and3A_1465 = arith.andi %add3A_1443, %and3A_1464 : vector<16xi32>
      %select_n3A_1466 = arith.select %and3A_1455, %add3A_1462, %and3A_1465 : vector<16xi1>, vector<16xi32>
      %swap3A_1467 = arith.index_cast %add3A_1433 : i32 to index
      %swap3A_1468 = tpu.vector_load %arg8[%swap3A_1467] {strides = array<i32>} : memref<8192xi32, #tpu.memory_space<vmem>>, vector<16xi32>,
      %swap3A_1469 = vector.shape_cast %swap3A_1468 : vector<16xi32> to vector<16xi32>
      %swap3A_1470 = vector.shape_cast %select_n3A_1466 : vector<16xi32> to vector<16xi32>
      tpu.vector_store %arg8[%swap3A_1467], %swap3A_1470 {strides = array<i32>} : memref<8192xi32, #tpu.memory_space<vmem>>, vector<16xi32>,
      %get3A_1471 = arith.index_cast %add3A_1433 : i32 to index
      %get3A_1472 = tpu.vector_load %arg7[%get3A_1471] {strides = array<i32>} : memref<8192xf32, #tpu.memory_space<vmem>>, vector<16xf32>,
      %get3A_1473 = vector.shape_cast %get3A_1472 : vector<16xf32> to vector<16xf32>
      %jit3A_1474 = arith.constant 0.000000e+00 : f32
      %broadcast_in_dim3A_1475 = vector.broadcast %jit3A_1474 : f32 to vector<16xf32>
      %select_n3A_1476 = arith.select %and3A_1455, %get3A_1473, %broadcast_in_dim3A_1475 : vector<16xi1>, vector<16xf32>
      %swap3A_1477 = arith.index_cast %add3A_1433 : i32 to index
      %swap3A_1478 = tpu.vector_load %arg9[%swap3A_1477] {strides = array<i32>} : memref<8192xf32, #tpu.memory_space<vmem>>, vector<16xf32>,
      %swap3A_1479 = vector.shape_cast %swap3A_1478 : vector<16xf32> to vector<16xf32>
      %swap3A_1480 = vector.shape_cast %select_n3A_1476 : vector<16xf32> to vector<16xf32>
      tpu.vector_store %arg9[%swap3A_1477], %swap3A_1480 {strides = array<i32>} : memref<8192xf32, #tpu.memory_space<vmem>>, vector<16xf32>,
      %mul3A_1481 = arith.constant 128 : i32
      %mul3A_1482 = arith.muli %scan3A_1284, %mul3A_1481 : i32
      %add3A_1483 = arith.constant 64 : i32
      %add3A_1484 = arith.addi %mul3A_1482, %add3A_1483 : i32
      %get3A_1485 = arith.index_cast %add3A_1484 : i32 to index
      %get3A_1486 = tpu.vector_load %arg6[%get3A_1485] {strides = array<i32>} : memref<8192xi32, #tpu.memory_space<vmem>>, vector<16xi32>,
      %get3A_1487 = vector.shape_cast %get3A_1486 : vector<16xi32> to vector<16xi32>
      %mul3A_1488 = arith.constant 2048 : i32
      %mul3A_1489 = vector.broadcast %mul3A_1488 : i32 to vector<16xi32>
      %mul3A_1490 = arith.muli %get3A_1487, %mul3A_1489 : vector<16xi32>
      %get3A_1491 = arith.index_cast %add3A_1484 : i32 to index
      %get3A_1492 = tpu.vector_load %arg5[%get3A_1491] {strides = array<i32>} : memref<8192xi32, #tpu.memory_space<vmem>>, vector<16xi32>,
      %get3A_1493 = vector.shape_cast %get3A_1492 : vector<16xi32> to vector<16xi32>
      %add3A_1494 = arith.addi %mul3A_1490, %get3A_1493 : vector<16xi32>
      %get3A_1495 = arith.index_cast %add3A_1484 : i32 to index
      %get3A_1496 = tpu.vector_load %arg6[%get3A_1495] {strides = array<i32>} : memref<8192xi32, #tpu.memory_space<vmem>>, vector<16xi32>,
      %get3A_1497 = vector.shape_cast %get3A_1496 : vector<16xi32> to vector<16xi32>
      %sub3A_1498 = vector.broadcast %mul3A_649 : i32 to vector<16xi32>
      %sub3A_1499 = arith.subi %get3A_1497, %sub3A_1498 : vector<16xi32>
      %ge3A_1500 = arith.constant 0 : i32
      %ge3A_1501 = vector.broadcast %ge3A_1500 : i32 to vector<16xi32>
      %ge3A_1502 = arith.cmpi sge, %sub3A_1499, %ge3A_1501 : vector<16xi32>
      %lt3A_1503 = arith.constant 512 : i32
      %lt3A_1504 = vector.broadcast %lt3A_1503 : i32 to vector<16xi32>
      %lt3A_1505 = arith.cmpi slt, %sub3A_1499, %lt3A_1504 : vector<16xi32>
      %and3A_1506 = arith.andi %ge3A_1502, %lt3A_1505 : vector<16xi1>
      %mul3A_1507 = arith.constant 2048 : i32
      %mul3A_1508 = vector.broadcast %mul3A_1507 : i32 to vector<16xi32>
      %mul3A_1509 = arith.muli %sub3A_1499, %mul3A_1508 : vector<16xi32>
      %get3A_1510 = arith.index_cast %add3A_1484 : i32 to index
      %get3A_1511 = tpu.vector_load %arg5[%get3A_1510] {strides = array<i32>} : memref<8192xi32, #tpu.memory_space<vmem>>, vector<16xi32>,
      %get3A_1512 = vector.shape_cast %get3A_1511 : vector<16xi32> to vector<16xi32>
      %add3A_1513 = arith.addi %mul3A_1509, %get3A_1512 : vector<16xi32>
      %and3A_1514 = arith.constant 1048575 : i32
      %and3A_1515 = vector.broadcast %and3A_1514 : i32 to vector<16xi32>
      %and3A_1516 = arith.andi %add3A_1494, %and3A_1515 : vector<16xi32>
      %select_n3A_1517 = arith.select %and3A_1506, %add3A_1513, %and3A_1516 : vector<16xi1>, vector<16xi32>
      %swap3A_1518 = arith.index_cast %add3A_1484 : i32 to index
      %swap3A_1519 = tpu.vector_load %arg8[%swap3A_1518] {strides = array<i32>} : memref<8192xi32, #tpu.memory_space<vmem>>, vector<16xi32>,
      %swap3A_1520 = vector.shape_cast %swap3A_1519 : vector<16xi32> to vector<16xi32>
      %swap3A_1521 = vector.shape_cast %select_n3A_1517 : vector<16xi32> to vector<16xi32>
      tpu.vector_store %arg8[%swap3A_1518], %swap3A_1521 {strides = array<i32>} : memref<8192xi32, #tpu.memory_space<vmem>>, vector<16xi32>,
      %get3A_1522 = arith.index_cast %add3A_1484 : i32 to index
      %get3A_1523 = tpu.vector_load %arg7[%get3A_1522] {strides = array<i32>} : memref<8192xf32, #tpu.memory_space<vmem>>, vector<16xf32>,
      %get3A_1524 = vector.shape_cast %get3A_1523 : vector<16xf32> to vector<16xf32>
      %jit3A_1525 = arith.constant 0.000000e+00 : f32
      %broadcast_in_dim3A_1526 = vector.broadcast %jit3A_1525 : f32 to vector<16xf32>
      %select_n3A_1527 = arith.select %and3A_1506, %get3A_1524, %broadcast_in_dim3A_1526 : vector<16xi1>, vector<16xf32>
      %swap3A_1528 = arith.index_cast %add3A_1484 : i32 to index
      %swap3A_1529 = tpu.vector_load %arg9[%swap3A_1528] {strides = array<i32>} : memref<8192xf32, #tpu.memory_space<vmem>>, vector<16xf32>,
      %swap3A_1530 = vector.shape_cast %swap3A_1529 : vector<16xf32> to vector<16xf32>
      %swap3A_1531 = vector.shape_cast %select_n3A_1527 : vector<16xf32> to vector<16xf32>
      tpu.vector_store %arg9[%swap3A_1528], %swap3A_1531 {strides = array<i32>} : memref<8192xf32, #tpu.memory_space<vmem>>, vector<16xf32>,
      %mul3A_1532 = arith.constant 128 : i32
      %mul3A_1533 = arith.muli %scan3A_1284, %mul3A_1532 : i32
      %add3A_1534 = arith.constant 80 : i32
      %add3A_1535 = arith.addi %mul3A_1533, %add3A_1534 : i32
      %get3A_1536 = arith.index_cast %add3A_1535 : i32 to index
      %get3A_1537 = tpu.vector_load %arg6[%get3A_1536] {strides = array<i32>} : memref<8192xi32, #tpu.memory_space<vmem>>, vector<16xi32>,
      %get3A_1538 = vector.shape_cast %get3A_1537 : vector<16xi32> to vector<16xi32>
      %mul3A_1539 = arith.constant 2048 : i32
      %mul3A_1540 = vector.broadcast %mul3A_1539 : i32 to vector<16xi32>
      %mul3A_1541 = arith.muli %get3A_1538, %mul3A_1540 : vector<16xi32>
      %get3A_1542 = arith.index_cast %add3A_1535 : i32 to index
      %get3A_1543 = tpu.vector_load %arg5[%get3A_1542] {strides = array<i32>} : memref<8192xi32, #tpu.memory_space<vmem>>, vector<16xi32>,
      %get3A_1544 = vector.shape_cast %get3A_1543 : vector<16xi32> to vector<16xi32>
      %add3A_1545 = arith.addi %mul3A_1541, %get3A_1544 : vector<16xi32>
      %get3A_1546 = arith.index_cast %add3A_1535 : i32 to index
      %get3A_1547 = tpu.vector_load %arg6[%get3A_1546] {strides = array<i32>} : memref<8192xi32, #tpu.memory_space<vmem>>, vector<16xi32>,
      %get3A_1548 = vector.shape_cast %get3A_1547 : vector<16xi32> to vector<16xi32>
      %sub3A_1549 = vector.broadcast %mul3A_649 : i32 to vector<16xi32>
      %sub3A_1550 = arith.subi %get3A_1548, %sub3A_1549 : vector<16xi32>
      %ge3A_1551 = arith.constant 0 : i32
      %ge3A_1552 = vector.broadcast %ge3A_1551 : i32 to vector<16xi32>
      %ge3A_1553 = arith.cmpi sge, %sub3A_1550, %ge3A_1552 : vector<16xi32>
      %lt3A_1554 = arith.constant 512 : i32
      %lt3A_1555 = vector.broadcast %lt3A_1554 : i32 to vector<16xi32>
      %lt3A_1556 = arith.cmpi slt, %sub3A_1550, %lt3A_1555 : vector<16xi32>
      %and3A_1557 = arith.andi %ge3A_1553, %lt3A_1556 : vector<16xi1>
      %mul3A_1558 = arith.constant 2048 : i32
      %mul3A_1559 = vector.broadcast %mul3A_1558 : i32 to vector<16xi32>
      %mul3A_1560 = arith.muli %sub3A_1550, %mul3A_1559 : vector<16xi32>
      %get3A_1561 = arith.index_cast %add3A_1535 : i32 to index
      %get3A_1562 = tpu.vector_load %arg5[%get3A_1561] {strides = array<i32>} : memref<8192xi32, #tpu.memory_space<vmem>>, vector<16xi32>,
      %get3A_1563 = vector.shape_cast %get3A_1562 : vector<16xi32> to vector<16xi32>
      %add3A_1564 = arith.addi %mul3A_1560, %get3A_1563 : vector<16xi32>
      %and3A_1565 = arith.constant 1048575 : i32
      %and3A_1566 = vector.broadcast %and3A_1565 : i32 to vector<16xi32>
      %and3A_1567 = arith.andi %add3A_1545, %and3A_1566 : vector<16xi32>
      %select_n3A_1568 = arith.select %and3A_1557, %add3A_1564, %and3A_1567 : vector<16xi1>, vector<16xi32>
      %swap3A_1569 = arith.index_cast %add3A_1535 : i32 to index
      %swap3A_1570 = tpu.vector_load %arg8[%swap3A_1569] {strides = array<i32>} : memref<8192xi32, #tpu.memory_space<vmem>>, vector<16xi32>,
      %swap3A_1571 = vector.shape_cast %swap3A_1570 : vector<16xi32> to vector<16xi32>
      %swap3A_1572 = vector.shape_cast %select_n3A_1568 : vector<16xi32> to vector<16xi32>
      tpu.vector_store %arg8[%swap3A_1569], %swap3A_1572 {strides = array<i32>} : memref<8192xi32, #tpu.memory_space<vmem>>, vector<16xi32>,
      %get3A_1573 = arith.index_cast %add3A_1535 : i32 to index
      %get3A_1574 = tpu.vector_load %arg7[%get3A_1573] {strides = array<i32>} : memref<8192xf32, #tpu.memory_space<vmem>>, vector<16xf32>,
      %get3A_1575 = vector.shape_cast %get3A_1574 : vector<16xf32> to vector<16xf32>
      %jit3A_1576 = arith.constant 0.000000e+00 : f32
      %broadcast_in_dim3A_1577 = vector.broadcast %jit3A_1576 : f32 to vector<16xf32>
      %select_n3A_1578 = arith.select %and3A_1557, %get3A_1575, %broadcast_in_dim3A_1577 : vector<16xi1>, vector<16xf32>
      %swap3A_1579 = arith.index_cast %add3A_1535 : i32 to index
      %swap3A_1580 = tpu.vector_load %arg9[%swap3A_1579] {strides = array<i32>} : memref<8192xf32, #tpu.memory_space<vmem>>, vector<16xf32>,
      %swap3A_1581 = vector.shape_cast %swap3A_1580 : vector<16xf32> to vector<16xf32>
      %swap3A_1582 = vector.shape_cast %select_n3A_1578 : vector<16xf32> to vector<16xf32>
      tpu.vector_store %arg9[%swap3A_1579], %swap3A_1582 {strides = array<i32>} : memref<8192xf32, #tpu.memory_space<vmem>>, vector<16xf32>,
      %mul3A_1583 = arith.constant 128 : i32
      %mul3A_1584 = arith.muli %scan3A_1284, %mul3A_1583 : i32
      %add3A_1585 = arith.constant 96 : i32
      %add3A_1586 = arith.addi %mul3A_1584, %add3A_1585 : i32
      %get3A_1587 = arith.index_cast %add3A_1586 : i32 to index
      %get3A_1588 = tpu.vector_load %arg6[%get3A_1587] {strides = array<i32>} : memref<8192xi32, #tpu.memory_space<vmem>>, vector<16xi32>,
      %get3A_1589 = vector.shape_cast %get3A_1588 : vector<16xi32> to vector<16xi32>
      %mul3A_1590 = arith.constant 2048 : i32
      %mul3A_1591 = vector.broadcast %mul3A_1590 : i32 to vector<16xi32>
      %mul3A_1592 = arith.muli %get3A_1589, %mul3A_1591 : vector<16xi32>
      %get3A_1593 = arith.index_cast %add3A_1586 : i32 to index
      %get3A_1594 = tpu.vector_load %arg5[%get3A_1593] {strides = array<i32>} : memref<8192xi32, #tpu.memory_space<vmem>>, vector<16xi32>,
      %get3A_1595 = vector.shape_cast %get3A_1594 : vector<16xi32> to vector<16xi32>
      %add3A_1596 = arith.addi %mul3A_1592, %get3A_1595 : vector<16xi32>
      %get3A_1597 = arith.index_cast %add3A_1586 : i32 to index
      %get3A_1598 = tpu.vector_load %arg6[%get3A_1597] {strides = array<i32>} : memref<8192xi32, #tpu.memory_space<vmem>>, vector<16xi32>,
      %get3A_1599 = vector.shape_cast %get3A_1598 : vector<16xi32> to vector<16xi32>
      %sub3A_1600 = vector.broadcast %mul3A_649 : i32 to vector<16xi32>
      %sub3A_1601 = arith.subi %get3A_1599, %sub3A_1600 : vector<16xi32>
      %ge3A_1602 = arith.constant 0 : i32
      %ge3A_1603 = vector.broadcast %ge3A_1602 : i32 to vector<16xi32>
      %ge3A_1604 = arith.cmpi sge, %sub3A_1601, %ge3A_1603 : vector<16xi32>
      %lt3A_1605 = arith.constant 512 : i32
      %lt3A_1606 = vector.broadcast %lt3A_1605 : i32 to vector<16xi32>
      %lt3A_1607 = arith.cmpi slt, %sub3A_1601, %lt3A_1606 : vector<16xi32>
      %and3A_1608 = arith.andi %ge3A_1604, %lt3A_1607 : vector<16xi1>
      %mul3A_1609 = arith.constant 2048 : i32
      %mul3A_1610 = vector.broadcast %mul3A_1609 : i32 to vector<16xi32>
      %mul3A_1611 = arith.muli %sub3A_1601, %mul3A_1610 : vector<16xi32>
      %get3A_1612 = arith.index_cast %add3A_1586 : i32 to index
      %get3A_1613 = tpu.vector_load %arg5[%get3A_1612] {strides = array<i32>} : memref<8192xi32, #tpu.memory_space<vmem>>, vector<16xi32>,
      %get3A_1614 = vector.shape_cast %get3A_1613 : vector<16xi32> to vector<16xi32>
      %add3A_1615 = arith.addi %mul3A_1611, %get3A_1614 : vector<16xi32>
      %and3A_1616 = arith.constant 1048575 : i32
      %and3A_1617 = vector.broadcast %and3A_1616 : i32 to vector<16xi32>
      %and3A_1618 = arith.andi %add3A_1596, %and3A_1617 : vector<16xi32>
      %select_n3A_1619 = arith.select %and3A_1608, %add3A_1615, %and3A_1618 : vector<16xi1>, vector<16xi32>
      %swap3A_1620 = arith.index_cast %add3A_1586 : i32 to index
      %swap3A_1621 = tpu.vector_load %arg8[%swap3A_1620] {strides = array<i32>} : memref<8192xi32, #tpu.memory_space<vmem>>, vector<16xi32>,
      %swap3A_1622 = vector.shape_cast %swap3A_1621 : vector<16xi32> to vector<16xi32>
      %swap3A_1623 = vector.shape_cast %select_n3A_1619 : vector<16xi32> to vector<16xi32>
      tpu.vector_store %arg8[%swap3A_1620], %swap3A_1623 {strides = array<i32>} : memref<8192xi32, #tpu.memory_space<vmem>>, vector<16xi32>,
      %get3A_1624 = arith.index_cast %add3A_1586 : i32 to index
      %get3A_1625 = tpu.vector_load %arg7[%get3A_1624] {strides = array<i32>} : memref<8192xf32, #tpu.memory_space<vmem>>, vector<16xf32>,
      %get3A_1626 = vector.shape_cast %get3A_1625 : vector<16xf32> to vector<16xf32>
      %jit3A_1627 = arith.constant 0.000000e+00 : f32
      %broadcast_in_dim3A_1628 = vector.broadcast %jit3A_1627 : f32 to vector<16xf32>
      %select_n3A_1629 = arith.select %and3A_1608, %get3A_1626, %broadcast_in_dim3A_1628 : vector<16xi1>, vector<16xf32>
      %swap3A_1630 = arith.index_cast %add3A_1586 : i32 to index
      %swap3A_1631 = tpu.vector_load %arg9[%swap3A_1630] {strides = array<i32>} : memref<8192xf32, #tpu.memory_space<vmem>>, vector<16xf32>,
      %swap3A_1632 = vector.shape_cast %swap3A_1631 : vector<16xf32> to vector<16xf32>
      %swap3A_1633 = vector.shape_cast %select_n3A_1629 : vector<16xf32> to vector<16xf32>
      tpu.vector_store %arg9[%swap3A_1630], %swap3A_1633 {strides = array<i32>} : memref<8192xf32, #tpu.memory_space<vmem>>, vector<16xf32>,
      %mul3A_1634 = arith.constant 128 : i32
      %mul3A_1635 = arith.muli %scan3A_1284, %mul3A_1634 : i32
      %add3A_1636 = arith.constant 112 : i32
      %add3A_1637 = arith.addi %mul3A_1635, %add3A_1636 : i32
      %get3A_1638 = arith.index_cast %add3A_1637 : i32 to index
      %get3A_1639 = tpu.vector_load %arg6[%get3A_1638] {strides = array<i32>} : memref<8192xi32, #tpu.memory_space<vmem>>, vector<16xi32>,
      %get3A_1640 = vector.shape_cast %get3A_1639 : vector<16xi32> to vector<16xi32>
      %mul3A_1641 = arith.constant 2048 : i32
      %mul3A_1642 = vector.broadcast %mul3A_1641 : i32 to vector<16xi32>
      %mul3A_1643 = arith.muli %get3A_1640, %mul3A_1642 : vector<16xi32>
      %get3A_1644 = arith.index_cast %add3A_1637 : i32 to index
      %get3A_1645 = tpu.vector_load %arg5[%get3A_1644] {strides = array<i32>} : memref<8192xi32, #tpu.memory_space<vmem>>, vector<16xi32>,
      %get3A_1646 = vector.shape_cast %get3A_1645 : vector<16xi32> to vector<16xi32>
      %add3A_1647 = arith.addi %mul3A_1643, %get3A_1646 : vector<16xi32>
      %get3A_1648 = arith.index_cast %add3A_1637 : i32 to index
      %get3A_1649 = tpu.vector_load %arg6[%get3A_1648] {strides = array<i32>} : memref<8192xi32, #tpu.memory_space<vmem>>, vector<16xi32>,
      %get3A_1650 = vector.shape_cast %get3A_1649 : vector<16xi32> to vector<16xi32>
      %sub3A_1651 = vector.broadcast %mul3A_649 : i32 to vector<16xi32>
      %sub3A_1652 = arith.subi %get3A_1650, %sub3A_1651 : vector<16xi32>
      %ge3A_1653 = arith.constant 0 : i32
      %ge3A_1654 = vector.broadcast %ge3A_1653 : i32 to vector<16xi32>
      %ge3A_1655 = arith.cmpi sge, %sub3A_1652, %ge3A_1654 : vector<16xi32>
      %lt3A_1656 = arith.constant 512 : i32
      %lt3A_1657 = vector.broadcast %lt3A_1656 : i32 to vector<16xi32>
      %lt3A_1658 = arith.cmpi slt, %sub3A_1652, %lt3A_1657 : vector<16xi32>
      %and3A_1659 = arith.andi %ge3A_1655, %lt3A_1658 : vector<16xi1>
      %mul3A_1660 = arith.constant 2048 : i32
      %mul3A_1661 = vector.broadcast %mul3A_1660 : i32 to vector<16xi32>
      %mul3A_1662 = arith.muli %sub3A_1652, %mul3A_1661 : vector<16xi32>
      %get3A_1663 = arith.index_cast %add3A_1637 : i32 to index
      %get3A_1664 = tpu.vector_load %arg5[%get3A_1663] {strides = array<i32>} : memref<8192xi32, #tpu.memory_space<vmem>>, vector<16xi32>,
      %get3A_1665 = vector.shape_cast %get3A_1664 : vector<16xi32> to vector<16xi32>
      %add3A_1666 = arith.addi %mul3A_1662, %get3A_1665 : vector<16xi32>
      %and3A_1667 = arith.constant 1048575 : i32
      %and3A_1668 = vector.broadcast %and3A_1667 : i32 to vector<16xi32>
      %and3A_1669 = arith.andi %add3A_1647, %and3A_1668 : vector<16xi32>
      %select_n3A_1670 = arith.select %and3A_1659, %add3A_1666, %and3A_1669 : vector<16xi1>, vector<16xi32>
      %swap3A_1671 = arith.index_cast %add3A_1637 : i32 to index
      %swap3A_1672 = tpu.vector_load %arg8[%swap3A_1671] {strides = array<i32>} : memref<8192xi32, #tpu.memory_space<vmem>>, vector<16xi32>,
      %swap3A_1673 = vector.shape_cast %swap3A_1672 : vector<16xi32> to vector<16xi32>
      %swap3A_1674 = vector.shape_cast %select_n3A_1670 : vector<16xi32> to vector<16xi32>
      tpu.vector_store %arg8[%swap3A_1671], %swap3A_1674 {strides = array<i32>} : memref<8192xi32, #tpu.memory_space<vmem>>, vector<16xi32>,
      %get3A_1675 = arith.index_cast %add3A_1637 : i32 to index
      %get3A_1676 = tpu.vector_load %arg7[%get3A_1675] {strides = array<i32>} : memref<8192xf32, #tpu.memory_space<vmem>>, vector<16xf32>,
      %get3A_1677 = vector.shape_cast %get3A_1676 : vector<16xf32> to vector<16xf32>
      %jit3A_1678 = arith.constant 0.000000e+00 : f32
      %broadcast_in_dim3A_1679 = vector.broadcast %jit3A_1678 : f32 to vector<16xf32>
      %select_n3A_1680 = arith.select %and3A_1659, %get3A_1677, %broadcast_in_dim3A_1679 : vector<16xi1>, vector<16xf32>
      %swap3A_1681 = arith.index_cast %add3A_1637 : i32 to index
      %swap3A_1682 = tpu.vector_load %arg9[%swap3A_1681] {strides = array<i32>} : memref<8192xf32, #tpu.memory_space<vmem>>, vector<16xf32>,
      %swap3A_1683 = vector.shape_cast %swap3A_1682 : vector<16xf32> to vector<16xf32>
      %swap3A_1684 = vector.shape_cast %select_n3A_1680 : vector<16xf32> to vector<16xf32>
      tpu.vector_store %arg9[%swap3A_1681], %swap3A_1684 {strides = array<i32>} : memref<8192xf32, #tpu.memory_space<vmem>>, vector<16xf32>,
      %scan3A_1685 = arith.constant 0 : i32
      scf.yield %scan3A_1685 : i32
    }
    %scan3A_673 = arith.constant 64 : i32
    "tpu.region"() ({
      %run_scoped3A_1284 = tpu.sem_alloc : memref<!tpu.dma_semaphore, #tpu.memory_space<semaphore_mem>>
      %dma_start3A_1285 = arith.constant 0 : i32
      %dma_start3A_1286 = tpu.memref_slice %arg11[%dma_start3A_1285] : memref<1048576xf32, #tpu.memory_space<vmem_shared>> -> memref<1048576xf32, #tpu.memory_space<vmem_shared>>
      tpu.enqueue_indirect_dma source(%arg9 : memref<8192xf32, #tpu.memory_space<vmem>>) target(%dma_start3A_1286 : memref<1048576xf32, #tpu.memory_space<vmem_shared>>) offsets(%arg8 : memref<8192xi32, #tpu.memory_space<vmem>>) semaphore(%run_scoped3A_1284 : memref<!tpu.dma_semaphore, #tpu.memory_space<semaphore_mem>>) {add = true}
      %dma_wait3A_1287 = arith.constant 0 : i32
      %dma_wait3A_1288 = tpu.memref_slice %arg11[%dma_wait3A_1287] : memref<1048576xf32, #tpu.memory_space<vmem_shared>> -> memref<1048576xf32, #tpu.memory_space<vmem_shared>>
      tpu.wait_indirect_dma semaphore(%run_scoped3A_1284 : memref<!tpu.dma_semaphore, #tpu.memory_space<semaphore_mem>>) src(%arg9 : memref<8192xf32, #tpu.memory_space<vmem>>) dst(%dma_wait3A_1288 : memref<1048576xf32, #tpu.memory_space<vmem_shared>>)
      tpu.yield
    }) : () -> ()
    %barrier3A_674 = arith.constant 0 : index
    tpu.barrier barrier_id(%barrier3A_674)
    %mul3A_675 = arith.constant 32 : i32
    %mul3A_676 = arith.muli %arg1, %mul3A_675 : i32
    %add3A_677 = arith.constant 0 : i32
    %add3A_678 = arith.addi %mul3A_676, %add3A_677 : i32
    %mul3A_679 = arith.constant 2048 : i32
    %mul3A_680 = arith.muli %add3A_678, %mul3A_679 : i32
    %mul3A_681 = arith.constant 32 : i32
    %mul3A_682 = arith.muli %arg1, %mul3A_681 : i32
    %add3A_683 = arith.addi %mul3A_649, %mul3A_682 : i32
    %add3A_684 = arith.constant 0 : i32
    %add3A_685 = arith.addi %add3A_683, %add3A_684 : i32
    %dma_start3A_686 = arith.constant 0 : i32
    %dma_start3A_687 = tpu.memref_slice %arg4[%add3A_685, %dma_start3A_686] : memref<2048x2048xf32, #tpu.memory_space<hbm>> -> memref<1x2048xf32, #tpu.memory_space<hbm>>
    %dma_start3A_688 = tpu.memref_squeeze %dma_start3A_687 : memref<1x2048xf32, #tpu.memory_space<hbm>> -> memref<2048xf32, #tpu.memory_space<hbm>>
    %dma_start3A_689 = tpu.memref_slice %arg11[%mul3A_680] : memref<1048576xf32, #tpu.memory_space<vmem_shared>> -> memref<2048xf32, #tpu.memory_space<vmem_shared>>
    tpu.enqueue_dma source(%dma_start3A_689 : memref<2048xf32, #tpu.memory_space<vmem_shared>>) target(%dma_start3A_688 : memref<2048xf32, #tpu.memory_space<hbm>>) target_semaphore(%arg12 : memref<!tpu.dma_semaphore, #tpu.memory_space<semaphore_mem>>)
    %mul3A_690 = arith.constant 32 : i32
    %mul3A_691 = arith.muli %arg1, %mul3A_690 : i32
    %add3A_692 = arith.constant 1 : i32
    %add3A_693 = arith.addi %mul3A_691, %add3A_692 : i32
    %mul3A_694 = arith.constant 2048 : i32
    %mul3A_695 = arith.muli %add3A_693, %mul3A_694 : i32
    %mul3A_696 = arith.constant 32 : i32
    %mul3A_697 = arith.muli %arg1, %mul3A_696 : i32
    %add3A_698 = arith.addi %mul3A_649, %mul3A_697 : i32
    %add3A_699 = arith.constant 1 : i32
    %add3A_700 = arith.addi %add3A_698, %add3A_699 : i32
    %dma_start3A_701 = arith.constant 0 : i32
    %dma_start3A_702 = tpu.memref_slice %arg4[%add3A_700, %dma_start3A_701] : memref<2048x2048xf32, #tpu.memory_space<hbm>> -> memref<1x2048xf32, #tpu.memory_space<hbm>>
    %dma_start3A_703 = tpu.memref_squeeze %dma_start3A_702 : memref<1x2048xf32, #tpu.memory_space<hbm>> -> memref<2048xf32, #tpu.memory_space<hbm>>
    %dma_start3A_704 = tpu.memref_slice %arg11[%mul3A_695] : memref<1048576xf32, #tpu.memory_space<vmem_shared>> -> memref<2048xf32, #tpu.memory_space<vmem_shared>>
    tpu.enqueue_dma source(%dma_start3A_704 : memref<2048xf32, #tpu.memory_space<vmem_shared>>) target(%dma_start3A_703 : memref<2048xf32, #tpu.memory_space<hbm>>) target_semaphore(%arg12 : memref<!tpu.dma_semaphore, #tpu.memory_space<semaphore_mem>>)
    %mul3A_705 = arith.constant 32 : i32
    %mul3A_706 = arith.muli %arg1, %mul3A_705 : i32
    %add3A_707 = arith.constant 2 : i32
    %add3A_708 = arith.addi %mul3A_706, %add3A_707 : i32
    %mul3A_709 = arith.constant 2048 : i32
    %mul3A_710 = arith.muli %add3A_708, %mul3A_709 : i32
    %mul3A_711 = arith.constant 32 : i32
    %mul3A_712 = arith.muli %arg1, %mul3A_711 : i32
    %add3A_713 = arith.addi %mul3A_649, %mul3A_712 : i32
    %add3A_714 = arith.constant 2 : i32
    %add3A_715 = arith.addi %add3A_713, %add3A_714 : i32
    %dma_start3A_716 = arith.constant 0 : i32
    %dma_start3A_717 = tpu.memref_slice %arg4[%add3A_715, %dma_start3A_716] : memref<2048x2048xf32, #tpu.memory_space<hbm>> -> memref<1x2048xf32, #tpu.memory_space<hbm>>
    %dma_start3A_718 = tpu.memref_squeeze %dma_start3A_717 : memref<1x2048xf32, #tpu.memory_space<hbm>> -> memref<2048xf32, #tpu.memory_space<hbm>>
    %dma_start3A_719 = tpu.memref_slice %arg11[%mul3A_710] : memref<1048576xf32, #tpu.memory_space<vmem_shared>> -> memref<2048xf32, #tpu.memory_space<vmem_shared>>
    tpu.enqueue_dma source(%dma_start3A_719 : memref<2048xf32, #tpu.memory_space<vmem_shared>>) target(%dma_start3A_718 : memref<2048xf32, #tpu.memory_space<hbm>>) target_semaphore(%arg12 : memref<!tpu.dma_semaphore, #tpu.memory_space<semaphore_mem>>)
    %mul3A_720 = arith.constant 32 : i32
    %mul3A_721 = arith.muli %arg1, %mul3A_720 : i32
    %add3A_722 = arith.constant 3 : i32
    %add3A_723 = arith.addi %mul3A_721, %add3A_722 : i32
    %mul3A_724 = arith.constant 2048 : i32
    %mul3A_725 = arith.muli %add3A_723, %mul3A_724 : i32
    %mul3A_726 = arith.constant 32 : i32
    %mul3A_727 = arith.muli %arg1, %mul3A_726 : i32
    %add3A_728 = arith.addi %mul3A_649, %mul3A_727 : i32
    %add3A_729 = arith.constant 3 : i32
    %add3A_730 = arith.addi %add3A_728, %add3A_729 : i32
    %dma_start3A_731 = arith.constant 0 : i32
    %dma_start3A_732 = tpu.memref_slice %arg4[%add3A_730, %dma_start3A_731] : memref<2048x2048xf32, #tpu.memory_space<hbm>> -> memref<1x2048xf32, #tpu.memory_space<hbm>>
    %dma_start3A_733 = tpu.memref_squeeze %dma_start3A_732 : memref<1x2048xf32, #tpu.memory_space<hbm>> -> memref<2048xf32, #tpu.memory_space<hbm>>
    %dma_start3A_734 = tpu.memref_slice %arg11[%mul3A_725] : memref<1048576xf32, #tpu.memory_space<vmem_shared>> -> memref<2048xf32, #tpu.memory_space<vmem_shared>>
    tpu.enqueue_dma source(%dma_start3A_734 : memref<2048xf32, #tpu.memory_space<vmem_shared>>) target(%dma_start3A_733 : memref<2048xf32, #tpu.memory_space<hbm>>) target_semaphore(%arg12 : memref<!tpu.dma_semaphore, #tpu.memory_space<semaphore_mem>>)
    %mul3A_735 = arith.constant 32 : i32
    %mul3A_736 = arith.muli %arg1, %mul3A_735 : i32
    %add3A_737 = arith.constant 4 : i32
    %add3A_738 = arith.addi %mul3A_736, %add3A_737 : i32
    %mul3A_739 = arith.constant 2048 : i32
    %mul3A_740 = arith.muli %add3A_738, %mul3A_739 : i32
    %mul3A_741 = arith.constant 32 : i32
    %mul3A_742 = arith.muli %arg1, %mul3A_741 : i32
    %add3A_743 = arith.addi %mul3A_649, %mul3A_742 : i32
    %add3A_744 = arith.constant 4 : i32
    %add3A_745 = arith.addi %add3A_743, %add3A_744 : i32
    %dma_start3A_746 = arith.constant 0 : i32
    %dma_start3A_747 = tpu.memref_slice %arg4[%add3A_745, %dma_start3A_746] : memref<2048x2048xf32, #tpu.memory_space<hbm>> -> memref<1x2048xf32, #tpu.memory_space<hbm>>
    %dma_start3A_748 = tpu.memref_squeeze %dma_start3A_747 : memref<1x2048xf32, #tpu.memory_space<hbm>> -> memref<2048xf32, #tpu.memory_space<hbm>>
    %dma_start3A_749 = tpu.memref_slice %arg11[%mul3A_740] : memref<1048576xf32, #tpu.memory_space<vmem_shared>> -> memref<2048xf32, #tpu.memory_space<vmem_shared>>
    tpu.enqueue_dma source(%dma_start3A_749 : memref<2048xf32, #tpu.memory_space<vmem_shared>>) target(%dma_start3A_748 : memref<2048xf32, #tpu.memory_space<hbm>>) target_semaphore(%arg12 : memref<!tpu.dma_semaphore, #tpu.memory_space<semaphore_mem>>)
    %mul3A_750 = arith.constant 32 : i32
    %mul3A_751 = arith.muli %arg1, %mul3A_750 : i32
    %add3A_752 = arith.constant 5 : i32
    %add3A_753 = arith.addi %mul3A_751, %add3A_752 : i32
    %mul3A_754 = arith.constant 2048 : i32
    %mul3A_755 = arith.muli %add3A_753, %mul3A_754 : i32
    %mul3A_756 = arith.constant 32 : i32
    %mul3A_757 = arith.muli %arg1, %mul3A_756 : i32
    %add3A_758 = arith.addi %mul3A_649, %mul3A_757 : i32
    %add3A_759 = arith.constant 5 : i32
    %add3A_760 = arith.addi %add3A_758, %add3A_759 : i32
    %dma_start3A_761 = arith.constant 0 : i32
    %dma_start3A_762 = tpu.memref_slice %arg4[%add3A_760, %dma_start3A_761] : memref<2048x2048xf32, #tpu.memory_space<hbm>> -> memref<1x2048xf32, #tpu.memory_space<hbm>>
    %dma_start3A_763 = tpu.memref_squeeze %dma_start3A_762 : memref<1x2048xf32, #tpu.memory_space<hbm>> -> memref<2048xf32, #tpu.memory_space<hbm>>
    %dma_start3A_764 = tpu.memref_slice %arg11[%mul3A_755] : memref<1048576xf32, #tpu.memory_space<vmem_shared>> -> memref<2048xf32, #tpu.memory_space<vmem_shared>>
    tpu.enqueue_dma source(%dma_start3A_764 : memref<2048xf32, #tpu.memory_space<vmem_shared>>) target(%dma_start3A_763 : memref<2048xf32, #tpu.memory_space<hbm>>) target_semaphore(%arg12 : memref<!tpu.dma_semaphore, #tpu.memory_space<semaphore_mem>>)
    %mul3A_765 = arith.constant 32 : i32
    %mul3A_766 = arith.muli %arg1, %mul3A_765 : i32
    %add3A_767 = arith.constant 6 : i32
    %add3A_768 = arith.addi %mul3A_766, %add3A_767 : i32
    %mul3A_769 = arith.constant 2048 : i32
    %mul3A_770 = arith.muli %add3A_768, %mul3A_769 : i32
    %mul3A_771 = arith.constant 32 : i32
    %mul3A_772 = arith.muli %arg1, %mul3A_771 : i32
    %add3A_773 = arith.addi %mul3A_649, %mul3A_772 : i32
    %add3A_774 = arith.constant 6 : i32
    %add3A_775 = arith.addi %add3A_773, %add3A_774 : i32
    %dma_start3A_776 = arith.constant 0 : i32
    %dma_start3A_777 = tpu.memref_slice %arg4[%add3A_775, %dma_start3A_776] : memref<2048x2048xf32, #tpu.memory_space<hbm>> -> memref<1x2048xf32, #tpu.memory_space<hbm>>
    %dma_start3A_778 = tpu.memref_squeeze %dma_start3A_777 : memref<1x2048xf32, #tpu.memory_space<hbm>> -> memref<2048xf32, #tpu.memory_space<hbm>>
    %dma_start3A_779 = tpu.memref_slice %arg11[%mul3A_770] : memref<1048576xf32, #tpu.memory_space<vmem_shared>> -> memref<2048xf32, #tpu.memory_space<vmem_shared>>
    tpu.enqueue_dma source(%dma_start3A_779 : memref<2048xf32, #tpu.memory_space<vmem_shared>>) target(%dma_start3A_778 : memref<2048xf32, #tpu.memory_space<hbm>>) target_semaphore(%arg12 : memref<!tpu.dma_semaphore, #tpu.memory_space<semaphore_mem>>)
    %mul3A_780 = arith.constant 32 : i32
    %mul3A_781 = arith.muli %arg1, %mul3A_780 : i32
    %add3A_782 = arith.constant 7 : i32
    %add3A_783 = arith.addi %mul3A_781, %add3A_782 : i32
    %mul3A_784 = arith.constant 2048 : i32
    %mul3A_785 = arith.muli %add3A_783, %mul3A_784 : i32
    %mul3A_786 = arith.constant 32 : i32
    %mul3A_787 = arith.muli %arg1, %mul3A_786 : i32
    %add3A_788 = arith.addi %mul3A_649, %mul3A_787 : i32
    %add3A_789 = arith.constant 7 : i32
    %add3A_790 = arith.addi %add3A_788, %add3A_789 : i32
    %dma_start3A_791 = arith.constant 0 : i32
    %dma_start3A_792 = tpu.memref_slice %arg4[%add3A_790, %dma_start3A_791] : memref<2048x2048xf32, #tpu.memory_space<hbm>> -> memref<1x2048xf32, #tpu.memory_space<hbm>>
    %dma_start3A_793 = tpu.memref_squeeze %dma_start3A_792 : memref<1x2048xf32, #tpu.memory_space<hbm>> -> memref<2048xf32, #tpu.memory_space<hbm>>
    %dma_start3A_794 = tpu.memref_slice %arg11[%mul3A_785] : memref<1048576xf32, #tpu.memory_space<vmem_shared>> -> memref<2048xf32, #tpu.memory_space<vmem_shared>>
    tpu.enqueue_dma source(%dma_start3A_794 : memref<2048xf32, #tpu.memory_space<vmem_shared>>) target(%dma_start3A_793 : memref<2048xf32, #tpu.memory_space<hbm>>) target_semaphore(%arg12 : memref<!tpu.dma_semaphore, #tpu.memory_space<semaphore_mem>>)
    %mul3A_795 = arith.constant 32 : i32
    %mul3A_796 = arith.muli %arg1, %mul3A_795 : i32
    %add3A_797 = arith.constant 8 : i32
    %add3A_798 = arith.addi %mul3A_796, %add3A_797 : i32
    %mul3A_799 = arith.constant 2048 : i32
    %mul3A_800 = arith.muli %add3A_798, %mul3A_799 : i32
    %mul3A_801 = arith.constant 32 : i32
    %mul3A_802 = arith.muli %arg1, %mul3A_801 : i32
    %add3A_803 = arith.addi %mul3A_649, %mul3A_802 : i32
    %add3A_804 = arith.constant 8 : i32
    %add3A_805 = arith.addi %add3A_803, %add3A_804 : i32
    %dma_start3A_806 = arith.constant 0 : i32
    %dma_start3A_807 = tpu.memref_slice %arg4[%add3A_805, %dma_start3A_806] : memref<2048x2048xf32, #tpu.memory_space<hbm>> -> memref<1x2048xf32, #tpu.memory_space<hbm>>
    %dma_start3A_808 = tpu.memref_squeeze %dma_start3A_807 : memref<1x2048xf32, #tpu.memory_space<hbm>> -> memref<2048xf32, #tpu.memory_space<hbm>>
    %dma_start3A_809 = tpu.memref_slice %arg11[%mul3A_800] : memref<1048576xf32, #tpu.memory_space<vmem_shared>> -> memref<2048xf32, #tpu.memory_space<vmem_shared>>
    tpu.enqueue_dma source(%dma_start3A_809 : memref<2048xf32, #tpu.memory_space<vmem_shared>>) target(%dma_start3A_808 : memref<2048xf32, #tpu.memory_space<hbm>>) target_semaphore(%arg12 : memref<!tpu.dma_semaphore, #tpu.memory_space<semaphore_mem>>)
    %mul3A_810 = arith.constant 32 : i32
    %mul3A_811 = arith.muli %arg1, %mul3A_810 : i32
    %add3A_812 = arith.constant 9 : i32
    %add3A_813 = arith.addi %mul3A_811, %add3A_812 : i32
    %mul3A_814 = arith.constant 2048 : i32
    %mul3A_815 = arith.muli %add3A_813, %mul3A_814 : i32
    %mul3A_816 = arith.constant 32 : i32
    %mul3A_817 = arith.muli %arg1, %mul3A_816 : i32
    %add3A_818 = arith.addi %mul3A_649, %mul3A_817 : i32
    %add3A_819 = arith.constant 9 : i32
    %add3A_820 = arith.addi %add3A_818, %add3A_819 : i32
    %dma_start3A_821 = arith.constant 0 : i32
    %dma_start3A_822 = tpu.memref_slice %arg4[%add3A_820, %dma_start3A_821] : memref<2048x2048xf32, #tpu.memory_space<hbm>> -> memref<1x2048xf32, #tpu.memory_space<hbm>>
    %dma_start3A_823 = tpu.memref_squeeze %dma_start3A_822 : memref<1x2048xf32, #tpu.memory_space<hbm>> -> memref<2048xf32, #tpu.memory_space<hbm>>
    %dma_start3A_824 = tpu.memref_slice %arg11[%mul3A_815] : memref<1048576xf32, #tpu.memory_space<vmem_shared>> -> memref<2048xf32, #tpu.memory_space<vmem_shared>>
    tpu.enqueue_dma source(%dma_start3A_824 : memref<2048xf32, #tpu.memory_space<vmem_shared>>) target(%dma_start3A_823 : memref<2048xf32, #tpu.memory_space<hbm>>) target_semaphore(%arg12 : memref<!tpu.dma_semaphore, #tpu.memory_space<semaphore_mem>>)
    %mul3A_825 = arith.constant 32 : i32
    %mul3A_826 = arith.muli %arg1, %mul3A_825 : i32
    %add3A_827 = arith.constant 10 : i32
    %add3A_828 = arith.addi %mul3A_826, %add3A_827 : i32
    %mul3A_829 = arith.constant 2048 : i32
    %mul3A_830 = arith.muli %add3A_828, %mul3A_829 : i32
    %mul3A_831 = arith.constant 32 : i32
    %mul3A_832 = arith.muli %arg1, %mul3A_831 : i32
    %add3A_833 = arith.addi %mul3A_649, %mul3A_832 : i32
    %add3A_834 = arith.constant 10 : i32
    %add3A_835 = arith.addi %add3A_833, %add3A_834 : i32
    %dma_start3A_836 = arith.constant 0 : i32
    %dma_start3A_837 = tpu.memref_slice %arg4[%add3A_835, %dma_start3A_836] : memref<2048x2048xf32, #tpu.memory_space<hbm>> -> memref<1x2048xf32, #tpu.memory_space<hbm>>
    %dma_start3A_838 = tpu.memref_squeeze %dma_start3A_837 : memref<1x2048xf32, #tpu.memory_space<hbm>> -> memref<2048xf32, #tpu.memory_space<hbm>>
    %dma_start3A_839 = tpu.memref_slice %arg11[%mul3A_830] : memref<1048576xf32, #tpu.memory_space<vmem_shared>> -> memref<2048xf32, #tpu.memory_space<vmem_shared>>
    tpu.enqueue_dma source(%dma_start3A_839 : memref<2048xf32, #tpu.memory_space<vmem_shared>>) target(%dma_start3A_838 : memref<2048xf32, #tpu.memory_space<hbm>>) target_semaphore(%arg12 : memref<!tpu.dma_semaphore, #tpu.memory_space<semaphore_mem>>)
    %mul3A_840 = arith.constant 32 : i32
    %mul3A_841 = arith.muli %arg1, %mul3A_840 : i32
    %add3A_842 = arith.constant 11 : i32
    %add3A_843 = arith.addi %mul3A_841, %add3A_842 : i32
    %mul3A_844 = arith.constant 2048 : i32
    %mul3A_845 = arith.muli %add3A_843, %mul3A_844 : i32
    %mul3A_846 = arith.constant 32 : i32
    %mul3A_847 = arith.muli %arg1, %mul3A_846 : i32
    %add3A_848 = arith.addi %mul3A_649, %mul3A_847 : i32
    %add3A_849 = arith.constant 11 : i32
    %add3A_850 = arith.addi %add3A_848, %add3A_849 : i32
    %dma_start3A_851 = arith.constant 0 : i32
    %dma_start3A_852 = tpu.memref_slice %arg4[%add3A_850, %dma_start3A_851] : memref<2048x2048xf32, #tpu.memory_space<hbm>> -> memref<1x2048xf32, #tpu.memory_space<hbm>>
    %dma_start3A_853 = tpu.memref_squeeze %dma_start3A_852 : memref<1x2048xf32, #tpu.memory_space<hbm>> -> memref<2048xf32, #tpu.memory_space<hbm>>
    %dma_start3A_854 = tpu.memref_slice %arg11[%mul3A_845] : memref<1048576xf32, #tpu.memory_space<vmem_shared>> -> memref<2048xf32, #tpu.memory_space<vmem_shared>>
    tpu.enqueue_dma source(%dma_start3A_854 : memref<2048xf32, #tpu.memory_space<vmem_shared>>) target(%dma_start3A_853 : memref<2048xf32, #tpu.memory_space<hbm>>) target_semaphore(%arg12 : memref<!tpu.dma_semaphore, #tpu.memory_space<semaphore_mem>>)
    %mul3A_855 = arith.constant 32 : i32
    %mul3A_856 = arith.muli %arg1, %mul3A_855 : i32
    %add3A_857 = arith.constant 12 : i32
    %add3A_858 = arith.addi %mul3A_856, %add3A_857 : i32
    %mul3A_859 = arith.constant 2048 : i32
    %mul3A_860 = arith.muli %add3A_858, %mul3A_859 : i32
    %mul3A_861 = arith.constant 32 : i32
    %mul3A_862 = arith.muli %arg1, %mul3A_861 : i32
    %add3A_863 = arith.addi %mul3A_649, %mul3A_862 : i32
    %add3A_864 = arith.constant 12 : i32
    %add3A_865 = arith.addi %add3A_863, %add3A_864 : i32
    %dma_start3A_866 = arith.constant 0 : i32
    %dma_start3A_867 = tpu.memref_slice %arg4[%add3A_865, %dma_start3A_866] : memref<2048x2048xf32, #tpu.memory_space<hbm>> -> memref<1x2048xf32, #tpu.memory_space<hbm>>
    %dma_start3A_868 = tpu.memref_squeeze %dma_start3A_867 : memref<1x2048xf32, #tpu.memory_space<hbm>> -> memref<2048xf32, #tpu.memory_space<hbm>>
    %dma_start3A_869 = tpu.memref_slice %arg11[%mul3A_860] : memref<1048576xf32, #tpu.memory_space<vmem_shared>> -> memref<2048xf32, #tpu.memory_space<vmem_shared>>
    tpu.enqueue_dma source(%dma_start3A_869 : memref<2048xf32, #tpu.memory_space<vmem_shared>>) target(%dma_start3A_868 : memref<2048xf32, #tpu.memory_space<hbm>>) target_semaphore(%arg12 : memref<!tpu.dma_semaphore, #tpu.memory_space<semaphore_mem>>)
    %mul3A_870 = arith.constant 32 : i32
    %mul3A_871 = arith.muli %arg1, %mul3A_870 : i32
    %add3A_872 = arith.constant 13 : i32
    %add3A_873 = arith.addi %mul3A_871, %add3A_872 : i32
    %mul3A_874 = arith.constant 2048 : i32
    %mul3A_875 = arith.muli %add3A_873, %mul3A_874 : i32
    %mul3A_876 = arith.constant 32 : i32
    %mul3A_877 = arith.muli %arg1, %mul3A_876 : i32
    %add3A_878 = arith.addi %mul3A_649, %mul3A_877 : i32
    %add3A_879 = arith.constant 13 : i32
    %add3A_880 = arith.addi %add3A_878, %add3A_879 : i32
    %dma_start3A_881 = arith.constant 0 : i32
    %dma_start3A_882 = tpu.memref_slice %arg4[%add3A_880, %dma_start3A_881] : memref<2048x2048xf32, #tpu.memory_space<hbm>> -> memref<1x2048xf32, #tpu.memory_space<hbm>>
    %dma_start3A_883 = tpu.memref_squeeze %dma_start3A_882 : memref<1x2048xf32, #tpu.memory_space<hbm>> -> memref<2048xf32, #tpu.memory_space<hbm>>
    %dma_start3A_884 = tpu.memref_slice %arg11[%mul3A_875] : memref<1048576xf32, #tpu.memory_space<vmem_shared>> -> memref<2048xf32, #tpu.memory_space<vmem_shared>>
    tpu.enqueue_dma source(%dma_start3A_884 : memref<2048xf32, #tpu.memory_space<vmem_shared>>) target(%dma_start3A_883 : memref<2048xf32, #tpu.memory_space<hbm>>) target_semaphore(%arg12 : memref<!tpu.dma_semaphore, #tpu.memory_space<semaphore_mem>>)
    %mul3A_885 = arith.constant 32 : i32
    %mul3A_886 = arith.muli %arg1, %mul3A_885 : i32
    %add3A_887 = arith.constant 14 : i32
    %add3A_888 = arith.addi %mul3A_886, %add3A_887 : i32
    %mul3A_889 = arith.constant 2048 : i32
    %mul3A_890 = arith.muli %add3A_888, %mul3A_889 : i32
    %mul3A_891 = arith.constant 32 : i32
    %mul3A_892 = arith.muli %arg1, %mul3A_891 : i32
    %add3A_893 = arith.addi %mul3A_649, %mul3A_892 : i32
    %add3A_894 = arith.constant 14 : i32
    %add3A_895 = arith.addi %add3A_893, %add3A_894 : i32
    %dma_start3A_896 = arith.constant 0 : i32
    %dma_start3A_897 = tpu.memref_slice %arg4[%add3A_895, %dma_start3A_896] : memref<2048x2048xf32, #tpu.memory_space<hbm>> -> memref<1x2048xf32, #tpu.memory_space<hbm>>
    %dma_start3A_898 = tpu.memref_squeeze %dma_start3A_897 : memref<1x2048xf32, #tpu.memory_space<hbm>> -> memref<2048xf32, #tpu.memory_space<hbm>>
    %dma_start3A_899 = tpu.memref_slice %arg11[%mul3A_890] : memref<1048576xf32, #tpu.memory_space<vmem_shared>> -> memref<2048xf32, #tpu.memory_space<vmem_shared>>
    tpu.enqueue_dma source(%dma_start3A_899 : memref<2048xf32, #tpu.memory_space<vmem_shared>>) target(%dma_start3A_898 : memref<2048xf32, #tpu.memory_space<hbm>>) target_semaphore(%arg12 : memref<!tpu.dma_semaphore, #tpu.memory_space<semaphore_mem>>)
    %mul3A_900 = arith.constant 32 : i32
    %mul3A_901 = arith.muli %arg1, %mul3A_900 : i32
    %add3A_902 = arith.constant 15 : i32
    %add3A_903 = arith.addi %mul3A_901, %add3A_902 : i32
    %mul3A_904 = arith.constant 2048 : i32
    %mul3A_905 = arith.muli %add3A_903, %mul3A_904 : i32
    %mul3A_906 = arith.constant 32 : i32
    %mul3A_907 = arith.muli %arg1, %mul3A_906 : i32
    %add3A_908 = arith.addi %mul3A_649, %mul3A_907 : i32
    %add3A_909 = arith.constant 15 : i32
    %add3A_910 = arith.addi %add3A_908, %add3A_909 : i32
    %dma_start3A_911 = arith.constant 0 : i32
    %dma_start3A_912 = tpu.memref_slice %arg4[%add3A_910, %dma_start3A_911] : memref<2048x2048xf32, #tpu.memory_space<hbm>> -> memref<1x2048xf32, #tpu.memory_space<hbm>>
    %dma_start3A_913 = tpu.memref_squeeze %dma_start3A_912 : memref<1x2048xf32, #tpu.memory_space<hbm>> -> memref<2048xf32, #tpu.memory_space<hbm>>
    %dma_start3A_914 = tpu.memref_slice %arg11[%mul3A_905] : memref<1048576xf32, #tpu.memory_space<vmem_shared>> -> memref<2048xf32, #tpu.memory_space<vmem_shared>>
    tpu.enqueue_dma source(%dma_start3A_914 : memref<2048xf32, #tpu.memory_space<vmem_shared>>) target(%dma_start3A_913 : memref<2048xf32, #tpu.memory_space<hbm>>) target_semaphore(%arg12 : memref<!tpu.dma_semaphore, #tpu.memory_space<semaphore_mem>>)
    %mul3A_915 = arith.constant 32 : i32
    %mul3A_916 = arith.muli %arg1, %mul3A_915 : i32
    %add3A_917 = arith.constant 16 : i32
    %add3A_918 = arith.addi %mul3A_916, %add3A_917 : i32
    %mul3A_919 = arith.constant 2048 : i32
    %mul3A_920 = arith.muli %add3A_918, %mul3A_919 : i32
    %mul3A_921 = arith.constant 32 : i32
    %mul3A_922 = arith.muli %arg1, %mul3A_921 : i32
    %add3A_923 = arith.addi %mul3A_649, %mul3A_922 : i32
    %add3A_924 = arith.constant 16 : i32
    %add3A_925 = arith.addi %add3A_923, %add3A_924 : i32
    %dma_start3A_926 = arith.constant 0 : i32
    %dma_start3A_927 = tpu.memref_slice %arg4[%add3A_925, %dma_start3A_926] : memref<2048x2048xf32, #tpu.memory_space<hbm>> -> memref<1x2048xf32, #tpu.memory_space<hbm>>
    %dma_start3A_928 = tpu.memref_squeeze %dma_start3A_927 : memref<1x2048xf32, #tpu.memory_space<hbm>> -> memref<2048xf32, #tpu.memory_space<hbm>>
    %dma_start3A_929 = tpu.memref_slice %arg11[%mul3A_920] : memref<1048576xf32, #tpu.memory_space<vmem_shared>> -> memref<2048xf32, #tpu.memory_space<vmem_shared>>
    tpu.enqueue_dma source(%dma_start3A_929 : memref<2048xf32, #tpu.memory_space<vmem_shared>>) target(%dma_start3A_928 : memref<2048xf32, #tpu.memory_space<hbm>>) target_semaphore(%arg12 : memref<!tpu.dma_semaphore, #tpu.memory_space<semaphore_mem>>)
    %mul3A_930 = arith.constant 32 : i32
    %mul3A_931 = arith.muli %arg1, %mul3A_930 : i32
    %add3A_932 = arith.constant 17 : i32
    %add3A_933 = arith.addi %mul3A_931, %add3A_932 : i32
    %mul3A_934 = arith.constant 2048 : i32
    %mul3A_935 = arith.muli %add3A_933, %mul3A_934 : i32
    %mul3A_936 = arith.constant 32 : i32
    %mul3A_937 = arith.muli %arg1, %mul3A_936 : i32
    %add3A_938 = arith.addi %mul3A_649, %mul3A_937 : i32
    %add3A_939 = arith.constant 17 : i32
    %add3A_940 = arith.addi %add3A_938, %add3A_939 : i32
    %dma_start3A_941 = arith.constant 0 : i32
    %dma_start3A_942 = tpu.memref_slice %arg4[%add3A_940, %dma_start3A_941] : memref<2048x2048xf32, #tpu.memory_space<hbm>> -> memref<1x2048xf32, #tpu.memory_space<hbm>>
    %dma_start3A_943 = tpu.memref_squeeze %dma_start3A_942 : memref<1x2048xf32, #tpu.memory_space<hbm>> -> memref<2048xf32, #tpu.memory_space<hbm>>
    %dma_start3A_944 = tpu.memref_slice %arg11[%mul3A_935] : memref<1048576xf32, #tpu.memory_space<vmem_shared>> -> memref<2048xf32, #tpu.memory_space<vmem_shared>>
    tpu.enqueue_dma source(%dma_start3A_944 : memref<2048xf32, #tpu.memory_space<vmem_shared>>) target(%dma_start3A_943 : memref<2048xf32, #tpu.memory_space<hbm>>) target_semaphore(%arg12 : memref<!tpu.dma_semaphore, #tpu.memory_space<semaphore_mem>>)
    %mul3A_945 = arith.constant 32 : i32
    %mul3A_946 = arith.muli %arg1, %mul3A_945 : i32
    %add3A_947 = arith.constant 18 : i32
    %add3A_948 = arith.addi %mul3A_946, %add3A_947 : i32
    %mul3A_949 = arith.constant 2048 : i32
    %mul3A_950 = arith.muli %add3A_948, %mul3A_949 : i32
    %mul3A_951 = arith.constant 32 : i32
    %mul3A_952 = arith.muli %arg1, %mul3A_951 : i32
    %add3A_953 = arith.addi %mul3A_649, %mul3A_952 : i32
    %add3A_954 = arith.constant 18 : i32
    %add3A_955 = arith.addi %add3A_953, %add3A_954 : i32
    %dma_start3A_956 = arith.constant 0 : i32
    %dma_start3A_957 = tpu.memref_slice %arg4[%add3A_955, %dma_start3A_956] : memref<2048x2048xf32, #tpu.memory_space<hbm>> -> memref<1x2048xf32, #tpu.memory_space<hbm>>
    %dma_start3A_958 = tpu.memref_squeeze %dma_start3A_957 : memref<1x2048xf32, #tpu.memory_space<hbm>> -> memref<2048xf32, #tpu.memory_space<hbm>>
    %dma_start3A_959 = tpu.memref_slice %arg11[%mul3A_950] : memref<1048576xf32, #tpu.memory_space<vmem_shared>> -> memref<2048xf32, #tpu.memory_space<vmem_shared>>
    tpu.enqueue_dma source(%dma_start3A_959 : memref<2048xf32, #tpu.memory_space<vmem_shared>>) target(%dma_start3A_958 : memref<2048xf32, #tpu.memory_space<hbm>>) target_semaphore(%arg12 : memref<!tpu.dma_semaphore, #tpu.memory_space<semaphore_mem>>)
    %mul3A_960 = arith.constant 32 : i32
    %mul3A_961 = arith.muli %arg1, %mul3A_960 : i32
    %add3A_962 = arith.constant 19 : i32
    %add3A_963 = arith.addi %mul3A_961, %add3A_962 : i32
    %mul3A_964 = arith.constant 2048 : i32
    %mul3A_965 = arith.muli %add3A_963, %mul3A_964 : i32
    %mul3A_966 = arith.constant 32 : i32
    %mul3A_967 = arith.muli %arg1, %mul3A_966 : i32
    %add3A_968 = arith.addi %mul3A_649, %mul3A_967 : i32
    %add3A_969 = arith.constant 19 : i32
    %add3A_970 = arith.addi %add3A_968, %add3A_969 : i32
    %dma_start3A_971 = arith.constant 0 : i32
    %dma_start3A_972 = tpu.memref_slice %arg4[%add3A_970, %dma_start3A_971] : memref<2048x2048xf32, #tpu.memory_space<hbm>> -> memref<1x2048xf32, #tpu.memory_space<hbm>>
    %dma_start3A_973 = tpu.memref_squeeze %dma_start3A_972 : memref<1x2048xf32, #tpu.memory_space<hbm>> -> memref<2048xf32, #tpu.memory_space<hbm>>
    %dma_start3A_974 = tpu.memref_slice %arg11[%mul3A_965] : memref<1048576xf32, #tpu.memory_space<vmem_shared>> -> memref<2048xf32, #tpu.memory_space<vmem_shared>>
    tpu.enqueue_dma source(%dma_start3A_974 : memref<2048xf32, #tpu.memory_space<vmem_shared>>) target(%dma_start3A_973 : memref<2048xf32, #tpu.memory_space<hbm>>) target_semaphore(%arg12 : memref<!tpu.dma_semaphore, #tpu.memory_space<semaphore_mem>>)
    %mul3A_975 = arith.constant 32 : i32
    %mul3A_976 = arith.muli %arg1, %mul3A_975 : i32
    %add3A_977 = arith.constant 20 : i32
    %add3A_978 = arith.addi %mul3A_976, %add3A_977 : i32
    %mul3A_979 = arith.constant 2048 : i32
    %mul3A_980 = arith.muli %add3A_978, %mul3A_979 : i32
    %mul3A_981 = arith.constant 32 : i32
    %mul3A_982 = arith.muli %arg1, %mul3A_981 : i32
    %add3A_983 = arith.addi %mul3A_649, %mul3A_982 : i32
    %add3A_984 = arith.constant 20 : i32
    %add3A_985 = arith.addi %add3A_983, %add3A_984 : i32
    %dma_start3A_986 = arith.constant 0 : i32
    %dma_start3A_987 = tpu.memref_slice %arg4[%add3A_985, %dma_start3A_986] : memref<2048x2048xf32, #tpu.memory_space<hbm>> -> memref<1x2048xf32, #tpu.memory_space<hbm>>
    %dma_start3A_988 = tpu.memref_squeeze %dma_start3A_987 : memref<1x2048xf32, #tpu.memory_space<hbm>> -> memref<2048xf32, #tpu.memory_space<hbm>>
    %dma_start3A_989 = tpu.memref_slice %arg11[%mul3A_980] : memref<1048576xf32, #tpu.memory_space<vmem_shared>> -> memref<2048xf32, #tpu.memory_space<vmem_shared>>
    tpu.enqueue_dma source(%dma_start3A_989 : memref<2048xf32, #tpu.memory_space<vmem_shared>>) target(%dma_start3A_988 : memref<2048xf32, #tpu.memory_space<hbm>>) target_semaphore(%arg12 : memref<!tpu.dma_semaphore, #tpu.memory_space<semaphore_mem>>)
    %mul3A_990 = arith.constant 32 : i32
    %mul3A_991 = arith.muli %arg1, %mul3A_990 : i32
    %add3A_992 = arith.constant 21 : i32
    %add3A_993 = arith.addi %mul3A_991, %add3A_992 : i32
    %mul3A_994 = arith.constant 2048 : i32
    %mul3A_995 = arith.muli %add3A_993, %mul3A_994 : i32
    %mul3A_996 = arith.constant 32 : i32
    %mul3A_997 = arith.muli %arg1, %mul3A_996 : i32
    %add3A_998 = arith.addi %mul3A_649, %mul3A_997 : i32
    %add3A_999 = arith.constant 21 : i32
    %add3A_1000 = arith.addi %add3A_998, %add3A_999 : i32
    %dma_start3A_1001 = arith.constant 0 : i32
    %dma_start3A_1002 = tpu.memref_slice %arg4[%add3A_1000, %dma_start3A_1001] : memref<2048x2048xf32, #tpu.memory_space<hbm>> -> memref<1x2048xf32, #tpu.memory_space<hbm>>
    %dma_start3A_1003 = tpu.memref_squeeze %dma_start3A_1002 : memref<1x2048xf32, #tpu.memory_space<hbm>> -> memref<2048xf32, #tpu.memory_space<hbm>>
    %dma_start3A_1004 = tpu.memref_slice %arg11[%mul3A_995] : memref<1048576xf32, #tpu.memory_space<vmem_shared>> -> memref<2048xf32, #tpu.memory_space<vmem_shared>>
    tpu.enqueue_dma source(%dma_start3A_1004 : memref<2048xf32, #tpu.memory_space<vmem_shared>>) target(%dma_start3A_1003 : memref<2048xf32, #tpu.memory_space<hbm>>) target_semaphore(%arg12 : memref<!tpu.dma_semaphore, #tpu.memory_space<semaphore_mem>>)
    %mul3A_1005 = arith.constant 32 : i32
    %mul3A_1006 = arith.muli %arg1, %mul3A_1005 : i32
    %add3A_1007 = arith.constant 22 : i32
    %add3A_1008 = arith.addi %mul3A_1006, %add3A_1007 : i32
    %mul3A_1009 = arith.constant 2048 : i32
    %mul3A_1010 = arith.muli %add3A_1008, %mul3A_1009 : i32
    %mul3A_1011 = arith.constant 32 : i32
    %mul3A_1012 = arith.muli %arg1, %mul3A_1011 : i32
    %add3A_1013 = arith.addi %mul3A_649, %mul3A_1012 : i32
    %add3A_1014 = arith.constant 22 : i32
    %add3A_1015 = arith.addi %add3A_1013, %add3A_1014 : i32
    %dma_start3A_1016 = arith.constant 0 : i32
    %dma_start3A_1017 = tpu.memref_slice %arg4[%add3A_1015, %dma_start3A_1016] : memref<2048x2048xf32, #tpu.memory_space<hbm>> -> memref<1x2048xf32, #tpu.memory_space<hbm>>
    %dma_start3A_1018 = tpu.memref_squeeze %dma_start3A_1017 : memref<1x2048xf32, #tpu.memory_space<hbm>> -> memref<2048xf32, #tpu.memory_space<hbm>>
    %dma_start3A_1019 = tpu.memref_slice %arg11[%mul3A_1010] : memref<1048576xf32, #tpu.memory_space<vmem_shared>> -> memref<2048xf32, #tpu.memory_space<vmem_shared>>
    tpu.enqueue_dma source(%dma_start3A_1019 : memref<2048xf32, #tpu.memory_space<vmem_shared>>) target(%dma_start3A_1018 : memref<2048xf32, #tpu.memory_space<hbm>>) target_semaphore(%arg12 : memref<!tpu.dma_semaphore, #tpu.memory_space<semaphore_mem>>)
    %mul3A_1020 = arith.constant 32 : i32
    %mul3A_1021 = arith.muli %arg1, %mul3A_1020 : i32
    %add3A_1022 = arith.constant 23 : i32
    %add3A_1023 = arith.addi %mul3A_1021, %add3A_1022 : i32
    %mul3A_1024 = arith.constant 2048 : i32
    %mul3A_1025 = arith.muli %add3A_1023, %mul3A_1024 : i32
    %mul3A_1026 = arith.constant 32 : i32
    %mul3A_1027 = arith.muli %arg1, %mul3A_1026 : i32
    %add3A_1028 = arith.addi %mul3A_649, %mul3A_1027 : i32
    %add3A_1029 = arith.constant 23 : i32
    %add3A_1030 = arith.addi %add3A_1028, %add3A_1029 : i32
    %dma_start3A_1031 = arith.constant 0 : i32
    %dma_start3A_1032 = tpu.memref_slice %arg4[%add3A_1030, %dma_start3A_1031] : memref<2048x2048xf32, #tpu.memory_space<hbm>> -> memref<1x2048xf32, #tpu.memory_space<hbm>>
    %dma_start3A_1033 = tpu.memref_squeeze %dma_start3A_1032 : memref<1x2048xf32, #tpu.memory_space<hbm>> -> memref<2048xf32, #tpu.memory_space<hbm>>
    %dma_start3A_1034 = tpu.memref_slice %arg11[%mul3A_1025] : memref<1048576xf32, #tpu.memory_space<vmem_shared>> -> memref<2048xf32, #tpu.memory_space<vmem_shared>>
    tpu.enqueue_dma source(%dma_start3A_1034 : memref<2048xf32, #tpu.memory_space<vmem_shared>>) target(%dma_start3A_1033 : memref<2048xf32, #tpu.memory_space<hbm>>) target_semaphore(%arg12 : memref<!tpu.dma_semaphore, #tpu.memory_space<semaphore_mem>>)
    %mul3A_1035 = arith.constant 32 : i32
    %mul3A_1036 = arith.muli %arg1, %mul3A_1035 : i32
    %add3A_1037 = arith.constant 24 : i32
    %add3A_1038 = arith.addi %mul3A_1036, %add3A_1037 : i32
    %mul3A_1039 = arith.constant 2048 : i32
    %mul3A_1040 = arith.muli %add3A_1038, %mul3A_1039 : i32
    %mul3A_1041 = arith.constant 32 : i32
    %mul3A_1042 = arith.muli %arg1, %mul3A_1041 : i32
    %add3A_1043 = arith.addi %mul3A_649, %mul3A_1042 : i32
    %add3A_1044 = arith.constant 24 : i32
    %add3A_1045 = arith.addi %add3A_1043, %add3A_1044 : i32
    %dma_start3A_1046 = arith.constant 0 : i32
    %dma_start3A_1047 = tpu.memref_slice %arg4[%add3A_1045, %dma_start3A_1046] : memref<2048x2048xf32, #tpu.memory_space<hbm>> -> memref<1x2048xf32, #tpu.memory_space<hbm>>
    %dma_start3A_1048 = tpu.memref_squeeze %dma_start3A_1047 : memref<1x2048xf32, #tpu.memory_space<hbm>> -> memref<2048xf32, #tpu.memory_space<hbm>>
    %dma_start3A_1049 = tpu.memref_slice %arg11[%mul3A_1040] : memref<1048576xf32, #tpu.memory_space<vmem_shared>> -> memref<2048xf32, #tpu.memory_space<vmem_shared>>
    tpu.enqueue_dma source(%dma_start3A_1049 : memref<2048xf32, #tpu.memory_space<vmem_shared>>) target(%dma_start3A_1048 : memref<2048xf32, #tpu.memory_space<hbm>>) target_semaphore(%arg12 : memref<!tpu.dma_semaphore, #tpu.memory_space<semaphore_mem>>)
    %mul3A_1050 = arith.constant 32 : i32
    %mul3A_1051 = arith.muli %arg1, %mul3A_1050 : i32
    %add3A_1052 = arith.constant 25 : i32
    %add3A_1053 = arith.addi %mul3A_1051, %add3A_1052 : i32
    %mul3A_1054 = arith.constant 2048 : i32
    %mul3A_1055 = arith.muli %add3A_1053, %mul3A_1054 : i32
    %mul3A_1056 = arith.constant 32 : i32
    %mul3A_1057 = arith.muli %arg1, %mul3A_1056 : i32
    %add3A_1058 = arith.addi %mul3A_649, %mul3A_1057 : i32
    %add3A_1059 = arith.constant 25 : i32
    %add3A_1060 = arith.addi %add3A_1058, %add3A_1059 : i32
    %dma_start3A_1061 = arith.constant 0 : i32
    %dma_start3A_1062 = tpu.memref_slice %arg4[%add3A_1060, %dma_start3A_1061] : memref<2048x2048xf32, #tpu.memory_space<hbm>> -> memref<1x2048xf32, #tpu.memory_space<hbm>>
    %dma_start3A_1063 = tpu.memref_squeeze %dma_start3A_1062 : memref<1x2048xf32, #tpu.memory_space<hbm>> -> memref<2048xf32, #tpu.memory_space<hbm>>
    %dma_start3A_1064 = tpu.memref_slice %arg11[%mul3A_1055] : memref<1048576xf32, #tpu.memory_space<vmem_shared>> -> memref<2048xf32, #tpu.memory_space<vmem_shared>>
    tpu.enqueue_dma source(%dma_start3A_1064 : memref<2048xf32, #tpu.memory_space<vmem_shared>>) target(%dma_start3A_1063 : memref<2048xf32, #tpu.memory_space<hbm>>) target_semaphore(%arg12 : memref<!tpu.dma_semaphore, #tpu.memory_space<semaphore_mem>>)
    %mul3A_1065 = arith.constant 32 : i32
    %mul3A_1066 = arith.muli %arg1, %mul3A_1065 : i32
    %add3A_1067 = arith.constant 26 : i32
    %add3A_1068 = arith.addi %mul3A_1066, %add3A_1067 : i32
    %mul3A_1069 = arith.constant 2048 : i32
    %mul3A_1070 = arith.muli %add3A_1068, %mul3A_1069 : i32
    %mul3A_1071 = arith.constant 32 : i32
    %mul3A_1072 = arith.muli %arg1, %mul3A_1071 : i32
    %add3A_1073 = arith.addi %mul3A_649, %mul3A_1072 : i32
    %add3A_1074 = arith.constant 26 : i32
    %add3A_1075 = arith.addi %add3A_1073, %add3A_1074 : i32
    %dma_start3A_1076 = arith.constant 0 : i32
    %dma_start3A_1077 = tpu.memref_slice %arg4[%add3A_1075, %dma_start3A_1076] : memref<2048x2048xf32, #tpu.memory_space<hbm>> -> memref<1x2048xf32, #tpu.memory_space<hbm>>
    %dma_start3A_1078 = tpu.memref_squeeze %dma_start3A_1077 : memref<1x2048xf32, #tpu.memory_space<hbm>> -> memref<2048xf32, #tpu.memory_space<hbm>>
    %dma_start3A_1079 = tpu.memref_slice %arg11[%mul3A_1070] : memref<1048576xf32, #tpu.memory_space<vmem_shared>> -> memref<2048xf32, #tpu.memory_space<vmem_shared>>
    tpu.enqueue_dma source(%dma_start3A_1079 : memref<2048xf32, #tpu.memory_space<vmem_shared>>) target(%dma_start3A_1078 : memref<2048xf32, #tpu.memory_space<hbm>>) target_semaphore(%arg12 : memref<!tpu.dma_semaphore, #tpu.memory_space<semaphore_mem>>)
    %mul3A_1080 = arith.constant 32 : i32
    %mul3A_1081 = arith.muli %arg1, %mul3A_1080 : i32
    %add3A_1082 = arith.constant 27 : i32
    %add3A_1083 = arith.addi %mul3A_1081, %add3A_1082 : i32
    %mul3A_1084 = arith.constant 2048 : i32
    %mul3A_1085 = arith.muli %add3A_1083, %mul3A_1084 : i32
    %mul3A_1086 = arith.constant 32 : i32
    %mul3A_1087 = arith.muli %arg1, %mul3A_1086 : i32
    %add3A_1088 = arith.addi %mul3A_649, %mul3A_1087 : i32
    %add3A_1089 = arith.constant 27 : i32
    %add3A_1090 = arith.addi %add3A_1088, %add3A_1089 : i32
    %dma_start3A_1091 = arith.constant 0 : i32
    %dma_start3A_1092 = tpu.memref_slice %arg4[%add3A_1090, %dma_start3A_1091] : memref<2048x2048xf32, #tpu.memory_space<hbm>> -> memref<1x2048xf32, #tpu.memory_space<hbm>>
    %dma_start3A_1093 = tpu.memref_squeeze %dma_start3A_1092 : memref<1x2048xf32, #tpu.memory_space<hbm>> -> memref<2048xf32, #tpu.memory_space<hbm>>
    %dma_start3A_1094 = tpu.memref_slice %arg11[%mul3A_1085] : memref<1048576xf32, #tpu.memory_space<vmem_shared>> -> memref<2048xf32, #tpu.memory_space<vmem_shared>>
    tpu.enqueue_dma source(%dma_start3A_1094 : memref<2048xf32, #tpu.memory_space<vmem_shared>>) target(%dma_start3A_1093 : memref<2048xf32, #tpu.memory_space<hbm>>) target_semaphore(%arg12 : memref<!tpu.dma_semaphore, #tpu.memory_space<semaphore_mem>>)
    %mul3A_1095 = arith.constant 32 : i32
    %mul3A_1096 = arith.muli %arg1, %mul3A_1095 : i32
    %add3A_1097 = arith.constant 28 : i32
    %add3A_1098 = arith.addi %mul3A_1096, %add3A_1097 : i32
    %mul3A_1099 = arith.constant 2048 : i32
    %mul3A_1100 = arith.muli %add3A_1098, %mul3A_1099 : i32
    %mul3A_1101 = arith.constant 32 : i32
    %mul3A_1102 = arith.muli %arg1, %mul3A_1101 : i32
    %add3A_1103 = arith.addi %mul3A_649, %mul3A_1102 : i32
    %add3A_1104 = arith.constant 28 : i32
    %add3A_1105 = arith.addi %add3A_1103, %add3A_1104 : i32
    %dma_start3A_1106 = arith.constant 0 : i32
    %dma_start3A_1107 = tpu.memref_slice %arg4[%add3A_1105, %dma_start3A_1106] : memref<2048x2048xf32, #tpu.memory_space<hbm>> -> memref<1x2048xf32, #tpu.memory_space<hbm>>
    %dma_start3A_1108 = tpu.memref_squeeze %dma_start3A_1107 : memref<1x2048xf32, #tpu.memory_space<hbm>> -> memref<2048xf32, #tpu.memory_space<hbm>>
    %dma_start3A_1109 = tpu.memref_slice %arg11[%mul3A_1100] : memref<1048576xf32, #tpu.memory_space<vmem_shared>> -> memref<2048xf32, #tpu.memory_space<vmem_shared>>
    tpu.enqueue_dma source(%dma_start3A_1109 : memref<2048xf32, #tpu.memory_space<vmem_shared>>) target(%dma_start3A_1108 : memref<2048xf32, #tpu.memory_space<hbm>>) target_semaphore(%arg12 : memref<!tpu.dma_semaphore, #tpu.memory_space<semaphore_mem>>)
    %mul3A_1110 = arith.constant 32 : i32
    %mul3A_1111 = arith.muli %arg1, %mul3A_1110 : i32
    %add3A_1112 = arith.constant 29 : i32
    %add3A_1113 = arith.addi %mul3A_1111, %add3A_1112 : i32
    %mul3A_1114 = arith.constant 2048 : i32
    %mul3A_1115 = arith.muli %add3A_1113, %mul3A_1114 : i32
    %mul3A_1116 = arith.constant 32 : i32
    %mul3A_1117 = arith.muli %arg1, %mul3A_1116 : i32
    %add3A_1118 = arith.addi %mul3A_649, %mul3A_1117 : i32
    %add3A_1119 = arith.constant 29 : i32
    %add3A_1120 = arith.addi %add3A_1118, %add3A_1119 : i32
    %dma_start3A_1121 = arith.constant 0 : i32
    %dma_start3A_1122 = tpu.memref_slice %arg4[%add3A_1120, %dma_start3A_1121] : memref<2048x2048xf32, #tpu.memory_space<hbm>> -> memref<1x2048xf32, #tpu.memory_space<hbm>>
    %dma_start3A_1123 = tpu.memref_squeeze %dma_start3A_1122 : memref<1x2048xf32, #tpu.memory_space<hbm>> -> memref<2048xf32, #tpu.memory_space<hbm>>
    %dma_start3A_1124 = tpu.memref_slice %arg11[%mul3A_1115] : memref<1048576xf32, #tpu.memory_space<vmem_shared>> -> memref<2048xf32, #tpu.memory_space<vmem_shared>>
    tpu.enqueue_dma source(%dma_start3A_1124 : memref<2048xf32, #tpu.memory_space<vmem_shared>>) target(%dma_start3A_1123 : memref<2048xf32, #tpu.memory_space<hbm>>) target_semaphore(%arg12 : memref<!tpu.dma_semaphore, #tpu.memory_space<semaphore_mem>>)
    %mul3A_1125 = arith.constant 32 : i32
    %mul3A_1126 = arith.muli %arg1, %mul3A_1125 : i32
    %add3A_1127 = arith.constant 30 : i32
    %add3A_1128 = arith.addi %mul3A_1126, %add3A_1127 : i32
    %mul3A_1129 = arith.constant 2048 : i32
    %mul3A_1130 = arith.muli %add3A_1128, %mul3A_1129 : i32
    %mul3A_1131 = arith.constant 32 : i32
    %mul3A_1132 = arith.muli %arg1, %mul3A_1131 : i32
    %add3A_1133 = arith.addi %mul3A_649, %mul3A_1132 : i32
    %add3A_1134 = arith.constant 30 : i32
    %add3A_1135 = arith.addi %add3A_1133, %add3A_1134 : i32
    %dma_start3A_1136 = arith.constant 0 : i32
    %dma_start3A_1137 = tpu.memref_slice %arg4[%add3A_1135, %dma_start3A_1136] : memref<2048x2048xf32, #tpu.memory_space<hbm>> -> memref<1x2048xf32, #tpu.memory_space<hbm>>
    %dma_start3A_1138 = tpu.memref_squeeze %dma_start3A_1137 : memref<1x2048xf32, #tpu.memory_space<hbm>> -> memref<2048xf32, #tpu.memory_space<hbm>>
    %dma_start3A_1139 = tpu.memref_slice %arg11[%mul3A_1130] : memref<1048576xf32, #tpu.memory_space<vmem_shared>> -> memref<2048xf32, #tpu.memory_space<vmem_shared>>
    tpu.enqueue_dma source(%dma_start3A_1139 : memref<2048xf32, #tpu.memory_space<vmem_shared>>) target(%dma_start3A_1138 : memref<2048xf32, #tpu.memory_space<hbm>>) target_semaphore(%arg12 : memref<!tpu.dma_semaphore, #tpu.memory_space<semaphore_mem>>)
    %mul3A_1140 = arith.constant 32 : i32
    %mul3A_1141 = arith.muli %arg1, %mul3A_1140 : i32
    %add3A_1142 = arith.constant 31 : i32
    %add3A_1143 = arith.addi %mul3A_1141, %add3A_1142 : i32
    %mul3A_1144 = arith.constant 2048 : i32
    %mul3A_1145 = arith.muli %add3A_1143, %mul3A_1144 : i32
    %mul3A_1146 = arith.constant 32 : i32
    %mul3A_1147 = arith.muli %arg1, %mul3A_1146 : i32
    %add3A_1148 = arith.addi %mul3A_649, %mul3A_1147 : i32
    %add3A_1149 = arith.constant 31 : i32
    %add3A_1150 = arith.addi %add3A_1148, %add3A_1149 : i32
    %dma_start3A_1151 = arith.constant 0 : i32
    %dma_start3A_1152 = tpu.memref_slice %arg4[%add3A_1150, %dma_start3A_1151] : memref<2048x2048xf32, #tpu.memory_space<hbm>> -> memref<1x2048xf32, #tpu.memory_space<hbm>>
    %dma_start3A_1153 = tpu.memref_squeeze %dma_start3A_1152 : memref<1x2048xf32, #tpu.memory_space<hbm>> -> memref<2048xf32, #tpu.memory_space<hbm>>
    %dma_start3A_1154 = tpu.memref_slice %arg11[%mul3A_1145] : memref<1048576xf32, #tpu.memory_space<vmem_shared>> -> memref<2048xf32, #tpu.memory_space<vmem_shared>>
    tpu.enqueue_dma source(%dma_start3A_1154 : memref<2048xf32, #tpu.memory_space<vmem_shared>>) target(%dma_start3A_1153 : memref<2048xf32, #tpu.memory_space<hbm>>) target_semaphore(%arg12 : memref<!tpu.dma_semaphore, #tpu.memory_space<semaphore_mem>>)
    %dma_wait3A_1155 = arith.constant 0 : i32
    %dma_wait3A_1156 = tpu.memref_slice %arg4[%add3A_685, %dma_wait3A_1155] : memref<2048x2048xf32, #tpu.memory_space<hbm>> -> memref<1x2048xf32, #tpu.memory_space<hbm>>
    %dma_wait3A_1157 = tpu.memref_squeeze %dma_wait3A_1156 : memref<1x2048xf32, #tpu.memory_space<hbm>> -> memref<2048xf32, #tpu.memory_space<hbm>>
    %dma_wait3A_1158 = tpu.memref_slice %arg11[%mul3A_680] : memref<1048576xf32, #tpu.memory_space<vmem_shared>> -> memref<2048xf32, #tpu.memory_space<vmem_shared>>
    tpu.wait_dma2 semaphore(%arg12 : memref<!tpu.dma_semaphore, #tpu.memory_space<semaphore_mem>>) src(%dma_wait3A_1158 : memref<2048xf32, #tpu.memory_space<vmem_shared>>) dst(%dma_wait3A_1157 : memref<2048xf32, #tpu.memory_space<hbm>>)
    %dma_wait3A_1159 = arith.constant 0 : i32
    %dma_wait3A_1160 = tpu.memref_slice %arg4[%add3A_700, %dma_wait3A_1159] : memref<2048x2048xf32, #tpu.memory_space<hbm>> -> memref<1x2048xf32, #tpu.memory_space<hbm>>
    %dma_wait3A_1161 = tpu.memref_squeeze %dma_wait3A_1160 : memref<1x2048xf32, #tpu.memory_space<hbm>> -> memref<2048xf32, #tpu.memory_space<hbm>>
    %dma_wait3A_1162 = tpu.memref_slice %arg11[%mul3A_695] : memref<1048576xf32, #tpu.memory_space<vmem_shared>> -> memref<2048xf32, #tpu.memory_space<vmem_shared>>
    tpu.wait_dma2 semaphore(%arg12 : memref<!tpu.dma_semaphore, #tpu.memory_space<semaphore_mem>>) src(%dma_wait3A_1162 : memref<2048xf32, #tpu.memory_space<vmem_shared>>) dst(%dma_wait3A_1161 : memref<2048xf32, #tpu.memory_space<hbm>>)
    %dma_wait3A_1163 = arith.constant 0 : i32
    %dma_wait3A_1164 = tpu.memref_slice %arg4[%add3A_715, %dma_wait3A_1163] : memref<2048x2048xf32, #tpu.memory_space<hbm>> -> memref<1x2048xf32, #tpu.memory_space<hbm>>
    %dma_wait3A_1165 = tpu.memref_squeeze %dma_wait3A_1164 : memref<1x2048xf32, #tpu.memory_space<hbm>> -> memref<2048xf32, #tpu.memory_space<hbm>>
    %dma_wait3A_1166 = tpu.memref_slice %arg11[%mul3A_710] : memref<1048576xf32, #tpu.memory_space<vmem_shared>> -> memref<2048xf32, #tpu.memory_space<vmem_shared>>
    tpu.wait_dma2 semaphore(%arg12 : memref<!tpu.dma_semaphore, #tpu.memory_space<semaphore_mem>>) src(%dma_wait3A_1166 : memref<2048xf32, #tpu.memory_space<vmem_shared>>) dst(%dma_wait3A_1165 : memref<2048xf32, #tpu.memory_space<hbm>>)
    %dma_wait3A_1167 = arith.constant 0 : i32
    %dma_wait3A_1168 = tpu.memref_slice %arg4[%add3A_730, %dma_wait3A_1167] : memref<2048x2048xf32, #tpu.memory_space<hbm>> -> memref<1x2048xf32, #tpu.memory_space<hbm>>
    %dma_wait3A_1169 = tpu.memref_squeeze %dma_wait3A_1168 : memref<1x2048xf32, #tpu.memory_space<hbm>> -> memref<2048xf32, #tpu.memory_space<hbm>>
    %dma_wait3A_1170 = tpu.memref_slice %arg11[%mul3A_725] : memref<1048576xf32, #tpu.memory_space<vmem_shared>> -> memref<2048xf32, #tpu.memory_space<vmem_shared>>
    tpu.wait_dma2 semaphore(%arg12 : memref<!tpu.dma_semaphore, #tpu.memory_space<semaphore_mem>>) src(%dma_wait3A_1170 : memref<2048xf32, #tpu.memory_space<vmem_shared>>) dst(%dma_wait3A_1169 : memref<2048xf32, #tpu.memory_space<hbm>>)
    %dma_wait3A_1171 = arith.constant 0 : i32
    %dma_wait3A_1172 = tpu.memref_slice %arg4[%add3A_745, %dma_wait3A_1171] : memref<2048x2048xf32, #tpu.memory_space<hbm>> -> memref<1x2048xf32, #tpu.memory_space<hbm>>
    %dma_wait3A_1173 = tpu.memref_squeeze %dma_wait3A_1172 : memref<1x2048xf32, #tpu.memory_space<hbm>> -> memref<2048xf32, #tpu.memory_space<hbm>>
    %dma_wait3A_1174 = tpu.memref_slice %arg11[%mul3A_740] : memref<1048576xf32, #tpu.memory_space<vmem_shared>> -> memref<2048xf32, #tpu.memory_space<vmem_shared>>
    tpu.wait_dma2 semaphore(%arg12 : memref<!tpu.dma_semaphore, #tpu.memory_space<semaphore_mem>>) src(%dma_wait3A_1174 : memref<2048xf32, #tpu.memory_space<vmem_shared>>) dst(%dma_wait3A_1173 : memref<2048xf32, #tpu.memory_space<hbm>>)
    %dma_wait3A_1175 = arith.constant 0 : i32
    %dma_wait3A_1176 = tpu.memref_slice %arg4[%add3A_760, %dma_wait3A_1175] : memref<2048x2048xf32, #tpu.memory_space<hbm>> -> memref<1x2048xf32, #tpu.memory_space<hbm>>
    %dma_wait3A_1177 = tpu.memref_squeeze %dma_wait3A_1176 : memref<1x2048xf32, #tpu.memory_space<hbm>> -> memref<2048xf32, #tpu.memory_space<hbm>>
    %dma_wait3A_1178 = tpu.memref_slice %arg11[%mul3A_755] : memref<1048576xf32, #tpu.memory_space<vmem_shared>> -> memref<2048xf32, #tpu.memory_space<vmem_shared>>
    tpu.wait_dma2 semaphore(%arg12 : memref<!tpu.dma_semaphore, #tpu.memory_space<semaphore_mem>>) src(%dma_wait3A_1178 : memref<2048xf32, #tpu.memory_space<vmem_shared>>) dst(%dma_wait3A_1177 : memref<2048xf32, #tpu.memory_space<hbm>>)
    %dma_wait3A_1179 = arith.constant 0 : i32
    %dma_wait3A_1180 = tpu.memref_slice %arg4[%add3A_775, %dma_wait3A_1179] : memref<2048x2048xf32, #tpu.memory_space<hbm>> -> memref<1x2048xf32, #tpu.memory_space<hbm>>
    %dma_wait3A_1181 = tpu.memref_squeeze %dma_wait3A_1180 : memref<1x2048xf32, #tpu.memory_space<hbm>> -> memref<2048xf32, #tpu.memory_space<hbm>>
    %dma_wait3A_1182 = tpu.memref_slice %arg11[%mul3A_770] : memref<1048576xf32, #tpu.memory_space<vmem_shared>> -> memref<2048xf32, #tpu.memory_space<vmem_shared>>
    tpu.wait_dma2 semaphore(%arg12 : memref<!tpu.dma_semaphore, #tpu.memory_space<semaphore_mem>>) src(%dma_wait3A_1182 : memref<2048xf32, #tpu.memory_space<vmem_shared>>) dst(%dma_wait3A_1181 : memref<2048xf32, #tpu.memory_space<hbm>>)
    %dma_wait3A_1183 = arith.constant 0 : i32
    %dma_wait3A_1184 = tpu.memref_slice %arg4[%add3A_790, %dma_wait3A_1183] : memref<2048x2048xf32, #tpu.memory_space<hbm>> -> memref<1x2048xf32, #tpu.memory_space<hbm>>
    %dma_wait3A_1185 = tpu.memref_squeeze %dma_wait3A_1184 : memref<1x2048xf32, #tpu.memory_space<hbm>> -> memref<2048xf32, #tpu.memory_space<hbm>>
    %dma_wait3A_1186 = tpu.memref_slice %arg11[%mul3A_785] : memref<1048576xf32, #tpu.memory_space<vmem_shared>> -> memref<2048xf32, #tpu.memory_space<vmem_shared>>
    tpu.wait_dma2 semaphore(%arg12 : memref<!tpu.dma_semaphore, #tpu.memory_space<semaphore_mem>>) src(%dma_wait3A_1186 : memref<2048xf32, #tpu.memory_space<vmem_shared>>) dst(%dma_wait3A_1185 : memref<2048xf32, #tpu.memory_space<hbm>>)
    %dma_wait3A_1187 = arith.constant 0 : i32
    %dma_wait3A_1188 = tpu.memref_slice %arg4[%add3A_805, %dma_wait3A_1187] : memref<2048x2048xf32, #tpu.memory_space<hbm>> -> memref<1x2048xf32, #tpu.memory_space<hbm>>
    %dma_wait3A_1189 = tpu.memref_squeeze %dma_wait3A_1188 : memref<1x2048xf32, #tpu.memory_space<hbm>> -> memref<2048xf32, #tpu.memory_space<hbm>>
    %dma_wait3A_1190 = tpu.memref_slice %arg11[%mul3A_800] : memref<1048576xf32, #tpu.memory_space<vmem_shared>> -> memref<2048xf32, #tpu.memory_space<vmem_shared>>
    tpu.wait_dma2 semaphore(%arg12 : memref<!tpu.dma_semaphore, #tpu.memory_space<semaphore_mem>>) src(%dma_wait3A_1190 : memref<2048xf32, #tpu.memory_space<vmem_shared>>) dst(%dma_wait3A_1189 : memref<2048xf32, #tpu.memory_space<hbm>>)
    %dma_wait3A_1191 = arith.constant 0 : i32
    %dma_wait3A_1192 = tpu.memref_slice %arg4[%add3A_820, %dma_wait3A_1191] : memref<2048x2048xf32, #tpu.memory_space<hbm>> -> memref<1x2048xf32, #tpu.memory_space<hbm>>
    %dma_wait3A_1193 = tpu.memref_squeeze %dma_wait3A_1192 : memref<1x2048xf32, #tpu.memory_space<hbm>> -> memref<2048xf32, #tpu.memory_space<hbm>>
    %dma_wait3A_1194 = tpu.memref_slice %arg11[%mul3A_815] : memref<1048576xf32, #tpu.memory_space<vmem_shared>> -> memref<2048xf32, #tpu.memory_space<vmem_shared>>
    tpu.wait_dma2 semaphore(%arg12 : memref<!tpu.dma_semaphore, #tpu.memory_space<semaphore_mem>>) src(%dma_wait3A_1194 : memref<2048xf32, #tpu.memory_space<vmem_shared>>) dst(%dma_wait3A_1193 : memref<2048xf32, #tpu.memory_space<hbm>>)
    %dma_wait3A_1195 = arith.constant 0 : i32
    %dma_wait3A_1196 = tpu.memref_slice %arg4[%add3A_835, %dma_wait3A_1195] : memref<2048x2048xf32, #tpu.memory_space<hbm>> -> memref<1x2048xf32, #tpu.memory_space<hbm>>
    %dma_wait3A_1197 = tpu.memref_squeeze %dma_wait3A_1196 : memref<1x2048xf32, #tpu.memory_space<hbm>> -> memref<2048xf32, #tpu.memory_space<hbm>>
    %dma_wait3A_1198 = tpu.memref_slice %arg11[%mul3A_830] : memref<1048576xf32, #tpu.memory_space<vmem_shared>> -> memref<2048xf32, #tpu.memory_space<vmem_shared>>
    tpu.wait_dma2 semaphore(%arg12 : memref<!tpu.dma_semaphore, #tpu.memory_space<semaphore_mem>>) src(%dma_wait3A_1198 : memref<2048xf32, #tpu.memory_space<vmem_shared>>) dst(%dma_wait3A_1197 : memref<2048xf32, #tpu.memory_space<hbm>>)
    %dma_wait3A_1199 = arith.constant 0 : i32
    %dma_wait3A_1200 = tpu.memref_slice %arg4[%add3A_850, %dma_wait3A_1199] : memref<2048x2048xf32, #tpu.memory_space<hbm>> -> memref<1x2048xf32, #tpu.memory_space<hbm>>
    %dma_wait3A_1201 = tpu.memref_squeeze %dma_wait3A_1200 : memref<1x2048xf32, #tpu.memory_space<hbm>> -> memref<2048xf32, #tpu.memory_space<hbm>>
    %dma_wait3A_1202 = tpu.memref_slice %arg11[%mul3A_845] : memref<1048576xf32, #tpu.memory_space<vmem_shared>> -> memref<2048xf32, #tpu.memory_space<vmem_shared>>
    tpu.wait_dma2 semaphore(%arg12 : memref<!tpu.dma_semaphore, #tpu.memory_space<semaphore_mem>>) src(%dma_wait3A_1202 : memref<2048xf32, #tpu.memory_space<vmem_shared>>) dst(%dma_wait3A_1201 : memref<2048xf32, #tpu.memory_space<hbm>>)
    %dma_wait3A_1203 = arith.constant 0 : i32
    %dma_wait3A_1204 = tpu.memref_slice %arg4[%add3A_865, %dma_wait3A_1203] : memref<2048x2048xf32, #tpu.memory_space<hbm>> -> memref<1x2048xf32, #tpu.memory_space<hbm>>
    %dma_wait3A_1205 = tpu.memref_squeeze %dma_wait3A_1204 : memref<1x2048xf32, #tpu.memory_space<hbm>> -> memref<2048xf32, #tpu.memory_space<hbm>>
    %dma_wait3A_1206 = tpu.memref_slice %arg11[%mul3A_860] : memref<1048576xf32, #tpu.memory_space<vmem_shared>> -> memref<2048xf32, #tpu.memory_space<vmem_shared>>
    tpu.wait_dma2 semaphore(%arg12 : memref<!tpu.dma_semaphore, #tpu.memory_space<semaphore_mem>>) src(%dma_wait3A_1206 : memref<2048xf32, #tpu.memory_space<vmem_shared>>) dst(%dma_wait3A_1205 : memref<2048xf32, #tpu.memory_space<hbm>>)
    %dma_wait3A_1207 = arith.constant 0 : i32
    %dma_wait3A_1208 = tpu.memref_slice %arg4[%add3A_880, %dma_wait3A_1207] : memref<2048x2048xf32, #tpu.memory_space<hbm>> -> memref<1x2048xf32, #tpu.memory_space<hbm>>
    %dma_wait3A_1209 = tpu.memref_squeeze %dma_wait3A_1208 : memref<1x2048xf32, #tpu.memory_space<hbm>> -> memref<2048xf32, #tpu.memory_space<hbm>>
    %dma_wait3A_1210 = tpu.memref_slice %arg11[%mul3A_875] : memref<1048576xf32, #tpu.memory_space<vmem_shared>> -> memref<2048xf32, #tpu.memory_space<vmem_shared>>
    tpu.wait_dma2 semaphore(%arg12 : memref<!tpu.dma_semaphore, #tpu.memory_space<semaphore_mem>>) src(%dma_wait3A_1210 : memref<2048xf32, #tpu.memory_space<vmem_shared>>) dst(%dma_wait3A_1209 : memref<2048xf32, #tpu.memory_space<hbm>>)
    %dma_wait3A_1211 = arith.constant 0 : i32
    %dma_wait3A_1212 = tpu.memref_slice %arg4[%add3A_895, %dma_wait3A_1211] : memref<2048x2048xf32, #tpu.memory_space<hbm>> -> memref<1x2048xf32, #tpu.memory_space<hbm>>
    %dma_wait3A_1213 = tpu.memref_squeeze %dma_wait3A_1212 : memref<1x2048xf32, #tpu.memory_space<hbm>> -> memref<2048xf32, #tpu.memory_space<hbm>>
    %dma_wait3A_1214 = tpu.memref_slice %arg11[%mul3A_890] : memref<1048576xf32, #tpu.memory_space<vmem_shared>> -> memref<2048xf32, #tpu.memory_space<vmem_shared>>
    tpu.wait_dma2 semaphore(%arg12 : memref<!tpu.dma_semaphore, #tpu.memory_space<semaphore_mem>>) src(%dma_wait3A_1214 : memref<2048xf32, #tpu.memory_space<vmem_shared>>) dst(%dma_wait3A_1213 : memref<2048xf32, #tpu.memory_space<hbm>>)
    %dma_wait3A_1215 = arith.constant 0 : i32
    %dma_wait3A_1216 = tpu.memref_slice %arg4[%add3A_910, %dma_wait3A_1215] : memref<2048x2048xf32, #tpu.memory_space<hbm>> -> memref<1x2048xf32, #tpu.memory_space<hbm>>
    %dma_wait3A_1217 = tpu.memref_squeeze %dma_wait3A_1216 : memref<1x2048xf32, #tpu.memory_space<hbm>> -> memref<2048xf32, #tpu.memory_space<hbm>>
    %dma_wait3A_1218 = tpu.memref_slice %arg11[%mul3A_905] : memref<1048576xf32, #tpu.memory_space<vmem_shared>> -> memref<2048xf32, #tpu.memory_space<vmem_shared>>
    tpu.wait_dma2 semaphore(%arg12 : memref<!tpu.dma_semaphore, #tpu.memory_space<semaphore_mem>>) src(%dma_wait3A_1218 : memref<2048xf32, #tpu.memory_space<vmem_shared>>) dst(%dma_wait3A_1217 : memref<2048xf32, #tpu.memory_space<hbm>>)
    %dma_wait3A_1219 = arith.constant 0 : i32
    %dma_wait3A_1220 = tpu.memref_slice %arg4[%add3A_925, %dma_wait3A_1219] : memref<2048x2048xf32, #tpu.memory_space<hbm>> -> memref<1x2048xf32, #tpu.memory_space<hbm>>
    %dma_wait3A_1221 = tpu.memref_squeeze %dma_wait3A_1220 : memref<1x2048xf32, #tpu.memory_space<hbm>> -> memref<2048xf32, #tpu.memory_space<hbm>>
    %dma_wait3A_1222 = tpu.memref_slice %arg11[%mul3A_920] : memref<1048576xf32, #tpu.memory_space<vmem_shared>> -> memref<2048xf32, #tpu.memory_space<vmem_shared>>
    tpu.wait_dma2 semaphore(%arg12 : memref<!tpu.dma_semaphore, #tpu.memory_space<semaphore_mem>>) src(%dma_wait3A_1222 : memref<2048xf32, #tpu.memory_space<vmem_shared>>) dst(%dma_wait3A_1221 : memref<2048xf32, #tpu.memory_space<hbm>>)
    %dma_wait3A_1223 = arith.constant 0 : i32
    %dma_wait3A_1224 = tpu.memref_slice %arg4[%add3A_940, %dma_wait3A_1223] : memref<2048x2048xf32, #tpu.memory_space<hbm>> -> memref<1x2048xf32, #tpu.memory_space<hbm>>
    %dma_wait3A_1225 = tpu.memref_squeeze %dma_wait3A_1224 : memref<1x2048xf32, #tpu.memory_space<hbm>> -> memref<2048xf32, #tpu.memory_space<hbm>>
    %dma_wait3A_1226 = tpu.memref_slice %arg11[%mul3A_935] : memref<1048576xf32, #tpu.memory_space<vmem_shared>> -> memref<2048xf32, #tpu.memory_space<vmem_shared>>
    tpu.wait_dma2 semaphore(%arg12 : memref<!tpu.dma_semaphore, #tpu.memory_space<semaphore_mem>>) src(%dma_wait3A_1226 : memref<2048xf32, #tpu.memory_space<vmem_shared>>) dst(%dma_wait3A_1225 : memref<2048xf32, #tpu.memory_space<hbm>>)
    %dma_wait3A_1227 = arith.constant 0 : i32
    %dma_wait3A_1228 = tpu.memref_slice %arg4[%add3A_955, %dma_wait3A_1227] : memref<2048x2048xf32, #tpu.memory_space<hbm>> -> memref<1x2048xf32, #tpu.memory_space<hbm>>
    %dma_wait3A_1229 = tpu.memref_squeeze %dma_wait3A_1228 : memref<1x2048xf32, #tpu.memory_space<hbm>> -> memref<2048xf32, #tpu.memory_space<hbm>>
    %dma_wait3A_1230 = tpu.memref_slice %arg11[%mul3A_950] : memref<1048576xf32, #tpu.memory_space<vmem_shared>> -> memref<2048xf32, #tpu.memory_space<vmem_shared>>
    tpu.wait_dma2 semaphore(%arg12 : memref<!tpu.dma_semaphore, #tpu.memory_space<semaphore_mem>>) src(%dma_wait3A_1230 : memref<2048xf32, #tpu.memory_space<vmem_shared>>) dst(%dma_wait3A_1229 : memref<2048xf32, #tpu.memory_space<hbm>>)
    %dma_wait3A_1231 = arith.constant 0 : i32
    %dma_wait3A_1232 = tpu.memref_slice %arg4[%add3A_970, %dma_wait3A_1231] : memref<2048x2048xf32, #tpu.memory_space<hbm>> -> memref<1x2048xf32, #tpu.memory_space<hbm>>
    %dma_wait3A_1233 = tpu.memref_squeeze %dma_wait3A_1232 : memref<1x2048xf32, #tpu.memory_space<hbm>> -> memref<2048xf32, #tpu.memory_space<hbm>>
    %dma_wait3A_1234 = tpu.memref_slice %arg11[%mul3A_965] : memref<1048576xf32, #tpu.memory_space<vmem_shared>> -> memref<2048xf32, #tpu.memory_space<vmem_shared>>
    tpu.wait_dma2 semaphore(%arg12 : memref<!tpu.dma_semaphore, #tpu.memory_space<semaphore_mem>>) src(%dma_wait3A_1234 : memref<2048xf32, #tpu.memory_space<vmem_shared>>) dst(%dma_wait3A_1233 : memref<2048xf32, #tpu.memory_space<hbm>>)
    %dma_wait3A_1235 = arith.constant 0 : i32
    %dma_wait3A_1236 = tpu.memref_slice %arg4[%add3A_985, %dma_wait3A_1235] : memref<2048x2048xf32, #tpu.memory_space<hbm>> -> memref<1x2048xf32, #tpu.memory_space<hbm>>
    %dma_wait3A_1237 = tpu.memref_squeeze %dma_wait3A_1236 : memref<1x2048xf32, #tpu.memory_space<hbm>> -> memref<2048xf32, #tpu.memory_space<hbm>>
    %dma_wait3A_1238 = tpu.memref_slice %arg11[%mul3A_980] : memref<1048576xf32, #tpu.memory_space<vmem_shared>> -> memref<2048xf32, #tpu.memory_space<vmem_shared>>
    tpu.wait_dma2 semaphore(%arg12 : memref<!tpu.dma_semaphore, #tpu.memory_space<semaphore_mem>>) src(%dma_wait3A_1238 : memref<2048xf32, #tpu.memory_space<vmem_shared>>) dst(%dma_wait3A_1237 : memref<2048xf32, #tpu.memory_space<hbm>>)
    %dma_wait3A_1239 = arith.constant 0 : i32
    %dma_wait3A_1240 = tpu.memref_slice %arg4[%add3A_1000, %dma_wait3A_1239] : memref<2048x2048xf32, #tpu.memory_space<hbm>> -> memref<1x2048xf32, #tpu.memory_space<hbm>>
    %dma_wait3A_1241 = tpu.memref_squeeze %dma_wait3A_1240 : memref<1x2048xf32, #tpu.memory_space<hbm>> -> memref<2048xf32, #tpu.memory_space<hbm>>
    %dma_wait3A_1242 = tpu.memref_slice %arg11[%mul3A_995] : memref<1048576xf32, #tpu.memory_space<vmem_shared>> -> memref<2048xf32, #tpu.memory_space<vmem_shared>>
    tpu.wait_dma2 semaphore(%arg12 : memref<!tpu.dma_semaphore, #tpu.memory_space<semaphore_mem>>) src(%dma_wait3A_1242 : memref<2048xf32, #tpu.memory_space<vmem_shared>>) dst(%dma_wait3A_1241 : memref<2048xf32, #tpu.memory_space<hbm>>)
    %dma_wait3A_1243 = arith.constant 0 : i32
    %dma_wait3A_1244 = tpu.memref_slice %arg4[%add3A_1015, %dma_wait3A_1243] : memref<2048x2048xf32, #tpu.memory_space<hbm>> -> memref<1x2048xf32, #tpu.memory_space<hbm>>
    %dma_wait3A_1245 = tpu.memref_squeeze %dma_wait3A_1244 : memref<1x2048xf32, #tpu.memory_space<hbm>> -> memref<2048xf32, #tpu.memory_space<hbm>>
    %dma_wait3A_1246 = tpu.memref_slice %arg11[%mul3A_1010] : memref<1048576xf32, #tpu.memory_space<vmem_shared>> -> memref<2048xf32, #tpu.memory_space<vmem_shared>>
    tpu.wait_dma2 semaphore(%arg12 : memref<!tpu.dma_semaphore, #tpu.memory_space<semaphore_mem>>) src(%dma_wait3A_1246 : memref<2048xf32, #tpu.memory_space<vmem_shared>>) dst(%dma_wait3A_1245 : memref<2048xf32, #tpu.memory_space<hbm>>)
    %dma_wait3A_1247 = arith.constant 0 : i32
    %dma_wait3A_1248 = tpu.memref_slice %arg4[%add3A_1030, %dma_wait3A_1247] : memref<2048x2048xf32, #tpu.memory_space<hbm>> -> memref<1x2048xf32, #tpu.memory_space<hbm>>
    %dma_wait3A_1249 = tpu.memref_squeeze %dma_wait3A_1248 : memref<1x2048xf32, #tpu.memory_space<hbm>> -> memref<2048xf32, #tpu.memory_space<hbm>>
    %dma_wait3A_1250 = tpu.memref_slice %arg11[%mul3A_1025] : memref<1048576xf32, #tpu.memory_space<vmem_shared>> -> memref<2048xf32, #tpu.memory_space<vmem_shared>>
    tpu.wait_dma2 semaphore(%arg12 : memref<!tpu.dma_semaphore, #tpu.memory_space<semaphore_mem>>) src(%dma_wait3A_1250 : memref<2048xf32, #tpu.memory_space<vmem_shared>>) dst(%dma_wait3A_1249 : memref<2048xf32, #tpu.memory_space<hbm>>)
    %dma_wait3A_1251 = arith.constant 0 : i32
    %dma_wait3A_1252 = tpu.memref_slice %arg4[%add3A_1045, %dma_wait3A_1251] : memref<2048x2048xf32, #tpu.memory_space<hbm>> -> memref<1x2048xf32, #tpu.memory_space<hbm>>
    %dma_wait3A_1253 = tpu.memref_squeeze %dma_wait3A_1252 : memref<1x2048xf32, #tpu.memory_space<hbm>> -> memref<2048xf32, #tpu.memory_space<hbm>>
    %dma_wait3A_1254 = tpu.memref_slice %arg11[%mul3A_1040] : memref<1048576xf32, #tpu.memory_space<vmem_shared>> -> memref<2048xf32, #tpu.memory_space<vmem_shared>>
    tpu.wait_dma2 semaphore(%arg12 : memref<!tpu.dma_semaphore, #tpu.memory_space<semaphore_mem>>) src(%dma_wait3A_1254 : memref<2048xf32, #tpu.memory_space<vmem_shared>>) dst(%dma_wait3A_1253 : memref<2048xf32, #tpu.memory_space<hbm>>)
    %dma_wait3A_1255 = arith.constant 0 : i32
    %dma_wait3A_1256 = tpu.memref_slice %arg4[%add3A_1060, %dma_wait3A_1255] : memref<2048x2048xf32, #tpu.memory_space<hbm>> -> memref<1x2048xf32, #tpu.memory_space<hbm>>
    %dma_wait3A_1257 = tpu.memref_squeeze %dma_wait3A_1256 : memref<1x2048xf32, #tpu.memory_space<hbm>> -> memref<2048xf32, #tpu.memory_space<hbm>>
    %dma_wait3A_1258 = tpu.memref_slice %arg11[%mul3A_1055] : memref<1048576xf32, #tpu.memory_space<vmem_shared>> -> memref<2048xf32, #tpu.memory_space<vmem_shared>>
    tpu.wait_dma2 semaphore(%arg12 : memref<!tpu.dma_semaphore, #tpu.memory_space<semaphore_mem>>) src(%dma_wait3A_1258 : memref<2048xf32, #tpu.memory_space<vmem_shared>>) dst(%dma_wait3A_1257 : memref<2048xf32, #tpu.memory_space<hbm>>)
    %dma_wait3A_1259 = arith.constant 0 : i32
    %dma_wait3A_1260 = tpu.memref_slice %arg4[%add3A_1075, %dma_wait3A_1259] : memref<2048x2048xf32, #tpu.memory_space<hbm>> -> memref<1x2048xf32, #tpu.memory_space<hbm>>
    %dma_wait3A_1261 = tpu.memref_squeeze %dma_wait3A_1260 : memref<1x2048xf32, #tpu.memory_space<hbm>> -> memref<2048xf32, #tpu.memory_space<hbm>>
    %dma_wait3A_1262 = tpu.memref_slice %arg11[%mul3A_1070] : memref<1048576xf32, #tpu.memory_space<vmem_shared>> -> memref<2048xf32, #tpu.memory_space<vmem_shared>>
    tpu.wait_dma2 semaphore(%arg12 : memref<!tpu.dma_semaphore, #tpu.memory_space<semaphore_mem>>) src(%dma_wait3A_1262 : memref<2048xf32, #tpu.memory_space<vmem_shared>>) dst(%dma_wait3A_1261 : memref<2048xf32, #tpu.memory_space<hbm>>)
    %dma_wait3A_1263 = arith.constant 0 : i32
    %dma_wait3A_1264 = tpu.memref_slice %arg4[%add3A_1090, %dma_wait3A_1263] : memref<2048x2048xf32, #tpu.memory_space<hbm>> -> memref<1x2048xf32, #tpu.memory_space<hbm>>
    %dma_wait3A_1265 = tpu.memref_squeeze %dma_wait3A_1264 : memref<1x2048xf32, #tpu.memory_space<hbm>> -> memref<2048xf32, #tpu.memory_space<hbm>>
    %dma_wait3A_1266 = tpu.memref_slice %arg11[%mul3A_1085] : memref<1048576xf32, #tpu.memory_space<vmem_shared>> -> memref<2048xf32, #tpu.memory_space<vmem_shared>>
    tpu.wait_dma2 semaphore(%arg12 : memref<!tpu.dma_semaphore, #tpu.memory_space<semaphore_mem>>) src(%dma_wait3A_1266 : memref<2048xf32, #tpu.memory_space<vmem_shared>>) dst(%dma_wait3A_1265 : memref<2048xf32, #tpu.memory_space<hbm>>)
    %dma_wait3A_1267 = arith.constant 0 : i32
    %dma_wait3A_1268 = tpu.memref_slice %arg4[%add3A_1105, %dma_wait3A_1267] : memref<2048x2048xf32, #tpu.memory_space<hbm>> -> memref<1x2048xf32, #tpu.memory_space<hbm>>
    %dma_wait3A_1269 = tpu.memref_squeeze %dma_wait3A_1268 : memref<1x2048xf32, #tpu.memory_space<hbm>> -> memref<2048xf32, #tpu.memory_space<hbm>>
    %dma_wait3A_1270 = tpu.memref_slice %arg11[%mul3A_1100] : memref<1048576xf32, #tpu.memory_space<vmem_shared>> -> memref<2048xf32, #tpu.memory_space<vmem_shared>>
    tpu.wait_dma2 semaphore(%arg12 : memref<!tpu.dma_semaphore, #tpu.memory_space<semaphore_mem>>) src(%dma_wait3A_1270 : memref<2048xf32, #tpu.memory_space<vmem_shared>>) dst(%dma_wait3A_1269 : memref<2048xf32, #tpu.memory_space<hbm>>)
    %dma_wait3A_1271 = arith.constant 0 : i32
    %dma_wait3A_1272 = tpu.memref_slice %arg4[%add3A_1120, %dma_wait3A_1271] : memref<2048x2048xf32, #tpu.memory_space<hbm>> -> memref<1x2048xf32, #tpu.memory_space<hbm>>
    %dma_wait3A_1273 = tpu.memref_squeeze %dma_wait3A_1272 : memref<1x2048xf32, #tpu.memory_space<hbm>> -> memref<2048xf32, #tpu.memory_space<hbm>>
    %dma_wait3A_1274 = tpu.memref_slice %arg11[%mul3A_1115] : memref<1048576xf32, #tpu.memory_space<vmem_shared>> -> memref<2048xf32, #tpu.memory_space<vmem_shared>>
    tpu.wait_dma2 semaphore(%arg12 : memref<!tpu.dma_semaphore, #tpu.memory_space<semaphore_mem>>) src(%dma_wait3A_1274 : memref<2048xf32, #tpu.memory_space<vmem_shared>>) dst(%dma_wait3A_1273 : memref<2048xf32, #tpu.memory_space<hbm>>)
    %dma_wait3A_1275 = arith.constant 0 : i32
    %dma_wait3A_1276 = tpu.memref_slice %arg4[%add3A_1135, %dma_wait3A_1275] : memref<2048x2048xf32, #tpu.memory_space<hbm>> -> memref<1x2048xf32, #tpu.memory_space<hbm>>
    %dma_wait3A_1277 = tpu.memref_squeeze %dma_wait3A_1276 : memref<1x2048xf32, #tpu.memory_space<hbm>> -> memref<2048xf32, #tpu.memory_space<hbm>>
    %dma_wait3A_1278 = tpu.memref_slice %arg11[%mul3A_1130] : memref<1048576xf32, #tpu.memory_space<vmem_shared>> -> memref<2048xf32, #tpu.memory_space<vmem_shared>>
    tpu.wait_dma2 semaphore(%arg12 : memref<!tpu.dma_semaphore, #tpu.memory_space<semaphore_mem>>) src(%dma_wait3A_1278 : memref<2048xf32, #tpu.memory_space<vmem_shared>>) dst(%dma_wait3A_1277 : memref<2048xf32, #tpu.memory_space<hbm>>)
    %dma_wait3A_1279 = arith.constant 0 : i32
    %dma_wait3A_1280 = tpu.memref_slice %arg4[%add3A_1150, %dma_wait3A_1279] : memref<2048x2048xf32, #tpu.memory_space<hbm>> -> memref<1x2048xf32, #tpu.memory_space<hbm>>
    %dma_wait3A_1281 = tpu.memref_squeeze %dma_wait3A_1280 : memref<1x2048xf32, #tpu.memory_space<hbm>> -> memref<2048xf32, #tpu.memory_space<hbm>>
    %dma_wait3A_1282 = tpu.memref_slice %arg11[%mul3A_1145] : memref<1048576xf32, #tpu.memory_space<vmem_shared>> -> memref<2048xf32, #tpu.memory_space<vmem_shared>>
    tpu.wait_dma2 semaphore(%arg12 : memref<!tpu.dma_semaphore, #tpu.memory_space<semaphore_mem>>) src(%dma_wait3A_1282 : memref<2048xf32, #tpu.memory_space<vmem_shared>>) dst(%dma_wait3A_1281 : memref<2048xf32, #tpu.memory_space<hbm>>)
    %barrier3A_1283 = arith.constant 0 : index
    tpu.barrier barrier_id(%barrier3A_1283)
    return
  }
}

module attributes {stable_mosaic.version = 14 : i64} {
  func.func @_gcnmm_body(%arg0: i32, %arg1: memref<256x2048xbf16, #tpu.memory_space<vmem>>, %arg2: memref<4x2048x128xbf16, #tpu.memory_space<vmem>>, %arg3: memref<4x256x128xbf16, #tpu.memory_space<vmem>>, %arg4: memref<256x128xf32, #tpu.memory_space<vmem>>, %arg5: memref<8x128xf32, #tpu.memory_space<vmem>>, %arg6: memref<4x256x128xf32, #tpu.memory_space<vmem>>) attributes {dimension_semantics = [#tpu.dimension_semantics<arbitrary>], iteration_bounds = array<i64: 8>, scalar_prefetch = 0 : i64, scratch_operands = 0 : i64, tpu.core_type = #tpu.core_type<tc>, window_params = [{transform_indices = @transform_0, window_bounds = array<i64: 256, 2048>}, {pipeline_mode = #tpu.pipeline_mode<synchronous>, transform_indices = @transform_1, window_bounds = array<i64: 4, 2048, 128>}, {transform_indices = @transform_2, window_bounds = array<i64: 4, 256, 128>}, {transform_indices = @transform_3, window_bounds = array<i64: 256, 128>}, {pipeline_mode = #tpu.pipeline_mode<synchronous>, transform_indices = @transform_4, window_bounds = array<i64: 8, 128>}, {transform_indices = @transform_5, window_bounds = array<i64: 4, 256, 128>}]} {
    %get3A = arith.constant 0 : index
    %get3A_0 = arith.constant 0 : index
    %get3A_1 = vector.load %arg4[%get3A, %get3A_0] : memref<256x128xf32, #tpu.memory_space<vmem>>, vector<256x128xf32>
    %get3A_2 = arith.constant 0 : index
    %get3A_3 = arith.constant 0 : index
    %get3A_4 = vector.load %arg1[%get3A_2, %get3A_3] : memref<256x2048xbf16, #tpu.memory_space<vmem>>, vector<256x2048xbf16>
    %get3A_5 = arith.constant 0 : index
    %get3A_6 = arith.constant 0 : index
    %get3A_7 = arith.constant 0 : index
    %get3A_8 = vector.load %arg2[%get3A_5, %get3A_6, %get3A_7] : memref<4x2048x128xbf16, #tpu.memory_space<vmem>>, vector<1x2048x128xbf16>
    %get3A_9 = vector.shape_cast %get3A_8 : vector<1x2048x128xbf16> to vector<2048x128xbf16>
    %dot_general3A = arith.constant dense<0.000000e+00> : vector<256x128xf32>
    %dot_general3A_10 = tpu.matmul %get3A_4, %get3A_9, %dot_general3A {dimension_numbers = #tpu.dot_dimension_numbers<[1], [0], [0], [1], [0, 0, 1, 1], [], []>, transpose_lhs_hint = false} : vector<256x2048xbf16>, vector<2048x128xbf16>, vector<256x128xf32> -> vector<256x128xf32>
    %get3A_11 = arith.constant 0 : index
    %get3A_12 = arith.constant 0 : index
    %get3A_13 = arith.constant 0 : index
    %get3A_14 = vector.load %arg3[%get3A_11, %get3A_12, %get3A_13] : memref<4x256x128xbf16, #tpu.memory_space<vmem>>, vector<1x256x128xbf16>
    %get3A_15 = vector.shape_cast %get3A_14 : vector<1x256x128xbf16> to vector<256x128xbf16>
    %convert_element_type3A = arith.extf %get3A_15 : vector<256x128xbf16> to vector<256x128xf32>
    %add3A = arith.addf %dot_general3A_10, %convert_element_type3A : vector<256x128xf32>
    %mul3A = arith.mulf %add3A, %get3A_1 : vector<256x128xf32>
    %get3A_16 = arith.constant 0 : index
    %get3A_17 = arith.constant 0 : index
    %get3A_18 = vector.load %arg5[%get3A_16, %get3A_17] : memref<8x128xf32, #tpu.memory_space<vmem>>, vector<1x128xf32>
    %add3A_19 = vector.broadcast %get3A_18 : vector<1x128xf32> to vector<256x128xf32>
    %add3A_20 = arith.addf %mul3A, %add3A_19 : vector<256x128xf32>
    %swap3A = arith.constant 0 : index
    %swap3A_21 = arith.constant 0 : index
    %swap3A_22 = arith.constant 0 : index
    %swap3A_23 = vector.load %arg6[%swap3A, %swap3A_21, %swap3A_22] : memref<4x256x128xf32, #tpu.memory_space<vmem>>, vector<1x256x128xf32>
    %swap3A_24 = vector.shape_cast %swap3A_23 : vector<1x256x128xf32> to vector<256x128xf32>
    %swap3A_25 = vector.shape_cast %add3A_20 : vector<256x128xf32> to vector<1x256x128xf32>
    tpu.vector_store %arg6[%swap3A, %swap3A_21, %swap3A_22], %swap3A_25 {strides = array<i32>} : memref<4x256x128xf32, #tpu.memory_space<vmem>>, vector<1x256x128xf32>,
    %get3A_26 = arith.constant 0 : index
    %get3A_27 = arith.constant 0 : index
    %get3A_28 = vector.load %arg1[%get3A_26, %get3A_27] : memref<256x2048xbf16, #tpu.memory_space<vmem>>, vector<256x2048xbf16>
    %get3A_29 = arith.constant 1 : index
    %get3A_30 = arith.constant 0 : index
    %get3A_31 = arith.constant 0 : index
    %get3A_32 = vector.load %arg2[%get3A_29, %get3A_30, %get3A_31] : memref<4x2048x128xbf16, #tpu.memory_space<vmem>>, vector<1x2048x128xbf16>
    %get3A_33 = vector.shape_cast %get3A_32 : vector<1x2048x128xbf16> to vector<2048x128xbf16>
    %dot_general3A_34 = arith.constant dense<0.000000e+00> : vector<256x128xf32>
    %dot_general3A_35 = tpu.matmul %get3A_28, %get3A_33, %dot_general3A_34 {dimension_numbers = #tpu.dot_dimension_numbers<[1], [0], [0], [1], [0, 0, 1, 1], [], []>, transpose_lhs_hint = false} : vector<256x2048xbf16>, vector<2048x128xbf16>, vector<256x128xf32> -> vector<256x128xf32>
    %get3A_36 = arith.constant 1 : index
    %get3A_37 = arith.constant 0 : index
    %get3A_38 = arith.constant 0 : index
    %get3A_39 = vector.load %arg3[%get3A_36, %get3A_37, %get3A_38] : memref<4x256x128xbf16, #tpu.memory_space<vmem>>, vector<1x256x128xbf16>
    %get3A_40 = vector.shape_cast %get3A_39 : vector<1x256x128xbf16> to vector<256x128xbf16>
    %convert_element_type3A_41 = arith.extf %get3A_40 : vector<256x128xbf16> to vector<256x128xf32>
    %add3A_42 = arith.addf %dot_general3A_35, %convert_element_type3A_41 : vector<256x128xf32>
    %mul3A_43 = arith.mulf %add3A_42, %get3A_1 : vector<256x128xf32>
    %get3A_44 = arith.constant 0 : index
    %get3A_45 = arith.constant 0 : index
    %get3A_46 = vector.load %arg5[%get3A_44, %get3A_45] : memref<8x128xf32, #tpu.memory_space<vmem>>, vector<1x128xf32>
    %add3A_47 = vector.broadcast %get3A_46 : vector<1x128xf32> to vector<256x128xf32>
    %add3A_48 = arith.addf %mul3A_43, %add3A_47 : vector<256x128xf32>
    %swap3A_49 = arith.constant 1 : index
    %swap3A_50 = arith.constant 0 : index
    %swap3A_51 = arith.constant 0 : index
    %swap3A_52 = vector.load %arg6[%swap3A_49, %swap3A_50, %swap3A_51] : memref<4x256x128xf32, #tpu.memory_space<vmem>>, vector<1x256x128xf32>
    %swap3A_53 = vector.shape_cast %swap3A_52 : vector<1x256x128xf32> to vector<256x128xf32>
    %swap3A_54 = vector.shape_cast %add3A_48 : vector<256x128xf32> to vector<1x256x128xf32>
    tpu.vector_store %arg6[%swap3A_49, %swap3A_50, %swap3A_51], %swap3A_54 {strides = array<i32>} : memref<4x256x128xf32, #tpu.memory_space<vmem>>, vector<1x256x128xf32>,
    %get3A_55 = arith.constant 0 : index
    %get3A_56 = arith.constant 0 : index
    %get3A_57 = vector.load %arg1[%get3A_55, %get3A_56] : memref<256x2048xbf16, #tpu.memory_space<vmem>>, vector<256x2048xbf16>
    %get3A_58 = arith.constant 2 : index
    %get3A_59 = arith.constant 0 : index
    %get3A_60 = arith.constant 0 : index
    %get3A_61 = vector.load %arg2[%get3A_58, %get3A_59, %get3A_60] : memref<4x2048x128xbf16, #tpu.memory_space<vmem>>, vector<1x2048x128xbf16>
    %get3A_62 = vector.shape_cast %get3A_61 : vector<1x2048x128xbf16> to vector<2048x128xbf16>
    %dot_general3A_63 = arith.constant dense<0.000000e+00> : vector<256x128xf32>
    %dot_general3A_64 = tpu.matmul %get3A_57, %get3A_62, %dot_general3A_63 {dimension_numbers = #tpu.dot_dimension_numbers<[1], [0], [0], [1], [0, 0, 1, 1], [], []>, transpose_lhs_hint = false} : vector<256x2048xbf16>, vector<2048x128xbf16>, vector<256x128xf32> -> vector<256x128xf32>
    %get3A_65 = arith.constant 2 : index
    %get3A_66 = arith.constant 0 : index
    %get3A_67 = arith.constant 0 : index
    %get3A_68 = vector.load %arg3[%get3A_65, %get3A_66, %get3A_67] : memref<4x256x128xbf16, #tpu.memory_space<vmem>>, vector<1x256x128xbf16>
    %get3A_69 = vector.shape_cast %get3A_68 : vector<1x256x128xbf16> to vector<256x128xbf16>
    %convert_element_type3A_70 = arith.extf %get3A_69 : vector<256x128xbf16> to vector<256x128xf32>
    %add3A_71 = arith.addf %dot_general3A_64, %convert_element_type3A_70 : vector<256x128xf32>
    %mul3A_72 = arith.mulf %add3A_71, %get3A_1 : vector<256x128xf32>
    %get3A_73 = arith.constant 0 : index
    %get3A_74 = arith.constant 0 : index
    %get3A_75 = vector.load %arg5[%get3A_73, %get3A_74] : memref<8x128xf32, #tpu.memory_space<vmem>>, vector<1x128xf32>
    %add3A_76 = vector.broadcast %get3A_75 : vector<1x128xf32> to vector<256x128xf32>
    %add3A_77 = arith.addf %mul3A_72, %add3A_76 : vector<256x128xf32>
    %swap3A_78 = arith.constant 2 : index
    %swap3A_79 = arith.constant 0 : index
    %swap3A_80 = arith.constant 0 : index
    %swap3A_81 = vector.load %arg6[%swap3A_78, %swap3A_79, %swap3A_80] : memref<4x256x128xf32, #tpu.memory_space<vmem>>, vector<1x256x128xf32>
    %swap3A_82 = vector.shape_cast %swap3A_81 : vector<1x256x128xf32> to vector<256x128xf32>
    %swap3A_83 = vector.shape_cast %add3A_77 : vector<256x128xf32> to vector<1x256x128xf32>
    tpu.vector_store %arg6[%swap3A_78, %swap3A_79, %swap3A_80], %swap3A_83 {strides = array<i32>} : memref<4x256x128xf32, #tpu.memory_space<vmem>>, vector<1x256x128xf32>,
    %get3A_84 = arith.constant 0 : index
    %get3A_85 = arith.constant 0 : index
    %get3A_86 = vector.load %arg1[%get3A_84, %get3A_85] : memref<256x2048xbf16, #tpu.memory_space<vmem>>, vector<256x2048xbf16>
    %get3A_87 = arith.constant 3 : index
    %get3A_88 = arith.constant 0 : index
    %get3A_89 = arith.constant 0 : index
    %get3A_90 = vector.load %arg2[%get3A_87, %get3A_88, %get3A_89] : memref<4x2048x128xbf16, #tpu.memory_space<vmem>>, vector<1x2048x128xbf16>
    %get3A_91 = vector.shape_cast %get3A_90 : vector<1x2048x128xbf16> to vector<2048x128xbf16>
    %dot_general3A_92 = arith.constant dense<0.000000e+00> : vector<256x128xf32>
    %dot_general3A_93 = tpu.matmul %get3A_86, %get3A_91, %dot_general3A_92 {dimension_numbers = #tpu.dot_dimension_numbers<[1], [0], [0], [1], [0, 0, 1, 1], [], []>, transpose_lhs_hint = false} : vector<256x2048xbf16>, vector<2048x128xbf16>, vector<256x128xf32> -> vector<256x128xf32>
    %get3A_94 = arith.constant 3 : index
    %get3A_95 = arith.constant 0 : index
    %get3A_96 = arith.constant 0 : index
    %get3A_97 = vector.load %arg3[%get3A_94, %get3A_95, %get3A_96] : memref<4x256x128xbf16, #tpu.memory_space<vmem>>, vector<1x256x128xbf16>
    %get3A_98 = vector.shape_cast %get3A_97 : vector<1x256x128xbf16> to vector<256x128xbf16>
    %convert_element_type3A_99 = arith.extf %get3A_98 : vector<256x128xbf16> to vector<256x128xf32>
    %add3A_100 = arith.addf %dot_general3A_93, %convert_element_type3A_99 : vector<256x128xf32>
    %mul3A_101 = arith.mulf %add3A_100, %get3A_1 : vector<256x128xf32>
    %get3A_102 = arith.constant 0 : index
    %get3A_103 = arith.constant 0 : index
    %get3A_104 = vector.load %arg5[%get3A_102, %get3A_103] : memref<8x128xf32, #tpu.memory_space<vmem>>, vector<1x128xf32>
    %add3A_105 = vector.broadcast %get3A_104 : vector<1x128xf32> to vector<256x128xf32>
    %add3A_106 = arith.addf %mul3A_101, %add3A_105 : vector<256x128xf32>
    %swap3A_107 = arith.constant 3 : index
    %swap3A_108 = arith.constant 0 : index
    %swap3A_109 = arith.constant 0 : index
    %swap3A_110 = vector.load %arg6[%swap3A_107, %swap3A_108, %swap3A_109] : memref<4x256x128xf32, #tpu.memory_space<vmem>>, vector<1x256x128xf32>
    %swap3A_111 = vector.shape_cast %swap3A_110 : vector<1x256x128xf32> to vector<256x128xf32>
    %swap3A_112 = vector.shape_cast %add3A_106 : vector<256x128xf32> to vector<1x256x128xf32>
    tpu.vector_store %arg6[%swap3A_107, %swap3A_108, %swap3A_109], %swap3A_112 {strides = array<i32>} : memref<4x256x128xf32, #tpu.memory_space<vmem>>, vector<1x256x128xf32>,
    return
  }
  func.func @transform_0(%arg0: i32) -> (i32, i32) {
    %c0_i32 = arith.constant 0 : i32
    %c0_i32_0 = arith.constant 0 : i32
    return %arg0, %c0_i32 : i32, i32
  }
  func.func @transform_1(%arg0: i32) -> (i32, i32, i32) {
    %c0_i32 = arith.constant 0 : i32
    %c0_i32_0 = arith.constant 0 : i32
    %c0_i32_1 = arith.constant 0 : i32
    %c0_i32_2 = arith.constant 0 : i32
    return %c0_i32, %c0_i32_0, %c0_i32_1 : i32, i32, i32
  }
  func.func @transform_2(%arg0: i32) -> (i32, i32, i32) {
    %c0_i32 = arith.constant 0 : i32
    %c0_i32_0 = arith.constant 0 : i32
    %c0_i32_1 = arith.constant 0 : i32
    return %c0_i32, %arg0, %c0_i32_0 : i32, i32, i32
  }
  func.func @transform_3(%arg0: i32) -> (i32, i32) {
    %c0_i32 = arith.constant 0 : i32
    %c0_i32_0 = arith.constant 0 : i32
    return %arg0, %c0_i32 : i32, i32
  }
  func.func @transform_4(%arg0: i32) -> (i32, i32) {
    %c0_i32 = arith.constant 0 : i32
    %c0_i32_0 = arith.constant 0 : i32
    %c0_i32_1 = arith.constant 0 : i32
    return %c0_i32, %c0_i32_0 : i32, i32
  }
  func.func @transform_5(%arg0: i32) -> (i32, i32, i32) {
    %c0_i32 = arith.constant 0 : i32
    %c0_i32_0 = arith.constant 0 : i32
    %c0_i32_1 = arith.constant 0 : i32
    return %c0_i32, %arg0, %c0_i32_0 : i32, i32, i32
  }
}

module attributes {stable_mosaic.version = 14 : i64} {
  func.func @_dinv_body(%arg0: i32, %arg1: memref<256x2048xf32, #tpu.memory_space<vmem>>, %arg2: memref<4x256x128xf32, #tpu.memory_space<vmem>>, %arg3: memref<128x128xf32, #tpu.memory_space<vmem>>, %arg4: memref<256x128xf32, #tpu.memory_space<vmem>>, %arg5: memref<256x2048xbf16, #tpu.memory_space<vmem>>, %arg6: memref<4x256x128xbf16, #tpu.memory_space<vmem>>) attributes {dimension_semantics = [#tpu.dimension_semantics<arbitrary>], iteration_bounds = array<i64: 8>, scalar_prefetch = 0 : i64, scratch_operands = 0 : i64, tpu.core_type = #tpu.core_type<tc>, window_params = [{transform_indices = @transform_0, window_bounds = array<i64: 256, 2048>}, {transform_indices = @transform_1, window_bounds = array<i64: 4, 256, 128>}, {pipeline_mode = #tpu.pipeline_mode<synchronous>, transform_indices = @transform_2, window_bounds = array<i64: 128, 128>}, {transform_indices = @transform_3, window_bounds = array<i64: 256, 128>}, {transform_indices = @transform_4, window_bounds = array<i64: 256, 2048>}, {transform_indices = @transform_5, window_bounds = array<i64: 4, 256, 128>}]} {
    %get3A = arith.constant 0 : index
    %get3A_0 = arith.constant 0 : index
    %get3A_1 = vector.load %arg1[%get3A, %get3A_0] : memref<256x2048xf32, #tpu.memory_space<vmem>>, vector<256x2048xf32>
    %reduce_sum3A = arith.constant dense<0.000000e+00> : vector<256xf32>
    %reduce_sum3A_2 = vector.multi_reduction <add>, %get3A_1, %reduce_sum3A [1] : vector<256x2048xf32> to vector<256xf32>
    %broadcast_in_dim3A = vector.shape_cast %reduce_sum3A_2 : vector<256xf32> to vector<256x1xf32>
    %add3A = arith.constant 1.000000e+00 : f32
    %add3A_3 = vector.broadcast %add3A : f32 to vector<256x1xf32>
    %add3A_4 = arith.addf %broadcast_in_dim3A, %add3A_3 : vector<256x1xf32>
    %rsqrt3A = math.rsqrt %add3A_4 : vector<256x1xf32>
    %broadcast_in_dim3A_5 = vector.shape_cast %rsqrt3A : vector<256x1xf32> to vector<256x1xf32>
    %broadcast_in_dim3A_6 = vector.broadcast %broadcast_in_dim3A_5 : vector<256x1xf32> to vector<256x128xf32>
    %swap3A = arith.constant 0 : index
    %swap3A_7 = arith.constant 0 : index
    %swap3A_8 = vector.load %arg4[%swap3A, %swap3A_7] : memref<256x128xf32, #tpu.memory_space<vmem>>, vector<256x128xf32>
    tpu.vector_store %arg4[%swap3A, %swap3A_7], %broadcast_in_dim3A_6 {strides = array<i32>} : memref<256x128xf32, #tpu.memory_space<vmem>>, vector<256x128xf32>,
    %convert_element_type3A = arith.truncf %get3A_1 : vector<256x2048xf32> to vector<256x2048xbf16>
    %swap3A_9 = arith.constant 0 : index
    %swap3A_10 = arith.constant 0 : index
    %swap3A_11 = vector.load %arg5[%swap3A_9, %swap3A_10] : memref<256x2048xbf16, #tpu.memory_space<vmem>>, vector<256x2048xbf16>
    tpu.vector_store %arg5[%swap3A_9, %swap3A_10], %convert_element_type3A {strides = array<i32>} : memref<256x2048xbf16, #tpu.memory_space<vmem>>, vector<256x2048xbf16>,
    %get3A_12 = arith.constant 0 : index
    %get3A_13 = arith.constant 0 : index
    %get3A_14 = arith.constant 0 : index
    %get3A_15 = vector.load %arg2[%get3A_12, %get3A_13, %get3A_14] : memref<4x256x128xf32, #tpu.memory_space<vmem>>, vector<1x256x128xf32>
    %get3A_16 = vector.shape_cast %get3A_15 : vector<1x256x128xf32> to vector<256x128xf32>
    %get3A_17 = arith.constant 0 : index
    %get3A_18 = arith.constant 0 : index
    %get3A_19 = vector.load %arg3[%get3A_17, %get3A_18] : memref<128x128xf32, #tpu.memory_space<vmem>>, vector<128x128xf32>
    %dot_general3A = arith.constant dense<0.000000e+00> : vector<256x128xf32>
    %dot_general3A_20 = tpu.matmul %get3A_16, %get3A_19, %dot_general3A {dimension_numbers = #tpu.dot_dimension_numbers<[1], [0], [0], [1], [0, 0, 1, 1], [], []>, transpose_lhs_hint = false} : vector<256x128xf32>, vector<128x128xf32>, vector<256x128xf32> -> vector<256x128xf32>
    %mul3A = vector.broadcast %rsqrt3A : vector<256x1xf32> to vector<256x128xf32>
    %mul3A_21 = arith.mulf %dot_general3A_20, %mul3A : vector<256x128xf32>
    %convert_element_type3A_22 = arith.truncf %mul3A_21 : vector<256x128xf32> to vector<256x128xbf16>
    %swap3A_23 = arith.constant 0 : index
    %swap3A_24 = arith.constant 0 : index
    %swap3A_25 = arith.constant 0 : index
    %swap3A_26 = vector.load %arg6[%swap3A_23, %swap3A_24, %swap3A_25] : memref<4x256x128xbf16, #tpu.memory_space<vmem>>, vector<1x256x128xbf16>
    %swap3A_27 = vector.shape_cast %swap3A_26 : vector<1x256x128xbf16> to vector<256x128xbf16>
    %swap3A_28 = vector.shape_cast %convert_element_type3A_22 : vector<256x128xbf16> to vector<1x256x128xbf16>
    tpu.vector_store %arg6[%swap3A_23, %swap3A_24, %swap3A_25], %swap3A_28 {strides = array<i32>} : memref<4x256x128xbf16, #tpu.memory_space<vmem>>, vector<1x256x128xbf16>,
    %get3A_29 = arith.constant 1 : index
    %get3A_30 = arith.constant 0 : index
    %get3A_31 = arith.constant 0 : index
    %get3A_32 = vector.load %arg2[%get3A_29, %get3A_30, %get3A_31] : memref<4x256x128xf32, #tpu.memory_space<vmem>>, vector<1x256x128xf32>
    %get3A_33 = vector.shape_cast %get3A_32 : vector<1x256x128xf32> to vector<256x128xf32>
    %get3A_34 = arith.constant 0 : index
    %get3A_35 = arith.constant 0 : index
    %get3A_36 = vector.load %arg3[%get3A_34, %get3A_35] : memref<128x128xf32, #tpu.memory_space<vmem>>, vector<128x128xf32>
    %dot_general3A_37 = arith.constant dense<0.000000e+00> : vector<256x128xf32>
    %dot_general3A_38 = tpu.matmul %get3A_33, %get3A_36, %dot_general3A_37 {dimension_numbers = #tpu.dot_dimension_numbers<[1], [0], [0], [1], [0, 0, 1, 1], [], []>, transpose_lhs_hint = false} : vector<256x128xf32>, vector<128x128xf32>, vector<256x128xf32> -> vector<256x128xf32>
    %mul3A_39 = vector.broadcast %rsqrt3A : vector<256x1xf32> to vector<256x128xf32>
    %mul3A_40 = arith.mulf %dot_general3A_38, %mul3A_39 : vector<256x128xf32>
    %convert_element_type3A_41 = arith.truncf %mul3A_40 : vector<256x128xf32> to vector<256x128xbf16>
    %swap3A_42 = arith.constant 1 : index
    %swap3A_43 = arith.constant 0 : index
    %swap3A_44 = arith.constant 0 : index
    %swap3A_45 = vector.load %arg6[%swap3A_42, %swap3A_43, %swap3A_44] : memref<4x256x128xbf16, #tpu.memory_space<vmem>>, vector<1x256x128xbf16>
    %swap3A_46 = vector.shape_cast %swap3A_45 : vector<1x256x128xbf16> to vector<256x128xbf16>
    %swap3A_47 = vector.shape_cast %convert_element_type3A_41 : vector<256x128xbf16> to vector<1x256x128xbf16>
    tpu.vector_store %arg6[%swap3A_42, %swap3A_43, %swap3A_44], %swap3A_47 {strides = array<i32>} : memref<4x256x128xbf16, #tpu.memory_space<vmem>>, vector<1x256x128xbf16>,
    %get3A_48 = arith.constant 2 : index
    %get3A_49 = arith.constant 0 : index
    %get3A_50 = arith.constant 0 : index
    %get3A_51 = vector.load %arg2[%get3A_48, %get3A_49, %get3A_50] : memref<4x256x128xf32, #tpu.memory_space<vmem>>, vector<1x256x128xf32>
    %get3A_52 = vector.shape_cast %get3A_51 : vector<1x256x128xf32> to vector<256x128xf32>
    %get3A_53 = arith.constant 0 : index
    %get3A_54 = arith.constant 0 : index
    %get3A_55 = vector.load %arg3[%get3A_53, %get3A_54] : memref<128x128xf32, #tpu.memory_space<vmem>>, vector<128x128xf32>
    %dot_general3A_56 = arith.constant dense<0.000000e+00> : vector<256x128xf32>
    %dot_general3A_57 = tpu.matmul %get3A_52, %get3A_55, %dot_general3A_56 {dimension_numbers = #tpu.dot_dimension_numbers<[1], [0], [0], [1], [0, 0, 1, 1], [], []>, transpose_lhs_hint = false} : vector<256x128xf32>, vector<128x128xf32>, vector<256x128xf32> -> vector<256x128xf32>
    %mul3A_58 = vector.broadcast %rsqrt3A : vector<256x1xf32> to vector<256x128xf32>
    %mul3A_59 = arith.mulf %dot_general3A_57, %mul3A_58 : vector<256x128xf32>
    %convert_element_type3A_60 = arith.truncf %mul3A_59 : vector<256x128xf32> to vector<256x128xbf16>
    %swap3A_61 = arith.constant 2 : index
    %swap3A_62 = arith.constant 0 : index
    %swap3A_63 = arith.constant 0 : index
    %swap3A_64 = vector.load %arg6[%swap3A_61, %swap3A_62, %swap3A_63] : memref<4x256x128xbf16, #tpu.memory_space<vmem>>, vector<1x256x128xbf16>
    %swap3A_65 = vector.shape_cast %swap3A_64 : vector<1x256x128xbf16> to vector<256x128xbf16>
    %swap3A_66 = vector.shape_cast %convert_element_type3A_60 : vector<256x128xbf16> to vector<1x256x128xbf16>
    tpu.vector_store %arg6[%swap3A_61, %swap3A_62, %swap3A_63], %swap3A_66 {strides = array<i32>} : memref<4x256x128xbf16, #tpu.memory_space<vmem>>, vector<1x256x128xbf16>,
    %get3A_67 = arith.constant 3 : index
    %get3A_68 = arith.constant 0 : index
    %get3A_69 = arith.constant 0 : index
    %get3A_70 = vector.load %arg2[%get3A_67, %get3A_68, %get3A_69] : memref<4x256x128xf32, #tpu.memory_space<vmem>>, vector<1x256x128xf32>
    %get3A_71 = vector.shape_cast %get3A_70 : vector<1x256x128xf32> to vector<256x128xf32>
    %get3A_72 = arith.constant 0 : index
    %get3A_73 = arith.constant 0 : index
    %get3A_74 = vector.load %arg3[%get3A_72, %get3A_73] : memref<128x128xf32, #tpu.memory_space<vmem>>, vector<128x128xf32>
    %dot_general3A_75 = arith.constant dense<0.000000e+00> : vector<256x128xf32>
    %dot_general3A_76 = tpu.matmul %get3A_71, %get3A_74, %dot_general3A_75 {dimension_numbers = #tpu.dot_dimension_numbers<[1], [0], [0], [1], [0, 0, 1, 1], [], []>, transpose_lhs_hint = false} : vector<256x128xf32>, vector<128x128xf32>, vector<256x128xf32> -> vector<256x128xf32>
    %mul3A_77 = vector.broadcast %rsqrt3A : vector<256x1xf32> to vector<256x128xf32>
    %mul3A_78 = arith.mulf %dot_general3A_76, %mul3A_77 : vector<256x128xf32>
    %convert_element_type3A_79 = arith.truncf %mul3A_78 : vector<256x128xf32> to vector<256x128xbf16>
    %swap3A_80 = arith.constant 3 : index
    %swap3A_81 = arith.constant 0 : index
    %swap3A_82 = arith.constant 0 : index
    %swap3A_83 = vector.load %arg6[%swap3A_80, %swap3A_81, %swap3A_82] : memref<4x256x128xbf16, #tpu.memory_space<vmem>>, vector<1x256x128xbf16>
    %swap3A_84 = vector.shape_cast %swap3A_83 : vector<1x256x128xbf16> to vector<256x128xbf16>
    %swap3A_85 = vector.shape_cast %convert_element_type3A_79 : vector<256x128xbf16> to vector<1x256x128xbf16>
    tpu.vector_store %arg6[%swap3A_80, %swap3A_81, %swap3A_82], %swap3A_85 {strides = array<i32>} : memref<4x256x128xbf16, #tpu.memory_space<vmem>>, vector<1x256x128xbf16>,
    return
  }
  func.func @transform_0(%arg0: i32) -> (i32, i32) {
    %c0_i32 = arith.constant 0 : i32
    %c0_i32_0 = arith.constant 0 : i32
    return %arg0, %c0_i32 : i32, i32
  }
  func.func @transform_1(%arg0: i32) -> (i32, i32, i32) {
    %c0_i32 = arith.constant 0 : i32
    %c0_i32_0 = arith.constant 0 : i32
    %c0_i32_1 = arith.constant 0 : i32
    return %c0_i32, %arg0, %c0_i32_0 : i32, i32, i32
  }
  func.func @transform_2(%arg0: i32) -> (i32, i32) {
    %c0_i32 = arith.constant 0 : i32
    %c0_i32_0 = arith.constant 0 : i32
    %c0_i32_1 = arith.constant 0 : i32
    return %c0_i32, %c0_i32_0 : i32, i32
  }
  func.func @transform_3(%arg0: i32) -> (i32, i32) {
    %c0_i32 = arith.constant 0 : i32
    %c0_i32_0 = arith.constant 0 : i32
    return %arg0, %c0_i32 : i32, i32
  }
  func.func @transform_4(%arg0: i32) -> (i32, i32) {
    %c0_i32 = arith.constant 0 : i32
    %c0_i32_0 = arith.constant 0 : i32
    return %arg0, %c0_i32 : i32, i32
  }
  func.func @transform_5(%arg0: i32) -> (i32, i32, i32) {
    %c0_i32 = arith.constant 0 : i32
    %c0_i32_0 = arith.constant 0 : i32
    %c0_i32_1 = arith.constant 0 : i32
    return %c0_i32, %arg0, %c0_i32_0 : i32, i32, i32
  }
}

module attributes {stable_mosaic.version = 14 : i64} {
  func.func @_bnhs_body(%arg0: memref<4x2048x128xf32, #tpu.memory_space<vmem>>, %arg1: memref<8x128xf32, #tpu.memory_space<vmem>>, %arg2: memref<8x128xf32, #tpu.memory_space<vmem>>, %arg3: memref<128x128xf32, #tpu.memory_space<vmem>>, %arg4: memref<2048x128xf32, #tpu.memory_space<vmem>>, %arg5: memref<4x2048x128xbf16, #tpu.memory_space<vmem>>) attributes {dimension_semantics = [], scalar_prefetch = 0 : i64, scratch_operands = 0 : i64, tpu.core_type = #tpu.core_type<tc>} {
    %get3A = arith.constant 0 : index
    %get3A_0 = arith.constant 0 : index
    %get3A_1 = arith.constant 0 : index
    %get3A_2 = vector.load %arg0[%get3A, %get3A_0, %get3A_1] : memref<4x2048x128xf32, #tpu.memory_space<vmem>>, vector<4x2048x128xf32>
    %reshape3A = vector.shape_cast %get3A_2 : vector<4x2048x128xf32> to vector<8192x128xf32>
    %reduce_sum3A = arith.constant dense<0.000000e+00> : vector<128xf32>
    %reduce_sum3A_3 = vector.multi_reduction <add>, %reshape3A, %reduce_sum3A [0] : vector<8192x128xf32> to vector<128xf32>
    %broadcast_in_dim3A = vector.shape_cast %reduce_sum3A_3 : vector<128xf32> to vector<1x128xf32>
    %div3A = arith.constant 8.192000e+03 : f32
    %div3A_4 = vector.broadcast %div3A : f32 to vector<1x128xf32>
    %div3A_5 = arith.divf %broadcast_in_dim3A, %div3A_4 : vector<1x128xf32>
    %sub3A = vector.broadcast %div3A_5 : vector<1x128xf32> to vector<8192x128xf32>
    %sub3A_6 = arith.subf %reshape3A, %sub3A : vector<8192x128xf32>
    %integer_pow3A = arith.mulf %sub3A_6, %sub3A_6 : vector<8192x128xf32>
    %reduce_sum3A_7 = arith.constant dense<0.000000e+00> : vector<128xf32>
    %reduce_sum3A_8 = vector.multi_reduction <add>, %integer_pow3A, %reduce_sum3A_7 [0] : vector<8192x128xf32> to vector<128xf32>
    %broadcast_in_dim3A_9 = vector.shape_cast %reduce_sum3A_8 : vector<128xf32> to vector<1x128xf32>
    %div3A_10 = arith.constant 8.192000e+03 : f32
    %div3A_11 = vector.broadcast %div3A_10 : f32 to vector<1x128xf32>
    %div3A_12 = arith.divf %broadcast_in_dim3A_9, %div3A_11 : vector<1x128xf32>
    %get3A_13 = arith.constant 0 : index
    %get3A_14 = arith.constant 0 : index
    %get3A_15 = vector.load %arg1[%get3A_13, %get3A_14] : memref<8x128xf32, #tpu.memory_space<vmem>>, vector<1x128xf32>
    %add3A = arith.constant 9.99999974E-6 : f32
    %add3A_16 = vector.broadcast %add3A : f32 to vector<1x128xf32>
    %add3A_17 = arith.addf %div3A_12, %add3A_16 : vector<1x128xf32>
    %rsqrt3A = math.rsqrt %add3A_17 : vector<1x128xf32>
    %mul3A = arith.mulf %get3A_15, %rsqrt3A : vector<1x128xf32>
    %get3A_18 = arith.constant 0 : index
    %get3A_19 = arith.constant 0 : index
    %get3A_20 = vector.load %arg2[%get3A_18, %get3A_19] : memref<8x128xf32, #tpu.memory_space<vmem>>, vector<1x128xf32>
    %mul3A_21 = arith.mulf %div3A_5, %mul3A : vector<1x128xf32>
    %sub3A_22 = arith.subf %get3A_20, %mul3A_21 : vector<1x128xf32>
    %get3A_23 = arith.constant 0 : index
    %get3A_24 = arith.constant 0 : index
    %get3A_25 = vector.load %arg4[%get3A_23, %get3A_24] : memref<2048x128xf32, #tpu.memory_space<vmem>>, vector<2048x128xf32>
    %get3A_26 = arith.constant 0 : index
    %get3A_27 = arith.constant 0 : index
    %get3A_28 = arith.constant 0 : index
    %get3A_29 = vector.load %arg0[%get3A_26, %get3A_27, %get3A_28] : memref<4x2048x128xf32, #tpu.memory_space<vmem>>, vector<1x2048x128xf32>
    %get3A_30 = vector.shape_cast %get3A_29 : vector<1x2048x128xf32> to vector<2048x128xf32>
    %mul3A_31 = vector.broadcast %mul3A : vector<1x128xf32> to vector<2048x128xf32>
    %mul3A_32 = arith.mulf %get3A_30, %mul3A_31 : vector<2048x128xf32>
    %add3A_33 = vector.broadcast %sub3A_22 : vector<1x128xf32> to vector<2048x128xf32>
    %add3A_34 = arith.addf %mul3A_32, %add3A_33 : vector<2048x128xf32>
    %max3A = arith.constant 0.000000e+00 : f32
    %max3A_35 = vector.broadcast %max3A : f32 to vector<2048x128xf32>
    %max3A_36 = arith.maximumf %add3A_34, %max3A_35 : vector<2048x128xf32>
    %get3A_37 = arith.constant 0 : index
    %get3A_38 = arith.constant 0 : index
    %get3A_39 = vector.load %arg3[%get3A_37, %get3A_38] : memref<128x128xf32, #tpu.memory_space<vmem>>, vector<128x128xf32>
    %dot_general3A = arith.constant dense<0.000000e+00> : vector<2048x128xf32>
    %dot_general3A_40 = tpu.matmul %max3A_36, %get3A_39, %dot_general3A {dimension_numbers = #tpu.dot_dimension_numbers<[1], [0], [0], [1], [0, 0, 1, 1], [], []>, transpose_lhs_hint = false} : vector<2048x128xf32>, vector<128x128xf32>, vector<2048x128xf32> -> vector<2048x128xf32>
    %mul3A_41 = arith.mulf %dot_general3A_40, %get3A_25 : vector<2048x128xf32>
    %convert_element_type3A = arith.truncf %mul3A_41 : vector<2048x128xf32> to vector<2048x128xbf16>
    %swap3A = arith.constant 0 : index
    %swap3A_42 = arith.constant 0 : index
    %swap3A_43 = arith.constant 0 : index
    %swap3A_44 = vector.load %arg5[%swap3A, %swap3A_42, %swap3A_43] : memref<4x2048x128xbf16, #tpu.memory_space<vmem>>, vector<1x2048x128xbf16>
    %swap3A_45 = vector.shape_cast %swap3A_44 : vector<1x2048x128xbf16> to vector<2048x128xbf16>
    %swap3A_46 = vector.shape_cast %convert_element_type3A : vector<2048x128xbf16> to vector<1x2048x128xbf16>
    tpu.vector_store %arg5[%swap3A, %swap3A_42, %swap3A_43], %swap3A_46 {strides = array<i32>} : memref<4x2048x128xbf16, #tpu.memory_space<vmem>>, vector<1x2048x128xbf16>,
    %get3A_47 = arith.constant 1 : index
    %get3A_48 = arith.constant 0 : index
    %get3A_49 = arith.constant 0 : index
    %get3A_50 = vector.load %arg0[%get3A_47, %get3A_48, %get3A_49] : memref<4x2048x128xf32, #tpu.memory_space<vmem>>, vector<1x2048x128xf32>
    %get3A_51 = vector.shape_cast %get3A_50 : vector<1x2048x128xf32> to vector<2048x128xf32>
    %mul3A_52 = vector.broadcast %mul3A : vector<1x128xf32> to vector<2048x128xf32>
    %mul3A_53 = arith.mulf %get3A_51, %mul3A_52 : vector<2048x128xf32>
    %add3A_54 = vector.broadcast %sub3A_22 : vector<1x128xf32> to vector<2048x128xf32>
    %add3A_55 = arith.addf %mul3A_53, %add3A_54 : vector<2048x128xf32>
    %max3A_56 = arith.constant 0.000000e+00 : f32
    %max3A_57 = vector.broadcast %max3A_56 : f32 to vector<2048x128xf32>
    %max3A_58 = arith.maximumf %add3A_55, %max3A_57 : vector<2048x128xf32>
    %get3A_59 = arith.constant 0 : index
    %get3A_60 = arith.constant 0 : index
    %get3A_61 = vector.load %arg3[%get3A_59, %get3A_60] : memref<128x128xf32, #tpu.memory_space<vmem>>, vector<128x128xf32>
    %dot_general3A_62 = arith.constant dense<0.000000e+00> : vector<2048x128xf32>
    %dot_general3A_63 = tpu.matmul %max3A_58, %get3A_61, %dot_general3A_62 {dimension_numbers = #tpu.dot_dimension_numbers<[1], [0], [0], [1], [0, 0, 1, 1], [], []>, transpose_lhs_hint = false} : vector<2048x128xf32>, vector<128x128xf32>, vector<2048x128xf32> -> vector<2048x128xf32>
    %mul3A_64 = arith.mulf %dot_general3A_63, %get3A_25 : vector<2048x128xf32>
    %convert_element_type3A_65 = arith.truncf %mul3A_64 : vector<2048x128xf32> to vector<2048x128xbf16>
    %swap3A_66 = arith.constant 1 : index
    %swap3A_67 = arith.constant 0 : index
    %swap3A_68 = arith.constant 0 : index
    %swap3A_69 = vector.load %arg5[%swap3A_66, %swap3A_67, %swap3A_68] : memref<4x2048x128xbf16, #tpu.memory_space<vmem>>, vector<1x2048x128xbf16>
    %swap3A_70 = vector.shape_cast %swap3A_69 : vector<1x2048x128xbf16> to vector<2048x128xbf16>
    %swap3A_71 = vector.shape_cast %convert_element_type3A_65 : vector<2048x128xbf16> to vector<1x2048x128xbf16>
    tpu.vector_store %arg5[%swap3A_66, %swap3A_67, %swap3A_68], %swap3A_71 {strides = array<i32>} : memref<4x2048x128xbf16, #tpu.memory_space<vmem>>, vector<1x2048x128xbf16>,
    %get3A_72 = arith.constant 2 : index
    %get3A_73 = arith.constant 0 : index
    %get3A_74 = arith.constant 0 : index
    %get3A_75 = vector.load %arg0[%get3A_72, %get3A_73, %get3A_74] : memref<4x2048x128xf32, #tpu.memory_space<vmem>>, vector<1x2048x128xf32>
    %get3A_76 = vector.shape_cast %get3A_75 : vector<1x2048x128xf32> to vector<2048x128xf32>
    %mul3A_77 = vector.broadcast %mul3A : vector<1x128xf32> to vector<2048x128xf32>
    %mul3A_78 = arith.mulf %get3A_76, %mul3A_77 : vector<2048x128xf32>
    %add3A_79 = vector.broadcast %sub3A_22 : vector<1x128xf32> to vector<2048x128xf32>
    %add3A_80 = arith.addf %mul3A_78, %add3A_79 : vector<2048x128xf32>
    %max3A_81 = arith.constant 0.000000e+00 : f32
    %max3A_82 = vector.broadcast %max3A_81 : f32 to vector<2048x128xf32>
    %max3A_83 = arith.maximumf %add3A_80, %max3A_82 : vector<2048x128xf32>
    %get3A_84 = arith.constant 0 : index
    %get3A_85 = arith.constant 0 : index
    %get3A_86 = vector.load %arg3[%get3A_84, %get3A_85] : memref<128x128xf32, #tpu.memory_space<vmem>>, vector<128x128xf32>
    %dot_general3A_87 = arith.constant dense<0.000000e+00> : vector<2048x128xf32>
    %dot_general3A_88 = tpu.matmul %max3A_83, %get3A_86, %dot_general3A_87 {dimension_numbers = #tpu.dot_dimension_numbers<[1], [0], [0], [1], [0, 0, 1, 1], [], []>, transpose_lhs_hint = false} : vector<2048x128xf32>, vector<128x128xf32>, vector<2048x128xf32> -> vector<2048x128xf32>
    %mul3A_89 = arith.mulf %dot_general3A_88, %get3A_25 : vector<2048x128xf32>
    %convert_element_type3A_90 = arith.truncf %mul3A_89 : vector<2048x128xf32> to vector<2048x128xbf16>
    %swap3A_91 = arith.constant 2 : index
    %swap3A_92 = arith.constant 0 : index
    %swap3A_93 = arith.constant 0 : index
    %swap3A_94 = vector.load %arg5[%swap3A_91, %swap3A_92, %swap3A_93] : memref<4x2048x128xbf16, #tpu.memory_space<vmem>>, vector<1x2048x128xbf16>
    %swap3A_95 = vector.shape_cast %swap3A_94 : vector<1x2048x128xbf16> to vector<2048x128xbf16>
    %swap3A_96 = vector.shape_cast %convert_element_type3A_90 : vector<2048x128xbf16> to vector<1x2048x128xbf16>
    tpu.vector_store %arg5[%swap3A_91, %swap3A_92, %swap3A_93], %swap3A_96 {strides = array<i32>} : memref<4x2048x128xbf16, #tpu.memory_space<vmem>>, vector<1x2048x128xbf16>,
    %get3A_97 = arith.constant 3 : index
    %get3A_98 = arith.constant 0 : index
    %get3A_99 = arith.constant 0 : index
    %get3A_100 = vector.load %arg0[%get3A_97, %get3A_98, %get3A_99] : memref<4x2048x128xf32, #tpu.memory_space<vmem>>, vector<1x2048x128xf32>
    %get3A_101 = vector.shape_cast %get3A_100 : vector<1x2048x128xf32> to vector<2048x128xf32>
    %mul3A_102 = vector.broadcast %mul3A : vector<1x128xf32> to vector<2048x128xf32>
    %mul3A_103 = arith.mulf %get3A_101, %mul3A_102 : vector<2048x128xf32>
    %add3A_104 = vector.broadcast %sub3A_22 : vector<1x128xf32> to vector<2048x128xf32>
    %add3A_105 = arith.addf %mul3A_103, %add3A_104 : vector<2048x128xf32>
    %max3A_106 = arith.constant 0.000000e+00 : f32
    %max3A_107 = vector.broadcast %max3A_106 : f32 to vector<2048x128xf32>
    %max3A_108 = arith.maximumf %add3A_105, %max3A_107 : vector<2048x128xf32>
    %get3A_109 = arith.constant 0 : index
    %get3A_110 = arith.constant 0 : index
    %get3A_111 = vector.load %arg3[%get3A_109, %get3A_110] : memref<128x128xf32, #tpu.memory_space<vmem>>, vector<128x128xf32>
    %dot_general3A_112 = arith.constant dense<0.000000e+00> : vector<2048x128xf32>
    %dot_general3A_113 = tpu.matmul %max3A_108, %get3A_111, %dot_general3A_112 {dimension_numbers = #tpu.dot_dimension_numbers<[1], [0], [0], [1], [0, 0, 1, 1], [], []>, transpose_lhs_hint = false} : vector<2048x128xf32>, vector<128x128xf32>, vector<2048x128xf32> -> vector<2048x128xf32>
    %mul3A_114 = arith.mulf %dot_general3A_113, %get3A_25 : vector<2048x128xf32>
    %convert_element_type3A_115 = arith.truncf %mul3A_114 : vector<2048x128xf32> to vector<2048x128xbf16>
    %swap3A_116 = arith.constant 3 : index
    %swap3A_117 = arith.constant 0 : index
    %swap3A_118 = arith.constant 0 : index
    %swap3A_119 = vector.load %arg5[%swap3A_116, %swap3A_117, %swap3A_118] : memref<4x2048x128xbf16, #tpu.memory_space<vmem>>, vector<1x2048x128xbf16>
    %swap3A_120 = vector.shape_cast %swap3A_119 : vector<1x2048x128xbf16> to vector<2048x128xbf16>
    %swap3A_121 = vector.shape_cast %convert_element_type3A_115 : vector<2048x128xbf16> to vector<1x2048x128xbf16>
    tpu.vector_store %arg5[%swap3A_116, %swap3A_117, %swap3A_118], %swap3A_121 {strides = array<i32>} : memref<4x2048x128xbf16, #tpu.memory_space<vmem>>, vector<1x2048x128xbf16>,
    return
  }
}

module attributes {stable_mosaic.version = 14 : i64} {
  func.func @_bnrelu_body(%arg0: memref<4x2048x128xf32, #tpu.memory_space<vmem>>, %arg1: memref<8x128xf32, #tpu.memory_space<vmem>>, %arg2: memref<8x128xf32, #tpu.memory_space<vmem>>, %arg3: memref<4x2048x128xf32, #tpu.memory_space<vmem>>) attributes {dimension_semantics = [], scalar_prefetch = 0 : i64, scratch_operands = 0 : i64, tpu.core_type = #tpu.core_type<tc>} {
    %get3A = arith.constant 0 : index
    %get3A_0 = arith.constant 0 : index
    %get3A_1 = arith.constant 0 : index
    %get3A_2 = vector.load %arg0[%get3A, %get3A_0, %get3A_1] : memref<4x2048x128xf32, #tpu.memory_space<vmem>>, vector<4x2048x128xf32>
    %reshape3A = vector.shape_cast %get3A_2 : vector<4x2048x128xf32> to vector<8192x128xf32>
    %reduce_sum3A = arith.constant dense<0.000000e+00> : vector<128xf32>
    %reduce_sum3A_3 = vector.multi_reduction <add>, %reshape3A, %reduce_sum3A [0] : vector<8192x128xf32> to vector<128xf32>
    %broadcast_in_dim3A = vector.shape_cast %reduce_sum3A_3 : vector<128xf32> to vector<1x128xf32>
    %div3A = arith.constant 8.192000e+03 : f32
    %div3A_4 = vector.broadcast %div3A : f32 to vector<1x128xf32>
    %div3A_5 = arith.divf %broadcast_in_dim3A, %div3A_4 : vector<1x128xf32>
    %sub3A = vector.broadcast %div3A_5 : vector<1x128xf32> to vector<8192x128xf32>
    %sub3A_6 = arith.subf %reshape3A, %sub3A : vector<8192x128xf32>
    %integer_pow3A = arith.mulf %sub3A_6, %sub3A_6 : vector<8192x128xf32>
    %reduce_sum3A_7 = arith.constant dense<0.000000e+00> : vector<128xf32>
    %reduce_sum3A_8 = vector.multi_reduction <add>, %integer_pow3A, %reduce_sum3A_7 [0] : vector<8192x128xf32> to vector<128xf32>
    %broadcast_in_dim3A_9 = vector.shape_cast %reduce_sum3A_8 : vector<128xf32> to vector<1x128xf32>
    %div3A_10 = arith.constant 8.192000e+03 : f32
    %div3A_11 = vector.broadcast %div3A_10 : f32 to vector<1x128xf32>
    %div3A_12 = arith.divf %broadcast_in_dim3A_9, %div3A_11 : vector<1x128xf32>
    %get3A_13 = arith.constant 0 : index
    %get3A_14 = arith.constant 0 : index
    %get3A_15 = vector.load %arg1[%get3A_13, %get3A_14] : memref<8x128xf32, #tpu.memory_space<vmem>>, vector<1x128xf32>
    %add3A = arith.constant 9.99999974E-6 : f32
    %add3A_16 = vector.broadcast %add3A : f32 to vector<1x128xf32>
    %add3A_17 = arith.addf %div3A_12, %add3A_16 : vector<1x128xf32>
    %rsqrt3A = math.rsqrt %add3A_17 : vector<1x128xf32>
    %mul3A = arith.mulf %get3A_15, %rsqrt3A : vector<1x128xf32>
    %get3A_18 = arith.constant 0 : index
    %get3A_19 = arith.constant 0 : index
    %get3A_20 = vector.load %arg2[%get3A_18, %get3A_19] : memref<8x128xf32, #tpu.memory_space<vmem>>, vector<1x128xf32>
    %mul3A_21 = arith.mulf %div3A_5, %mul3A : vector<1x128xf32>
    %sub3A_22 = arith.subf %get3A_20, %mul3A_21 : vector<1x128xf32>
    %reshape3A_23 = vector.shape_cast %mul3A : vector<1x128xf32> to vector<1x1x128xf32>
    %mul3A_24 = vector.broadcast %reshape3A_23 : vector<1x1x128xf32> to vector<4x2048x128xf32>
    %mul3A_25 = arith.mulf %get3A_2, %mul3A_24 : vector<4x2048x128xf32>
    %reshape3A_26 = vector.shape_cast %sub3A_22 : vector<1x128xf32> to vector<1x1x128xf32>
    %add3A_27 = vector.broadcast %reshape3A_26 : vector<1x1x128xf32> to vector<4x2048x128xf32>
    %add3A_28 = arith.addf %mul3A_25, %add3A_27 : vector<4x2048x128xf32>
    %max3A = arith.constant 0.000000e+00 : f32
    %max3A_29 = vector.broadcast %max3A : f32 to vector<4x2048x128xf32>
    %max3A_30 = arith.maximumf %add3A_28, %max3A_29 : vector<4x2048x128xf32>
    %swap3A = arith.constant 0 : index
    %swap3A_31 = arith.constant 0 : index
    %swap3A_32 = arith.constant 0 : index
    %swap3A_33 = vector.load %arg3[%swap3A, %swap3A_31, %swap3A_32] : memref<4x2048x128xf32, #tpu.memory_space<vmem>>, vector<4x2048x128xf32>
    tpu.vector_store %arg3[%swap3A, %swap3A_31, %swap3A_32], %max3A_30 {strides = array<i32>} : memref<4x2048x128xf32, #tpu.memory_space<vmem>>, vector<4x2048x128xf32>,
    return
  }
}

module attributes {stable_mosaic.version = 14 : i64} {
  func.func @_attn_body(%arg0: i32, %arg1: i32, %arg2: memref<1x2048x128xf32, #tpu.memory_space<vmem>>, %arg3: memref<128x128xf32, #tpu.memory_space<vmem>>, %arg4: memref<128x128xf32, #tpu.memory_space<vmem>>, %arg5: memref<128x128xf32, #tpu.memory_space<vmem>>, %arg6: memref<128x128xf32, #tpu.memory_space<vmem>>, %arg7: memref<2048x128xf32, #tpu.memory_space<vmem>>, %arg8: memref<2048x128xf32, #tpu.memory_space<vmem>>, %arg9: memref<1x2048x128xf32, #tpu.memory_space<vmem>>, %arg10: memref<2048x128xbf16, #tpu.memory_space<vmem>>, %arg11: memref<2048x128xbf16, #tpu.memory_space<vmem>>, %arg12: memref<2048x128xbf16, #tpu.memory_space<vmem>>, %arg13: memref<2048x128xf32, #tpu.memory_space<vmem>>) attributes {dimension_semantics = [#tpu.dimension_semantics<arbitrary>, #tpu.dimension_semantics<arbitrary>], iteration_bounds = array<i64: 4, 4>, scalar_prefetch = 0 : i64, scratch_operands = 4 : i64, tpu.core_type = #tpu.core_type<tc>, window_params = [{transform_indices = @transform_0, window_bounds = array<i64: 1, 2048, 128>}, {transform_indices = @transform_1, window_bounds = array<i64: 128, 128>}, {transform_indices = @transform_2, window_bounds = array<i64: 128, 128>}, {transform_indices = @transform_3, window_bounds = array<i64: 128, 128>}, {pipeline_mode = #tpu.pipeline_mode<synchronous>, transform_indices = @transform_4, window_bounds = array<i64: 128, 128>}, {pipeline_mode = #tpu.pipeline_mode<synchronous>, transform_indices = @transform_5, window_bounds = array<i64: 2048, 128>}, {pipeline_mode = #tpu.pipeline_mode<synchronous>, transform_indices = @transform_6, window_bounds = array<i64: 2048, 128>}, {transform_indices = @transform_7, window_bounds = array<i64: 1, 2048, 128>}]} {
    %get3A = arith.constant 0 : index
    %get3A_0 = arith.constant 0 : index
    %get3A_1 = arith.constant 0 : index
    %get3A_2 = vector.load %arg2[%get3A, %get3A_0, %get3A_1] : memref<1x2048x128xf32, #tpu.memory_space<vmem>>, vector<1x2048x128xf32>
    %get3A_3 = vector.shape_cast %get3A_2 : vector<1x2048x128xf32> to vector<2048x128xf32>
    %get3A_4 = arith.constant 0 : index
    %get3A_5 = arith.constant 0 : index
    %get3A_6 = vector.load %arg3[%get3A_4, %get3A_5] : memref<128x128xf32, #tpu.memory_space<vmem>>, vector<128x128xf32>
    %dot_general3A = arith.constant dense<0.000000e+00> : vector<2048x128xf32>
    %dot_general3A_7 = tpu.matmul %get3A_3, %get3A_6, %dot_general3A {dimension_numbers = #tpu.dot_dimension_numbers<[1], [0], [0], [1], [0, 0, 1, 1], [], []>, transpose_lhs_hint = false} : vector<2048x128xf32>, vector<128x128xf32>, vector<2048x128xf32> -> vector<2048x128xf32>
    %mul3A = arith.constant 0.127517432 : f32
    %mul3A_8 = vector.broadcast %mul3A : f32 to vector<2048x128xf32>
    %mul3A_9 = arith.mulf %dot_general3A_7, %mul3A_8 : vector<2048x128xf32>
    %convert_element_type3A = arith.truncf %mul3A_9 : vector<2048x128xf32> to vector<2048x128xbf16>
    %swap3A = arith.constant 0 : index
    %swap3A_10 = arith.constant 0 : index
    %swap3A_11 = vector.load %arg10[%swap3A, %swap3A_10] : memref<2048x128xbf16, #tpu.memory_space<vmem>>, vector<2048x128xbf16>
    tpu.vector_store %arg10[%swap3A, %swap3A_10], %convert_element_type3A {strides = array<i32>} : memref<2048x128xbf16, #tpu.memory_space<vmem>>, vector<2048x128xbf16>,
    %get3A_12 = arith.constant 0 : index
    %get3A_13 = arith.constant 0 : index
    %get3A_14 = vector.load %arg4[%get3A_12, %get3A_13] : memref<128x128xf32, #tpu.memory_space<vmem>>, vector<128x128xf32>
    %dot_general3A_15 = arith.constant dense<0.000000e+00> : vector<2048x128xf32>
    %dot_general3A_16 = tpu.matmul %get3A_3, %get3A_14, %dot_general3A_15 {dimension_numbers = #tpu.dot_dimension_numbers<[1], [0], [0], [1], [0, 0, 1, 1], [], []>, transpose_lhs_hint = false} : vector<2048x128xf32>, vector<128x128xf32>, vector<2048x128xf32> -> vector<2048x128xf32>
    %convert_element_type3A_17 = arith.truncf %dot_general3A_16 : vector<2048x128xf32> to vector<2048x128xbf16>
    %swap3A_18 = arith.constant 0 : index
    %swap3A_19 = arith.constant 0 : index
    %swap3A_20 = vector.load %arg11[%swap3A_18, %swap3A_19] : memref<2048x128xbf16, #tpu.memory_space<vmem>>, vector<2048x128xbf16>
    tpu.vector_store %arg11[%swap3A_18, %swap3A_19], %convert_element_type3A_17 {strides = array<i32>} : memref<2048x128xbf16, #tpu.memory_space<vmem>>, vector<2048x128xbf16>,
    %get3A_21 = arith.constant 0 : index
    %get3A_22 = arith.constant 0 : index
    %get3A_23 = vector.load %arg5[%get3A_21, %get3A_22] : memref<128x128xf32, #tpu.memory_space<vmem>>, vector<128x128xf32>
    %dot_general3A_24 = arith.constant dense<0.000000e+00> : vector<2048x128xf32>
    %dot_general3A_25 = tpu.matmul %get3A_3, %get3A_23, %dot_general3A_24 {dimension_numbers = #tpu.dot_dimension_numbers<[1], [0], [0], [1], [0, 0, 1, 1], [], []>, transpose_lhs_hint = false} : vector<2048x128xf32>, vector<128x128xf32>, vector<2048x128xf32> -> vector<2048x128xf32>
    %convert_element_type3A_26 = arith.truncf %dot_general3A_25 : vector<2048x128xf32> to vector<2048x128xbf16>
    %swap3A_27 = arith.constant 0 : index
    %swap3A_28 = arith.constant 0 : index
    %swap3A_29 = vector.load %arg12[%swap3A_27, %swap3A_28] : memref<2048x128xbf16, #tpu.memory_space<vmem>>, vector<2048x128xbf16>
    tpu.vector_store %arg12[%swap3A_27, %swap3A_28], %convert_element_type3A_26 {strides = array<i32>} : memref<2048x128xbf16, #tpu.memory_space<vmem>>, vector<2048x128xbf16>,
    %eq3A = arith.constant 0 : i32
    %eq3A_30 = arith.cmpi eq, %arg1, %eq3A : i32
    %convert_element_type3A_31 = arith.extui %eq3A_30 : i1 to i32
    %cond3A = arith.constant 0 : i32
    %cond3A_32 = arith.cmpi ne, %convert_element_type3A_31, %cond3A : i32
    scf.if %cond3A_32 {
      %broadcast_in_dim3A_346 = arith.constant 0.000000e+00 : f32
      %broadcast_in_dim3A_347 = vector.broadcast %broadcast_in_dim3A_346 : f32 to vector<2048x128xf32>
      %swap3A_348 = arith.constant 0 : index
      %swap3A_349 = arith.constant 0 : index
      %swap3A_350 = vector.load %arg13[%swap3A_348, %swap3A_349] : memref<2048x128xf32, #tpu.memory_space<vmem>>, vector<2048x128xf32>
      tpu.vector_store %arg13[%swap3A_348, %swap3A_349], %broadcast_in_dim3A_347 {strides = array<i32>} : memref<2048x128xf32, #tpu.memory_space<vmem>>, vector<2048x128xf32>,
    } else {
    }
    %iota3A = tpu.iota {dimensions = array<i32: 0>} : vector<512x512xi32>
    %iota3A_33 = tpu.iota {dimensions = array<i32: 1>} : vector<512x512xi32>
    %ge3A = arith.cmpi sge, %iota3A, %iota3A_33 : vector<512x512xi32>
    %jit3A = arith.constant 0.000000e+00 : f32
    %jit3A_34 = arith.constant 0xFF800000 : f32
    %broadcast_in_dim3A = vector.broadcast %jit3A : f32 to vector<512x512xf32>
    %broadcast_in_dim3A_35 = vector.broadcast %jit3A_34 : f32 to vector<512x512xf32>
    %select_n3A = arith.select %ge3A, %broadcast_in_dim3A, %broadcast_in_dim3A_35 : vector<512x512xi1>, vector<512x512xf32>
    %get3A_36 = arith.constant 0 : index
    %get3A_37 = arith.constant 0 : index
    %get3A_38 = vector.load %arg10[%get3A_36, %get3A_37] : memref<2048x128xbf16, #tpu.memory_space<vmem>>, vector<512x128xbf16>
    %get3A_39 = arith.constant 0 : index
    %get3A_40 = arith.constant 0 : index
    %get3A_41 = vector.load %arg11[%get3A_39, %get3A_40] : memref<2048x128xbf16, #tpu.memory_space<vmem>>, vector<512x128xbf16>
    %dot_general3A_42 = arith.constant dense<0.000000e+00> : vector<512x512xf32>
    %dot_general3A_43 = tpu.matmul %get3A_38, %get3A_41, %dot_general3A_42 {dimension_numbers = #tpu.dot_dimension_numbers<[1], [1], [0], [0], [0, 0, 1, 0], [], []>, transpose_lhs_hint = false} : vector<512x128xbf16>, vector<512x128xbf16>, vector<512x512xf32> -> vector<512x512xf32>
    %add3A = arith.addf %dot_general3A_43, %select_n3A : vector<512x512xf32>
    %get3A_44 = arith.constant 0 : index
    %get3A_45 = arith.constant 0 : index
    %get3A_46 = vector.load %arg12[%get3A_44, %get3A_45] : memref<2048x128xbf16, #tpu.memory_space<vmem>>, vector<512x128xbf16>
    %reduce_max3A = arith.constant dense<0xFF800000> : vector<512xf32>
    %reduce_max3A_47 = vector.multi_reduction <maximumf>, %add3A, %reduce_max3A [1] : vector<512x512xf32> to vector<512xf32>
    %broadcast_in_dim3A_48 = vector.shape_cast %reduce_max3A_47 : vector<512xf32> to vector<512x1xf32>
    %sub3A = vector.broadcast %broadcast_in_dim3A_48 : vector<512x1xf32> to vector<512x512xf32>
    %sub3A_49 = arith.subf %add3A, %sub3A : vector<512x512xf32>
    %exp23A = math.exp2 %sub3A_49 : vector<512x512xf32>
    %reduce_sum3A = arith.constant dense<0.000000e+00> : vector<512xf32>
    %reduce_sum3A_50 = vector.multi_reduction <add>, %exp23A, %reduce_sum3A [1] : vector<512x512xf32> to vector<512xf32>
    %broadcast_in_dim3A_51 = vector.shape_cast %reduce_sum3A_50 : vector<512xf32> to vector<512x1xf32>
    %convert_element_type3A_52 = arith.truncf %exp23A : vector<512x512xf32> to vector<512x512xbf16>
    %dot_general3A_53 = arith.constant dense<0.000000e+00> : vector<512x128xf32>
    %dot_general3A_54 = tpu.matmul %convert_element_type3A_52, %get3A_46, %dot_general3A_53 {dimension_numbers = #tpu.dot_dimension_numbers<[1], [0], [0], [1], [0, 0, 1, 1], [], []>, transpose_lhs_hint = false} : vector<512x512xbf16>, vector<512x128xbf16>, vector<512x128xf32> -> vector<512x128xf32>
    %get3A_55 = arith.constant 0 : index
    %get3A_56 = arith.constant 0 : index
    %get3A_57 = vector.load %arg13[%get3A_55, %get3A_56] : memref<2048x128xf32, #tpu.memory_space<vmem>>, vector<512x128xf32>
    %div3A = arith.constant 1.000000e+00 : f32
    %div3A_58 = vector.broadcast %div3A : f32 to vector<512x1xf32>
    %div3A_59 = arith.divf %div3A_58, %broadcast_in_dim3A_51 : vector<512x1xf32>
    %mul3A_60 = vector.broadcast %div3A_59 : vector<512x1xf32> to vector<512x128xf32>
    %mul3A_61 = arith.mulf %dot_general3A_54, %mul3A_60 : vector<512x128xf32>
    %add3A_62 = arith.addf %get3A_57, %mul3A_61 : vector<512x128xf32>
    %swap3A_63 = arith.constant 0 : index
    %swap3A_64 = arith.constant 0 : index
    %swap3A_65 = vector.load %arg13[%swap3A_63, %swap3A_64] : memref<2048x128xf32, #tpu.memory_space<vmem>>, vector<512x128xf32>
    tpu.vector_store %arg13[%swap3A_63, %swap3A_64], %add3A_62 {strides = array<i32>} : memref<2048x128xf32, #tpu.memory_space<vmem>>, vector<512x128xf32>,
    %get3A_66 = arith.constant 512 : index
    %get3A_67 = arith.constant 0 : index
    %get3A_68 = vector.load %arg10[%get3A_66, %get3A_67] : memref<2048x128xbf16, #tpu.memory_space<vmem>>, vector<512x128xbf16>
    %get3A_69 = arith.constant 0 : index
    %get3A_70 = arith.constant 0 : index
    %get3A_71 = vector.load %arg11[%get3A_69, %get3A_70] : memref<2048x128xbf16, #tpu.memory_space<vmem>>, vector<512x128xbf16>
    %dot_general3A_72 = arith.constant dense<0.000000e+00> : vector<512x512xf32>
    %dot_general3A_73 = tpu.matmul %get3A_68, %get3A_71, %dot_general3A_72 {dimension_numbers = #tpu.dot_dimension_numbers<[1], [1], [0], [0], [0, 0, 1, 0], [], []>, transpose_lhs_hint = false} : vector<512x128xbf16>, vector<512x128xbf16>, vector<512x512xf32> -> vector<512x512xf32>
    %get3A_74 = arith.constant 0 : index
    %get3A_75 = arith.constant 0 : index
    %get3A_76 = vector.load %arg12[%get3A_74, %get3A_75] : memref<2048x128xbf16, #tpu.memory_space<vmem>>, vector<512x128xbf16>
    %reduce_max3A_77 = arith.constant dense<0xFF800000> : vector<512xf32>
    %reduce_max3A_78 = vector.multi_reduction <maximumf>, %dot_general3A_73, %reduce_max3A_77 [1] : vector<512x512xf32> to vector<512xf32>
    %broadcast_in_dim3A_79 = vector.shape_cast %reduce_max3A_78 : vector<512xf32> to vector<512x1xf32>
    %sub3A_80 = vector.broadcast %broadcast_in_dim3A_79 : vector<512x1xf32> to vector<512x512xf32>
    %sub3A_81 = arith.subf %dot_general3A_73, %sub3A_80 : vector<512x512xf32>
    %exp23A_82 = math.exp2 %sub3A_81 : vector<512x512xf32>
    %reduce_sum3A_83 = arith.constant dense<0.000000e+00> : vector<512xf32>
    %reduce_sum3A_84 = vector.multi_reduction <add>, %exp23A_82, %reduce_sum3A_83 [1] : vector<512x512xf32> to vector<512xf32>
    %broadcast_in_dim3A_85 = vector.shape_cast %reduce_sum3A_84 : vector<512xf32> to vector<512x1xf32>
    %convert_element_type3A_86 = arith.truncf %exp23A_82 : vector<512x512xf32> to vector<512x512xbf16>
    %dot_general3A_87 = arith.constant dense<0.000000e+00> : vector<512x128xf32>
    %dot_general3A_88 = tpu.matmul %convert_element_type3A_86, %get3A_76, %dot_general3A_87 {dimension_numbers = #tpu.dot_dimension_numbers<[1], [0], [0], [1], [0, 0, 1, 1], [], []>, transpose_lhs_hint = false} : vector<512x512xbf16>, vector<512x128xbf16>, vector<512x128xf32> -> vector<512x128xf32>
    %get3A_89 = arith.constant 512 : index
    %get3A_90 = arith.constant 0 : index
    %get3A_91 = vector.load %arg11[%get3A_89, %get3A_90] : memref<2048x128xbf16, #tpu.memory_space<vmem>>, vector<512x128xbf16>
    %dot_general3A_92 = arith.constant dense<0.000000e+00> : vector<512x512xf32>
    %dot_general3A_93 = tpu.matmul %get3A_68, %get3A_91, %dot_general3A_92 {dimension_numbers = #tpu.dot_dimension_numbers<[1], [1], [0], [0], [0, 0, 1, 0], [], []>, transpose_lhs_hint = false} : vector<512x128xbf16>, vector<512x128xbf16>, vector<512x512xf32> -> vector<512x512xf32>
    %add3A_94 = arith.addf %dot_general3A_93, %select_n3A : vector<512x512xf32>
    %get3A_95 = arith.constant 512 : index
    %get3A_96 = arith.constant 0 : index
    %get3A_97 = vector.load %arg12[%get3A_95, %get3A_96] : memref<2048x128xbf16, #tpu.memory_space<vmem>>, vector<512x128xbf16>
    %reduce_max3A_98 = arith.constant dense<0xFF800000> : vector<512xf32>
    %reduce_max3A_99 = vector.multi_reduction <maximumf>, %add3A_94, %reduce_max3A_98 [1] : vector<512x512xf32> to vector<512xf32>
    %broadcast_in_dim3A_100 = vector.shape_cast %reduce_max3A_99 : vector<512xf32> to vector<512x1xf32>
    %max3A = arith.maximumf %broadcast_in_dim3A_79, %broadcast_in_dim3A_100 : vector<512x1xf32>
    %sub3A_101 = arith.subf %broadcast_in_dim3A_79, %max3A : vector<512x1xf32>
    %exp23A_102 = math.exp2 %sub3A_101 : vector<512x1xf32>
    %sub3A_103 = vector.broadcast %max3A : vector<512x1xf32> to vector<512x512xf32>
    %sub3A_104 = arith.subf %add3A_94, %sub3A_103 : vector<512x512xf32>
    %exp23A_105 = math.exp2 %sub3A_104 : vector<512x512xf32>
    %mul3A_106 = arith.mulf %broadcast_in_dim3A_85, %exp23A_102 : vector<512x1xf32>
    %reduce_sum3A_107 = arith.constant dense<0.000000e+00> : vector<512xf32>
    %reduce_sum3A_108 = vector.multi_reduction <add>, %exp23A_105, %reduce_sum3A_107 [1] : vector<512x512xf32> to vector<512xf32>
    %broadcast_in_dim3A_109 = vector.shape_cast %reduce_sum3A_108 : vector<512xf32> to vector<512x1xf32>
    %add3A_110 = arith.addf %mul3A_106, %broadcast_in_dim3A_109 : vector<512x1xf32>
    %mul3A_111 = vector.broadcast %exp23A_102 : vector<512x1xf32> to vector<512x128xf32>
    %mul3A_112 = arith.mulf %dot_general3A_88, %mul3A_111 : vector<512x128xf32>
    %convert_element_type3A_113 = arith.truncf %exp23A_105 : vector<512x512xf32> to vector<512x512xbf16>
    %dot_general3A_114 = arith.constant dense<0.000000e+00> : vector<512x128xf32>
    %dot_general3A_115 = tpu.matmul %convert_element_type3A_113, %get3A_97, %dot_general3A_114 {dimension_numbers = #tpu.dot_dimension_numbers<[1], [0], [0], [1], [0, 0, 1, 1], [], []>, transpose_lhs_hint = false} : vector<512x512xbf16>, vector<512x128xbf16>, vector<512x128xf32> -> vector<512x128xf32>
    %add3A_116 = arith.addf %mul3A_112, %dot_general3A_115 : vector<512x128xf32>
    %get3A_117 = arith.constant 512 : index
    %get3A_118 = arith.constant 0 : index
    %get3A_119 = vector.load %arg13[%get3A_117, %get3A_118] : memref<2048x128xf32, #tpu.memory_space<vmem>>, vector<512x128xf32>
    %div3A_120 = arith.constant 1.000000e+00 : f32
    %div3A_121 = vector.broadcast %div3A_120 : f32 to vector<512x1xf32>
    %div3A_122 = arith.divf %div3A_121, %add3A_110 : vector<512x1xf32>
    %mul3A_123 = vector.broadcast %div3A_122 : vector<512x1xf32> to vector<512x128xf32>
    %mul3A_124 = arith.mulf %add3A_116, %mul3A_123 : vector<512x128xf32>
    %add3A_125 = arith.addf %get3A_119, %mul3A_124 : vector<512x128xf32>
    %swap3A_126 = arith.constant 512 : index
    %swap3A_127 = arith.constant 0 : index
    %swap3A_128 = vector.load %arg13[%swap3A_126, %swap3A_127] : memref<2048x128xf32, #tpu.memory_space<vmem>>, vector<512x128xf32>
    tpu.vector_store %arg13[%swap3A_126, %swap3A_127], %add3A_125 {strides = array<i32>} : memref<2048x128xf32, #tpu.memory_space<vmem>>, vector<512x128xf32>,
    %get3A_129 = arith.constant 1024 : index
    %get3A_130 = arith.constant 0 : index
    %get3A_131 = vector.load %arg10[%get3A_129, %get3A_130] : memref<2048x128xbf16, #tpu.memory_space<vmem>>, vector<512x128xbf16>
    %get3A_132 = arith.constant 0 : index
    %get3A_133 = arith.constant 0 : index
    %get3A_134 = vector.load %arg11[%get3A_132, %get3A_133] : memref<2048x128xbf16, #tpu.memory_space<vmem>>, vector<512x128xbf16>
    %dot_general3A_135 = arith.constant dense<0.000000e+00> : vector<512x512xf32>
    %dot_general3A_136 = tpu.matmul %get3A_131, %get3A_134, %dot_general3A_135 {dimension_numbers = #tpu.dot_dimension_numbers<[1], [1], [0], [0], [0, 0, 1, 0], [], []>, transpose_lhs_hint = false} : vector<512x128xbf16>, vector<512x128xbf16>, vector<512x512xf32> -> vector<512x512xf32>
    %get3A_137 = arith.constant 0 : index
    %get3A_138 = arith.constant 0 : index
    %get3A_139 = vector.load %arg12[%get3A_137, %get3A_138] : memref<2048x128xbf16, #tpu.memory_space<vmem>>, vector<512x128xbf16>
    %reduce_max3A_140 = arith.constant dense<0xFF800000> : vector<512xf32>
    %reduce_max3A_141 = vector.multi_reduction <maximumf>, %dot_general3A_136, %reduce_max3A_140 [1] : vector<512x512xf32> to vector<512xf32>
    %broadcast_in_dim3A_142 = vector.shape_cast %reduce_max3A_141 : vector<512xf32> to vector<512x1xf32>
    %sub3A_143 = vector.broadcast %broadcast_in_dim3A_142 : vector<512x1xf32> to vector<512x512xf32>
    %sub3A_144 = arith.subf %dot_general3A_136, %sub3A_143 : vector<512x512xf32>
    %exp23A_145 = math.exp2 %sub3A_144 : vector<512x512xf32>
    %reduce_sum3A_146 = arith.constant dense<0.000000e+00> : vector<512xf32>
    %reduce_sum3A_147 = vector.multi_reduction <add>, %exp23A_145, %reduce_sum3A_146 [1] : vector<512x512xf32> to vector<512xf32>
    %broadcast_in_dim3A_148 = vector.shape_cast %reduce_sum3A_147 : vector<512xf32> to vector<512x1xf32>
    %convert_element_type3A_149 = arith.truncf %exp23A_145 : vector<512x512xf32> to vector<512x512xbf16>
    %dot_general3A_150 = arith.constant dense<0.000000e+00> : vector<512x128xf32>
    %dot_general3A_151 = tpu.matmul %convert_element_type3A_149, %get3A_139, %dot_general3A_150 {dimension_numbers = #tpu.dot_dimension_numbers<[1], [0], [0], [1], [0, 0, 1, 1], [], []>, transpose_lhs_hint = false} : vector<512x512xbf16>, vector<512x128xbf16>, vector<512x128xf32> -> vector<512x128xf32>
    %get3A_152 = arith.constant 512 : index
    %get3A_153 = arith.constant 0 : index
    %get3A_154 = vector.load %arg11[%get3A_152, %get3A_153] : memref<2048x128xbf16, #tpu.memory_space<vmem>>, vector<512x128xbf16>
    %dot_general3A_155 = arith.constant dense<0.000000e+00> : vector<512x512xf32>
    %dot_general3A_156 = tpu.matmul %get3A_131, %get3A_154, %dot_general3A_155 {dimension_numbers = #tpu.dot_dimension_numbers<[1], [1], [0], [0], [0, 0, 1, 0], [], []>, transpose_lhs_hint = false} : vector<512x128xbf16>, vector<512x128xbf16>, vector<512x512xf32> -> vector<512x512xf32>
    %get3A_157 = arith.constant 512 : index
    %get3A_158 = arith.constant 0 : index
    %get3A_159 = vector.load %arg12[%get3A_157, %get3A_158] : memref<2048x128xbf16, #tpu.memory_space<vmem>>, vector<512x128xbf16>
    %reduce_max3A_160 = arith.constant dense<0xFF800000> : vector<512xf32>
    %reduce_max3A_161 = vector.multi_reduction <maximumf>, %dot_general3A_156, %reduce_max3A_160 [1] : vector<512x512xf32> to vector<512xf32>
    %broadcast_in_dim3A_162 = vector.shape_cast %reduce_max3A_161 : vector<512xf32> to vector<512x1xf32>
    %max3A_163 = arith.maximumf %broadcast_in_dim3A_142, %broadcast_in_dim3A_162 : vector<512x1xf32>
    %sub3A_164 = arith.subf %broadcast_in_dim3A_142, %max3A_163 : vector<512x1xf32>
    %exp23A_165 = math.exp2 %sub3A_164 : vector<512x1xf32>
    %sub3A_166 = vector.broadcast %max3A_163 : vector<512x1xf32> to vector<512x512xf32>
    %sub3A_167 = arith.subf %dot_general3A_156, %sub3A_166 : vector<512x512xf32>
    %exp23A_168 = math.exp2 %sub3A_167 : vector<512x512xf32>
    %mul3A_169 = arith.mulf %broadcast_in_dim3A_148, %exp23A_165 : vector<512x1xf32>
    %reduce_sum3A_170 = arith.constant dense<0.000000e+00> : vector<512xf32>
    %reduce_sum3A_171 = vector.multi_reduction <add>, %exp23A_168, %reduce_sum3A_170 [1] : vector<512x512xf32> to vector<512xf32>
    %broadcast_in_dim3A_172 = vector.shape_cast %reduce_sum3A_171 : vector<512xf32> to vector<512x1xf32>
    %add3A_173 = arith.addf %mul3A_169, %broadcast_in_dim3A_172 : vector<512x1xf32>
    %mul3A_174 = vector.broadcast %exp23A_165 : vector<512x1xf32> to vector<512x128xf32>
    %mul3A_175 = arith.mulf %dot_general3A_151, %mul3A_174 : vector<512x128xf32>
    %convert_element_type3A_176 = arith.truncf %exp23A_168 : vector<512x512xf32> to vector<512x512xbf16>
    %dot_general3A_177 = arith.constant dense<0.000000e+00> : vector<512x128xf32>
    %dot_general3A_178 = tpu.matmul %convert_element_type3A_176, %get3A_159, %dot_general3A_177 {dimension_numbers = #tpu.dot_dimension_numbers<[1], [0], [0], [1], [0, 0, 1, 1], [], []>, transpose_lhs_hint = false} : vector<512x512xbf16>, vector<512x128xbf16>, vector<512x128xf32> -> vector<512x128xf32>
    %add3A_179 = arith.addf %mul3A_175, %dot_general3A_178 : vector<512x128xf32>
    %get3A_180 = arith.constant 1024 : index
    %get3A_181 = arith.constant 0 : index
    %get3A_182 = vector.load %arg11[%get3A_180, %get3A_181] : memref<2048x128xbf16, #tpu.memory_space<vmem>>, vector<512x128xbf16>
    %dot_general3A_183 = arith.constant dense<0.000000e+00> : vector<512x512xf32>
    %dot_general3A_184 = tpu.matmul %get3A_131, %get3A_182, %dot_general3A_183 {dimension_numbers = #tpu.dot_dimension_numbers<[1], [1], [0], [0], [0, 0, 1, 0], [], []>, transpose_lhs_hint = false} : vector<512x128xbf16>, vector<512x128xbf16>, vector<512x512xf32> -> vector<512x512xf32>
    %add3A_185 = arith.addf %dot_general3A_184, %select_n3A : vector<512x512xf32>
    %get3A_186 = arith.constant 1024 : index
    %get3A_187 = arith.constant 0 : index
    %get3A_188 = vector.load %arg12[%get3A_186, %get3A_187] : memref<2048x128xbf16, #tpu.memory_space<vmem>>, vector<512x128xbf16>
    %reduce_max3A_189 = arith.constant dense<0xFF800000> : vector<512xf32>
    %reduce_max3A_190 = vector.multi_reduction <maximumf>, %add3A_185, %reduce_max3A_189 [1] : vector<512x512xf32> to vector<512xf32>
    %broadcast_in_dim3A_191 = vector.shape_cast %reduce_max3A_190 : vector<512xf32> to vector<512x1xf32>
    %max3A_192 = arith.maximumf %max3A_163, %broadcast_in_dim3A_191 : vector<512x1xf32>
    %sub3A_193 = arith.subf %max3A_163, %max3A_192 : vector<512x1xf32>
    %exp23A_194 = math.exp2 %sub3A_193 : vector<512x1xf32>
    %sub3A_195 = vector.broadcast %max3A_192 : vector<512x1xf32> to vector<512x512xf32>
    %sub3A_196 = arith.subf %add3A_185, %sub3A_195 : vector<512x512xf32>
    %exp23A_197 = math.exp2 %sub3A_196 : vector<512x512xf32>
    %mul3A_198 = arith.mulf %add3A_173, %exp23A_194 : vector<512x1xf32>
    %reduce_sum3A_199 = arith.constant dense<0.000000e+00> : vector<512xf32>
    %reduce_sum3A_200 = vector.multi_reduction <add>, %exp23A_197, %reduce_sum3A_199 [1] : vector<512x512xf32> to vector<512xf32>
    %broadcast_in_dim3A_201 = vector.shape_cast %reduce_sum3A_200 : vector<512xf32> to vector<512x1xf32>
    %add3A_202 = arith.addf %mul3A_198, %broadcast_in_dim3A_201 : vector<512x1xf32>
    %mul3A_203 = vector.broadcast %exp23A_194 : vector<512x1xf32> to vector<512x128xf32>
    %mul3A_204 = arith.mulf %add3A_179, %mul3A_203 : vector<512x128xf32>
    %convert_element_type3A_205 = arith.truncf %exp23A_197 : vector<512x512xf32> to vector<512x512xbf16>
    %dot_general3A_206 = arith.constant dense<0.000000e+00> : vector<512x128xf32>
    %dot_general3A_207 = tpu.matmul %convert_element_type3A_205, %get3A_188, %dot_general3A_206 {dimension_numbers = #tpu.dot_dimension_numbers<[1], [0], [0], [1], [0, 0, 1, 1], [], []>, transpose_lhs_hint = false} : vector<512x512xbf16>, vector<512x128xbf16>, vector<512x128xf32> -> vector<512x128xf32>
    %add3A_208 = arith.addf %mul3A_204, %dot_general3A_207 : vector<512x128xf32>
    %get3A_209 = arith.constant 1024 : index
    %get3A_210 = arith.constant 0 : index
    %get3A_211 = vector.load %arg13[%get3A_209, %get3A_210] : memref<2048x128xf32, #tpu.memory_space<vmem>>, vector<512x128xf32>
    %div3A_212 = arith.constant 1.000000e+00 : f32
    %div3A_213 = vector.broadcast %div3A_212 : f32 to vector<512x1xf32>
    %div3A_214 = arith.divf %div3A_213, %add3A_202 : vector<512x1xf32>
    %mul3A_215 = vector.broadcast %div3A_214 : vector<512x1xf32> to vector<512x128xf32>
    %mul3A_216 = arith.mulf %add3A_208, %mul3A_215 : vector<512x128xf32>
    %add3A_217 = arith.addf %get3A_211, %mul3A_216 : vector<512x128xf32>
    %swap3A_218 = arith.constant 1024 : index
    %swap3A_219 = arith.constant 0 : index
    %swap3A_220 = vector.load %arg13[%swap3A_218, %swap3A_219] : memref<2048x128xf32, #tpu.memory_space<vmem>>, vector<512x128xf32>
    tpu.vector_store %arg13[%swap3A_218, %swap3A_219], %add3A_217 {strides = array<i32>} : memref<2048x128xf32, #tpu.memory_space<vmem>>, vector<512x128xf32>,
    %get3A_221 = arith.constant 1536 : index
    %get3A_222 = arith.constant 0 : index
    %get3A_223 = vector.load %arg10[%get3A_221, %get3A_222] : memref<2048x128xbf16, #tpu.memory_space<vmem>>, vector<512x128xbf16>
    %get3A_224 = arith.constant 0 : index
    %get3A_225 = arith.constant 0 : index
    %get3A_226 = vector.load %arg11[%get3A_224, %get3A_225] : memref<2048x128xbf16, #tpu.memory_space<vmem>>, vector<512x128xbf16>
    %dot_general3A_227 = arith.constant dense<0.000000e+00> : vector<512x512xf32>
    %dot_general3A_228 = tpu.matmul %get3A_223, %get3A_226, %dot_general3A_227 {dimension_numbers = #tpu.dot_dimension_numbers<[1], [1], [0], [0], [0, 0, 1, 0], [], []>, transpose_lhs_hint = false} : vector<512x128xbf16>, vector<512x128xbf16>, vector<512x512xf32> -> vector<512x512xf32>
    %get3A_229 = arith.constant 0 : index
    %get3A_230 = arith.constant 0 : index
    %get3A_231 = vector.load %arg12[%get3A_229, %get3A_230] : memref<2048x128xbf16, #tpu.memory_space<vmem>>, vector<512x128xbf16>
    %reduce_max3A_232 = arith.constant dense<0xFF800000> : vector<512xf32>
    %reduce_max3A_233 = vector.multi_reduction <maximumf>, %dot_general3A_228, %reduce_max3A_232 [1] : vector<512x512xf32> to vector<512xf32>
    %broadcast_in_dim3A_234 = vector.shape_cast %reduce_max3A_233 : vector<512xf32> to vector<512x1xf32>
    %sub3A_235 = vector.broadcast %broadcast_in_dim3A_234 : vector<512x1xf32> to vector<512x512xf32>
    %sub3A_236 = arith.subf %dot_general3A_228, %sub3A_235 : vector<512x512xf32>
    %exp23A_237 = math.exp2 %sub3A_236 : vector<512x512xf32>
    %reduce_sum3A_238 = arith.constant dense<0.000000e+00> : vector<512xf32>
    %reduce_sum3A_239 = vector.multi_reduction <add>, %exp23A_237, %reduce_sum3A_238 [1] : vector<512x512xf32> to vector<512xf32>
    %broadcast_in_dim3A_240 = vector.shape_cast %reduce_sum3A_239 : vector<512xf32> to vector<512x1xf32>
    %convert_element_type3A_241 = arith.truncf %exp23A_237 : vector<512x512xf32> to vector<512x512xbf16>
    %dot_general3A_242 = arith.constant dense<0.000000e+00> : vector<512x128xf32>
    %dot_general3A_243 = tpu.matmul %convert_element_type3A_241, %get3A_231, %dot_general3A_242 {dimension_numbers = #tpu.dot_dimension_numbers<[1], [0], [0], [1], [0, 0, 1, 1], [], []>, transpose_lhs_hint = false} : vector<512x512xbf16>, vector<512x128xbf16>, vector<512x128xf32> -> vector<512x128xf32>
    %get3A_244 = arith.constant 512 : index
    %get3A_245 = arith.constant 0 : index
    %get3A_246 = vector.load %arg11[%get3A_244, %get3A_245] : memref<2048x128xbf16, #tpu.memory_space<vmem>>, vector<512x128xbf16>
    %dot_general3A_247 = arith.constant dense<0.000000e+00> : vector<512x512xf32>
    %dot_general3A_248 = tpu.matmul %get3A_223, %get3A_246, %dot_general3A_247 {dimension_numbers = #tpu.dot_dimension_numbers<[1], [1], [0], [0], [0, 0, 1, 0], [], []>, transpose_lhs_hint = false} : vector<512x128xbf16>, vector<512x128xbf16>, vector<512x512xf32> -> vector<512x512xf32>
    %get3A_249 = arith.constant 512 : index
    %get3A_250 = arith.constant 0 : index
    %get3A_251 = vector.load %arg12[%get3A_249, %get3A_250] : memref<2048x128xbf16, #tpu.memory_space<vmem>>, vector<512x128xbf16>
    %reduce_max3A_252 = arith.constant dense<0xFF800000> : vector<512xf32>
    %reduce_max3A_253 = vector.multi_reduction <maximumf>, %dot_general3A_248, %reduce_max3A_252 [1] : vector<512x512xf32> to vector<512xf32>
    %broadcast_in_dim3A_254 = vector.shape_cast %reduce_max3A_253 : vector<512xf32> to vector<512x1xf32>
    %max3A_255 = arith.maximumf %broadcast_in_dim3A_234, %broadcast_in_dim3A_254 : vector<512x1xf32>
    %sub3A_256 = arith.subf %broadcast_in_dim3A_234, %max3A_255 : vector<512x1xf32>
    %exp23A_257 = math.exp2 %sub3A_256 : vector<512x1xf32>
    %sub3A_258 = vector.broadcast %max3A_255 : vector<512x1xf32> to vector<512x512xf32>
    %sub3A_259 = arith.subf %dot_general3A_248, %sub3A_258 : vector<512x512xf32>
    %exp23A_260 = math.exp2 %sub3A_259 : vector<512x512xf32>
    %mul3A_261 = arith.mulf %broadcast_in_dim3A_240, %exp23A_257 : vector<512x1xf32>
    %reduce_sum3A_262 = arith.constant dense<0.000000e+00> : vector<512xf32>
    %reduce_sum3A_263 = vector.multi_reduction <add>, %exp23A_260, %reduce_sum3A_262 [1] : vector<512x512xf32> to vector<512xf32>
    %broadcast_in_dim3A_264 = vector.shape_cast %reduce_sum3A_263 : vector<512xf32> to vector<512x1xf32>
    %add3A_265 = arith.addf %mul3A_261, %broadcast_in_dim3A_264 : vector<512x1xf32>
    %mul3A_266 = vector.broadcast %exp23A_257 : vector<512x1xf32> to vector<512x128xf32>
    %mul3A_267 = arith.mulf %dot_general3A_243, %mul3A_266 : vector<512x128xf32>
    %convert_element_type3A_268 = arith.truncf %exp23A_260 : vector<512x512xf32> to vector<512x512xbf16>
    %dot_general3A_269 = arith.constant dense<0.000000e+00> : vector<512x128xf32>
    %dot_general3A_270 = tpu.matmul %convert_element_type3A_268, %get3A_251, %dot_general3A_269 {dimension_numbers = #tpu.dot_dimension_numbers<[1], [0], [0], [1], [0, 0, 1, 1], [], []>, transpose_lhs_hint = false} : vector<512x512xbf16>, vector<512x128xbf16>, vector<512x128xf32> -> vector<512x128xf32>
    %add3A_271 = arith.addf %mul3A_267, %dot_general3A_270 : vector<512x128xf32>
    %get3A_272 = arith.constant 1024 : index
    %get3A_273 = arith.constant 0 : index
    %get3A_274 = vector.load %arg11[%get3A_272, %get3A_273] : memref<2048x128xbf16, #tpu.memory_space<vmem>>, vector<512x128xbf16>
    %dot_general3A_275 = arith.constant dense<0.000000e+00> : vector<512x512xf32>
    %dot_general3A_276 = tpu.matmul %get3A_223, %get3A_274, %dot_general3A_275 {dimension_numbers = #tpu.dot_dimension_numbers<[1], [1], [0], [0], [0, 0, 1, 0], [], []>, transpose_lhs_hint = false} : vector<512x128xbf16>, vector<512x128xbf16>, vector<512x512xf32> -> vector<512x512xf32>
    %get3A_277 = arith.constant 1024 : index
    %get3A_278 = arith.constant 0 : index
    %get3A_279 = vector.load %arg12[%get3A_277, %get3A_278] : memref<2048x128xbf16, #tpu.memory_space<vmem>>, vector<512x128xbf16>
    %reduce_max3A_280 = arith.constant dense<0xFF800000> : vector<512xf32>
    %reduce_max3A_281 = vector.multi_reduction <maximumf>, %dot_general3A_276, %reduce_max3A_280 [1] : vector<512x512xf32> to vector<512xf32>
    %broadcast_in_dim3A_282 = vector.shape_cast %reduce_max3A_281 : vector<512xf32> to vector<512x1xf32>
    %max3A_283 = arith.maximumf %max3A_255, %broadcast_in_dim3A_282 : vector<512x1xf32>
    %sub3A_284 = arith.subf %max3A_255, %max3A_283 : vector<512x1xf32>
    %exp23A_285 = math.exp2 %sub3A_284 : vector<512x1xf32>
    %sub3A_286 = vector.broadcast %max3A_283 : vector<512x1xf32> to vector<512x512xf32>
    %sub3A_287 = arith.subf %dot_general3A_276, %sub3A_286 : vector<512x512xf32>
    %exp23A_288 = math.exp2 %sub3A_287 : vector<512x512xf32>
    %mul3A_289 = arith.mulf %add3A_265, %exp23A_285 : vector<512x1xf32>
    %reduce_sum3A_290 = arith.constant dense<0.000000e+00> : vector<512xf32>
    %reduce_sum3A_291 = vector.multi_reduction <add>, %exp23A_288, %reduce_sum3A_290 [1] : vector<512x512xf32> to vector<512xf32>
    %broadcast_in_dim3A_292 = vector.shape_cast %reduce_sum3A_291 : vector<512xf32> to vector<512x1xf32>
    %add3A_293 = arith.addf %mul3A_289, %broadcast_in_dim3A_292 : vector<512x1xf32>
    %mul3A_294 = vector.broadcast %exp23A_285 : vector<512x1xf32> to vector<512x128xf32>
    %mul3A_295 = arith.mulf %add3A_271, %mul3A_294 : vector<512x128xf32>
    %convert_element_type3A_296 = arith.truncf %exp23A_288 : vector<512x512xf32> to vector<512x512xbf16>
    %dot_general3A_297 = arith.constant dense<0.000000e+00> : vector<512x128xf32>
    %dot_general3A_298 = tpu.matmul %convert_element_type3A_296, %get3A_279, %dot_general3A_297 {dimension_numbers = #tpu.dot_dimension_numbers<[1], [0], [0], [1], [0, 0, 1, 1], [], []>, transpose_lhs_hint = false} : vector<512x512xbf16>, vector<512x128xbf16>, vector<512x128xf32> -> vector<512x128xf32>
    %add3A_299 = arith.addf %mul3A_295, %dot_general3A_298 : vector<512x128xf32>
    %get3A_300 = arith.constant 1536 : index
    %get3A_301 = arith.constant 0 : index
    %get3A_302 = vector.load %arg11[%get3A_300, %get3A_301] : memref<2048x128xbf16, #tpu.memory_space<vmem>>, vector<512x128xbf16>
    %dot_general3A_303 = arith.constant dense<0.000000e+00> : vector<512x512xf32>
    %dot_general3A_304 = tpu.matmul %get3A_223, %get3A_302, %dot_general3A_303 {dimension_numbers = #tpu.dot_dimension_numbers<[1], [1], [0], [0], [0, 0, 1, 0], [], []>, transpose_lhs_hint = false} : vector<512x128xbf16>, vector<512x128xbf16>, vector<512x512xf32> -> vector<512x512xf32>
    %add3A_305 = arith.addf %dot_general3A_304, %select_n3A : vector<512x512xf32>
    %get3A_306 = arith.constant 1536 : index
    %get3A_307 = arith.constant 0 : index
    %get3A_308 = vector.load %arg12[%get3A_306, %get3A_307] : memref<2048x128xbf16, #tpu.memory_space<vmem>>, vector<512x128xbf16>
    %reduce_max3A_309 = arith.constant dense<0xFF800000> : vector<512xf32>
    %reduce_max3A_310 = vector.multi_reduction <maximumf>, %add3A_305, %reduce_max3A_309 [1] : vector<512x512xf32> to vector<512xf32>
    %broadcast_in_dim3A_311 = vector.shape_cast %reduce_max3A_310 : vector<512xf32> to vector<512x1xf32>
    %max3A_312 = arith.maximumf %max3A_283, %broadcast_in_dim3A_311 : vector<512x1xf32>
    %sub3A_313 = arith.subf %max3A_283, %max3A_312 : vector<512x1xf32>
    %exp23A_314 = math.exp2 %sub3A_313 : vector<512x1xf32>
    %sub3A_315 = vector.broadcast %max3A_312 : vector<512x1xf32> to vector<512x512xf32>
    %sub3A_316 = arith.subf %add3A_305, %sub3A_315 : vector<512x512xf32>
    %exp23A_317 = math.exp2 %sub3A_316 : vector<512x512xf32>
    %mul3A_318 = arith.mulf %add3A_293, %exp23A_314 : vector<512x1xf32>
    %reduce_sum3A_319 = arith.constant dense<0.000000e+00> : vector<512xf32>
    %reduce_sum3A_320 = vector.multi_reduction <add>, %exp23A_317, %reduce_sum3A_319 [1] : vector<512x512xf32> to vector<512xf32>
    %broadcast_in_dim3A_321 = vector.shape_cast %reduce_sum3A_320 : vector<512xf32> to vector<512x1xf32>
    %add3A_322 = arith.addf %mul3A_318, %broadcast_in_dim3A_321 : vector<512x1xf32>
    %mul3A_323 = vector.broadcast %exp23A_314 : vector<512x1xf32> to vector<512x128xf32>
    %mul3A_324 = arith.mulf %add3A_299, %mul3A_323 : vector<512x128xf32>
    %convert_element_type3A_325 = arith.truncf %exp23A_317 : vector<512x512xf32> to vector<512x512xbf16>
    %dot_general3A_326 = arith.constant dense<0.000000e+00> : vector<512x128xf32>
    %dot_general3A_327 = tpu.matmul %convert_element_type3A_325, %get3A_308, %dot_general3A_326 {dimension_numbers = #tpu.dot_dimension_numbers<[1], [0], [0], [1], [0, 0, 1, 1], [], []>, transpose_lhs_hint = false} : vector<512x512xbf16>, vector<512x128xbf16>, vector<512x128xf32> -> vector<512x128xf32>
    %add3A_328 = arith.addf %mul3A_324, %dot_general3A_327 : vector<512x128xf32>
    %get3A_329 = arith.constant 1536 : index
    %get3A_330 = arith.constant 0 : index
    %get3A_331 = vector.load %arg13[%get3A_329, %get3A_330] : memref<2048x128xf32, #tpu.memory_space<vmem>>, vector<512x128xf32>
    %div3A_332 = arith.constant 1.000000e+00 : f32
    %div3A_333 = vector.broadcast %div3A_332 : f32 to vector<512x1xf32>
    %div3A_334 = arith.divf %div3A_333, %add3A_322 : vector<512x1xf32>
    %mul3A_335 = vector.broadcast %div3A_334 : vector<512x1xf32> to vector<512x128xf32>
    %mul3A_336 = arith.mulf %add3A_328, %mul3A_335 : vector<512x128xf32>
    %add3A_337 = arith.addf %get3A_331, %mul3A_336 : vector<512x128xf32>
    %swap3A_338 = arith.constant 1536 : index
    %swap3A_339 = arith.constant 0 : index
    %swap3A_340 = vector.load %arg13[%swap3A_338, %swap3A_339] : memref<2048x128xf32, #tpu.memory_space<vmem>>, vector<512x128xf32>
    tpu.vector_store %arg13[%swap3A_338, %swap3A_339], %add3A_337 {strides = array<i32>} : memref<2048x128xf32, #tpu.memory_space<vmem>>, vector<512x128xf32>,
    %eq3A_341 = arith.constant 3 : i32
    %eq3A_342 = arith.cmpi eq, %arg1, %eq3A_341 : i32
    %convert_element_type3A_343 = arith.extui %eq3A_342 : i1 to i32
    %cond3A_344 = arith.constant 0 : i32
    %cond3A_345 = arith.cmpi ne, %convert_element_type3A_343, %cond3A_344 : i32
    scf.if %cond3A_345 {
      %get3A_346 = arith.constant 0 : index
      %get3A_347 = arith.constant 0 : index
      %get3A_348 = vector.load %arg13[%get3A_346, %get3A_347] : memref<2048x128xf32, #tpu.memory_space<vmem>>, vector<2048x128xf32>
      %mul3A_349 = arith.constant 2.500000e-01 : f32
      %mul3A_350 = vector.broadcast %mul3A_349 : f32 to vector<2048x128xf32>
      %mul3A_351 = arith.mulf %get3A_348, %mul3A_350 : vector<2048x128xf32>
      %get3A_352 = arith.constant 0 : index
      %get3A_353 = arith.constant 0 : index
      %get3A_354 = vector.load %arg6[%get3A_352, %get3A_353] : memref<128x128xf32, #tpu.memory_space<vmem>>, vector<128x128xf32>
      %dot_general3A_355 = arith.constant dense<0.000000e+00> : vector<2048x128xf32>
      %dot_general3A_356 = tpu.matmul %mul3A_351, %get3A_354, %dot_general3A_355 {dimension_numbers = #tpu.dot_dimension_numbers<[1], [0], [0], [1], [0, 0, 1, 1], [], []>, transpose_lhs_hint = false} : vector<2048x128xf32>, vector<128x128xf32>, vector<2048x128xf32> -> vector<2048x128xf32>
      %get3A_357 = arith.constant 0 : index
      %get3A_358 = arith.constant 0 : index
      %get3A_359 = vector.load %arg7[%get3A_357, %get3A_358] : memref<2048x128xf32, #tpu.memory_space<vmem>>, vector<2048x128xf32>
      %sub3A_360 = arith.constant 1.000000e+00 : f32
      %sub3A_361 = vector.broadcast %sub3A_360 : f32 to vector<2048x128xf32>
      %sub3A_362 = arith.subf %sub3A_361, %get3A_359 : vector<2048x128xf32>
      %get3A_363 = arith.constant 0 : index
      %get3A_364 = arith.constant 0 : index
      %get3A_365 = vector.load %arg8[%get3A_363, %get3A_364] : memref<2048x128xf32, #tpu.memory_space<vmem>>, vector<2048x128xf32>
      %mul3A_366 = arith.mulf %sub3A_362, %get3A_365 : vector<2048x128xf32>
      %mul3A_367 = arith.mulf %get3A_359, %dot_general3A_356 : vector<2048x128xf32>
      %add3A_368 = arith.addf %mul3A_366, %mul3A_367 : vector<2048x128xf32>
      %swap3A_369 = arith.constant 0 : index
      %swap3A_370 = arith.constant 0 : index
      %swap3A_371 = arith.constant 0 : index
      %swap3A_372 = vector.load %arg9[%swap3A_369, %swap3A_370, %swap3A_371] : memref<1x2048x128xf32, #tpu.memory_space<vmem>>, vector<1x2048x128xf32>
      %swap3A_373 = vector.shape_cast %swap3A_372 : vector<1x2048x128xf32> to vector<2048x128xf32>
      %swap3A_374 = vector.shape_cast %add3A_368 : vector<2048x128xf32> to vector<1x2048x128xf32>
      tpu.vector_store %arg9[%swap3A_369, %swap3A_370, %swap3A_371], %swap3A_374 {strides = array<i32>} : memref<1x2048x128xf32, #tpu.memory_space<vmem>>, vector<1x2048x128xf32>,
    } else {
    }
    return
  }
  func.func @transform_0(%arg0: i32, %arg1: i32) -> (i32, i32, i32) {
    %c0_i32 = arith.constant 0 : i32
    %c0_i32_0 = arith.constant 0 : i32
    %c0_i32_1 = arith.constant 0 : i32
    return %arg0, %c0_i32, %c0_i32_0 : i32, i32, i32
  }
  func.func @transform_1(%arg0: i32, %arg1: i32) -> (i32, i32) {
    %c0_i32 = arith.constant 0 : i32
    %c0_i32_0 = arith.constant 0 : i32
    return %c0_i32, %arg1 : i32, i32
  }
  func.func @transform_2(%arg0: i32, %arg1: i32) -> (i32, i32) {
    %c0_i32 = arith.constant 0 : i32
    %c0_i32_0 = arith.constant 0 : i32
    return %c0_i32, %arg1 : i32, i32
  }
  func.func @transform_3(%arg0: i32, %arg1: i32) -> (i32, i32) {
    %c0_i32 = arith.constant 0 : i32
    %c0_i32_0 = arith.constant 0 : i32
    return %c0_i32, %arg1 : i32, i32
  }
  func.func @transform_4(%arg0: i32, %arg1: i32) -> (i32, i32) {
    %c0_i32 = arith.constant 0 : i32
    %c0_i32_0 = arith.constant 0 : i32
    %c0_i32_1 = arith.constant 0 : i32
    return %c0_i32, %c0_i32_0 : i32, i32
  }
  func.func @transform_5(%arg0: i32, %arg1: i32) -> (i32, i32) {
    %c0_i32 = arith.constant 0 : i32
    %c0_i32_0 = arith.constant 0 : i32
    %c0_i32_1 = arith.constant 0 : i32
    return %c0_i32, %c0_i32_0 : i32, i32
  }
  func.func @transform_6(%arg0: i32, %arg1: i32) -> (i32, i32) {
    %c0_i32 = arith.constant 0 : i32
    %c0_i32_0 = arith.constant 0 : i32
    %c0_i32_1 = arith.constant 0 : i32
    return %c0_i32, %c0_i32_0 : i32, i32
  }
  func.func @transform_7(%arg0: i32, %arg1: i32) -> (i32, i32, i32) {
    %c0_i32 = arith.constant 0 : i32
    %c0_i32_0 = arith.constant 0 : i32
    %c0_i32_1 = arith.constant 0 : i32
    return %arg0, %c0_i32, %c0_i32_0 : i32, i32, i32
  }
}

</mosaic_0001>

<sc_bundles>
// kernel: kernel.9.cloned.1.call-start
scs
__scs_entry_jumppad:
0x0: {  	(pc) =	sbr.rel $0x88, $3  }
0x1: {  	(tag) =	ssettag $0x0;
	lr =	simm.s32 $0x1  }
0x2: {  	[smem:$0x3F90] =	sst lr;
	_ =	strace $0xD0000000  }
0x3: {  	_ = 	snop  }
0x4: {  	_ = 	snop  }
0x5: {  	_ = 	snop  }
0x6: {  	_ = 	snop  }
0x7: {  	_ = 	snop  }
__scs_overlays_trampoline_lowered:
0x8: {  	[smem:$0x3F9F] =	sst s0  }
0x9: {  	[smem:$0x3FA0] =	sst s1  }
0xa: {  	[smem:$0x3FA1] =	sst s2  }
0xb: {  	[smem:$0x3FA2] =	sst s3  }
0xc: {  	[smem:$0x3FA3] =	sst s4  }
0xd: {  	[smem:$0x3FA4] =	sst s5  }
0xe: {  	[smem:$0x3FA5] =	sst s6  }
0xf: {  	[smem:$0x3FA6] =	sst s7  }
0x10: {  	[smem:$0x3FA7] =	sst s8  }
0x11: {  	[smem:$0x3FA8] =	sst s9;
	s0 =	simm.s32 @!p0 $0x0  }
0x12: {  	s1 =	sld [smem:$0x3F8E];
	s0 =	simm.s32 @p0 $0x1  }
0x13: {  	[smem:$0x3FA9] =	sst s0;
	s0 =	simm.s32 @!p1 $0x0  }
0x14: {  	s2 =	sld [smem:$0x3F8D];
	s0 =	simm.s32 @p1 $0x1  }
0x15: {  	[smem:$0x3FAA] =	sst s0;
	s0 =	simm.s32 @!p2 $0x0  }
0x16: {  	s3 =	sld [smem:$0x3FDB];
	s0 =	simm.s32 @p2 $0x1  }
0x17: {  	s4 =	simm.s32 $0x1BF5;
	[smem:$0x3FAC] =	sst s0  }
0x18: {  	s0 =	sld [smem:$0x3F8F];
	_ =	swait.ge [sflag:s4], $0x0  }
0x19: {  	s7 =	sld [smem:$0x3F90]  }
0x1a: {  	s8 =	sadd.s32 $0xFFFFE003, lr  }
0x1b: {  	s9 =	sadd.s32 $0xFFFFFEF7, lr;
	s5 =	simm.s32 $0xFFFFFFFF;
	p2 =	slt.u32 s8, $0xFFFFF086  }
0x1c: {  	p1 =	slt.u32 s9, $0xF7A;
	s5 =	simm.s32 @!p2 $0x0  }
0x1d: {  	s5 =	simm.s32 @p1 $0x1;
	p0 =	seq.s32 s7, s2  }
0x1e: {  	s7 =	smul.u32 @!p0 $0xF7A, s2;
	p2 =	seq.s32 @!p0 s5, $0x0  }
0x1f: {  	s9 =	smul.u32 $0xF7A, s1;
	s8 =	simm.s32 @!p0 $0x1BF5;
	p2 =	por !p2, p0  }
0x20: {  	[sflag:s8] =	ssyncset.s32 @!p0 $0xFFFFF086;
	s6 =	sadd.s32 @!p0 s3, s7;
	s7 =	simm.s32 @!p0 $0x108  }
0x21: {  	s3 =	sadd.s32 s3, s9;
	s6 =	sadd.s32 @!p0 $0x88, s6;
	s7 =	simm.s32 @p2 $0x1082  }
0x22: {  	[simem:s7], [sflag:s8] =	dma.local @!p0 [hbm:s6], $0xF7A  }
0x23: {  	s9 =	sor.u32 $0xD0000000, s2;
	s6 =	simm.s32 $0x108;
	_ =	swait.ge @!p0 [sflag:s8], $0x0  }
0x24: {  	s3 =	sadd.s32 $0x88, s3;
	s6 =	simm.s32 @!p1 $0x1082;
	[sflag:s4] =	ssyncset.s32 $0xFFFFF086  }
0x25: {  	[simem:s6], [sflag:s4] =	dma.local [hbm:s3], $0xF7A  }
0x26: {  	[smem:$0x3F90] =	sst s1;
	(tag) =	ssettag s2;
	_ =	strace s9  }
0x27: {  	s1 =	sld [smem:$0x3FA0]  }
0x28: {  	s2 =	sld [smem:$0x3FA1]  }
0x29: {  	s4 =	sld [smem:$0x3FA3]  }
0x2a: {  	p0 =	seq.s32 s5, $0x0;
	s5 =	sld [smem:$0x3FA4]  }
0x2b: {  	s6 =	sld [smem:$0x3FA5]  }
0x2c: {  	s7 =	sld [smem:$0x3FA6]  }
0x2d: {  	s3 =	simm.s32 $0x108;
	s8 =	sld [smem:$0x3FA7]  }
0x2e: {  	s3 =	simm.s32 @!p0 $0x1082;
	s9 =	sld [smem:$0x3FA8]  }
0x2f: {  	lr =	sadd.s32 s0, s3;
	s0 =	sld [smem:$0x3F9F]  }
0x30: {  	s3 =	sld [smem:$0x3FA2]  }
0x31: {  	[smem:$0x3FAB] =	sst s10  }
0x32: {  	s10 =	sld [smem:$0x3FA9];
	_ =	sdelay $0x3  }
0x33: {  	p0 =	seq.s32 s10, $0x1;
	s10 =	sld [smem:$0x3FAB];
	_ =	sdelay $0x3  }
0x34: {  	[smem:$0x3FAB] =	sst s10  }
0x35: {  	s10 =	sld [smem:$0x3FAA];
	_ =	sdelay $0x3  }
0x36: {  	p1 =	seq.s32 s10, $0x1;
	s10 =	sld [smem:$0x3FAB];
	_ =	sdelay $0x3  }
0x37: {  	[smem:$0x3FAB] =	sst s10  }
0x38: {  	s10 =	sld [smem:$0x3FAC]  }
0x39: {  	_ = 	snop;
	(pc) =	sbr.ind lr, $3  }
0x3a: {  	_ = 	snop  }
0x3b: {  	_ = 	snop  }
0x3c: {  	p2 =	seq.s32 s10, $0x1;
	s10 =	sld [smem:$0x3FAB]  }
0x3d: {  	_ =	shalt  }
0x3e: {  	_ =	shalt  }
0x3f: {  	_ =	shalt  }
0x40: {  	_ =	shalt  }
0x41: {  	_ =	shalt  }
0x42: {  	_ =	shalt  }
0x43: {  	_ =	shalt  }
0x44: {  	_ =	shalt  }
0x45: {  	_ =	shalt  }
0x46: {  	_ =	shalt  }
0x47: {  	_ =	shalt  }
0x48: {  	_ =	shalt  }
0x49: {  	_ =	shalt  }
0x4a: {  	_ =	shalt  }
0x4b: {  	_ =	shalt  }
0x4c: {  	_ =	shalt  }
0x4d: {  	_ =	shalt  }
0x4e: {  	_ =	shalt  }
0x4f: {  	_ =	shalt  }
0x50: {  	_ =	shalt  }
0x51: {  	_ =	shalt  }
0x52: {  	_ =	shalt  }
0x53: {  	_ =	shalt  }
0x54: {  	_ =	shalt  }
0x55: {  	_ =	shalt  }
0x56: {  	_ =	shalt  }
0x57: {  	_ =	shalt  }
0x58: {  	_ =	shalt  }
0x59: {  	_ =	shalt  }
0x5a: {  	_ =	shalt  }
0x5b: {  	_ =	shalt  }
0x5c: {  	_ =	shalt  }
0x5d: {  	_ =	shalt  }
0x5e: {  	_ =	shalt  }
0x5f: {  	_ =	shalt  }
0x60: {  	_ =	shalt  }
0x61: {  	_ =	shalt  }
0x62: {  	_ =	shalt  }
0x63: {  	_ =	shalt  }
0x64: {  	_ =	shalt  }
0x65: {  	_ =	shalt  }
0x66: {  	_ =	shalt  }
0x67: {  	_ =	shalt  }
0x68: {  	_ =	shalt  }
0x69: {  	_ =	shalt  }
0x6a: {  	_ =	shalt  }
0x6b: {  	_ =	shalt  }
0x6c: {  	_ =	shalt  }
0x6d: {  	_ =	shalt  }
0x6e: {  	_ =	shalt  }
0x6f: {  	_ =	shalt  }
0x70: {  	_ =	shalt  }
0x71: {  	_ =	shalt  }
0x72: {  	_ =	shalt  }
0x73: {  	_ =	shalt  }
0x74: {  	_ =	shalt  }
0x75: {  	_ =	shalt  }
0x76: {  	_ =	shalt  }
0x77: {  	_ =	shalt  }
0x78: {  	_ =	shalt  }
0x79: {  	_ =	shalt  }
0x7a: {  	_ =	shalt  }
0x7b: {  	_ =	shalt  }
0x7c: {  	_ =	shalt  }
0x7d: {  	_ =	shalt  }
0x7e: {  	_ =	shalt  }
0x7f: {  	_ =	shalt  }
0x80: {  	_ =	shalt  }
0x81: {  	_ =	shalt  }
0x82: {  	_ =	shalt  }
0x83: {  	_ =	shalt  }
0x84: {  	_ =	shalt  }
0x85: {  	_ =	shalt  }
0x86: {  	_ =	shalt  }
0x87: {  	_ =	shalt  }
.Lfunc_end0:
.L_simem_size_0:
called_computation_lowered:
.L_overlay_start_0:
0x88: {  	s2 =	sld [smem:$0x3FD9]  }
0x89: {  	s3 =	sld [smem:$0x3FFE];
	_ =	sdelay $0x1  }
0x8a: {  	s1 =	srdreg.scid  }
0x8b: {  	s0 =	sand.u32 $0x1, s1  }
0x8c: {  	s17 =	sshll.u32 s0, $0xA;
	s2 =	sadd.s32 s3, s2  }
0x8d: {  	s2 =	sadd.s32 s2, s17  }
0x8e: {  	[smem:$0x3FB7] =	sst s2  }
0x8f: {  	_ = 	snop  }
0x90: {  	s2 =	sld [smem:$0x3FC8]  }
0x91: {  	s18 =	sld [smem:$0x3FC7];
	(tm) =	ssettm $0x1  }
0x92: {  	s4 =	sld [smem:$0x3FFB];
	_ =	sdelay $0x3  }
0x93: {  	_ =	strace s4  }
0x94: {  	s4 =	sld [smem:$0x3FFC];
	_ =	sdelay $0x3  }
0x95: {  	_ =	strace s4  }
0x96: {  	s4 =	sld [smem:$0x3FFD];
	_ =	sdelay $0x3  }
0x97: {  	_ =	strace s4  }
0x98: {  	_ =	strace $0x8FFFFFFF  }
0x99: {  	s19 =	sld [smem:$0x3FDB];
	_ =	sdelay $0x1  }
0x9a: {  	s5 =	simm.s32 $_scs_section_size  }
0x9b: {  	s6 =	simm.s32 $_size__tile_overlayer_lowered;
	s7 =	simm.s32 $_tile_overlayer_lowered  }
0x9c: {  	s22 =	simm.s32 $0x1BFF;
	s21 =	sshll.u32 s7, $0x1;
	s4 =	sadd.s32 s5, s19  }
0x9d: {  	s8 =	simm.s32 $0x0;
	s20 =	sshll.u32 s6, $0x1;
	s6 =	sadd.s32 s21, s4  }
0x9e: {  	[timem:s8], [sflag:s22] =	dma.local [hbm:s6], s20  }
0x9f: {  	_ =	swait.ge [sflag:s22], s20  }
0xa0: {  	s5 =	ssub.s32 $0x0, s20;
	[sflag:s22] =	ssyncset.done $0x0  }
0xa1: {  	[sflag:s22] =	ssyncadd.s32 s5;
	_ =	sdelay $0x1  }
0xa2: {  	s23 =	simm.s32 $0x1B8B  }
0xa3: {  	_ =	swait.ge [sflag:s23], $0x1  }
0xa4: {  	[sflag:s23] =	ssyncset.done $0x0  }
0xa5: {  	s25 =	simm.s32 $0x1B8E;
	s24 =	sld [smem:$0x3FFE];
	[sflag:s23] =	ssyncadd.s32 $0xFFFFFFFF  }
0xa6: {  	s26 =	simm.s32 $execute0_lowered;
	[smem:$0x3FD2] =	sst s25  }
0xa7: {  	s6 =	sshll.u32 s26, $0x1;
	_ =	strace $0x80000046;
	[dreg:$0x1] =	wrdreg $0xFFFFFFFF  }
0xa8: {  	s28 =	simm.s32 $_size_execute0_lowered;
	s4 =	sadd.s32 s4, s6;
	[dreg:$0x0] =	wrdreg $0x0  }
0xa9: {  	s6 =	sshll.u32 s28, $0x1;
	[dreg:$0x2] =	wrdreg s4  }
0xaa: {  	[dreg:$0x3] =	wrdreg s6  }
0xab: {  	[dreg:$0x4] =	wrdreg $0xC0  }
0xac: {  	_ =	task [dreg:s8], $0x5FFFF  }
0xad: {  	[dreg:$0x1] =	wrdreg $0xFFFFFFFF  }
0xae: {  	[dreg:$0x0] =	wrdreg $0x60  }
0xaf: {  	[dreg:$0x2] =	wrdreg s2  }
0xb0: {  	[dreg:$0x3] =	wrdreg s18  }
0xb1: {  	[dreg:$0x4] =	wrdreg s24  }
0xb2: {  	[dreg:$0x5] =	wrdreg $0xE0000  }
0xb3: {  	[dreg:$0x6] =	wrdreg $0x9  }
0xb4: {  	_ =	task.clear_ibuf [dreg:s8], $0x7FFFF;
	_ =	strace $0x90000046  }
0xb5: {  	s29 =	simm.s32 $0x9;
	_ =	strace $0x80000048  }
0xb6: {  	_ =	swait.ge [sflag:s29], $0x1  }
0xb7: {  	[sflag:s29] =	ssyncadd.s32 $0xFFFFFFFF  }
0xb8: {  	_ =	strace $0x90000048  }
0xb9: {  	_ =	sfence  }
0xba: {  	s30 =	sld [smem:$0x0];
	_ =	sdelay $0x2  }
0xbb: {  	s31 =	sshll.u32 s1, $0xD;
	s1 =	sshrl.u32 s1, $0x2  }
0xbc: {  	s3 =	sand.u32 $0x4000, s31;
	s1 =	sadd.s32 s1, s30  }
0xbd: {  	s0 =	sor.u32 s3, s0;
	s1 =	sshll.u32 s1, $0x11  }
0xbe: {  	s0 =	sor.u32 s1, s0  }
0xbf: {  	s0 =	sadd.s32 $0x8F2B, s0  }
0xc0: {  	[sflag:s0] =	ssyncadd.remote.s32 $0x1  }
0xc1: {  	_ =	sfence.sel $0xFFFF  }
0xc2: {  	[dreg:$0x0] =	wrdreg $0xFFFFFFFF;
	(pc) =	sbr.abs _section_cstart, $3  }
0xc3: {  	[dreg:$0x1] =	wrdreg $0xFFFFFFFF  }
0xc4: {  	_ =	task.clear_ibuf [dreg:s8], $0x2FFFF;
	_ =	strace $0x9FFFFFFF  }
0xc5: {  	(tm) =	ssettm $0x7FFFFFFF  }
tec
execute0_lowered:
.L_overlay_start_1:
0x0: {  	(tag) =	ssettag $0x1  }
0x1: {  	s0 =	rddreg [dreg:$0x0]  }
0x2: {  	s5 =	rddreg [dreg:$0x2]  }
0x3: {  	s8 =	rddreg [dreg:$0x1];
	s9 =	sadd.s32 $0x2460, s5  }
0x4: {  	s2 =	srdreg.scid;
	s10 =	sadd.s32 $0x2470, s5;
	[smem:$0x7BB] =	sst s9  }
0x5: {  	s23 =	stileid.u32;
	s11 =	sadd.s32 $0x2C00, s5;
	[smem:$0x7BD] =	sst s10  }
0x6: {  	s2 =	sand.u32 $0x1, s2;
	s29 =	sadd.s32 $0x3C10, s5;
	[smem:$0x7BF] =	sst s11  }
0x7: {  	s24 =	sshll.u32 s23, $0xB;
	s7 =	sshll.u32 s2, $0xA;
	[smem:$0x7A8] =	sst s29  }
0x8: {  	s25 =	sshll.u32 s23, $0xA;
	s0 =	sadd.s32 s0, s24;
	[smem:$0x7FB] =	sst s7  }
0x9: {  	s6 =	sshll.u32 s23, $0x5;
	s28 =	sadd.s32 s8, s25;
	[dreg:$0x5] =	wrdreg s0  }
0xa: {  	s3 =	ssub.s32 $0x2, s2;
	s29 =	sadd.s32 $0x3C20, s5;
	[dreg:$0x6] =	wrdreg s28  }
0xb: {  	s4 =	sshrl.u32 s3, $0x1;
	[smem:$0x7AA] =	sst s29;
	s29 =	sadd.s32 $0x3C30, s5  }
0xc: {  	s26 =	sor.u32 s6, s7;
	s7 =	sor.u32 $0x200, s7;
	[smem:$0x7AC] =	sst s29  }
0xd: {  	s22 =	ssub.s32 s3, s4;
	[smem:$0x7FC] =	sst s7  }
0xe: {  	s29 =	sadd.s32 $0x3C40, s5;
	[smem:$0x7D9] =	sst s22  }
0xf: {  	s31 =	sadd.s32 $0x2400, s5;
	s6 =	sor.u32 s6, s7;
	[smem:$0x7AE] =	sst s29  }
0x10: {  	s0 =	sshll.u32 s26, $0x8;
	s29 =	sadd.s32 $0x3C50, s5;
	[smem:$0x7B4] =	sst s6  }
0x11: {  	s7 =	sadd.s32 s31, s0;
	[smem:$0x7B0] =	sst s29  }
0x12: {  	s9 =	sadd.s32 s0, s9;
	[dreg:$0x7] =	wrdreg s7  }
0x13: {  	s10 =	sadd.s32 s0, s10;
	[dreg:$0xd] =	wrdreg s9  }
0x14: {  	s2 =	sadd.s32 $0x2410, s5;
	s11 =	sadd.s32 s0, s11;
	[dreg:$0xe] =	wrdreg s10  }
0x15: {  	s3 =	sadd.s32 $0x2420, s5;
	s7 =	sadd.s32 s0, s2;
	[dreg:$0xf] =	wrdreg s11  }
0x16: {  	s4 =	sadd.s32 $0x2430, s5;
	[dreg:$0x8] =	wrdreg s7;
	s7 =	sadd.s32 s0, s3  }
0x17: {  	s30 =	sadd.s32 $0x2440, s5;
	[dreg:$0x9] =	wrdreg s7;
	s7 =	sadd.s32 s0, s4  }
0x18: {  	s8 =	sadd.s32 $0x2450, s5;
	[dreg:$0xa] =	wrdreg s7;
	s7 =	sadd.s32 s0, s30  }
0x19: {  	s12 =	sadd.s32 $0x2C10, s5;
	[dreg:$0xb] =	wrdreg s7;
	s7 =	sadd.s32 s0, s8  }
0x1a: {  	s17 =	sadd.s32 $0x2C60, s5;
	[dreg:$0xc] =	wrdreg s7;
	s7 =	sadd.s32 s0, s12  }
0x1b: {  	s22 =	sadd.s32 $0x3430, s5;
	[dreg:$0x10] =	wrdreg s7;
	s7 =	sadd.s32 s0, s17  }
0x1c: {  	s28 =	sadd.s32 $0x3C00, s5;
	[dreg:$0x15] =	wrdreg s7;
	s7 =	sadd.s32 s0, s22  }
0x1d: {  	s13 =	sadd.s32 $0x2C20, s5;
	[dreg:$0x1a] =	wrdreg s7;
	s7 =	sadd.s32 s0, s28  }
0x1e: {  	s18 =	sadd.s32 $0x2C70, s5;
	s6 =	smov.u32 s31;
	[dreg:$0x1f] =	wrdreg s7  }
0x1f: {  	s31 =	smov.u32 s8;
	s8 =	sadd.s32 s0, s13;
	s7 =	sld [smem:$0x7A8]  }
0x20: {  	s23 =	sadd.s32 $0x3440, s5;
	[dreg:$0x11] =	wrdreg s8;
	s8 =	sadd.s32 s0, s18  }
0x21: {  	[dreg:$0x16] =	wrdreg s8;
	s8 =	sadd.s32 s0, s23  }
0x22: {  	[dreg:$0x1b] =	wrdreg s8;
	s8 =	sadd.s32 s0, s7  }
0x23: {  	s14 =	sadd.s32 $0x2C30, s5;
	[smem:$0x7A9] =	sst s8  }
0x24: {  	s19 =	sadd.s32 $0x3400, s5;
	s9 =	sadd.s32 s0, s14;
	s8 =	sld [smem:$0x7AA]  }
0x25: {  	s24 =	sadd.s32 $0x3450, s5;
	[dreg:$0x12] =	wrdreg s9;
	s9 =	sadd.s32 s0, s19  }
0x26: {  	[dreg:$0x17] =	wrdreg s9;
	s9 =	sadd.s32 s0, s24  }
0x27: {  	[dreg:$0x1c] =	wrdreg s9;
	s9 =	sadd.s32 s0, s8  }
0x28: {  	s15 =	sadd.s32 $0x2C40, s5;
	[smem:$0x7AB] =	sst s9  }
0x29: {  	s20 =	sadd.s32 $0x3410, s5;
	s10 =	sadd.s32 s0, s15;
	s9 =	sld [smem:$0x7AC]  }
0x2a: {  	s25 =	sadd.s32 $0x3460, s5;
	[dreg:$0x13] =	wrdreg s10;
	s10 =	sadd.s32 s0, s20  }
0x2b: {  	[dreg:$0x18] =	wrdreg s10;
	s10 =	sadd.s32 s0, s25  }
0x2c: {  	[dreg:$0x1d] =	wrdreg s10;
	s10 =	sadd.s32 s0, s9  }
0x2d: {  	s16 =	sadd.s32 $0x2C50, s5;
	[smem:$0x7AD] =	sst s10  }
0x2e: {  	s21 =	sadd.s32 $0x3420, s5;
	s11 =	sadd.s32 s0, s16;
	s10 =	sld [smem:$0x7AE]  }
0x2f: {  	s26 =	sadd.s32 $0x3470, s5;
	[dreg:$0x14] =	wrdreg s11;
	s11 =	sadd.s32 s0, s21  }
0x30: {  	[dreg:$0x19] =	wrdreg s11;
	s11 =	sadd.s32 s0, s26  }
0x31: {  	[dreg:$0x1e] =	wrdreg s11;
	s11 =	sadd.s32 s0, s10  }
0x32: {  	[smem:$0x7AF] =	sst s11  }
0x33: {  	s11 =	sld [smem:$0x7B0]  }
0x34: {  	s1 =	simm.s32 $0x0  }
0x35: {  	[smem:$0x7FF] =	sst s1  }
0x36: {  	s1 =	sadd.s32 $0x3C60, s5;
	s29 =	sadd.s32 $0x3C70, s5;
	s5 =	sadd.s32 s0, s11  }
0x37: {  	[smem:$0x7B1] =	sst s5  }
0x38: {  	s5 =	sld [smem:$0x7B4];
	_ =	sdelay $0x1  }
0x39: {  	[smem:$0x7D6] =	sst s1;
	s1 =	sadd.s32 s0, s1;
	s0 =	sadd.s32 s0, s29  }
0x3a: {  	[smem:$0x7B3] =	sst s0;
	s0 =	sshll.u32 s5, $0x8  }
0x3b: {  	[smem:$0x7B2] =	sst s1;
	s6 =	sadd.s32 s6, s0  }
0x3c: {  	s2 =	sadd.s32 s0, s2;
	[smem:$0x7B5] =	sst s6  }
0x3d: {  	s5 =	sadd.s32 s0, s3;
	[smem:$0x7B6] =	sst s2  }
0x3e: {  	s3 =	sadd.s32 s0, s31;
	[smem:$0x7B7] =	sst s5  }
0x3f: {  	[smem:$0x7BA] =	sst s3  }
0x40: {  	s6 =	sadd.s32 s0, s4;
	s4 =	sld [smem:$0x7BB]  }
0x41: {  	s12 =	sadd.s32 s0, s12;
	s5 =	sld [smem:$0x7BD]  }
0x42: {  	s13 =	sadd.s32 s0, s13;
	[smem:$0x7C1] =	sst s12  }
0x43: {  	s14 =	sadd.s32 s0, s14;
	[smem:$0x7C2] =	sst s13  }
0x44: {  	s15 =	sadd.s32 s0, s15;
	[smem:$0x7C3] =	sst s14  }
0x45: {  	s16 =	sadd.s32 s0, s16;
	[smem:$0x7C4] =	sst s15  }
0x46: {  	s17 =	sadd.s32 s0, s17;
	[smem:$0x7C5] =	sst s16  }
0x47: {  	s18 =	sadd.s32 s0, s18;
	[smem:$0x7C6] =	sst s17  }
0x48: {  	[smem:$0x7C7] =	sst s18  }
0x49: {  	s3 =	sadd.s32 s0, s21;
	s21 =	sld [smem:$0x7D6]  }
0x4a: {  	s2 =	sadd.s32 s0, s30;
	[smem:$0x7B8] =	sst s6  }
0x4b: {  	[smem:$0x7B9] =	sst s2  }
0x4c: {  	s30 =	sadd.s32 s0, s19;
	s6 =	sld [smem:$0x7BF]  }
0x4d: {  	[smem:$0x7C8] =	sst s30  }
0x4e: {  	s12 =	sadd.s32 s0, s25;
	[smem:$0x7CA] =	sst s3  }
0x4f: {  	s13 =	sadd.s32 s0, s26;
	[smem:$0x7CE] =	sst s12  }
0x50: {  	s14 =	sadd.s32 s0, s28;
	[smem:$0x7CF] =	sst s13  }
0x51: {  	s15 =	sadd.s32 s0, s7;
	[smem:$0x7D0] =	sst s14  }
0x52: {  	s16 =	sadd.s32 s0, s8;
	[smem:$0x7D1] =	sst s15  }
0x53: {  	s17 =	sadd.s32 s0, s9;
	[smem:$0x7D2] =	sst s16  }
0x54: {  	s18 =	sadd.s32 s0, s10;
	[smem:$0x7D3] =	sst s17  }
0x55: {  	s19 =	sadd.s32 s0, s11;
	[smem:$0x7D4] =	sst s18  }
0x56: {  	s2 =	sadd.s32 s0, s20;
	[smem:$0x7D5] =	sst s19  }
0x57: {  	[smem:$0x7C9] =	sst s2;
	s1 =	sadd.s32 s0, s4  }
0x58: {  	s4 =	sadd.s32 s0, s22;
	[smem:$0x7BC] =	sst s1  }
0x59: {  	s1 =	sadd.s32 s0, s5;
	[smem:$0x7CB] =	sst s4  }
0x5a: {  	s5 =	sadd.s32 s0, s23;
	[smem:$0x7BE] =	sst s1  }
0x5b: {  	s1 =	sadd.s32 s0, s6;
	[smem:$0x7CC] =	sst s5  }
0x5c: {  	s6 =	sadd.s32 s0, s24;
	[smem:$0x7C0] =	sst s1  }
0x5d: {  	[smem:$0x7CD] =	sst s6;
	s1 =	sadd.s32 s0, s21  }
0x5e: {  	s0 =	sadd.s32 s0, s29;
	[smem:$0x7D7] =	sst s1  }
0x5f: {  	[smem:$0x7D8] =	sst s0  }
0x60: {  	s20 =	rddreg [dreg:$0x3];
	s22 =	stileid.u32;
	_ =	strace $0x80000047  }
0x61: {  	s0 =	sshll.u32 s22, $0x10;
	s23 =	sld [smem:$0x7D9]  }
0x62: {  	s31 =	sadd.s32 s0, s20;
	s24 =	rddreg [dreg:$0x5]  }
0x63: {  	s25 =	sadd.s32 $0x4000, s31;
	[smem:$0x7FD] =	sst s31  }
0x64: {  	s26 =	sadd.s32 $0x8000, s31;
	[smem:$0x7DC] =	sst s25  }
0x65: {  	s28 =	sadd.s32 $0xC000, s31;
	[smem:$0x7DD] =	sst s26  }
0x66: {  	s29 =	sadd.s32 $0x800, s31;
	[smem:$0x7DE] =	sst s28  }
0x67: {  	s30 =	sadd.s32 $0x1000, s31;
	[smem:$0x7DF] =	sst s29  }
0x68: {  	s1 =	sadd.s32 $0x1800, s31;
	[smem:$0x7E0] =	sst s30  }
0x69: {  	s2 =	sadd.s32 $0x2000, s31;
	[smem:$0x7E1] =	sst s1  }
0x6a: {  	s3 =	sadd.s32 $0x2800, s31;
	[smem:$0x7E2] =	sst s2  }
0x6b: {  	s4 =	sadd.s32 $0x3000, s31;
	[smem:$0x7E3] =	sst s3  }
0x6c: {  	s5 =	sadd.s32 $0x3800, s31;
	[smem:$0x7E4] =	sst s4  }
0x6d: {  	s6 =	sadd.s32 $0x4800, s31;
	[smem:$0x7E5] =	sst s5  }
0x6e: {  	s7 =	sadd.s32 $0x5000, s31;
	[smem:$0x7E6] =	sst s6  }
0x6f: {  	s8 =	sadd.s32 $0x5800, s31;
	[smem:$0x7E7] =	sst s7  }
0x70: {  	s9 =	sadd.s32 $0x6000, s31;
	[smem:$0x7E8] =	sst s8  }
0x71: {  	s10 =	sadd.s32 $0x6800, s31;
	[smem:$0x7E9] =	sst s9  }
0x72: {  	s11 =	sadd.s32 $0x7000, s31;
	[smem:$0x7EA] =	sst s10  }
0x73: {  	s12 =	sadd.s32 $0x7800, s31;
	[smem:$0x7EB] =	sst s11  }
0x74: {  	s13 =	sadd.s32 $0x8800, s31;
	[smem:$0x7EC] =	sst s12  }
0x75: {  	s14 =	sadd.s32 $0x9000, s31;
	[smem:$0x7ED] =	sst s13  }
0x76: {  	s15 =	sadd.s32 $0x9800, s31;
	[smem:$0x7EE] =	sst s14  }
0x77: {  	s16 =	sadd.s32 $0xA000, s31;
	[smem:$0x7EF] =	sst s15  }
0x78: {  	s17 =	sadd.s32 $0xA800, s31;
	[smem:$0x7F0] =	sst s16  }
0x79: {  	s18 =	sadd.s32 $0xB000, s31;
	[smem:$0x7F1] =	sst s17  }
0x7a: {  	s19 =	sadd.s32 $0xB800, s31;
	[smem:$0x7F2] =	sst s18  }
0x7b: {  	s21 =	sadd.s32 $0xC800, s31;
	[smem:$0x7F3] =	sst s19  }
0x7c: {  	s22 =	sadd.s32 $0xD000, s31;
	[smem:$0x7F4] =	sst s21  }
0x7d: {  	[smem:$0x7F5] =	sst s22  }
0x7e: {  	s29 =	sld [smem:$0x7FB]  }
0x7f: {  	s25 =	sadd.s32 $0xE800, s31;
	s30 =	sld [smem:$0x7FC]  }
0x80: {  	s26 =	sadd.s32 $0xF000, s31;
	[smem:$0x7F8] =	sst s25  }
0x81: {  	s28 =	sadd.s32 $0xF800, s31;
	[smem:$0x7F9] =	sst s26  }
0x82: {  	s14 =	simm.s32 $0x80;
	[smem:$0x7FA] =	sst s28;
	s0 =	smax.u32 s23, $0x1  }
0x83: {  	s16 =	simm.s32 $0x2;
	s23 =	sadd.s32 $0xD800, s31;
	[smem:$0x7DA] =	sst s0  }
0x84: {  	s3 =	simm.s32 $0x2000;
	s0 =	sadd.s32 $0x10, s24;
	[smem:$0x7F6] =	sst s23  }
0x85: {  	s21 =	simm.s32 $0x1;
	s24 =	sadd.s32 $0xE000, s31;
	[smem:$0x7DB] =	sst s0  }
0x86: {  	v2 =	vimm.f32 $0.0e+00;
	s22 =	simm.s32 $0x10;
	v0 =	vmov s29;
	v1 =	vmov s30;
	s23 =	simm.s32 $0x0;
	[smem:$0x7F7] =	sst s24  }
.LBB2_1:
0x87: {  	s0 =	simm.s32 $0x0;
	s1 =	rddreg [dreg:$0x5];
	s2 =	simm.s32 $0x100  }
0x88: {  	[tilespmem:s0], [sflag:$0x2] =	stream.strided.gather [hbm4b:s1+s14], $0x2000, s2, s14, $0x38;
	[tilespmem:$0x1E000] =	vst v63  }
0x89: {  	_ =	swait.ge [sflag:s16], $0x2000  }
0x8a: {  	s28 =	sld [smem:$0x7DB]  }
0x8b: {  	[sflag:s16] =	ssyncset.done $0x0  }
0x8c: {  	[sflag:s16] =	ssyncadd.s32 $0xFFFFE000  }
0x8d: {  	[tilespmem:s3], [sflag:$0x2] =	stream.strided.gather [hbm4b:s28+s14], $0x2000, s2, s14, $0x38;
	[tilespmem:$0x1E000] =	vst v63  }
0x8e: {  	_ =	swait.ge [sflag:s16], $0x2000  }
0x8f: {  	[sflag:s16] =	ssyncset.done $0x0  }
0x90: {  	s30 =	simm.s32 $0x4000;
	s29 =	rddreg [dreg:$0x6];
	[sflag:s16] =	ssyncadd.s32 $0xFFFFE000  }
0x91: {  	[tilespmem:s30], [sflag:$0x2] =	stream.linear.gather [hbm4b:s29+s0], $0x2000, $0x38;
	[tilespmem:$0x1E000] =	vst v63  }
0x92: {  	_ =	swait.ge [sflag:s16], $0x2000  }
0x93: {  	[sflag:s16] =	ssyncset.done $0x0  }
0x94: {  	s1 =	simm.s32 $0x0;
	s0 =	simm.s32 $0x40;
	[sflag:s16] =	ssyncadd.s32 $0xFFFFE000  }
.LBB2_2:
0x95: {  	p0 =	sne.s32 s0, $0xFFC0;
	[tilespmem:s1+$0xA000] =	vst v2;
	s1 =	smov.u32 s0;
	s0 =	sadd.s32 $0x40, s0  }
.Ltmp0:
0x96: {  	(pc) =	sbr.rel @p0 .LBB2_2-.Ltmp0, $2  }
0x97: {  	_ =	sdelay $0x2  }
0x98: {  	s1 =	sshra.s32 s1, $0x2  }
0x99: {  	[tilespmem:s1+$0xA000] =	vst v2;
	s28 =	simm.s32 $0xA000  }
0x9a: {  	[spmem:s31] =	stream.linear.scatter [tilespmem:s28], [sflag:$0x2], $0x4000, $0x38;
	[tilespmem:$0x1E000] =	vst v63  }
0x9b: {  	_ =	swait.ge [sflag:s16], $0x4000  }
0x9c: {  	s0 =	sld [smem:$0x7DC]  }
0x9d: {  	[sflag:s16] =	ssyncset.done $0x0  }
0x9e: {  	[sflag:s16] =	ssyncadd.s32 $0xFFFFC000  }
0x9f: {  	[spmem:s0] =	stream.linear.scatter [tilespmem:s28], [sflag:$0x2], $0x4000, $0x38;
	[tilespmem:$0x1E000] =	vst v63  }
0xa0: {  	_ =	swait.ge [sflag:s16], $0x4000  }
0xa1: {  	s29 =	sld [smem:$0x7DD]  }
0xa2: {  	[sflag:s16] =	ssyncset.done $0x0  }
0xa3: {  	[sflag:s16] =	ssyncadd.s32 $0xFFFFC000  }
0xa4: {  	[spmem:s29] =	stream.linear.scatter [tilespmem:s28], [sflag:$0x2], $0x4000, $0x38;
	[tilespmem:$0x1E000] =	vst v63  }
0xa5: {  	_ =	swait.ge [sflag:s16], $0x4000  }
0xa6: {  	s30 =	sld [smem:$0x7DE]  }
0xa7: {  	[sflag:s16] =	ssyncset.done $0x0  }
0xa8: {  	[sflag:s16] =	ssyncadd.s32 $0xFFFFC000  }
0xa9: {  	[spmem:s30] =	stream.linear.scatter [tilespmem:s28], [sflag:$0x2], $0x4000, $0x38;
	[tilespmem:$0x1E000] =	vst v63  }
0xaa: {  	_ =	swait.ge [sflag:s16], $0x4000  }
0xab: {  	[sflag:s16] =	ssyncset.done $0x0  }
0xac: {  	[sflag:s16] =	ssyncadd.s32 $0xFFFFC000  }
0xad: {  	s0 =	simm.s32 $0x0;
	[bflag:$0x0] =	sbarrier.arrive $0xFFFF  }
0xae: {  	v3 =	vld [tilespmem:s0+$0x2070]  }
0xaf: {  	v5 =	vld [tilespmem:s0+$0x2000]  }
0xb0: {  	v6 =	vld [tilespmem:s0+$0x2010]  }
0xb1: {  	v7 =	vld [tilespmem:s0+$0x2020]  }
0xb2: {  	v8 =	vld [tilespmem:s0+$0x2030]  }
0xb3: {  	v10 =	vld [tilespmem:s0+$0x2040]  }
0xb4: {  	v4 =	vld [tilespmem:s0+$0x70]  }
0xb5: {  	v9 =	vshll.u32 v3, $0xB  }
0xb6: {  	v12 =	vld [tilespmem:s0+$0x2050];
	v3 =	vsub.s32 v3, v0;
	v26 =	vsub.s32 v5, v0;
	v13 =	vshll.u32 v6, $0xB  }
0xb7: {  	v16 =	vld [tilespmem:s0+$0x10];
	v27 =	vsub.s32 v6, v0;
	v15 =	vshll.u32 v7, $0xB;
	v28 =	vsub.s32 v7, v0  }
0xb8: {  	v7 =	vshll.u32 v8, $0xB;
	v29 =	vsub.s32 v8, v0;
	v19 =	vshll.u32 v10, $0xB  }
0xb9: {  	v20 =	vld [tilespmem:s0+$0x30];
	v30 =	vsub.s32 v10, v0;
	v9 =	vadd.s32 v4, v9;
	v11 =	vshll.u32 v3, $0xB  }
0xba: {  	vm0 =	vlt.u32 v3, $0x200;
	v3 =	vadd.s32 v4, v11;
	v4 =	vand.u32 $0xFFFFF, v9;
	v9 =	vld [tilespmem:s0+$0x2060]  }
0xbb: {  	v21 =	vshll.u32 v12, $0xB;
	v6 =	vshll.u32 v26, $0xB;
	v11 =	vshll.u32 v5, $0xB;
	v5 =	vld [tilespmem:s0+$0x0]  }
0xbc: {  	v22 =	vld [tilespmem:s0+$0x40];
	v10 =	vshll.u32 v27, $0xB;
	v24 =	vshll.u32 v30, $0xB;
	v17 =	vadd.s32 v16, v13  }
0xbd: {  	v8 =	vld [tilespmem:s0+$0x20];
	vm1 =	vlt.u32 v26, $0x200;
	vm3 =	vlt.u32 v27, $0x200;
	v3 =	vsel vm0, v3, v4  }
0xbe: {  	v25 =	vld [tilespmem:s0+$0x50];
	vm5 =	vlt.u32 v28, $0x200;
	vm4 =	vlt.u32 v29, $0x200;
	[tilespmem:s0+$0x6070] =	vst v3;
	v3 =	vsub.s32 v12, v0  }
0xbf: {  	v32 =	vld [tilespmem:s0+$0x60];
	v12 =	vshll.u32 v28, $0xB;
	v31 =	vshll.u32 v3, $0xB;
	v23 =	vshll.u32 v9, $0xB  }
0xc0: {  	v4 =	vsub.s32 v9, v0;
	v9 =	vadd.s32 v5, v11;
	v13 =	vadd.s32 v5, v6;
	v6 =	vld [tilespmem:s0+$0x4000]  }
0xc1: {  	v11 =	vshll.u32 v29, $0xB;
	v5 =	vld [tilespmem:s0+$0x4010];
	v33 =	vshll.u32 v4, $0xB;
	v14 =	vand.u32 $0xFFFFF, v9  }
0xc2: {  	v9 =	vadd.s32 v8, v15;
	v15 =	vadd.s32 v16, v10;
	v10 =	vadd.s32 v20, v7;
	v7 =	vld [tilespmem:s0+$0x4020]  }
0xc3: {  	v16 =	vand.u32 $0xFFFFF, v17;
	v17 =	vadd.s32 v8, v12;
	v8 =	vld [tilespmem:s0+$0x4030];
	v18 =	vand.u32 $0xFFFFF, v9  }
0xc4: {  	v12 =	vld [tilespmem:s0+$0x4070];
	v9 =	vadd.s32 v22, v19;
	v19 =	vadd.s32 v20, v11;
	v20 =	vand.u32 $0xFFFFF, v10  }
0xc5: {  	v10 =	vadd.s32 v25, v21;
	v21 =	vadd.s32 v22, v24;
	v22 =	vand.u32 $0xFFFFF, v9;
	v9 =	vld [tilespmem:s0+$0x4040]  }
0xc6: {  	v11 =	vadd.s32 v32, v23;
	v23 =	vadd.s32 v25, v31;
	v25 =	vand.u32 $0xFFFFF, v10;
	v10 =	vld [tilespmem:s0+$0x4050]  }
0xc7: {  	s1 =	simm.s32 $0x80;
	s2 =	simm.s32 $0x400;
	vm2 =	vlt.u32 v30, $0x200;
	v24 =	vadd.s32 v32, v33;
	v26 =	vand.u32 $0xFFFFF, v11;
	v11 =	vld [tilespmem:s0+$0x4060]  }
.LBB2_4:
0xc8: {  	p0 =	sne.s32 s2, $0x7E00;
	v27 =	vld [tilespmem:s1+$0x2070];
	v13 =	vsel vm1, v13, v14;
	vm6 =	vlt.u32 v3, $0x200;
	vm7 =	vlt.u32 v4, $0x200  }
0xc9: {  	v4 =	vsel vm3, v15, v16;
	v14 =	vsel vm4, v19, v20;
	v3 =	vld [tilespmem:s1+$0x70];
	[tilespmem:s0+$0x6000] =	vst v13;
	v13 =	vsel vm5, v17, v18  }
0xca: {  	v16 =	vsel vm6, v23, v25;
	v17 =	vsel vm7, v24, v26;
	v15 =	vld [tilespmem:s1+$0x2000];
	[tilespmem:s0+$0x6010] =	vst v4;
	v4 =	vsel vm2, v21, v22  }
0xcb: {  	v6 =	vnsel vm1, $0x0, v6;
	v5 =	vnsel vm3, $0x0, v5;
	v7 =	vnsel vm5, $0x0, v7;
	v18 =	vld [tilespmem:s1+$0x2010];
	[tilespmem:s0+$0x6020] =	vst v13  }
0xcc: {  	v8 =	vnsel vm4, $0x0, v8;
	v9 =	vnsel vm2, $0x0, v9;
	v10 =	vnsel vm6, $0x0, v10;
	v13 =	vld [tilespmem:s1+$0x2020];
	[tilespmem:s0+$0x6030] =	vst v14  }
0xcd: {  	v11 =	vnsel vm7, $0x0, v11;
	v14 =	vld [tilespmem:s1+$0x2030];
	v19 =	vshll.u32 v27, $0xB;
	v20 =	vsub.s32 v27, v0;
	[tilespmem:s0+$0x6040] =	vst v4  }
0xce: {  	v12 =	vnsel vm0, $0x0, v12;
	v4 =	vld [tilespmem:s1+$0x2040];
	v19 =	vadd.s32 v3, v19;
	v21 =	vshll.u32 v20, $0xB;
	[tilespmem:s0+$0x6050] =	vst v16  }
0xcf: {  	vm0 =	vlt.u32 v20, $0x200;
	v16 =	vld [tilespmem:s1+$0x2050];
	v3 =	vadd.s32 v3, v21;
	v19 =	vand.u32 $0xFFFFF, v19;
	[tilespmem:s0+$0x6060] =	vst v17  }
0xd0: {  	v17 =	vshll.u32 v15, $0xB;
	v26 =	vsub.s32 v15, v0;
	v15 =	vld [tilespmem:s1+$0x2060];
	v3 =	vsel vm0, v3, v19;
	[tilespmem:s0+$0x8000] =	vst v6  }
0xd1: {  	v19 =	vshll.u32 v18, $0xB;
	v27 =	vsub.s32 v18, v0;
	v6 =	vld [tilespmem:s1+$0x0];
	v18 =	vshll.u32 v13, $0xB;
	[tilespmem:s1+$0x6070] =	vst v3  }
0xd2: {  	v28 =	vsub.s32 v13, v0;
	v20 =	vld [tilespmem:s1+$0x10];
	v21 =	vshll.u32 v14, $0xB;
	v29 =	vsub.s32 v14, v0;
	[tilespmem:s0+$0x8010] =	vst v5  }
0xd3: {  	v5 =	vshll.u32 v26, $0xB;
	v22 =	vld [tilespmem:s1+$0x20];
	v23 =	vshll.u32 v4, $0xB;
	v30 =	vsub.s32 v4, v0;
	[tilespmem:s0+$0x8020] =	vst v7  }
0xd4: {  	v7 =	vshll.u32 v27, $0xB;
	v24 =	vld [tilespmem:s1+$0x30];
	v25 =	vshll.u32 v16, $0xB;
	v3 =	vsub.s32 v16, v0;
	[tilespmem:s0+$0x8030] =	vst v8  }
0xd5: {  	v8 =	vshll.u32 v28, $0xB;
	v31 =	vld [tilespmem:s1+$0x40];
	v32 =	vshll.u32 v15, $0xB;
	v4 =	vsub.s32 v15, v0;
	[tilespmem:s0+$0x8040] =	vst v9  }
0xd6: {  	v33 =	vshll.u32 v29, $0xB;
	v34 =	vshll.u32 v30, $0xB;
	v9 =	vadd.s32 v6, v17;
	v35 =	vld [tilespmem:s1+$0x50];
	[tilespmem:s0+$0x8050] =	vst v10  }
0xd7: {  	v36 =	vshll.u32 v3, $0xB;
	v38 =	vshll.u32 v4, $0xB;
	v10 =	vadd.s32 v20, v19;
	v37 =	vld [tilespmem:s1+$0x60];
	[tilespmem:s0+$0x8060] =	vst v11  }
0xd8: {  	v13 =	vadd.s32 v6, v5;
	v14 =	vand.u32 $0xFFFFF, v9;
	v6 =	vld [tilespmem:s1+$0x4000];
	v9 =	vadd.s32 v22, v18;
	[tilespmem:s0+$0x8070] =	vst v12;
	s0 =	smov.u32 s1  }
0xd9: {  	v15 =	vadd.s32 v20, v7;
	v16 =	vand.u32 $0xFFFFF, v10;
	v5 =	vld [tilespmem:s0+$0x4010];
	v10 =	vadd.s32 v24, v21  }
0xda: {  	v17 =	vadd.s32 v22, v8;
	v18 =	vand.u32 $0xFFFFF, v9;
	v7 =	vld [tilespmem:s0+$0x4020];
	v9 =	vadd.s32 v31, v23  }
.Ltmp1:
0xdb: {  	v19 =	vadd.s32 v24, v33;
	v20 =	vand.u32 $0xFFFFF, v10;
	v8 =	vld [tilespmem:s0+$0x4030];
	v10 =	vadd.s32 v35, v25;
	(pc) =	sbr.rel @p0 .LBB2_4-.Ltmp1, $4  }
0xdc: {  	v21 =	vadd.s32 v31, v34;
	v22 =	vand.u32 $0xFFFFF, v9;
	v9 =	vld [tilespmem:s0+$0x4040];
	v11 =	vadd.s32 v37, v32  }
0xdd: {  	v23 =	vadd.s32 v35, v36;
	v25 =	vand.u32 $0xFFFFF, v10;
	v24 =	vadd.s32 v37, v38;
	v10 =	vld [tilespmem:s0+$0x4050]  }
0xde: {  	vm1 =	vlt.u32 v26, $0x200;
	vm3 =	vlt.u32 v27, $0x200;
	v26 =	vand.u32 $0xFFFFF, v11;
	v11 =	vld [tilespmem:s0+$0x4060]  }
0xdf: {  	vm5 =	vlt.u32 v28, $0x200;
	vm4 =	vlt.u32 v29, $0x200;
	vm2 =	vlt.u32 v30, $0x200;
	s1 =	sshra.s32 s2, $0x2;
	s2 =	sadd.s32 $0x200, s2;
	v12 =	vld [tilespmem:s0+$0x4070]  }
0xe0: {  	v27 =	vld [tilespmem:s1+$0x2070];
	v13 =	vsel vm1, v13, v14  }
0xe1: {  	v14 =	vld [tilespmem:s1+$0x70];
	[tilespmem:s0+$0x6000] =	vst v13;
	v13 =	vsel vm3, v15, v16  }
0xe2: {  	v15 =	vld [tilespmem:s1+$0x2000];
	[tilespmem:s0+$0x6010] =	vst v13;
	v13 =	vsel vm5, v17, v18  }
0xe3: {  	v16 =	vld [tilespmem:s1+$0x2010];
	[tilespmem:s0+$0x6020] =	vst v13;
	v13 =	vsel vm4, v19, v20  }
0xe4: {  	vm6 =	vlt.u32 v3, $0x200;
	v17 =	vld [tilespmem:s1+$0x2020];
	[tilespmem:s0+$0x6030] =	vst v13;
	v13 =	vsel vm2, v21, v22  }
0xe5: {  	vm7 =	vlt.u32 v4, $0x200;
	v3 =	vsel vm6, v23, v25;
	v18 =	vld [tilespmem:s1+$0x2030];
	[tilespmem:s0+$0x6040] =	vst v13  }
0xe6: {  	v19 =	vshll.u32 v27, $0xB;
	v20 =	vsub.s32 v27, v0;
	v13 =	vld [tilespmem:s1+$0x2040];
	[tilespmem:s0+$0x6050] =	vst v3;
	v3 =	vsel vm7, v24, v26  }
0xe7: {  	v4 =	vld [tilespmem:s1+$0x2050];
	[tilespmem:s0+$0x6060] =	vst v3;
	v3 =	vnsel vm1, $0x0, v6;
	v6 =	vadd.s32 v14, v19;
	v19 =	vshll.u32 v20, $0xB  }
0xe8: {  	vm1 =	vlt.u32 v20, $0x200;
	v14 =	vadd.s32 v14, v19;
	v6 =	vand.u32 $0xFFFFF, v6  }
0xe9: {  	v11 =	vnsel vm7, $0x0, v11;
	v12 =	vnsel vm0, $0x0, v12;
	v21 =	vld [tilespmem:s1+$0x2060];
	[tilespmem:s0+$0x8000] =	vst v3;
	v3 =	vsel vm1, v14, v6  }
0xea: {  	v14 =	vshll.u32 v15, $0xB;
	v20 =	vshll.u32 v17, $0xB;
	v17 =	vsub.s32 v17, v0  }
0xeb: {  	v6 =	vld [tilespmem:s1+$0x0];
	[tilespmem:s1+$0x6070] =	vst v3;
	v3 =	vnsel vm3, $0x0, v5;
	v22 =	vshll.u32 v18, $0xB;
	vm3 =	vlt.u32 v17, $0x200  }
0xec: {  	v5 =	vld [tilespmem:s1+$0x10];
	[tilespmem:s0+$0x8010] =	vst v3;
	v3 =	vnsel vm5, $0x0, v7;
	v23 =	vshll.u32 v13, $0xB;
	v13 =	vsub.s32 v13, v0  }
0xed: {  	v7 =	vld [tilespmem:s1+$0x20];
	[tilespmem:s0+$0x8020] =	vst v3;
	v3 =	vnsel vm4, $0x0, v8;
	v26 =	vshll.u32 v4, $0xB;
	v4 =	vsub.s32 v4, v0  }
0xee: {  	vm5 =	vlt.u32 v13, $0x200;
	v8 =	vld [tilespmem:s1+$0x30];
	[tilespmem:s0+$0x8030] =	vst v3;
	v3 =	vnsel vm2, $0x0, v9;
	v9 =	vnsel vm6, $0x0, v10  }
0xef: {  	v27 =	vshll.u32 v21, $0xB;
	v21 =	vsub.s32 v21, v0;
	v30 =	vshll.u32 v4, $0xB  }
0xf0: {  	vm6 =	vlt.u32 v4, $0x200;
	v10 =	vld [tilespmem:s1+$0x40];
	[tilespmem:s0+$0x8040] =	vst v3;
	v3 =	vsub.s32 v15, v0;
	v15 =	vshll.u32 v16, $0xB  }
0xf1: {  	v16 =	vsub.s32 v16, v0;
	v14 =	vadd.s32 v6, v14;
	v32 =	vshll.u32 v21, $0xB  }
0xf2: {  	vm7 =	vlt.u32 v21, $0x200;
	v19 =	vld [tilespmem:s1+$0x50];
	[tilespmem:s0+$0x8050] =	vst v9;
	v9 =	vsub.s32 v18, v0;
	v18 =	vshll.u32 v3, $0xB  }
0xf3: {  	v25 =	vshll.u32 v16, $0xB;
	v15 =	vadd.s32 v5, v15;
	v14 =	vand.u32 $0xFFFFF, v14  }
0xf4: {  	vm0 =	vlt.u32 v3, $0x200;
	vm2 =	vlt.u32 v16, $0x200;
	v24 =	vld [tilespmem:s1+$0x60];
	[tilespmem:s0+$0x8060] =	vst v11;
	v11 =	vshll.u32 v17, $0xB  }
0xf5: {  	v29 =	vshll.u32 v9, $0xB;
	v6 =	vadd.s32 v6, v18;
	v5 =	vadd.s32 v5, v25  }
0xf6: {  	v15 =	vand.u32 $0xFFFFF, v15;
	vm4 =	vlt.u32 v9, $0x200;
	v28 =	vld [tilespmem:s1+$0x4000];
	[tilespmem:s0+$0x8070] =	vst v12;
	v12 =	vshll.u32 v13, $0xB  }
0xf7: {  	v20 =	vadd.s32 v7, v20;
	v7 =	vadd.s32 v7, v11;
	v6 =	vsel vm0, v6, v14  }
0xf8: {  	v5 =	vsel vm2, v5, v15;
	v22 =	vadd.s32 v8, v22;
	v11 =	vand.u32 $0xFFFFF, v20  }
0xf9: {  	v8 =	vadd.s32 v8, v29;
	[tilespmem:s1+$0x6000] =	vst v6;
	v23 =	vadd.s32 v10, v23;
	v22 =	vand.u32 $0xFFFFF, v22  }
0xfa: {  	[tilespmem:s1+$0x6010] =	vst v5;
	v10 =	vadd.s32 v10, v12;
	v7 =	vsel vm3, v7, v11;
	v26 =	vadd.s32 v19, v26  }
0xfb: {  	v3 =	vld [tilespmem:s1+$0x4060];
	v12 =	vand.u32 $0xFFFFF, v23;
	v6 =	vadd.s32 v19, v30;
	v8 =	vsel vm4, v8, v22;
	[tilespmem:s1+$0x6020] =	vst v7  }
0xfc: {  	v31 =	vld [tilespmem:s1+$0x4010];
	v16 =	vadd.s32 v24, v27;
	v5 =	vand.u32 $0xFFFFF, v26;
	v4 =	vsel vm5, v10, v12;
	[tilespmem:s1+$0x6030] =	vst v8  }
0xfd: {  	v18 =	vld [tilespmem:s1+$0x4020];
	v7 =	vadd.s32 v24, v32;
	v8 =	vand.u32 $0xFFFFF, v16;
	v5 =	vsel vm6, v6, v5;
	[tilespmem:s1+$0x6040] =	vst v4  }
0xfe: {  	v25 =	vld [tilespmem:s1+$0x4030];
	v4 =	vsel vm7, v7, v8;
	[tilespmem:s1+$0x6050] =	vst v5  }
0xff: {  	v20 =	vld [tilespmem:s1+$0x4040];
	v5 =	vnsel vm0, $0x0, v28;
	[tilespmem:s1+$0x6060] =	vst v4  }
0x100: {  	v58 =	vld [tilespmem:s1+$0x4050];
	v3 =	vnsel vm7, $0x0, v3;
	[tilespmem:s1+$0x8000] =	vst v5  }
0x101: {  	v14 =	vld [tilespmem:s1+$0x4070];
	v4 =	vnsel vm2, $0x0, v31;
	[tilespmem:s1+$0x8060] =	vst v3  }
0x102: {  	v5 =	vnsel vm3, $0x0, v18;
	[tilespmem:s1+$0x8010] =	vst v4  }
0x103: {  	v4 =	vnsel vm4, $0x0, v25;
	[tilespmem:s1+$0x8020] =	vst v5  }
0x104: {  	v5 =	vnsel vm5, $0x0, v20;
	[tilespmem:s1+$0x8030] =	vst v4  }
0x105: {  	v4 =	vnsel vm6, $0x0, v58;
	[tilespmem:s1+$0x8040] =	vst v5  }
0x106: {  	[tilespmem:s1+$0x8050] =	vst v4;
	v4 =	vnsel vm1, $0x0, v14  }
0x107: {  	s24 =	simm.s32 $0x6000;
	s25 =	simm.s32 $0x8000;
	[tilespmem:s1+$0x8070] =	vst v4  }
0x108: {  	[spmem:s20] =	stream.indirect.scatter.add.f32 [tilespmem:s25], [sflag:$0x2], $0x1, s24, s3, $0xb8;
	[tilespmem:$0x1E000] =	vst v63  }
0x109: {  	_ =	swait.ge [sflag:s16], $0x2000  }
0x10a: {  	[sflag:s16] =	ssyncset.done $0x0  }
0x10b: {  	s26 =	stileid.u32;
	[sflag:s16] =	ssyncadd.s32 $0xFFFFE000  }
0x10c: {  	s0 =	sshll.u32 s26, $0x6;
	[bflag:$0x0] =	sbarrier.arrive $0xFFFF  }
0x10d: {  	s24 =	sor.u32 $0x1C01, s0;
	s0 =	sshrl.u32 s31, $0x3;
	s2 =	rddreg [dreg:$0x7]  }
0x10e: {  	[smem:$0x79C] =	sst s0  }
0x10f: {  	[hbm:s2@s14], [sflag:s24] =	dma.strided [spmem:s0@s22], $0x100, s21, $0x10   }
0x110: {  	s0 =	sld [smem:$0x7DF];
	_ =	sdelay $0x2  }
0x111: {  	s4 =	rddreg [dreg:$0x8];
	s3 =	sshrl.u32 s0, $0x3  }
0x112: {  	[smem:$0x79D] =	sst s3  }
0x113: {  	[hbm:s4@s14], [sflag:s24] =	dma.strided [spmem:s3@s22], $0x100, s21, $0x10   }
0x114: {  	s0 =	sld [smem:$0x7E0];
	_ =	sdelay $0x2  }
0x115: {  	s6 =	rddreg [dreg:$0x9];
	s5 =	sshrl.u32 s0, $0x3  }
0x116: {  	[smem:$0x79E] =	sst s5  }
0x117: {  	[hbm:s6@s14], [sflag:s24] =	dma.strided [spmem:s5@s22], $0x100, s21, $0x10   }
0x118: {  	s0 =	sld [smem:$0x7E1];
	_ =	sdelay $0x2  }
0x119: {  	s8 =	rddreg [dreg:$0xa];
	s7 =	sshrl.u32 s0, $0x3  }
0x11a: {  	[smem:$0x79F] =	sst s7  }
0x11b: {  	[hbm:s8@s14], [sflag:s24] =	dma.strided [spmem:s7@s22], $0x100, s21, $0x10   }
0x11c: {  	s0 =	sld [smem:$0x7E2];
	_ =	sdelay $0x2  }
0x11d: {  	s10 =	rddreg [dreg:$0xb];
	s9 =	sshrl.u32 s0, $0x3  }
0x11e: {  	[smem:$0x7A0] =	sst s9  }
0x11f: {  	[hbm:s10@s14], [sflag:s24] =	dma.strided [spmem:s9@s22], $0x100, s21, $0x10   }
0x120: {  	s0 =	sld [smem:$0x7E3];
	_ =	sdelay $0x2  }
0x121: {  	s12 =	rddreg [dreg:$0xc];
	s11 =	sshrl.u32 s0, $0x3  }
0x122: {  	[smem:$0x7A1] =	sst s11  }
0x123: {  	[hbm:s12@s14], [sflag:s24] =	dma.strided [spmem:s11@s22], $0x100, s21, $0x10   }
0x124: {  	s0 =	sld [smem:$0x7E4];
	_ =	sdelay $0x2  }
0x125: {  	s15 =	rddreg [dreg:$0xd];
	s13 =	sshrl.u32 s0, $0x3  }
0x126: {  	[smem:$0x7A2] =	sst s13  }
0x127: {  	[hbm:s15@s14], [sflag:s24] =	dma.strided [spmem:s13@s22], $0x100, s21, $0x10   }
0x128: {  	s0 =	sld [smem:$0x7E5];
	_ =	sdelay $0x2  }
0x129: {  	s18 =	rddreg [dreg:$0xe];
	s17 =	sshrl.u32 s0, $0x3  }
0x12a: {  	[smem:$0x7A3] =	sst s17  }
0x12b: {  	[hbm:s18@s14], [sflag:s24] =	dma.strided [spmem:s17@s22], $0x100, s21, $0x10   }
0x12c: {  	s20 =	sld [smem:$0x7DC];
	_ =	sdelay $0x2  }
0x12d: {  	s0 =	rddreg [dreg:$0xf];
	s19 =	sshrl.u32 s20, $0x3  }
0x12e: {  	[smem:$0x7A4] =	sst s19  }
0x12f: {  	[hbm:s0@s14], [sflag:s24] =	dma.strided [spmem:s19@s22], $0x100, s21, $0x10   }
0x130: {  	s0 =	sld [smem:$0x7E6];
	_ =	sdelay $0x2  }
0x131: {  	s26 =	rddreg [dreg:$0x10];
	s25 =	sshrl.u32 s0, $0x3  }
0x132: {  	[smem:$0x7A5] =	sst s25  }
0x133: {  	[hbm:s26@s14], [sflag:s24] =	dma.strided [spmem:s25@s22], $0x100, s21, $0x10   }
0x134: {  	s0 =	sld [smem:$0x7E7];
	_ =	sdelay $0x2  }
0x135: {  	s1 =	rddreg [dreg:$0x11];
	s0 =	sshrl.u32 s0, $0x3  }
0x136: {  	[smem:$0x7A6] =	sst s0  }
0x137: {  	[hbm:s1@s14], [sflag:s24] =	dma.strided [spmem:s0@s22], $0x100, s21, $0x10   }
0x138: {  	s0 =	sld [smem:$0x7E8];
	_ =	sdelay $0x2  }
0x139: {  	s1 =	rddreg [dreg:$0x12];
	s0 =	sshrl.u32 s0, $0x3  }
0x13a: {  	[smem:$0x7A7] =	sst s0  }
0x13b: {  	[hbm:s1@s14], [sflag:s24] =	dma.strided [spmem:s0@s22], $0x100, s21, $0x10   }
0x13c: {  	s0 =	sld [smem:$0x7E9];
	_ =	sdelay $0x2  }
0x13d: {  	s1 =	rddreg [dreg:$0x13];
	s4 =	sshrl.u32 s0, $0x3  }
0x13e: {  	[hbm:s1@s14], [sflag:s24] =	dma.strided [spmem:s4@s22], $0x100, s21, $0x10   }
0x13f: {  	s2 =	sld [smem:$0x7EA];
	_ =	sdelay $0x2  }
0x140: {  	s1 =	rddreg [dreg:$0x14];
	s5 =	sshrl.u32 s2, $0x3  }
0x141: {  	[hbm:s1@s14], [sflag:s24] =	dma.strided [spmem:s5@s22], $0x100, s21, $0x10   }
0x142: {  	s3 =	sld [smem:$0x7EB];
	_ =	sdelay $0x2  }
0x143: {  	s1 =	rddreg [dreg:$0x15];
	s2 =	sshrl.u32 s3, $0x3  }
0x144: {  	[hbm:s1@s14], [sflag:s24] =	dma.strided [spmem:s2@s22], $0x100, s21, $0x10   }
0x145: {  	s6 =	sld [smem:$0x7EC];
	_ =	sdelay $0x2  }
0x146: {  	s1 =	rddreg [dreg:$0x16];
	s6 =	sshrl.u32 s6, $0x3  }
0x147: {  	[hbm:s1@s14], [sflag:s24] =	dma.strided [spmem:s6@s22], $0x100, s21, $0x10   }
0x148: {  	s0 =	sld [smem:$0x7DD];
	_ =	sdelay $0x2  }
0x149: {  	s1 =	rddreg [dreg:$0x17];
	s8 =	sshrl.u32 s0, $0x3  }
0x14a: {  	[hbm:s1@s14], [sflag:s24] =	dma.strided [spmem:s8@s22], $0x100, s21, $0x10   }
0x14b: {  	s1 =	sld [smem:$0x7ED];
	_ =	sdelay $0x2  }
0x14c: {  	s7 =	rddreg [dreg:$0x18];
	s9 =	sshrl.u32 s1, $0x3  }
0x14d: {  	[hbm:s7@s14], [sflag:s24] =	dma.strided [spmem:s9@s22], $0x100, s21, $0x10   }
0x14e: {  	s1 =	sld [smem:$0x7EE];
	_ =	sdelay $0x2  }
0x14f: {  	s10 =	rddreg [dreg:$0x19];
	s13 =	sshrl.u32 s1, $0x3  }
0x150: {  	[hbm:s10@s14], [sflag:s24] =	dma.strided [spmem:s13@s22], $0x100, s21, $0x10   }
0x151: {  	s1 =	sld [smem:$0x7EF];
	_ =	sdelay $0x2  }
0x152: {  	s11 =	rddreg [dreg:$0x1a];
	s17 =	sshrl.u32 s1, $0x3  }
0x153: {  	[hbm:s11@s14], [sflag:s24] =	dma.strided [spmem:s17@s22], $0x100, s21, $0x10   }
0x154: {  	s1 =	sld [smem:$0x7F0];
	_ =	sdelay $0x2  }
0x155: {  	s12 =	rddreg [dreg:$0x1b];
	s10 =	sshrl.u32 s1, $0x3  }
0x156: {  	[hbm:s12@s14], [sflag:s24] =	dma.strided [spmem:s10@s22], $0x100, s21, $0x10   }
0x157: {  	s1 =	sld [smem:$0x7F1];
	_ =	sdelay $0x2  }
0x158: {  	s15 =	rddreg [dreg:$0x1c];
	s11 =	sshrl.u32 s1, $0x3  }
0x159: {  	[hbm:s15@s14], [sflag:s24] =	dma.strided [spmem:s11@s22], $0x100, s21, $0x10   }
0x15a: {  	s1 =	sld [smem:$0x7F2];
	_ =	sdelay $0x2  }
0x15b: {  	s18 =	rddreg [dreg:$0x1d];
	s12 =	sshrl.u32 s1, $0x3  }
0x15c: {  	[hbm:s18@s14], [sflag:s24] =	dma.strided [spmem:s12@s22], $0x100, s21, $0x10   }
0x15d: {  	s1 =	sld [smem:$0x7F3];
	_ =	sdelay $0x2  }
0x15e: {  	s19 =	rddreg [dreg:$0x1e];
	s7 =	sshrl.u32 s1, $0x3  }
0x15f: {  	[hbm:s19@s14], [sflag:s24] =	dma.strided [spmem:s7@s22], $0x100, s21, $0x10   }
0x160: {  	s3 =	sld [smem:$0x7DE];
	_ =	sdelay $0x2  }
0x161: {  	s1 =	rddreg [dreg:$0x1f];
	s18 =	sshrl.u32 s3, $0x3  }
0x162: {  	[hbm:s1@s14], [sflag:s24] =	dma.strided [spmem:s18@s22], $0x100, s21, $0x10   }
0x163: {  	s1 =	sld [smem:$0x7F4]  }
0x164: {  	s25 =	sld [smem:$0x7A9];
	_ =	sdelay $0x1  }
0x165: {  	s15 =	sshrl.u32 s1, $0x3  }
0x166: {  	[hbm:s25@s14], [sflag:s24] =	dma.strided [spmem:s15@s22], $0x100, s21, $0x10   }
0x167: {  	s1 =	sld [smem:$0x7F5]  }
0x168: {  	s26 =	sld [smem:$0x7AB];
	_ =	sdelay $0x1  }
0x169: {  	s25 =	sshrl.u32 s1, $0x3  }
0x16a: {  	[hbm:s26@s14], [sflag:s24] =	dma.strided [spmem:s25@s22], $0x100, s21, $0x10   }
0x16b: {  	s1 =	sld [smem:$0x7F6]  }
0x16c: {  	s19 =	sld [smem:$0x7AD];
	_ =	sdelay $0x1  }
0x16d: {  	s26 =	sshrl.u32 s1, $0x3  }
0x16e: {  	[hbm:s19@s14], [sflag:s24] =	dma.strided [spmem:s26@s22], $0x100, s21, $0x10   }
0x16f: {  	s1 =	sld [smem:$0x7F7]  }
0x170: {  	s19 =	sld [smem:$0x7AF];
	_ =	sdelay $0x1  }
0x171: {  	s28 =	sshrl.u32 s1, $0x3  }
0x172: {  	[hbm:s19@s14], [sflag:s24] =	dma.strided [spmem:s28@s22], $0x100, s21, $0x10   }
0x173: {  	s1 =	sld [smem:$0x7F8]  }
0x174: {  	s19 =	sld [smem:$0x7B1];
	_ =	sdelay $0x1  }
0x175: {  	s29 =	sshrl.u32 s1, $0x3  }
0x176: {  	[hbm:s19@s14], [sflag:s24] =	dma.strided [spmem:s29@s22], $0x100, s21, $0x10   }
0x177: {  	s1 =	sld [smem:$0x7F9]  }
0x178: {  	s19 =	sld [smem:$0x7B2];
	_ =	sdelay $0x1  }
0x179: {  	s30 =	sshrl.u32 s1, $0x3  }
0x17a: {  	[hbm:s19@s14], [sflag:s24] =	dma.strided [spmem:s30@s22], $0x100, s21, $0x10   }
0x17b: {  	s1 =	sld [smem:$0x7FA];
	_ =	sdelay $0x2  }
0x17c: {  	s19 =	sshrl.u32 s1, $0x3;
	s1 =	sld [smem:$0x7B3];
	_ =	sdelay $0x2  }
0x17d: {  	[hbm:s1@s14], [sflag:s24] =	dma.strided [spmem:s19@s22], $0x100, s21, $0x10   }
0x17e: {  	_ =	swait.ge [sflag:s21], $0x100  }
0x17f: {  	[sflag:s21] =	ssyncset.done $0x0  }
0x180: {  	[sflag:s21] =	ssyncadd.s32 $0xFFFFFF00  }
0x181: {  	_ =	swait.ge [sflag:s21], $0x100  }
0x182: {  	[sflag:s21] =	ssyncset.done $0x0  }
0x183: {  	[sflag:s21] =	ssyncadd.s32 $0xFFFFFF00  }
0x184: {  	_ =	swait.ge [sflag:s21], $0x100  }
0x185: {  	[sflag:s21] =	ssyncset.done $0x0  }
0x186: {  	[sflag:s21] =	ssyncadd.s32 $0xFFFFFF00  }
0x187: {  	_ =	swait.ge [sflag:s21], $0x100  }
0x188: {  	[sflag:s21] =	ssyncset.done $0x0  }
0x189: {  	[sflag:s21] =	ssyncadd.s32 $0xFFFFFF00  }
0x18a: {  	_ =	swait.ge [sflag:s21], $0x100  }
0x18b: {  	[sflag:s21] =	ssyncset.done $0x0  }
0x18c: {  	[sflag:s21] =	ssyncadd.s32 $0xFFFFFF00  }
0x18d: {  	_ =	swait.ge [sflag:s21], $0x100  }
0x18e: {  	[sflag:s21] =	ssyncset.done $0x0  }
0x18f: {  	[sflag:s21] =	ssyncadd.s32 $0xFFFFFF00  }
0x190: {  	_ =	swait.ge [sflag:s21], $0x100  }
0x191: {  	[sflag:s21] =	ssyncset.done $0x0  }
0x192: {  	[sflag:s21] =	ssyncadd.s32 $0xFFFFFF00  }
0x193: {  	_ =	swait.ge [sflag:s21], $0x100  }
0x194: {  	[sflag:s21] =	ssyncset.done $0x0  }
0x195: {  	[sflag:s21] =	ssyncadd.s32 $0xFFFFFF00  }
0x196: {  	_ =	swait.ge [sflag:s21], $0x100  }
0x197: {  	[sflag:s21] =	ssyncset.done $0x0  }
0x198: {  	[sflag:s21] =	ssyncadd.s32 $0xFFFFFF00  }
0x199: {  	_ =	swait.ge [sflag:s21], $0x100  }
0x19a: {  	[sflag:s21] =	ssyncset.done $0x0  }
0x19b: {  	[sflag:s21] =	ssyncadd.s32 $0xFFFFFF00  }
0x19c: {  	_ =	swait.ge [sflag:s21], $0x100  }
0x19d: {  	[sflag:s21] =	ssyncset.done $0x0  }
0x19e: {  	[sflag:s21] =	ssyncadd.s32 $0xFFFFFF00  }
0x19f: {  	_ =	swait.ge [sflag:s21], $0x100  }
0x1a0: {  	[sflag:s21] =	ssyncset.done $0x0  }
0x1a1: {  	[sflag:s21] =	ssyncadd.s32 $0xFFFFFF00  }
0x1a2: {  	_ =	swait.ge [sflag:s21], $0x100  }
0x1a3: {  	[sflag:s21] =	ssyncset.done $0x0  }
0x1a4: {  	[sflag:s21] =	ssyncadd.s32 $0xFFFFFF00  }
0x1a5: {  	_ =	swait.ge [sflag:s21], $0x100  }
0x1a6: {  	[sflag:s21] =	ssyncset.done $0x0  }
0x1a7: {  	[sflag:s21] =	ssyncadd.s32 $0xFFFFFF00  }
0x1a8: {  	_ =	swait.ge [sflag:s21], $0x100  }
0x1a9: {  	[sflag:s21] =	ssyncset.done $0x0  }
0x1aa: {  	[sflag:s21] =	ssyncadd.s32 $0xFFFFFF00  }
0x1ab: {  	_ =	swait.ge [sflag:s21], $0x100  }
0x1ac: {  	[sflag:s21] =	ssyncset.done $0x0  }
0x1ad: {  	[sflag:s21] =	ssyncadd.s32 $0xFFFFFF00  }
0x1ae: {  	_ =	swait.ge [sflag:s21], $0x100  }
0x1af: {  	[sflag:s21] =	ssyncset.done $0x0  }
0x1b0: {  	[sflag:s21] =	ssyncadd.s32 $0xFFFFFF00  }
0x1b1: {  	_ =	swait.ge [sflag:s21], $0x100  }
0x1b2: {  	[sflag:s21] =	ssyncset.done $0x0  }
0x1b3: {  	[sflag:s21] =	ssyncadd.s32 $0xFFFFFF00  }
0x1b4: {  	_ =	swait.ge [sflag:s21], $0x100  }
0x1b5: {  	[sflag:s21] =	ssyncset.done $0x0  }
0x1b6: {  	[sflag:s21] =	ssyncadd.s32 $0xFFFFFF00  }
0x1b7: {  	_ =	swait.ge [sflag:s21], $0x100  }
0x1b8: {  	[sflag:s21] =	ssyncset.done $0x0  }
0x1b9: {  	[sflag:s21] =	ssyncadd.s32 $0xFFFFFF00  }
0x1ba: {  	_ =	swait.ge [sflag:s21], $0x100  }
0x1bb: {  	[sflag:s21] =	ssyncset.done $0x0  }
0x1bc: {  	[sflag:s21] =	ssyncadd.s32 $0xFFFFFF00  }
0x1bd: {  	_ =	swait.ge [sflag:s21], $0x100  }
0x1be: {  	[sflag:s21] =	ssyncset.done $0x0  }
0x1bf: {  	[sflag:s21] =	ssyncadd.s32 $0xFFFFFF00  }
0x1c0: {  	_ =	swait.ge [sflag:s21], $0x100  }
0x1c1: {  	[sflag:s21] =	ssyncset.done $0x0  }
0x1c2: {  	[sflag:s21] =	ssyncadd.s32 $0xFFFFFF00  }
0x1c3: {  	_ =	swait.ge [sflag:s21], $0x100  }
0x1c4: {  	[sflag:s21] =	ssyncset.done $0x0  }
0x1c5: {  	[sflag:s21] =	ssyncadd.s32 $0xFFFFFF00  }
0x1c6: {  	_ =	swait.ge [sflag:s21], $0x100  }
0x1c7: {  	[sflag:s21] =	ssyncset.done $0x0  }
0x1c8: {  	[sflag:s21] =	ssyncadd.s32 $0xFFFFFF00  }
0x1c9: {  	_ =	swait.ge [sflag:s21], $0x100  }
0x1ca: {  	[sflag:s21] =	ssyncset.done $0x0  }
0x1cb: {  	[sflag:s21] =	ssyncadd.s32 $0xFFFFFF00  }
0x1cc: {  	_ =	swait.ge [sflag:s21], $0x100  }
0x1cd: {  	[sflag:s21] =	ssyncset.done $0x0  }
0x1ce: {  	[sflag:s21] =	ssyncadd.s32 $0xFFFFFF00  }
0x1cf: {  	_ =	swait.ge [sflag:s21], $0x100  }
0x1d0: {  	[sflag:s21] =	ssyncset.done $0x0  }
0x1d1: {  	[sflag:s21] =	ssyncadd.s32 $0xFFFFFF00  }
0x1d2: {  	_ =	swait.ge [sflag:s21], $0x100  }
0x1d3: {  	[sflag:s21] =	ssyncset.done $0x0  }
0x1d4: {  	[sflag:s21] =	ssyncadd.s32 $0xFFFFFF00  }
0x1d5: {  	_ =	swait.ge [sflag:s21], $0x100  }
0x1d6: {  	[sflag:s21] =	ssyncset.done $0x0  }
0x1d7: {  	[sflag:s21] =	ssyncadd.s32 $0xFFFFFF00  }
0x1d8: {  	_ =	swait.ge [sflag:s21], $0x100  }
0x1d9: {  	[sflag:s21] =	ssyncset.done $0x0  }
0x1da: {  	[sflag:s21] =	ssyncadd.s32 $0xFFFFFF00  }
0x1db: {  	_ =	swait.ge [sflag:s21], $0x100  }
0x1dc: {  	[sflag:s21] =	ssyncset.done $0x0  }
0x1dd: {  	[sflag:s21] =	ssyncadd.s32 $0xFFFFFF00  }
0x1de: {  	s1 =	simm.s32 $0xA000;
	[bflag:$0x0] =	sbarrier.arrive $0xFFFF  }
0x1df: {  	[spmem:s31] =	stream.linear.scatter [tilespmem:s1], [sflag:$0x2], $0x4000, $0x38;
	[tilespmem:$0x1E000] =	vst v63  }
0x1e0: {  	_ =	swait.ge [sflag:s16], $0x4000  }
0x1e1: {  	[sflag:s16] =	ssyncset.done $0x0  }
0x1e2: {  	[sflag:s16] =	ssyncadd.s32 $0xFFFFC000  }
0x1e3: {  	[spmem:s20] =	stream.linear.scatter [tilespmem:s1], [sflag:$0x2], $0x4000, $0x38;
	[tilespmem:$0x1E000] =	vst v63  }
0x1e4: {  	_ =	swait.ge [sflag:s16], $0x4000  }
0x1e5: {  	[sflag:s16] =	ssyncset.done $0x0  }
0x1e6: {  	[sflag:s16] =	ssyncadd.s32 $0xFFFFC000  }
0x1e7: {  	[spmem:s0] =	stream.linear.scatter [tilespmem:s1], [sflag:$0x2], $0x4000, $0x38;
	[tilespmem:$0x1E000] =	vst v63  }
0x1e8: {  	_ =	swait.ge [sflag:s16], $0x4000  }
0x1e9: {  	[sflag:s16] =	ssyncset.done $0x0  }
0x1ea: {  	[sflag:s16] =	ssyncadd.s32 $0xFFFFC000  }
0x1eb: {  	[spmem:s3] =	stream.linear.scatter [tilespmem:s1], [sflag:$0x2], $0x4000, $0x38;
	[tilespmem:$0x1E000] =	vst v63  }
0x1ec: {  	_ =	swait.ge [sflag:s16], $0x4000  }
0x1ed: {  	[sflag:s16] =	ssyncset.done $0x0  }
0x1ee: {  	[sflag:s16] =	ssyncadd.s32 $0xFFFFC000  }
0x1ef: {  	s31 =	simm.s32 $0x0;
	[bflag:$0x0] =	sbarrier.arrive $0xFFFF  }
0x1f0: {  	v3 =	vld [tilespmem:s31+$0x2070]  }
0x1f1: {  	v5 =	vld [tilespmem:s31+$0x2000]  }
0x1f2: {  	v6 =	vld [tilespmem:s31+$0x2010]  }
0x1f3: {  	v7 =	vld [tilespmem:s31+$0x2020]  }
0x1f4: {  	v8 =	vld [tilespmem:s31+$0x2030]  }
0x1f5: {  	v10 =	vld [tilespmem:s31+$0x2040]  }
0x1f6: {  	v4 =	vld [tilespmem:s31+$0x70]  }
0x1f7: {  	v9 =	vshll.u32 v3, $0xB  }
0x1f8: {  	v12 =	vld [tilespmem:s31+$0x2050];
	v3 =	vsub.s32 v3, v1;
	v26 =	vsub.s32 v5, v1;
	v13 =	vshll.u32 v6, $0xB  }
0x1f9: {  	v16 =	vld [tilespmem:s31+$0x10];
	v27 =	vsub.s32 v6, v1;
	v15 =	vshll.u32 v7, $0xB;
	v59 =	vsub.s32 v7, v1  }
0x1fa: {  	v7 =	vshll.u32 v8, $0xB;
	v60 =	vsub.s32 v8, v1;
	v19 =	vshll.u32 v10, $0xB  }
0x1fb: {  	v20 =	vld [tilespmem:s31+$0x30];
	v61 =	vsub.s32 v10, v1;
	v9 =	vadd.s32 v4, v9;
	v11 =	vshll.u32 v3, $0xB  }
0x1fc: {  	vm0 =	vlt.u32 v3, $0x200;
	v3 =	vadd.s32 v4, v11;
	v4 =	vand.u32 $0xFFFFF, v9;
	v9 =	vld [tilespmem:s31+$0x2060]  }
0x1fd: {  	v21 =	vshll.u32 v12, $0xB;
	v6 =	vshll.u32 v26, $0xB;
	v11 =	vshll.u32 v5, $0xB;
	v5 =	vld [tilespmem:s31+$0x0]  }
0x1fe: {  	v22 =	vld [tilespmem:s31+$0x40];
	v10 =	vshll.u32 v27, $0xB;
	v24 =	vshll.u32 v61, $0xB;
	v17 =	vadd.s32 v16, v13  }
0x1ff: {  	v8 =	vld [tilespmem:s31+$0x20];
	vm1 =	vlt.u32 v26, $0x200;
	vm4 =	vlt.u32 v27, $0x200;
	v3 =	vsel vm0, v3, v4  }
0x200: {  	v25 =	vld [tilespmem:s31+$0x50];
	vm5 =	vlt.u32 v59, $0x200;
	vm3 =	vlt.u32 v60, $0x200;
	[tilespmem:s31+$0x6070] =	vst v3;
	v3 =	vsub.s32 v12, v1  }
0x201: {  	v63 =	vld [tilespmem:s31+$0x60];
	v12 =	vshll.u32 v59, $0xB;
	v62 =	vshll.u32 v3, $0xB;
	v23 =	vshll.u32 v9, $0xB  }
0x202: {  	v4 =	vsub.s32 v9, v1;
	v9 =	vadd.s32 v5, v11;
	v13 =	vadd.s32 v5, v6;
	v6 =	vld [tilespmem:s31+$0x4000]  }
0x203: {  	v11 =	vshll.u32 v60, $0xB;
	v5 =	vld [tilespmem:s31+$0x4010];
	v33 =	vshll.u32 v4, $0xB;
	v14 =	vand.u32 $0xFFFFF, v9  }
0x204: {  	v9 =	vadd.s32 v8, v15;
	v15 =	vadd.s32 v16, v10;
	v10 =	vadd.s32 v20, v7;
	v7 =	vld [tilespmem:s31+$0x4020]  }
0x205: {  	v16 =	vand.u32 $0xFFFFF, v17;
	v17 =	vadd.s32 v8, v12;
	v8 =	vld [tilespmem:s31+$0x4030];
	v18 =	vand.u32 $0xFFFFF, v9  }
0x206: {  	v12 =	vld [tilespmem:s31+$0x4070];
	v9 =	vadd.s32 v22, v19;
	v19 =	vadd.s32 v20, v11;
	v20 =	vand.u32 $0xFFFFF, v10  }
0x207: {  	v10 =	vadd.s32 v25, v21;
	v21 =	vadd.s32 v22, v24;
	v22 =	vand.u32 $0xFFFFF, v9;
	v9 =	vld [tilespmem:s31+$0x4040]  }
0x208: {  	v11 =	vadd.s32 v63, v23;
	v23 =	vadd.s32 v25, v62;
	v25 =	vand.u32 $0xFFFFF, v10;
	v10 =	vld [tilespmem:s31+$0x4050]  }
0x209: {  	s20 =	simm.s32 $0x80;
	s1 =	simm.s32 $0x400;
	vm2 =	vlt.u32 v61, $0x200;
	v24 =	vadd.s32 v63, v33;
	v26 =	vand.u32 $0xFFFFF, v11;
	v11 =	vld [tilespmem:s31+$0x4060]  }
.LBB2_6:
0x20a: {  	p0 =	sne.s32 s1, $0x7E00;
	v27 =	vld [tilespmem:s20+$0x2070];
	v13 =	vsel vm1, v13, v14;
	vm6 =	vlt.u32 v3, $0x200;
	vm7 =	vlt.u32 v4, $0x200  }
0x20b: {  	v4 =	vsel vm4, v15, v16;
	v14 =	vsel vm3, v19, v20;
	v3 =	vld [tilespmem:s20+$0x70];
	[tilespmem:s31+$0x6000] =	vst v13;
	v13 =	vsel vm5, v17, v18  }
0x20c: {  	v16 =	vsel vm6, v23, v25;
	v17 =	vsel vm7, v24, v26;
	v15 =	vld [tilespmem:s20+$0x2000];
	[tilespmem:s31+$0x6010] =	vst v4;
	v4 =	vsel vm2, v21, v22  }
0x20d: {  	v6 =	vnsel vm1, $0x0, v6;
	v5 =	vnsel vm4, $0x0, v5;
	v7 =	vnsel vm5, $0x0, v7;
	v18 =	vld [tilespmem:s20+$0x2010];
	[tilespmem:s31+$0x6020] =	vst v13  }
0x20e: {  	v8 =	vnsel vm3, $0x0, v8;
	v9 =	vnsel vm2, $0x0, v9;
	v10 =	vnsel vm6, $0x0, v10;
	v13 =	vld [tilespmem:s20+$0x2020];
	[tilespmem:s31+$0x6030] =	vst v14  }
0x20f: {  	v11 =	vnsel vm7, $0x0, v11;
	v14 =	vld [tilespmem:s20+$0x2030];
	v19 =	vshll.u32 v27, $0xB;
	v20 =	vsub.s32 v27, v1;
	[tilespmem:s31+$0x6040] =	vst v4  }
0x210: {  	v12 =	vnsel vm0, $0x0, v12;
	v4 =	vld [tilespmem:s20+$0x2040];
	v19 =	vadd.s32 v3, v19;
	v21 =	vshll.u32 v20, $0xB;
	[tilespmem:s31+$0x6050] =	vst v16  }
0x211: {  	vm0 =	vlt.u32 v20, $0x200;
	v16 =	vld [tilespmem:s20+$0x2050];
	v3 =	vadd.s32 v3, v21;
	v19 =	vand.u32 $0xFFFFF, v19;
	[tilespmem:s31+$0x6060] =	vst v17  }
0x212: {  	v17 =	vshll.u32 v15, $0xB;
	v26 =	vsub.s32 v15, v1;
	v15 =	vld [tilespmem:s20+$0x2060];
	v3 =	vsel vm0, v3, v19;
	[tilespmem:s31+$0x8000] =	vst v6  }
0x213: {  	v19 =	vshll.u32 v18, $0xB;
	v27 =	vsub.s32 v18, v1;
	v6 =	vld [tilespmem:s20+$0x0];
	v18 =	vshll.u32 v13, $0xB;
	[tilespmem:s20+$0x6070] =	vst v3  }
0x214: {  	v28 =	vsub.s32 v13, v1;
	v20 =	vld [tilespmem:s20+$0x10];
	v21 =	vshll.u32 v14, $0xB;
	v29 =	vsub.s32 v14, v1;
	[tilespmem:s31+$0x8010] =	vst v5  }
0x215: {  	v5 =	vshll.u32 v26, $0xB;
	v22 =	vld [tilespmem:s20+$0x20];
	v23 =	vshll.u32 v4, $0xB;
	v30 =	vsub.s32 v4, v1;
	[tilespmem:s31+$0x8020] =	vst v7  }
0x216: {  	v7 =	vshll.u32 v27, $0xB;
	v24 =	vld [tilespmem:s20+$0x30];
	v25 =	vshll.u32 v16, $0xB;
	v3 =	vsub.s32 v16, v1;
	[tilespmem:s31+$0x8030] =	vst v8  }
0x217: {  	v8 =	vshll.u32 v28, $0xB;
	v31 =	vld [tilespmem:s20+$0x40];
	v32 =	vshll.u32 v15, $0xB;
	v4 =	vsub.s32 v15, v1;
	[tilespmem:s31+$0x8040] =	vst v9  }
0x218: {  	v33 =	vshll.u32 v29, $0xB;
	v34 =	vshll.u32 v30, $0xB;
	v9 =	vadd.s32 v6, v17;
	v35 =	vld [tilespmem:s20+$0x50];
	[tilespmem:s31+$0x8050] =	vst v10  }
0x219: {  	v36 =	vshll.u32 v3, $0xB;
	v38 =	vshll.u32 v4, $0xB;
	v10 =	vadd.s32 v20, v19;
	v37 =	vld [tilespmem:s20+$0x60];
	[tilespmem:s31+$0x8060] =	vst v11  }
0x21a: {  	v13 =	vadd.s32 v6, v5;
	v14 =	vand.u32 $0xFFFFF, v9;
	v6 =	vld [tilespmem:s20+$0x4000];
	v9 =	vadd.s32 v22, v18;
	[tilespmem:s31+$0x8070] =	vst v12;
	s31 =	smov.u32 s20  }
0x21b: {  	v15 =	vadd.s32 v20, v7;
	v16 =	vand.u32 $0xFFFFF, v10;
	v5 =	vld [tilespmem:s31+$0x4010];
	v10 =	vadd.s32 v24, v21  }
0x21c: {  	v17 =	vadd.s32 v22, v8;
	v18 =	vand.u32 $0xFFFFF, v9;
	v7 =	vld [tilespmem:s31+$0x4020];
	v9 =	vadd.s32 v31, v23  }
.Ltmp2:
0x21d: {  	v19 =	vadd.s32 v24, v33;
	v20 =	vand.u32 $0xFFFFF, v10;
	v8 =	vld [tilespmem:s31+$0x4030];
	v10 =	vadd.s32 v35, v25;
	(pc) =	sbr.rel @p0 .LBB2_6-.Ltmp2, $4  }
0x21e: {  	v21 =	vadd.s32 v31, v34;
	v22 =	vand.u32 $0xFFFFF, v9;
	v9 =	vld [tilespmem:s31+$0x4040];
	v11 =	vadd.s32 v37, v32  }
0x21f: {  	v23 =	vadd.s32 v35, v36;
	v25 =	vand.u32 $0xFFFFF, v10;
	v24 =	vadd.s32 v37, v38;
	v10 =	vld [tilespmem:s31+$0x4050]  }
0x220: {  	vm1 =	vlt.u32 v26, $0x200;
	vm4 =	vlt.u32 v27, $0x200;
	v26 =	vand.u32 $0xFFFFF, v11;
	v11 =	vld [tilespmem:s31+$0x4060]  }
0x221: {  	vm5 =	vlt.u32 v28, $0x200;
	vm3 =	vlt.u32 v29, $0x200;
	vm2 =	vlt.u32 v30, $0x200;
	s20 =	sshra.s32 s1, $0x2;
	s1 =	sadd.s32 $0x200, s1;
	v12 =	vld [tilespmem:s31+$0x4070]  }
0x222: {  	v27 =	vld [tilespmem:s20+$0x2070];
	v13 =	vsel vm1, v13, v14  }
0x223: {  	v35 =	vld [tilespmem:s20+$0x70];
	v36 =	vsel vm4, v15, v16;
	[tilespmem:s31+$0x6000] =	vst v13  }
0x224: {  	v38 =	vsel vm5, v17, v18;
	v37 =	vld [tilespmem:s20+$0x2000];
	[tilespmem:s31+$0x6010] =	vst v36  }
0x225: {  	v40 =	vsel vm3, v19, v20;
	v42 =	vsel vm2, v21, v22;
	vm6 =	vlt.u32 v3, $0x200;
	v39 =	vld [tilespmem:s20+$0x2010];
	[tilespmem:s31+$0x6020] =	vst v38  }
0x226: {  	vm7 =	vlt.u32 v4, $0x200;
	v3 =	vsel vm6, v23, v25;
	v54 =	vnsel vm6, $0x0, v10;
	v41 =	vld [tilespmem:s20+$0x2020];
	[tilespmem:s31+$0x6030] =	vst v40  }
0x227: {  	v11 =	vnsel vm7, $0x0, v11;
	v12 =	vnsel vm0, $0x0, v12;
	v43 =	vld [tilespmem:s20+$0x2030];
	[tilespmem:s31+$0x6040] =	vst v42;
	v45 =	vshll.u32 v27, $0xB  }
0x228: {  	v46 =	vsub.s32 v27, v1;
	v13 =	vld [tilespmem:s20+$0x2040];
	[tilespmem:s31+$0x6050] =	vst v3;
	v3 =	vsel vm7, v24, v26;
	v47 =	vadd.s32 v35, v45  }
0x229: {  	v48 =	vshll.u32 v46, $0xB;
	v44 =	vld [tilespmem:s20+$0x2050];
	[tilespmem:s31+$0x6060] =	vst v3;
	v3 =	vnsel vm1, $0x0, v6;
	vm1 =	vlt.u32 v46, $0x200  }
0x22a: {  	v14 =	vadd.s32 v35, v48;
	v6 =	vand.u32 $0xFFFFF, v47;
	v56 =	vshll.u32 v37, $0xB  }
0x22b: {  	v49 =	vld [tilespmem:s20+$0x2060];
	[tilespmem:s31+$0x8000] =	vst v3;
	v3 =	vsel vm1, v14, v6;
	v57 =	vshll.u32 v39, $0xB;
	v16 =	vsub.s32 v39, v1  }
0x22c: {  	v50 =	vld [tilespmem:s20+$0x0];
	[tilespmem:s20+$0x6070] =	vst v3;
	v3 =	vnsel vm4, $0x0, v5;
	v59 =	vshll.u32 v41, $0xB;
	v17 =	vsub.s32 v41, v1  }
0x22d: {  	v51 =	vld [tilespmem:s20+$0x10];
	vm10 =	vlt.u32 v16, $0x200;
	[tilespmem:s31+$0x8010] =	vst v3;
	v3 =	vnsel vm5, $0x0, v7;
	v60 =	vshll.u32 v43, $0xB  }
0x22e: {  	v61 =	vsub.s32 v43, v1;
	v39 =	vshll.u32 v17, $0xB;
	vm11 =	vlt.u32 v17, $0x200  }
0x22f: {  	v52 =	vld [tilespmem:s20+$0x20];
	[tilespmem:s31+$0x8020] =	vst v3;
	v3 =	vnsel vm3, $0x0, v8;
	v63 =	vshll.u32 v13, $0xB;
	v13 =	vsub.s32 v13, v1  }
0x230: {  	v42 =	vshll.u32 v61, $0xB;
	vm12 =	vlt.u32 v61, $0x200;
	v53 =	vld [tilespmem:s20+$0x30];
	[tilespmem:s31+$0x8030] =	vst v3;
	v3 =	vnsel vm2, $0x0, v9  }
0x231: {  	v38 =	vshll.u32 v44, $0xB;
	v4 =	vsub.s32 v44, v1;
	v29 =	vshll.u32 v13, $0xB  }
0x232: {  	vm13 =	vlt.u32 v13, $0x200;
	v55 =	vld [tilespmem:s20+$0x40];
	[tilespmem:s31+$0x8040] =	vst v3;
	v3 =	vsub.s32 v37, v1;
	v37 =	vshll.u32 v16, $0xB  }
0x233: {  	v40 =	vshll.u32 v49, $0xB;
	v41 =	vsub.s32 v49, v1;
	v30 =	vshll.u32 v4, $0xB  }
0x234: {  	vm14 =	vlt.u32 v4, $0x200;
	v62 =	vshll.u32 v3, $0xB;
	v14 =	vadd.s32 v50, v56  }
0x235: {  	v15 =	vadd.s32 v51, v57;
	v32 =	vshll.u32 v41, $0xB;
	v5 =	vadd.s32 v51, v37  }
0x236: {  	v58 =	vld [tilespmem:s20+$0x50];
	[tilespmem:s31+$0x8050] =	vst v54;
	vm9 =	vlt.u32 v3, $0x200;
	v6 =	vadd.s32 v50, v62;
	v14 =	vand.u32 $0xFFFFF, v14  }
0x237: {  	v36 =	vld [tilespmem:s20+$0x60];
	[tilespmem:s31+$0x8060] =	vst v11;
	v15 =	vand.u32 $0xFFFFF, v15;
	v20 =	vadd.s32 v52, v59;
	v7 =	vadd.s32 v52, v39  }
0x238: {  	v28 =	vld [tilespmem:s20+$0x4000];
	[tilespmem:s31+$0x8070] =	vst v12;
	v6 =	vsel vm9, v6, v14;
	v5 =	vsel vm10, v5, v15;
	v22 =	vadd.s32 v53, v60  }
0x239: {  	v45 =	vand.u32 $0xFFFFF, v20;
	v8 =	vadd.s32 v53, v42;
	[tilespmem:s20+$0x6000] =	vst v6;
	v23 =	vadd.s32 v55, v63  }
0x23a: {  	[tilespmem:s20+$0x6010] =	vst v5;
	v47 =	vand.u32 $0xFFFFF, v22;
	v10 =	vadd.s32 v55, v29;
	v7 =	vsel vm11, v7, v45  }
0x23b: {  	v31 =	vld [tilespmem:s20+$0x4010];
	v26 =	vadd.s32 v58, v38;
	v23 =	vand.u32 $0xFFFFF, v23;
	v8 =	vsel vm12, v8, v47;
	[tilespmem:s20+$0x6020] =	vst v7  }
0x23c: {  	v43 =	vld [tilespmem:s20+$0x4020];
	v51 =	vadd.s32 v58, v30;
	v52 =	vand.u32 $0xFFFFF, v26;
	v54 =	vsel vm13, v10, v23;
	[tilespmem:s20+$0x6030] =	vst v8  }
0x23d: {  	vm15 =	vlt.u32 v41, $0x200;
	v44 =	vld [tilespmem:s20+$0x4030];
	v50 =	vadd.s32 v36, v40;
	v5 =	vsel vm14, v51, v52;
	[tilespmem:s20+$0x6040] =	vst v54  }
0x23e: {  	v46 =	vld [tilespmem:s20+$0x4040];
	v53 =	vadd.s32 v36, v32;
	v55 =	vand.u32 $0xFFFFF, v50;
	v57 =	vnsel vm9, $0x0, v28;
	[tilespmem:s20+$0x6050] =	vst v5  }
0x23f: {  	v48 =	vld [tilespmem:s20+$0x4050];
	v56 =	vsel vm15, v53, v55;
	[tilespmem:s20+$0x8000] =	vst v57  }
0x240: {  	v3 =	vld [tilespmem:s20+$0x4060];
	v58 =	vnsel vm10, $0x0, v31;
	[tilespmem:s20+$0x6060] =	vst v56  }
0x241: {  	v49 =	vld [tilespmem:s20+$0x4070];
	v59 =	vnsel vm11, $0x0, v43;
	[tilespmem:s20+$0x8010] =	vst v58  }
0x242: {  	v60 =	vnsel vm12, $0x0, v44;
	[tilespmem:s20+$0x8020] =	vst v59  }
0x243: {  	v61 =	vnsel vm13, $0x0, v46;
	[tilespmem:s20+$0x8030] =	vst v60  }
0x244: {  	v62 =	vnsel vm14, $0x0, v48;
	[tilespmem:s20+$0x8040] =	vst v61  }
0x245: {  	v3 =	vnsel vm15, $0x0, v3;
	[tilespmem:s20+$0x8050] =	vst v62  }
0x246: {  	s3 =	simm.s32 $0x2000;
	v63 =	vnsel vm1, $0x0, v49;
	[tilespmem:s20+$0x8060] =	vst v3  }
0x247: {  	s0 =	simm.s32 $0x6000;
	s1 =	simm.s32 $0x8000;
	[tilespmem:s20+$0x8070] =	vst v63;
	s20 =	rddreg [dreg:$0x3]  }
0x248: {  	[spmem:s20] =	stream.indirect.scatter.add.f32 [tilespmem:s1], [sflag:$0x2], $0x1, s0, s3, $0xb8;
	[tilespmem:$0x1E000] =	vst v63  }
0x249: {  	_ =	swait.ge [sflag:s16], $0x2000  }
0x24a: {  	[sflag:s16] =	ssyncset.done $0x0  }
0x24b: {  	[sflag:s16] =	ssyncadd.s32 $0xFFFFE000  }
0x24c: {  	[bflag:$0x0] =	sbarrier.arrive $0xFFFF  }
0x24d: {  	s1 =	sld [smem:$0x7B5]  }
0x24e: {  	s0 =	sld [smem:$0x79C];
	_ =	sdelay $0x2  }
0x24f: {  	[hbm:s1@s14], [sflag:s24] =	dma.strided [spmem:s0@s22], $0x100, s21, $0x10   }
0x250: {  	s1 =	sld [smem:$0x7B6]  }
0x251: {  	s0 =	sld [smem:$0x79D];
	_ =	sdelay $0x2  }
0x252: {  	[hbm:s1@s14], [sflag:s24] =	dma.strided [spmem:s0@s22], $0x100, s21, $0x10   }
0x253: {  	s1 =	sld [smem:$0x7B7]  }
0x254: {  	s0 =	sld [smem:$0x79E];
	_ =	sdelay $0x2  }
0x255: {  	[hbm:s1@s14], [sflag:s24] =	dma.strided [spmem:s0@s22], $0x100, s21, $0x10   }
0x256: {  	s1 =	sld [smem:$0x7B8]  }
0x257: {  	s0 =	sld [smem:$0x79F];
	_ =	sdelay $0x2  }
0x258: {  	[hbm:s1@s14], [sflag:s24] =	dma.strided [spmem:s0@s22], $0x100, s21, $0x10   }
0x259: {  	s1 =	sld [smem:$0x7B9]  }
0x25a: {  	s0 =	sld [smem:$0x7A0];
	_ =	sdelay $0x2  }
0x25b: {  	[hbm:s1@s14], [sflag:s24] =	dma.strided [spmem:s0@s22], $0x100, s21, $0x10   }
0x25c: {  	s1 =	sld [smem:$0x7BA]  }
0x25d: {  	s0 =	sld [smem:$0x7A1];
	_ =	sdelay $0x2  }
0x25e: {  	[hbm:s1@s14], [sflag:s24] =	dma.strided [spmem:s0@s22], $0x100, s21, $0x10   }
0x25f: {  	s1 =	sld [smem:$0x7BC]  }
0x260: {  	s0 =	sld [smem:$0x7A2];
	_ =	sdelay $0x2  }
0x261: {  	[hbm:s1@s14], [sflag:s24] =	dma.strided [spmem:s0@s22], $0x100, s21, $0x10   }
0x262: {  	s1 =	sld [smem:$0x7BE]  }
0x263: {  	s0 =	sld [smem:$0x7A3];
	_ =	sdelay $0x2  }
0x264: {  	[hbm:s1@s14], [sflag:s24] =	dma.strided [spmem:s0@s22], $0x100, s21, $0x10   }
0x265: {  	s1 =	sld [smem:$0x7C0]  }
0x266: {  	s0 =	sld [smem:$0x7A4];
	_ =	sdelay $0x2  }
0x267: {  	[hbm:s1@s14], [sflag:s24] =	dma.strided [spmem:s0@s22], $0x100, s21, $0x10   }
0x268: {  	s1 =	sld [smem:$0x7C1]  }
0x269: {  	s0 =	sld [smem:$0x7A5];
	_ =	sdelay $0x2  }
0x26a: {  	[hbm:s1@s14], [sflag:s24] =	dma.strided [spmem:s0@s22], $0x100, s21, $0x10   }
0x26b: {  	s1 =	sld [smem:$0x7C2]  }
0x26c: {  	s0 =	sld [smem:$0x7A6];
	_ =	sdelay $0x2  }
0x26d: {  	[hbm:s1@s14], [sflag:s24] =	dma.strided [spmem:s0@s22], $0x100, s21, $0x10   }
0x26e: {  	s0 =	sld [smem:$0x7C3]  }
0x26f: {  	s1 =	sld [smem:$0x7A7];
	_ =	sdelay $0x2  }
0x270: {  	[hbm:s0@s14], [sflag:s24] =	dma.strided [spmem:s1@s22], $0x100, s21, $0x10   }
0x271: {  	s0 =	sld [smem:$0x7C4];
	_ =	sdelay $0x2  }
0x272: {  	[hbm:s0@s14], [sflag:s24] =	dma.strided [spmem:s4@s22], $0x100, s21, $0x10   }
0x273: {  	s0 =	sld [smem:$0x7C5];
	_ =	sdelay $0x2  }
0x274: {  	[hbm:s0@s14], [sflag:s24] =	dma.strided [spmem:s5@s22], $0x100, s21, $0x10   }
0x275: {  	s0 =	sld [smem:$0x7C6];
	_ =	sdelay $0x2  }
0x276: {  	[hbm:s0@s14], [sflag:s24] =	dma.strided [spmem:s2@s22], $0x100, s21, $0x10   }
0x277: {  	s0 =	sld [smem:$0x7C7];
	_ =	sdelay $0x2  }
0x278: {  	[hbm:s0@s14], [sflag:s24] =	dma.strided [spmem:s6@s22], $0x100, s21, $0x10   }
0x279: {  	s0 =	sld [smem:$0x7C8];
	_ =	sdelay $0x2  }
0x27a: {  	[hbm:s0@s14], [sflag:s24] =	dma.strided [spmem:s8@s22], $0x100, s21, $0x10   }
0x27b: {  	s0 =	sld [smem:$0x7C9];
	_ =	sdelay $0x2  }
0x27c: {  	[hbm:s0@s14], [sflag:s24] =	dma.strided [spmem:s9@s22], $0x100, s21, $0x10   }
0x27d: {  	s0 =	sld [smem:$0x7CA];
	_ =	sdelay $0x2  }
0x27e: {  	[hbm:s0@s14], [sflag:s24] =	dma.strided [spmem:s13@s22], $0x100, s21, $0x10   }
0x27f: {  	s0 =	sld [smem:$0x7CB];
	_ =	sdelay $0x2  }
0x280: {  	[hbm:s0@s14], [sflag:s24] =	dma.strided [spmem:s17@s22], $0x100, s21, $0x10   }
0x281: {  	s0 =	sld [smem:$0x7CC];
	_ =	sdelay $0x2  }
0x282: {  	[hbm:s0@s14], [sflag:s24] =	dma.strided [spmem:s10@s22], $0x100, s21, $0x10   }
0x283: {  	s0 =	sld [smem:$0x7CD];
	_ =	sdelay $0x2  }
0x284: {  	[hbm:s0@s14], [sflag:s24] =	dma.strided [spmem:s11@s22], $0x100, s21, $0x10   }
0x285: {  	s0 =	sld [smem:$0x7CE];
	_ =	sdelay $0x2  }
0x286: {  	[hbm:s0@s14], [sflag:s24] =	dma.strided [spmem:s12@s22], $0x100, s21, $0x10   }
0x287: {  	s0 =	sld [smem:$0x7CF];
	_ =	sdelay $0x2  }
0x288: {  	[hbm:s0@s14], [sflag:s24] =	dma.strided [spmem:s7@s22], $0x100, s21, $0x10   }
0x289: {  	s0 =	sld [smem:$0x7D0];
	_ =	sdelay $0x2  }
0x28a: {  	[hbm:s0@s14], [sflag:s24] =	dma.strided [spmem:s18@s22], $0x100, s21, $0x10   }
0x28b: {  	s0 =	sld [smem:$0x7D1];
	_ =	sdelay $0x2  }
0x28c: {  	[hbm:s0@s14], [sflag:s24] =	dma.strided [spmem:s15@s22], $0x100, s21, $0x10   }
0x28d: {  	s0 =	sld [smem:$0x7D2];
	_ =	sdelay $0x2  }
0x28e: {  	[hbm:s0@s14], [sflag:s24] =	dma.strided [spmem:s25@s22], $0x100, s21, $0x10   }
0x28f: {  	s0 =	sld [smem:$0x7D3];
	_ =	sdelay $0x2  }
0x290: {  	[hbm:s0@s14], [sflag:s24] =	dma.strided [spmem:s26@s22], $0x100, s21, $0x10   }
0x291: {  	s0 =	sld [smem:$0x7D4];
	_ =	sdelay $0x2  }
0x292: {  	[hbm:s0@s14], [sflag:s24] =	dma.strided [spmem:s28@s22], $0x100, s21, $0x10   }
0x293: {  	s0 =	sld [smem:$0x7D5];
	_ =	sdelay $0x2  }
0x294: {  	[hbm:s0@s14], [sflag:s24] =	dma.strided [spmem:s29@s22], $0x100, s21, $0x10   }
0x295: {  	s0 =	sld [smem:$0x7D7];
	_ =	sdelay $0x2  }
0x296: {  	[hbm:s0@s14], [sflag:s24] =	dma.strided [spmem:s30@s22], $0x100, s21, $0x10   }
0x297: {  	s0 =	sld [smem:$0x7D8];
	_ =	sdelay $0x2  }
0x298: {  	[hbm:s0@s14], [sflag:s24] =	dma.strided [spmem:s19@s22], $0x100, s21, $0x10   }
0x299: {  	_ =	swait.ge [sflag:s21], $0x100  }
0x29a: {  	[sflag:s21] =	ssyncset.done $0x0  }
0x29b: {  	[sflag:s21] =	ssyncadd.s32 $0xFFFFFF00  }
0x29c: {  	_ =	swait.ge [sflag:s21], $0x100  }
0x29d: {  	[sflag:s21] =	ssyncset.done $0x0  }
0x29e: {  	[sflag:s21] =	ssyncadd.s32 $0xFFFFFF00  }
0x29f: {  	_ =	swait.ge [sflag:s21], $0x100  }
0x2a0: {  	[sflag:s21] =	ssyncset.done $0x0  }
0x2a1: {  	[sflag:s21] =	ssyncadd.s32 $0xFFFFFF00  }
0x2a2: {  	_ =	swait.ge [sflag:s21], $0x100  }
0x2a3: {  	[sflag:s21] =	ssyncset.done $0x0  }
0x2a4: {  	[sflag:s21] =	ssyncadd.s32 $0xFFFFFF00  }
0x2a5: {  	_ =	swait.ge [sflag:s21], $0x100  }
0x2a6: {  	[sflag:s21] =	ssyncset.done $0x0  }
0x2a7: {  	[sflag:s21] =	ssyncadd.s32 $0xFFFFFF00  }
0x2a8: {  	_ =	swait.ge [sflag:s21], $0x100  }
0x2a9: {  	[sflag:s21] =	ssyncset.done $0x0  }
0x2aa: {  	[sflag:s21] =	ssyncadd.s32 $0xFFFFFF00  }
0x2ab: {  	_ =	swait.ge [sflag:s21], $0x100  }
0x2ac: {  	[sflag:s21] =	ssyncset.done $0x0  }
0x2ad: {  	[sflag:s21] =	ssyncadd.s32 $0xFFFFFF00  }
0x2ae: {  	_ =	swait.ge [sflag:s21], $0x100  }
0x2af: {  	[sflag:s21] =	ssyncset.done $0x0  }
0x2b0: {  	[sflag:s21] =	ssyncadd.s32 $0xFFFFFF00  }
0x2b1: {  	_ =	swait.ge [sflag:s21], $0x100  }
0x2b2: {  	[sflag:s21] =	ssyncset.done $0x0  }
0x2b3: {  	[sflag:s21] =	ssyncadd.s32 $0xFFFFFF00  }
0x2b4: {  	_ =	swait.ge [sflag:s21], $0x100  }
0x2b5: {  	[sflag:s21] =	ssyncset.done $0x0  }
0x2b6: {  	[sflag:s21] =	ssyncadd.s32 $0xFFFFFF00  }
0x2b7: {  	_ =	swait.ge [sflag:s21], $0x100  }
0x2b8: {  	[sflag:s21] =	ssyncset.done $0x0  }
0x2b9: {  	[sflag:s21] =	ssyncadd.s32 $0xFFFFFF00  }
0x2ba: {  	_ =	swait.ge [sflag:s21], $0x100  }
0x2bb: {  	[sflag:s21] =	ssyncset.done $0x0  }
0x2bc: {  	[sflag:s21] =	ssyncadd.s32 $0xFFFFFF00  }
0x2bd: {  	_ =	swait.ge [sflag:s21], $0x100  }
0x2be: {  	[sflag:s21] =	ssyncset.done $0x0  }
0x2bf: {  	[sflag:s21] =	ssyncadd.s32 $0xFFFFFF00  }
0x2c0: {  	_ =	swait.ge [sflag:s21], $0x100  }
0x2c1: {  	[sflag:s21] =	ssyncset.done $0x0  }
0x2c2: {  	[sflag:s21] =	ssyncadd.s32 $0xFFFFFF00  }
0x2c3: {  	_ =	swait.ge [sflag:s21], $0x100  }
0x2c4: {  	[sflag:s21] =	ssyncset.done $0x0  }
0x2c5: {  	[sflag:s21] =	ssyncadd.s32 $0xFFFFFF00  }
0x2c6: {  	_ =	swait.ge [sflag:s21], $0x100  }
0x2c7: {  	[sflag:s21] =	ssyncset.done $0x0  }
0x2c8: {  	[sflag:s21] =	ssyncadd.s32 $0xFFFFFF00  }
0x2c9: {  	_ =	swait.ge [sflag:s21], $0x100  }
0x2ca: {  	[sflag:s21] =	ssyncset.done $0x0  }
0x2cb: {  	[sflag:s21] =	ssyncadd.s32 $0xFFFFFF00  }
0x2cc: {  	_ =	swait.ge [sflag:s21], $0x100  }
0x2cd: {  	[sflag:s21] =	ssyncset.done $0x0  }
0x2ce: {  	[sflag:s21] =	ssyncadd.s32 $0xFFFFFF00  }
0x2cf: {  	_ =	swait.ge [sflag:s21], $0x100  }
0x2d0: {  	[sflag:s21] =	ssyncset.done $0x0  }
0x2d1: {  	[sflag:s21] =	ssyncadd.s32 $0xFFFFFF00  }
0x2d2: {  	_ =	swait.ge [sflag:s21], $0x100  }
0x2d3: {  	[sflag:s21] =	ssyncset.done $0x0  }
0x2d4: {  	[sflag:s21] =	ssyncadd.s32 $0xFFFFFF00  }
0x2d5: {  	_ =	swait.ge [sflag:s21], $0x100  }
0x2d6: {  	[sflag:s21] =	ssyncset.done $0x0  }
0x2d7: {  	[sflag:s21] =	ssyncadd.s32 $0xFFFFFF00  }
0x2d8: {  	_ =	swait.ge [sflag:s21], $0x100  }
0x2d9: {  	[sflag:s21] =	ssyncset.done $0x0  }
0x2da: {  	[sflag:s21] =	ssyncadd.s32 $0xFFFFFF00  }
0x2db: {  	_ =	swait.ge [sflag:s21], $0x100  }
0x2dc: {  	[sflag:s21] =	ssyncset.done $0x0  }
0x2dd: {  	[sflag:s21] =	ssyncadd.s32 $0xFFFFFF00  }
0x2de: {  	_ =	swait.ge [sflag:s21], $0x100  }
0x2df: {  	[sflag:s21] =	ssyncset.done $0x0  }
0x2e0: {  	[sflag:s21] =	ssyncadd.s32 $0xFFFFFF00  }
0x2e1: {  	_ =	swait.ge [sflag:s21], $0x100  }
0x2e2: {  	[sflag:s21] =	ssyncset.done $0x0  }
0x2e3: {  	[sflag:s21] =	ssyncadd.s32 $0xFFFFFF00  }
0x2e4: {  	_ =	swait.ge [sflag:s21], $0x100  }
0x2e5: {  	[sflag:s21] =	ssyncset.done $0x0  }
0x2e6: {  	[sflag:s21] =	ssyncadd.s32 $0xFFFFFF00  }
0x2e7: {  	_ =	swait.ge [sflag:s21], $0x100  }
0x2e8: {  	[sflag:s21] =	ssyncset.done $0x0  }
0x2e9: {  	[sflag:s21] =	ssyncadd.s32 $0xFFFFFF00  }
0x2ea: {  	_ =	swait.ge [sflag:s21], $0x100  }
0x2eb: {  	[sflag:s21] =	ssyncset.done $0x0  }
0x2ec: {  	[sflag:s21] =	ssyncadd.s32 $0xFFFFFF00  }
0x2ed: {  	_ =	swait.ge [sflag:s21], $0x100  }
0x2ee: {  	[sflag:s21] =	ssyncset.done $0x0  }
0x2ef: {  	[sflag:s21] =	ssyncadd.s32 $0xFFFFFF00  }
0x2f0: {  	_ =	swait.ge [sflag:s21], $0x100  }
0x2f1: {  	[sflag:s21] =	ssyncset.done $0x0  }
0x2f2: {  	[sflag:s21] =	ssyncadd.s32 $0xFFFFFF00  }
0x2f3: {  	_ =	swait.ge [sflag:s21], $0x100  }
0x2f4: {  	[sflag:s21] =	ssyncset.done $0x0  }
0x2f5: {  	[sflag:s21] =	ssyncadd.s32 $0xFFFFFF00  }
0x2f6: {  	_ =	swait.ge [sflag:s21], $0x100  }
0x2f7: {  	s30 =	sld [smem:$0x7DA];
	_ =	sdelay $0x1  }
0x2f8: {  	s23 =	sadd.s32 $0x1, s23  }
0x2f9: {  	p0 =	sne.s32 s23, s30  }
.Ltmp3:
0x2fa: {  	_ = 	snop;
	(pc) =	sbr.rel @p0 .LBB2_1-.Ltmp3, $4  }
0x2fb: {  	[sflag:s21] =	ssyncset.done $0x0  }
0x2fc: {  	[sflag:s21] =	ssyncadd.s32 $0xFFFFFF00  }
0x2fd: {  	[bflag:$0x0] =	sbarrier.arrive $0xFFFF  }
0x2fe: {  	s31 =	sld [smem:$0x7FD]  }
0x2ff: {  	_ =	sfence.sel $0x180000  }
0x300: {  	[bflag:$0x0] =	sbarrier.arrive $0xFFFF  }
0x301: {  	_ =	strace $0x90000047  }
0x302: {  	s0 =	stileid.u32;
	[bflag:$0x2] =	sbarrier.arrive $0xFFFF  }
0x303: {  	p0 =	sne.s32 s0, $0x0;
	s0 =	rddreg [dreg:$0x4]  }
0x304: {  	s0 =	sadd.s32 @!p0 $0x100000, s0  }
0x305: {  	[sflag:s0] =	ssyncadd.tile.s32 @!p0 $0x1;
	_ =	shalt  }
.Lfunc_end2:
_tile_overlayer_lowered:
.L_overlay_start_2:
0x306: {  	(tag) =	ssettag $0x2  }
0x307: {  	s0 =	rddreg [dreg:$0x0];
	s2 =	stileid.u32  }
0x308: {  	s1 =	rddreg [dreg:$0x1];
	p0 =	sne.s32 s2, $0x0  }
0x309: {  	s3 =	rddreg [dreg:$0x2];
	[bflag:$0x3] =	sbarrier.arrive $0xFFFF;
	s2 =	simm.s32 @!p0 $0x1C02  }
0x30a: {  	[timem:s3], [sflag:s2] =	dma.local @!p0 [hbm:s0], s1  }
0x30b: {  	s0 =	simm.s32 @!p0 $0x2  }
0x30c: {  	_ =	swait.ge @!p0 [sflag:s0], s1  }
0x30d: {  	s1 =	ssub.s32 @!p0 $0x0, s1;
	[sflag:s0] =	ssyncset.done @!p0 $0x0  }
0x30e: {  	[sflag:s0] =	ssyncadd.s32 @!p0 s1  }
0x30f: {  	[bflag:$0x3] =	sbarrier.arrive $0xFFFF  }
0x310: {  	_ =	shalt  }

</sc_bundles>
